<compile_context>
chip_gen: v7x
topology: tpu7x:2x2x1
jax: 0.10.2.dev20260603
libtpu: 0.0.44.dev20260713+nightly
codegen_flags: <defaults>
</compile_context>

<pallas_src>
import functools

import jax
import jax.numpy as jnp
import numpy as np
from jax import lax
from jax.experimental import pallas as pl
from jax.experimental.pallas import tpu as pltpu
from jax.experimental.pallas import tpu_sc as plsc

M, H, W, DX, D, NT, NH, WS, K, L, FF = 4, 32, 32, 2, 256, 1024, 8, 8, 9, 2, 512
DH = D // NH
HW = H * W
NWR = H // WS
NWC = W // WS
_SCALE = 1.0 / np.sqrt(DH).astype(np.float32)


def _ln(x, g, b):
    mu = jnp.mean(x, axis=-1, keepdims=True)
    xc = x - mu
    var = jnp.mean(xc * xc, axis=-1, keepdims=True)
    return xc / jnp.sqrt(var + 1e-5) * g + b


def _full_spec(a):
    nd = a.ndim
    return pl.BlockSpec(a.shape, lambda *_: (0,) * nd)


def _topk_body(xt_ref, xc_ref, idx_ref):
    xtb = xt_ref[0]
    xcb = xc_ref[0]
    d0 = xtb[:, 0:1] - xcb[0:1, :]
    d1 = xtb[:, 1:2] - xcb[1:2, :]
    d2 = d0 * d0 + d1 * d1
    iota_c = jax.lax.broadcasted_iota(jnp.int32, (NT, HW), 1)
    cols = []
    for _ in range(K):
        mval = jnp.min(d2, axis=1, keepdims=True)
        cand = jnp.where(d2 == mval, iota_c, HW)
        cidx = jnp.min(cand, axis=1, keepdims=True)
        cols.append(cidx)
        d2 = jnp.where(iota_c == cidx, jnp.float32(np.inf), d2)
    idx_ref[0] = jnp.concatenate(cols, axis=1)


def _topk_call(xt, xc_t):
    return pl.pallas_call(
        _topk_body,
        grid=(M,),
        in_specs=[
            pl.BlockSpec((1, NT, DX), lambda m: (m, 0, 0)),
            pl.BlockSpec((1, DX, HW), lambda m: (m, 0, 0)),
        ],
        out_specs=pl.BlockSpec((1, NT, K), lambda m: (m, 0, 0)),
        out_shape=jax.ShapeDtypeStruct((M, NT, K), jnp.int32),
        compiler_params=pltpu.CompilerParams(
            dimension_semantics=("parallel",)),
    )(xt, xc_t)


def _swin_body(z_ref, wqkv_ref, wo_ref, ln1g_ref, ln1b_ref, ln2g_ref,
               ln2b_ref, w1_ref, b1_ref, w2_ref, b2_ref, out_ref):
    zb = z_ref[0]
    TT = 2 * WS * W
    z2 = zb.reshape(TT, D)
    zn = _ln(z2, ln1g_ref[...], ln1b_ref[...])
    qkv = jnp.dot(zn.astype(jnp.bfloat16), wqkv_ref[...],
                  preferred_element_type=jnp.float32)
    ti = jax.lax.broadcasted_iota(jnp.int32, (TT, TT), 0)
    tj = jax.lax.broadcasted_iota(jnp.int32, (TT, TT), 1)
    wi = (ti // (WS * W)) * NWC + (ti % W) // WS
    wj = (tj // (WS * W)) * NWC + (tj % W) // WS
    mask = wi == wj
    oheads = []
    for h in range(NH):
        qh = qkv[:, h * DH:(h + 1) * DH]
        kh = qkv[:, D + h * DH:D + (h + 1) * DH]
        vh = qkv[:, 2 * D + h * DH:2 * D + (h + 1) * DH]
        s = jax.lax.dot_general(
            qh, kh, (((1,), (1,)), ((), ())),
            preferred_element_type=jnp.float32) * _SCALE
        s = jnp.where(mask, s, jnp.float32(-1e30))
        mx = jnp.max(s, axis=1, keepdims=True)
        e = jnp.exp(s - mx)
        p = e / jnp.sum(e, axis=1, keepdims=True)
        oheads.append(jnp.dot(p, vh, preferred_element_type=jnp.float32))
    o2 = jnp.concatenate(oheads, axis=1)
    z2 = z2 + jnp.dot(o2.astype(jnp.bfloat16), wo_ref[...],
                      preferred_element_type=jnp.float32)
    zn2 = _ln(z2, ln2g_ref[...], ln2b_ref[...])
    h1 = jax.nn.gelu(
        jnp.dot(zn2.astype(jnp.bfloat16), w1_ref[...],
                preferred_element_type=jnp.float32) + b1_ref[...])
    z2 = z2 + jnp.dot(h1.astype(jnp.bfloat16), w2_ref[...],
                      preferred_element_type=jnp.float32) + b2_ref[...]
    out_ref[0] = z2.reshape(2 * WS, W, D)


def _swin_call(z, p, shift):
    if shift:
        z = jnp.roll(z, (-shift, -shift), (1, 2))
    bf = jnp.bfloat16
    weights = [p['wqkv'].astype(bf), p['wo'].astype(bf),
               p['ln1_g'].reshape(1, D),
               p['ln1_b'].reshape(1, D), p['ln2_g'].reshape(1, D),
               p['ln2_b'].reshape(1, D), p['w1'].astype(bf),
               p['b1'].reshape(1, FF),
               p['w2'].astype(bf), p['b2'].reshape(1, D)]
    out = pl.pallas_call(
        _swin_body,
        grid=(M, NWR // 2),
        in_specs=[pl.BlockSpec((1, 2 * WS, W, D), lambda m, r: (m, r, 0, 0))]
        + [_full_spec(w) for w in weights],
        out_specs=pl.BlockSpec((1, 2 * WS, W, D), lambda m, r: (m, r, 0, 0)),
        out_shape=jax.ShapeDtypeStruct((M, H, W, D), jnp.float32),
        compiler_params=pltpu.CompilerParams(
            dimension_semantics=("parallel", "parallel")),
    )(z, *weights)
    if shift:
        out = jnp.roll(out, (shift, shift), (1, 2))
    return out


def _kvproj_body(zc_ref, wkv_ref, g_ref, b_ref, out_ref):
    kn = _ln(zc_ref[0], g_ref[...], b_ref[...])
    kv = jnp.dot(kn.astype(jnp.bfloat16), wkv_ref[...],
                 preferred_element_type=jnp.float32)
    kb = jax.lax.bitcast_convert_type(
        kv[:, 0:D].astype(jnp.bfloat16), jnp.uint16).astype(jnp.int32)
    vb = jax.lax.bitcast_convert_type(
        kv[:, D:2 * D].astype(jnp.bfloat16), jnp.uint16).astype(jnp.int32)
    out_ref[0] = jax.lax.shift_left(kb, 16) | vb


def _kvproj_call(zc_flat, p):
    weights = [p['wkv'].astype(jnp.bfloat16), p['lnkv_g'].reshape(1, D),
               p['lnkv_b'].reshape(1, D)]
    return pl.pallas_call(
        _kvproj_body,
        grid=(M,),
        in_specs=[pl.BlockSpec((1, HW, D), lambda m: (m, 0, 0))]
        + [_full_spec(w) for w in weights],
        out_specs=pl.BlockSpec((1, HW, D), lambda m: (m, 0, 0)),
        out_shape=jax.ShapeDtypeStruct((M, HW, D), jnp.int32),
        compiler_params=pltpu.CompilerParams(
            dimension_semantics=("parallel",)),
    )(zc_flat, *weights)


_GB = K * M * NT
_CH = 128


@functools.cache
def _make_sc_gather():
    info = plsc.get_sparse_core_info()
    nw = info.num_cores * info.num_subcores
    b_per_w = _GB // nw
    n_chunks = b_per_w // _CH
    mesh = plsc.VectorSubcoreMesh(core_axis_name="c", subcore_axis_name="s")

    @functools.partial(
        pl.kernel, mesh=mesh,
        out_type=jax.ShapeDtypeStruct((_GB, D), jnp.int32),
        scratch_types=[
            pltpu.VMEM((b_per_w,), jnp.int32),
            pltpu.VMEM((2, _CH, D), jnp.int32),
            pltpu.SemaphoreType.DMA,
            pltpu.SemaphoreType.DMA,
        ],
    )
    def sc_gather(table_hbm, idx_hbm, out_hbm, idx_v, rows_v, sem0, sem1):
        wid = lax.axis_index("s") * info.num_cores + lax.axis_index("c")
        base = wid * b_per_w
        pltpu.sync_copy(idx_hbm.at[pl.ds(base, b_per_w)], idx_v)
        sems = (sem0, sem1)
        cps = {}
        cps[0] = pltpu.async_copy(
            table_hbm.at[idx_v.at[pl.ds(0, _CH)]], rows_v.at[0], sems[0])
        for c in range(1, n_chunks):
            b = c % 2
            cps[c] = pltpu.async_copy(
                table_hbm.at[idx_v.at[pl.ds(c * _CH, _CH)]],
                rows_v.at[b], sems[b])
            cps[c - 1].wait()
            pltpu.sync_copy(rows_v.at[1 - b],
                            out_hbm.at[pl.ds(base + (c - 1) * _CH, _CH)])
        last = n_chunks - 1
        cps[last].wait()
        pltpu.sync_copy(rows_v.at[last % 2],
                        out_hbm.at[pl.ds(base + last * _CH, _CH)])

    return sc_gather


def _gather_rows(table, idx_flat):
    return _make_sc_gather()(table, idx_flat)


def _mhca_body(zt_ref, g_ref, wq_ref, wo_ref, lnqg_ref, lnqb_ref, ln2g_ref,
               ln2b_ref, w1_ref, b1_ref, w2_ref, b2_ref, out_ref):
    ztb = zt_ref[0]
    qn = _ln(ztb, lnqg_ref[...], lnqb_ref[...])
    q = jnp.dot(qn.astype(jnp.bfloat16), wq_ref[...],
                preferred_element_type=jnp.float32)
    seg = (jax.lax.broadcasted_iota(jnp.int32, (D, NH), 0) // DH
           == jax.lax.broadcasted_iota(jnp.int32, (D, NH), 1)
           ).astype(jnp.float32)
    segT = (jax.lax.broadcasted_iota(jnp.int32, (NH, D), 0)
            == jax.lax.broadcasted_iota(jnp.int32, (NH, D), 1) // DH
            ).astype(jnp.float32)
    def _unpack_hi(w):
        return jax.lax.bitcast_convert_type(
            jax.lax.shift_right_logical(w, 16).astype(jnp.uint16),
            jnp.bfloat16).astype(jnp.float32)

    def _unpack_lo(w):
        return jax.lax.bitcast_convert_type(
            w.astype(jnp.uint16), jnp.bfloat16).astype(jnp.float32)

    s_list = []
    for j in range(K):
        kj = _unpack_hi(g_ref[j, 0])
        s_list.append(jnp.dot(q * kj, seg,
                              preferred_element_type=jnp.float32) * _SCALE)
    mx = s_list[0]
    for j in range(1, K):
        mx = jnp.maximum(mx, s_list[j])
    e_list = [jnp.exp(s - mx) for s in s_list]
    den = e_list[0]
    for j in range(1, K):
        den = den + e_list[j]
    inv = 1.0 / den
    acc = jnp.zeros((NT, D), jnp.float32)
    for j in range(K):
        vj = _unpack_lo(g_ref[j, 0])
        a_exp = jnp.dot(e_list[j] * inv, segT,
                        preferred_element_type=jnp.float32)
        acc = acc + a_exp * vj
    z = ztb + jnp.dot(acc.astype(jnp.bfloat16), wo_ref[...],
                      preferred_element_type=jnp.float32)
    zn2 = _ln(z, ln2g_ref[...], ln2b_ref[...])
    h1 = jax.nn.gelu(
        jnp.dot(zn2.astype(jnp.bfloat16), w1_ref[...],
                preferred_element_type=jnp.float32) + b1_ref[...])
    z = z + jnp.dot(h1.astype(jnp.bfloat16), w2_ref[...],
                    preferred_element_type=jnp.float32) + b2_ref[...]
    out_ref[0] = z


def _mhca_call(zt, gathered, p):
    g4 = gathered.reshape(K, M, NT, D)
    bf = jnp.bfloat16
    weights = [p['wq'].astype(bf), p['wo'].astype(bf),
               p['lnq_g'].reshape(1, D),
               p['lnq_b'].reshape(1, D), p['ln2_g'].reshape(1, D),
               p['ln2_b'].reshape(1, D), p['w1'].astype(bf),
               p['b1'].reshape(1, FF),
               p['w2'].astype(bf), p['b2'].reshape(1, D)]
    return pl.pallas_call(
        _mhca_body,
        grid=(M,),
        in_specs=[
            pl.BlockSpec((1, NT, D), lambda m: (m, 0, 0)),
            pl.BlockSpec((K, 1, NT, D), lambda m: (0, m, 0, 0)),
        ] + [_full_spec(w) for w in weights],
        out_specs=pl.BlockSpec((1, NT, D), lambda m: (m, 0, 0)),
        out_shape=jax.ShapeDtypeStruct((M, NT, D), jnp.float32),
        compiler_params=pltpu.CompilerParams(
            dimension_semantics=("parallel",)),
    )(zt, g4, *weights)


def kernel(xc, zc, xt, zt, params):
    xc_t = xc.reshape(M, HW, DX).transpose(0, 2, 1)
    idx = _topk_call(xt, xc_t)
    idx_flat = (idx.transpose(2, 0, 1)
                + (HW * jnp.arange(M, dtype=jnp.int32))[None, :, None]
                ).reshape(_GB)
    for layer in params['layers']:
        zc = _swin_call(zc, layer['swin'][0], 0)
        zc = _swin_call(zc, layer['swin'][1], WS // 2)
        kv = _kvproj_call(zc.reshape(M, HW, D), layer['mhca'])
        gathered = _gather_rows(kv.reshape(M * HW, D), idx_flat)
        zt = _mhca_call(zt, gathered, layer['mhca'])
    return zt

# --- scband reference (transcript-rebuilt; emitter-appended) ---
"""Pipeline reference for scband-swintransformer-encoder-31138512896312 (READ-ONLY COPY).

The authoritative reference and input builder live on the scoring server;
editing this copy changes nothing except your own understanding.
"""

import jax, jax.numpy as jnp
import numpy as np

M, H, W, DX, D, NT, NH, WS, K, L, FF = 4, 32, 32, 2, 256, 1024, 8, 8, 9, 2, 512


def _make_params(key):
    cnt = [0]
    def mk(*shape):
        cnt[0] += 1
        return jax.random.normal(jax.random.fold_in(key, cnt[0]), shape, jnp.float32) * 0.02
    layers = []
    for _ in range(L):
        swin = []
        for _ in range(2):
            swin.append({'ln1_g': jnp.ones((D,)), 'ln1_b': jnp.zeros((D,)), 'wqkv': mk(D, 3 * D), 'wo': mk(D, D), 'ln2_g': jnp.ones((D,)), 'ln2_b': jnp.zeros((D,)), 'w1': mk(D, FF), 'b1': jnp.zeros((FF,)), 'w2': mk(FF, D), 'b2': jnp.zeros((D,))})
        mhca = {'lnq_g': jnp.ones((D,)), 'lnq_b': jnp.zeros((D,)), 'lnkv_g': jnp.ones((D,)), 'lnkv_b': jnp.zeros((D,)), 'wq': mk(D, D), 'wkv': mk(D, 2 * D), 'wo': mk(D, D), 'ln2_g': jnp.ones((D,)), 'ln2_b': jnp.zeros((D,)), 'w1': mk(D, FF), 'b1': jnp.zeros((FF,)), 'w2': mk(FF, D), 'b2': jnp.zeros((D,))}
        layers.append({'swin': swin, 'mhca': mhca})
    return {'layers': layers}


def setup_inputs(seed: int = 0):
    key = jax.random.key(seed)
    ks = jax.random.split(key, 5)
    xc = jax.random.uniform(ks[0], (M, H, W, DX), jnp.float32)
    zc = jax.random.normal(ks[1], (M, H, W, D), jnp.float32)
    xt = jax.random.uniform(ks[2], (M, NT, DX), jnp.float32)
    zt = jax.random.normal(ks[3], (M, NT, D), jnp.float32)
    params = _make_params(ks[4])
    return {'xc': xc, 'zc': zc, 'xt': xt, 'zt': zt, 'params': params}


def _ln(x, g, b):
    mu = jnp.mean(x, -1, keepdims=True)
    var = jnp.var(x, -1, keepdims=True)
    return (x - mu) / jnp.sqrt(var + 1e-5) * g + b


def _mha(q, k, v):
    B, Nq, _ = q.shape
    dh = D // NH
    qh = q.reshape(B, Nq, NH, dh).transpose(0, 2, 1, 3)
    kh = k.reshape(B, -1, NH, dh).transpose(0, 2, 1, 3)
    vh = v.reshape(B, -1, NH, dh).transpose(0, 2, 1, 3)
    a = jax.nn.softmax(jnp.einsum('bhqd,bhkd->bhqk', qh, kh) / np.sqrt(dh), axis=-1)
    return jnp.einsum('bhqk,bhkd->bhqd', a, vh).transpose(0, 2, 1, 3).reshape(B, Nq, D)


def _ffn(z, p):
    return jax.nn.gelu(z @ p['w1'] + p['b1']) @ p['w2'] + p['b2']


def _win_block(z, p, shift):
    m_, h_, w_, d_ = z.shape
    if shift:
        z = jnp.roll(z, (-shift, -shift), (1, 2))
    zn = _ln(z, p['ln1_g'], p['ln1_b'])
    zw = zn.reshape(m_, h_ // WS, WS, w_ // WS, WS, d_).transpose(0, 1, 3, 2, 4, 5).reshape(-1, WS * WS, d_)
    q, k, v = jnp.split(zw @ p['wqkv'], 3, axis=-1)
    o = _mha(q, k, v) @ p['wo']
    o = o.reshape(m_, h_ // WS, w_ // WS, WS, WS, d_).transpose(0, 1, 3, 2, 4, 5).reshape(m_, h_, w_, d_)
    z = z + o
    z = z + _ffn(_ln(z, p['ln2_g'], p['ln2_b']), p)
    if shift:
        z = jnp.roll(z, (shift, shift), (1, 2))
    return z


def _mhca(zt_, kv_, p):
    qn = _ln(zt_, p['lnq_g'], p['lnq_b'])
    kn = _ln(kv_, p['lnkv_g'], p['lnkv_b'])
    q = qn @ p['wq']
    k, v = jnp.split(kn @ p['wkv'], 2, axis=-1)
    zt_ = zt_ + _mha(q, k, v) @ p['wo']
    zt_ = zt_ + _ffn(_ln(zt_, p['ln2_g'], p['ln2_b']), p)
    return zt_


def _forward(xc, zc, xt, zt, params):
    m_ = zc.shape[0]
    xc_flat = xc.reshape(m_, -1, xc.shape[-1])
    for layer in params['layers']:
        zc = _win_block(zc, layer['swin'][0], 0)
        zc = _win_block(zc, layer['swin'][1], WS // 2)
        d2 = jnp.sum((xt[:, :, None, :] - xc_flat[:, None, :, :]) ** 2, -1)
        _, nn_idx = jax.lax.top_k(-d2, K)
        zc_flat = zc.reshape(m_, -1, D)
        near = zc_flat[jnp.arange(m_)[:, None, None], nn_idx]
        q = zt.reshape(m_ * NT, 1, D)
        kv = near.reshape(m_ * NT, K, D)
        zt = _mhca(q, kv, layer['mhca']).reshape(m_, NT, D)
    return zt


def reference(xc, zc, xt, zt, params):
    return _forward(xc, zc, xt, zt, params)

if __name__ == "__main__":
    import jax
    _d = setup_inputs()
    print(jax.jit(kernel)(*tuple(_d.values())))

</pallas_src>

<mosaic_0001>
#map = affine_map<(d0, d1) -> (0, 0)>
#map1 = affine_map<(d0, d1) -> (0)>
module attributes {stable_mosaic.version = 14 : i64} {
  func.func @sc_gather(%arg0: i32, %arg1: i32, %arg2: memref<4096x256xi32, #tpu.memory_space<hbm>>, %arg3: memref<36864xi32, #tpu.memory_space<hbm>>, %arg4: memref<36864x256xi32, #tpu.memory_space<hbm>>, %arg5: memref<1152xi32, #tpu.memory_space<vmem>>, %arg6: memref<2x128x256xi32, #tpu.memory_space<vmem>>, %arg7: memref<!tpu.dma_semaphore, #tpu.memory_space<semaphore_mem>>, %arg8: memref<!tpu.dma_semaphore, #tpu.memory_space<semaphore_mem>>) attributes {dimension_semantics = [#tpu.dimension_semantics<core_parallel>, #tpu.dimension_semantics<subcore_parallel>], iteration_bounds = array<i64: 2, 16>, scalar_prefetch = 0 : i64, scratch_operands = 4 : i64, tpu.core_type = #tpu.core_type<sc_vector_subcore>, window_params = [{transform_indices = #map}, {transform_indices = #map1}, {transform_indices = #map}]} {
    %mul3A = arith.constant 2 : i32
    %mul3A_0 = arith.muli %arg1, %mul3A : i32
    %add3A = arith.addi %mul3A_0, %arg0 : i32
    %mul3A_1 = arith.constant 1152 : i32
    %mul3A_2 = arith.muli %add3A, %mul3A_1 : i32
    "tpu.region"() ({
      %run_scoped3A_207 = tpu.sem_alloc : memref<!tpu.dma_semaphore, #tpu.memory_space<semaphore_mem>>
      %dma_start3A_208 = tpu.memref_slice %arg3[%mul3A_2] : memref<36864xi32, #tpu.memory_space<hbm>> -> memref<1152xi32, #tpu.memory_space<hbm>>
      %dma_start3A_209 = tpu.memref_slice %arg3[%mul3A_2] : memref<36864xi32, #tpu.memory_space<hbm>> -> memref<1152xi32, #tpu.memory_space<hbm>>
      tpu.enqueue_dma source(%dma_start3A_209 : memref<1152xi32, #tpu.memory_space<hbm>>) target(%arg5 : memref<1152xi32, #tpu.memory_space<vmem>>) target_semaphore(%run_scoped3A_207 : memref<!tpu.dma_semaphore, #tpu.memory_space<semaphore_mem>>)
      %dma_wait3A_210 = tpu.memref_slice %arg3[%mul3A_2] : memref<36864xi32, #tpu.memory_space<hbm>> -> memref<1152xi32, #tpu.memory_space<hbm>>
      %dma_wait3A_211 = tpu.memref_slice %arg3[%mul3A_2] : memref<36864xi32, #tpu.memory_space<hbm>> -> memref<1152xi32, #tpu.memory_space<hbm>>
      tpu.wait_dma2 semaphore(%run_scoped3A_207 : memref<!tpu.dma_semaphore, #tpu.memory_space<semaphore_mem>>) src(%dma_wait3A_211 : memref<1152xi32, #tpu.memory_space<hbm>>) dst(%arg5 : memref<1152xi32, #tpu.memory_space<vmem>>)
      tpu.yield
    }) : () -> ()
    %dma_start3A = arith.constant 0 : i32
    %dma_start3A_3 = arith.constant 0 : i32
    %dma_start3A_4 = arith.constant 0 : i32
    %dma_start3A_5 = tpu.memref_slice %arg6[%dma_start3A, %dma_start3A_3, %dma_start3A_4] : memref<2x128x256xi32, #tpu.memory_space<vmem>> -> memref<1x128x256xi32, #tpu.memory_space<vmem>>
    %dma_start3A_6 = tpu.memref_squeeze %dma_start3A_5 : memref<1x128x256xi32, #tpu.memory_space<vmem>> -> memref<128x256xi32, #tpu.memory_space<vmem>>
    %dma_start3A_7 = arith.constant 0 : i32
    %dma_start3A_8 = tpu.memref_slice %arg5[%dma_start3A_7] : memref<1152xi32, #tpu.memory_space<vmem>> -> memref<128xi32, #tpu.memory_space<vmem>>
    %dma_start3A_9 = arith.constant 0 : i32
    %dma_start3A_10 = arith.constant 0 : i32
    %dma_start3A_11 = tpu.memref_slice %arg2[%dma_start3A_9, %dma_start3A_10] : memref<4096x256xi32, #tpu.memory_space<hbm>> -> memref<4096x256xi32, #tpu.memory_space<hbm>>
    tpu.enqueue_indirect_dma source(%dma_start3A_11 : memref<4096x256xi32, #tpu.memory_space<hbm>>) target(%dma_start3A_6 : memref<128x256xi32, #tpu.memory_space<vmem>>) offsets(%dma_start3A_8 : memref<128xi32, #tpu.memory_space<vmem>>) semaphore(%arg7 : memref<!tpu.dma_semaphore, #tpu.memory_space<semaphore_mem>>)
    %dma_start3A_12 = arith.constant 1 : i32
    %dma_start3A_13 = arith.constant 0 : i32
    %dma_start3A_14 = arith.constant 0 : i32
    %dma_start3A_15 = tpu.memref_slice %arg6[%dma_start3A_12, %dma_start3A_13, %dma_start3A_14] : memref<2x128x256xi32, #tpu.memory_space<vmem>> -> memref<1x128x256xi32, #tpu.memory_space<vmem>>
    %dma_start3A_16 = tpu.memref_squeeze %dma_start3A_15 : memref<1x128x256xi32, #tpu.memory_space<vmem>> -> memref<128x256xi32, #tpu.memory_space<vmem>>
    %dma_start3A_17 = arith.constant 128 : i32
    %dma_start3A_18 = tpu.memref_slice %arg5[%dma_start3A_17] : memref<1152xi32, #tpu.memory_space<vmem>> -> memref<128xi32, #tpu.memory_space<vmem>>
    %dma_start3A_19 = arith.constant 0 : i32
    %dma_start3A_20 = arith.constant 0 : i32
    %dma_start3A_21 = tpu.memref_slice %arg2[%dma_start3A_19, %dma_start3A_20] : memref<4096x256xi32, #tpu.memory_space<hbm>> -> memref<4096x256xi32, #tpu.memory_space<hbm>>
    tpu.enqueue_indirect_dma source(%dma_start3A_21 : memref<4096x256xi32, #tpu.memory_space<hbm>>) target(%dma_start3A_16 : memref<128x256xi32, #tpu.memory_space<vmem>>) offsets(%dma_start3A_18 : memref<128xi32, #tpu.memory_space<vmem>>) semaphore(%arg8 : memref<!tpu.dma_semaphore, #tpu.memory_space<semaphore_mem>>)
    %dma_wait3A = arith.constant 0 : i32
    %dma_wait3A_22 = arith.constant 0 : i32
    %dma_wait3A_23 = arith.constant 0 : i32
    %dma_wait3A_24 = tpu.memref_slice %arg6[%dma_wait3A, %dma_wait3A_22, %dma_wait3A_23] : memref<2x128x256xi32, #tpu.memory_space<vmem>> -> memref<1x128x256xi32, #tpu.memory_space<vmem>>
    %dma_wait3A_25 = tpu.memref_squeeze %dma_wait3A_24 : memref<1x128x256xi32, #tpu.memory_space<vmem>> -> memref<128x256xi32, #tpu.memory_space<vmem>>
    %dma_wait3A_26 = arith.constant 0 : i32
    %dma_wait3A_27 = tpu.memref_slice %arg5[%dma_wait3A_26] : memref<1152xi32, #tpu.memory_space<vmem>> -> memref<128xi32, #tpu.memory_space<vmem>>
    %dma_wait3A_28 = arith.constant 0 : i32
    %dma_wait3A_29 = arith.constant 0 : i32
    %dma_wait3A_30 = tpu.memref_slice %arg2[%dma_wait3A_28, %dma_wait3A_29] : memref<4096x256xi32, #tpu.memory_space<hbm>> -> memref<4096x256xi32, #tpu.memory_space<hbm>>
    tpu.wait_indirect_dma semaphore(%arg7 : memref<!tpu.dma_semaphore, #tpu.memory_space<semaphore_mem>>) src(%dma_wait3A_30 : memref<4096x256xi32, #tpu.memory_space<hbm>>) dst(%dma_wait3A_25 : memref<128x256xi32, #tpu.memory_space<vmem>>)
    %add3A_31 = arith.constant 0 : i32
    %add3A_32 = arith.addi %mul3A_2, %add3A_31 : i32
    %run_scoped3A = arith.constant 0 : i32
    "tpu.region"() ({
      %run_scoped3A_207 = tpu.sem_alloc : memref<!tpu.dma_semaphore, #tpu.memory_space<semaphore_mem>>
      %dma_start3A_208 = arith.constant 0 : i32
      %dma_start3A_209 = arith.constant 0 : i32
      %dma_start3A_210 = tpu.memref_slice %arg6[%run_scoped3A, %dma_start3A_208, %dma_start3A_209] : memref<2x128x256xi32, #tpu.memory_space<vmem>> -> memref<1x128x256xi32, #tpu.memory_space<vmem>>
      %dma_start3A_211 = tpu.memref_squeeze %dma_start3A_210 : memref<1x128x256xi32, #tpu.memory_space<vmem>> -> memref<128x256xi32, #tpu.memory_space<vmem>>
      %dma_start3A_212 = arith.constant 0 : i32
      %dma_start3A_213 = tpu.memref_slice %arg4[%add3A_32, %dma_start3A_212] : memref<36864x256xi32, #tpu.memory_space<hbm>> -> memref<128x256xi32, #tpu.memory_space<hbm>>
      %dma_start3A_214 = arith.constant 0 : i32
      %dma_start3A_215 = tpu.memref_slice %arg4[%add3A_32, %dma_start3A_214] : memref<36864x256xi32, #tpu.memory_space<hbm>> -> memref<128x256xi32, #tpu.memory_space<hbm>>
      %dma_start3A_216 = arith.constant 0 : i32
      %dma_start3A_217 = arith.constant 0 : i32
      %dma_start3A_218 = tpu.memref_slice %arg6[%run_scoped3A, %dma_start3A_216, %dma_start3A_217] : memref<2x128x256xi32, #tpu.memory_space<vmem>> -> memref<1x128x256xi32, #tpu.memory_space<vmem>>
      %dma_start3A_219 = tpu.memref_squeeze %dma_start3A_218 : memref<1x128x256xi32, #tpu.memory_space<vmem>> -> memref<128x256xi32, #tpu.memory_space<vmem>>
      tpu.enqueue_dma source(%dma_start3A_219 : memref<128x256xi32, #tpu.memory_space<vmem>>) target(%dma_start3A_215 : memref<128x256xi32, #tpu.memory_space<hbm>>) target_semaphore(%run_scoped3A_207 : memref<!tpu.dma_semaphore, #tpu.memory_space<semaphore_mem>>)
      %dma_wait3A_220 = arith.constant 0 : i32
      %dma_wait3A_221 = arith.constant 0 : i32
      %dma_wait3A_222 = tpu.memref_slice %arg6[%run_scoped3A, %dma_wait3A_220, %dma_wait3A_221] : memref<2x128x256xi32, #tpu.memory_space<vmem>> -> memref<1x128x256xi32, #tpu.memory_space<vmem>>
      %dma_wait3A_223 = tpu.memref_squeeze %dma_wait3A_222 : memref<1x128x256xi32, #tpu.memory_space<vmem>> -> memref<128x256xi32, #tpu.memory_space<vmem>>
      %dma_wait3A_224 = arith.constant 0 : i32
      %dma_wait3A_225 = tpu.memref_slice %arg4[%add3A_32, %dma_wait3A_224] : memref<36864x256xi32, #tpu.memory_space<hbm>> -> memref<128x256xi32, #tpu.memory_space<hbm>>
      %dma_wait3A_226 = arith.constant 0 : i32
      %dma_wait3A_227 = tpu.memref_slice %arg4[%add3A_32, %dma_wait3A_226] : memref<36864x256xi32, #tpu.memory_space<hbm>> -> memref<128x256xi32, #tpu.memory_space<hbm>>
      %dma_wait3A_228 = arith.constant 0 : i32
      %dma_wait3A_229 = arith.constant 0 : i32
      %dma_wait3A_230 = tpu.memref_slice %arg6[%run_scoped3A, %dma_wait3A_228, %dma_wait3A_229] : memref<2x128x256xi32, #tpu.memory_space<vmem>> -> memref<1x128x256xi32, #tpu.memory_space<vmem>>
      %dma_wait3A_231 = tpu.memref_squeeze %dma_wait3A_230 : memref<1x128x256xi32, #tpu.memory_space<vmem>> -> memref<128x256xi32, #tpu.memory_space<vmem>>
      tpu.wait_dma2 semaphore(%run_scoped3A_207 : memref<!tpu.dma_semaphore, #tpu.memory_space<semaphore_mem>>) src(%dma_wait3A_231 : memref<128x256xi32, #tpu.memory_space<vmem>>) dst(%dma_wait3A_227 : memref<128x256xi32, #tpu.memory_space<hbm>>)
      tpu.yield
    }) : () -> ()
    %dma_start3A_33 = arith.constant 0 : i32
    %dma_start3A_34 = arith.constant 0 : i32
    %dma_start3A_35 = arith.constant 0 : i32
    %dma_start3A_36 = tpu.memref_slice %arg6[%dma_start3A_33, %dma_start3A_34, %dma_start3A_35] : memref<2x128x256xi32, #tpu.memory_space<vmem>> -> memref<1x128x256xi32, #tpu.memory_space<vmem>>
    %dma_start3A_37 = tpu.memref_squeeze %dma_start3A_36 : memref<1x128x256xi32, #tpu.memory_space<vmem>> -> memref<128x256xi32, #tpu.memory_space<vmem>>
    %dma_start3A_38 = arith.constant 256 : i32
    %dma_start3A_39 = tpu.memref_slice %arg5[%dma_start3A_38] : memref<1152xi32, #tpu.memory_space<vmem>> -> memref<128xi32, #tpu.memory_space<vmem>>
    %dma_start3A_40 = arith.constant 0 : i32
    %dma_start3A_41 = arith.constant 0 : i32
    %dma_start3A_42 = tpu.memref_slice %arg2[%dma_start3A_40, %dma_start3A_41] : memref<4096x256xi32, #tpu.memory_space<hbm>> -> memref<4096x256xi32, #tpu.memory_space<hbm>>
    tpu.enqueue_indirect_dma source(%dma_start3A_42 : memref<4096x256xi32, #tpu.memory_space<hbm>>) target(%dma_start3A_37 : memref<128x256xi32, #tpu.memory_space<vmem>>) offsets(%dma_start3A_39 : memref<128xi32, #tpu.memory_space<vmem>>) semaphore(%arg7 : memref<!tpu.dma_semaphore, #tpu.memory_space<semaphore_mem>>)
    %dma_wait3A_43 = arith.constant 1 : i32
    %dma_wait3A_44 = arith.constant 0 : i32
    %dma_wait3A_45 = arith.constant 0 : i32
    %dma_wait3A_46 = tpu.memref_slice %arg6[%dma_wait3A_43, %dma_wait3A_44, %dma_wait3A_45] : memref<2x128x256xi32, #tpu.memory_space<vmem>> -> memref<1x128x256xi32, #tpu.memory_space<vmem>>
    %dma_wait3A_47 = tpu.memref_squeeze %dma_wait3A_46 : memref<1x128x256xi32, #tpu.memory_space<vmem>> -> memref<128x256xi32, #tpu.memory_space<vmem>>
    %dma_wait3A_48 = arith.constant 128 : i32
    %dma_wait3A_49 = tpu.memref_slice %arg5[%dma_wait3A_48] : memref<1152xi32, #tpu.memory_space<vmem>> -> memref<128xi32, #tpu.memory_space<vmem>>
    %dma_wait3A_50 = arith.constant 0 : i32
    %dma_wait3A_51 = arith.constant 0 : i32
    %dma_wait3A_52 = tpu.memref_slice %arg2[%dma_wait3A_50, %dma_wait3A_51] : memref<4096x256xi32, #tpu.memory_space<hbm>> -> memref<4096x256xi32, #tpu.memory_space<hbm>>
    tpu.wait_indirect_dma semaphore(%arg8 : memref<!tpu.dma_semaphore, #tpu.memory_space<semaphore_mem>>) src(%dma_wait3A_52 : memref<4096x256xi32, #tpu.memory_space<hbm>>) dst(%dma_wait3A_47 : memref<128x256xi32, #tpu.memory_space<vmem>>)
    %add3A_53 = arith.constant 128 : i32
    %add3A_54 = arith.addi %mul3A_2, %add3A_53 : i32
    %run_scoped3A_55 = arith.constant 1 : i32
    "tpu.region"() ({
      %run_scoped3A_207 = tpu.sem_alloc : memref<!tpu.dma_semaphore, #tpu.memory_space<semaphore_mem>>
      %dma_start3A_208 = arith.constant 0 : i32
      %dma_start3A_209 = arith.constant 0 : i32
      %dma_start3A_210 = tpu.memref_slice %arg6[%run_scoped3A_55, %dma_start3A_208, %dma_start3A_209] : memref<2x128x256xi32, #tpu.memory_space<vmem>> -> memref<1x128x256xi32, #tpu.memory_space<vmem>>
      %dma_start3A_211 = tpu.memref_squeeze %dma_start3A_210 : memref<1x128x256xi32, #tpu.memory_space<vmem>> -> memref<128x256xi32, #tpu.memory_space<vmem>>
      %dma_start3A_212 = arith.constant 0 : i32
      %dma_start3A_213 = tpu.memref_slice %arg4[%add3A_54, %dma_start3A_212] : memref<36864x256xi32, #tpu.memory_space<hbm>> -> memref<128x256xi32, #tpu.memory_space<hbm>>
      %dma_start3A_214 = arith.constant 0 : i32
      %dma_start3A_215 = tpu.memref_slice %arg4[%add3A_54, %dma_start3A_214] : memref<36864x256xi32, #tpu.memory_space<hbm>> -> memref<128x256xi32, #tpu.memory_space<hbm>>
      %dma_start3A_216 = arith.constant 0 : i32
      %dma_start3A_217 = arith.constant 0 : i32
      %dma_start3A_218 = tpu.memref_slice %arg6[%run_scoped3A_55, %dma_start3A_216, %dma_start3A_217] : memref<2x128x256xi32, #tpu.memory_space<vmem>> -> memref<1x128x256xi32, #tpu.memory_space<vmem>>
      %dma_start3A_219 = tpu.memref_squeeze %dma_start3A_218 : memref<1x128x256xi32, #tpu.memory_space<vmem>> -> memref<128x256xi32, #tpu.memory_space<vmem>>
      tpu.enqueue_dma source(%dma_start3A_219 : memref<128x256xi32, #tpu.memory_space<vmem>>) target(%dma_start3A_215 : memref<128x256xi32, #tpu.memory_space<hbm>>) target_semaphore(%run_scoped3A_207 : memref<!tpu.dma_semaphore, #tpu.memory_space<semaphore_mem>>)
      %dma_wait3A_220 = arith.constant 0 : i32
      %dma_wait3A_221 = arith.constant 0 : i32
      %dma_wait3A_222 = tpu.memref_slice %arg6[%run_scoped3A_55, %dma_wait3A_220, %dma_wait3A_221] : memref<2x128x256xi32, #tpu.memory_space<vmem>> -> memref<1x128x256xi32, #tpu.memory_space<vmem>>
      %dma_wait3A_223 = tpu.memref_squeeze %dma_wait3A_222 : memref<1x128x256xi32, #tpu.memory_space<vmem>> -> memref<128x256xi32, #tpu.memory_space<vmem>>
      %dma_wait3A_224 = arith.constant 0 : i32
      %dma_wait3A_225 = tpu.memref_slice %arg4[%add3A_54, %dma_wait3A_224] : memref<36864x256xi32, #tpu.memory_space<hbm>> -> memref<128x256xi32, #tpu.memory_space<hbm>>
      %dma_wait3A_226 = arith.constant 0 : i32
      %dma_wait3A_227 = tpu.memref_slice %arg4[%add3A_54, %dma_wait3A_226] : memref<36864x256xi32, #tpu.memory_space<hbm>> -> memref<128x256xi32, #tpu.memory_space<hbm>>
      %dma_wait3A_228 = arith.constant 0 : i32
      %dma_wait3A_229 = arith.constant 0 : i32
      %dma_wait3A_230 = tpu.memref_slice %arg6[%run_scoped3A_55, %dma_wait3A_228, %dma_wait3A_229] : memref<2x128x256xi32, #tpu.memory_space<vmem>> -> memref<1x128x256xi32, #tpu.memory_space<vmem>>
      %dma_wait3A_231 = tpu.memref_squeeze %dma_wait3A_230 : memref<1x128x256xi32, #tpu.memory_space<vmem>> -> memref<128x256xi32, #tpu.memory_space<vmem>>
      tpu.wait_dma2 semaphore(%run_scoped3A_207 : memref<!tpu.dma_semaphore, #tpu.memory_space<semaphore_mem>>) src(%dma_wait3A_231 : memref<128x256xi32, #tpu.memory_space<vmem>>) dst(%dma_wait3A_227 : memref<128x256xi32, #tpu.memory_space<hbm>>)
      tpu.yield
    }) : () -> ()
    %dma_start3A_56 = arith.constant 1 : i32
    %dma_start3A_57 = arith.constant 0 : i32
    %dma_start3A_58 = arith.constant 0 : i32
    %dma_start3A_59 = tpu.memref_slice %arg6[%dma_start3A_56, %dma_start3A_57, %dma_start3A_58] : memref<2x128x256xi32, #tpu.memory_space<vmem>> -> memref<1x128x256xi32, #tpu.memory_space<vmem>>
    %dma_start3A_60 = tpu.memref_squeeze %dma_start3A_59 : memref<1x128x256xi32, #tpu.memory_space<vmem>> -> memref<128x256xi32, #tpu.memory_space<vmem>>
    %dma_start3A_61 = arith.constant 384 : i32
    %dma_start3A_62 = tpu.memref_slice %arg5[%dma_start3A_61] : memref<1152xi32, #tpu.memory_space<vmem>> -> memref<128xi32, #tpu.memory_space<vmem>>
    %dma_start3A_63 = arith.constant 0 : i32
    %dma_start3A_64 = arith.constant 0 : i32
    %dma_start3A_65 = tpu.memref_slice %arg2[%dma_start3A_63, %dma_start3A_64] : memref<4096x256xi32, #tpu.memory_space<hbm>> -> memref<4096x256xi32, #tpu.memory_space<hbm>>
    tpu.enqueue_indirect_dma source(%dma_start3A_65 : memref<4096x256xi32, #tpu.memory_space<hbm>>) target(%dma_start3A_60 : memref<128x256xi32, #tpu.memory_space<vmem>>) offsets(%dma_start3A_62 : memref<128xi32, #tpu.memory_space<vmem>>) semaphore(%arg8 : memref<!tpu.dma_semaphore, #tpu.memory_space<semaphore_mem>>)
    %dma_wait3A_66 = arith.constant 0 : i32
    %dma_wait3A_67 = arith.constant 0 : i32
    %dma_wait3A_68 = arith.constant 0 : i32
    %dma_wait3A_69 = tpu.memref_slice %arg6[%dma_wait3A_66, %dma_wait3A_67, %dma_wait3A_68] : memref<2x128x256xi32, #tpu.memory_space<vmem>> -> memref<1x128x256xi32, #tpu.memory_space<vmem>>
    %dma_wait3A_70 = tpu.memref_squeeze %dma_wait3A_69 : memref<1x128x256xi32, #tpu.memory_space<vmem>> -> memref<128x256xi32, #tpu.memory_space<vmem>>
    %dma_wait3A_71 = arith.constant 256 : i32
    %dma_wait3A_72 = tpu.memref_slice %arg5[%dma_wait3A_71] : memref<1152xi32, #tpu.memory_space<vmem>> -> memref<128xi32, #tpu.memory_space<vmem>>
    %dma_wait3A_73 = arith.constant 0 : i32
    %dma_wait3A_74 = arith.constant 0 : i32
    %dma_wait3A_75 = tpu.memref_slice %arg2[%dma_wait3A_73, %dma_wait3A_74] : memref<4096x256xi32, #tpu.memory_space<hbm>> -> memref<4096x256xi32, #tpu.memory_space<hbm>>
    tpu.wait_indirect_dma semaphore(%arg7 : memref<!tpu.dma_semaphore, #tpu.memory_space<semaphore_mem>>) src(%dma_wait3A_75 : memref<4096x256xi32, #tpu.memory_space<hbm>>) dst(%dma_wait3A_70 : memref<128x256xi32, #tpu.memory_space<vmem>>)
    %add3A_76 = arith.constant 256 : i32
    %add3A_77 = arith.addi %mul3A_2, %add3A_76 : i32
    %run_scoped3A_78 = arith.constant 0 : i32
    "tpu.region"() ({
      %run_scoped3A_207 = tpu.sem_alloc : memref<!tpu.dma_semaphore, #tpu.memory_space<semaphore_mem>>
      %dma_start3A_208 = arith.constant 0 : i32
      %dma_start3A_209 = arith.constant 0 : i32
      %dma_start3A_210 = tpu.memref_slice %arg6[%run_scoped3A_78, %dma_start3A_208, %dma_start3A_209] : memref<2x128x256xi32, #tpu.memory_space<vmem>> -> memref<1x128x256xi32, #tpu.memory_space<vmem>>
      %dma_start3A_211 = tpu.memref_squeeze %dma_start3A_210 : memref<1x128x256xi32, #tpu.memory_space<vmem>> -> memref<128x256xi32, #tpu.memory_space<vmem>>
      %dma_start3A_212 = arith.constant 0 : i32
      %dma_start3A_213 = tpu.memref_slice %arg4[%add3A_77, %dma_start3A_212] : memref<36864x256xi32, #tpu.memory_space<hbm>> -> memref<128x256xi32, #tpu.memory_space<hbm>>
      %dma_start3A_214 = arith.constant 0 : i32
      %dma_start3A_215 = tpu.memref_slice %arg4[%add3A_77, %dma_start3A_214] : memref<36864x256xi32, #tpu.memory_space<hbm>> -> memref<128x256xi32, #tpu.memory_space<hbm>>
      %dma_start3A_216 = arith.constant 0 : i32
      %dma_start3A_217 = arith.constant 0 : i32
      %dma_start3A_218 = tpu.memref_slice %arg6[%run_scoped3A_78, %dma_start3A_216, %dma_start3A_217] : memref<2x128x256xi32, #tpu.memory_space<vmem>> -> memref<1x128x256xi32, #tpu.memory_space<vmem>>
      %dma_start3A_219 = tpu.memref_squeeze %dma_start3A_218 : memref<1x128x256xi32, #tpu.memory_space<vmem>> -> memref<128x256xi32, #tpu.memory_space<vmem>>
      tpu.enqueue_dma source(%dma_start3A_219 : memref<128x256xi32, #tpu.memory_space<vmem>>) target(%dma_start3A_215 : memref<128x256xi32, #tpu.memory_space<hbm>>) target_semaphore(%run_scoped3A_207 : memref<!tpu.dma_semaphore, #tpu.memory_space<semaphore_mem>>)
      %dma_wait3A_220 = arith.constant 0 : i32
      %dma_wait3A_221 = arith.constant 0 : i32
      %dma_wait3A_222 = tpu.memref_slice %arg6[%run_scoped3A_78, %dma_wait3A_220, %dma_wait3A_221] : memref<2x128x256xi32, #tpu.memory_space<vmem>> -> memref<1x128x256xi32, #tpu.memory_space<vmem>>
      %dma_wait3A_223 = tpu.memref_squeeze %dma_wait3A_222 : memref<1x128x256xi32, #tpu.memory_space<vmem>> -> memref<128x256xi32, #tpu.memory_space<vmem>>
      %dma_wait3A_224 = arith.constant 0 : i32
      %dma_wait3A_225 = tpu.memref_slice %arg4[%add3A_77, %dma_wait3A_224] : memref<36864x256xi32, #tpu.memory_space<hbm>> -> memref<128x256xi32, #tpu.memory_space<hbm>>
      %dma_wait3A_226 = arith.constant 0 : i32
      %dma_wait3A_227 = tpu.memref_slice %arg4[%add3A_77, %dma_wait3A_226] : memref<36864x256xi32, #tpu.memory_space<hbm>> -> memref<128x256xi32, #tpu.memory_space<hbm>>
      %dma_wait3A_228 = arith.constant 0 : i32
      %dma_wait3A_229 = arith.constant 0 : i32
      %dma_wait3A_230 = tpu.memref_slice %arg6[%run_scoped3A_78, %dma_wait3A_228, %dma_wait3A_229] : memref<2x128x256xi32, #tpu.memory_space<vmem>> -> memref<1x128x256xi32, #tpu.memory_space<vmem>>
      %dma_wait3A_231 = tpu.memref_squeeze %dma_wait3A_230 : memref<1x128x256xi32, #tpu.memory_space<vmem>> -> memref<128x256xi32, #tpu.memory_space<vmem>>
      tpu.wait_dma2 semaphore(%run_scoped3A_207 : memref<!tpu.dma_semaphore, #tpu.memory_space<semaphore_mem>>) src(%dma_wait3A_231 : memref<128x256xi32, #tpu.memory_space<vmem>>) dst(%dma_wait3A_227 : memref<128x256xi32, #tpu.memory_space<hbm>>)
      tpu.yield
    }) : () -> ()
    %dma_start3A_79 = arith.constant 0 : i32
    %dma_start3A_80 = arith.constant 0 : i32
    %dma_start3A_81 = arith.constant 0 : i32
    %dma_start3A_82 = tpu.memref_slice %arg6[%dma_start3A_79, %dma_start3A_80, %dma_start3A_81] : memref<2x128x256xi32, #tpu.memory_space<vmem>> -> memref<1x128x256xi32, #tpu.memory_space<vmem>>
    %dma_start3A_83 = tpu.memref_squeeze %dma_start3A_82 : memref<1x128x256xi32, #tpu.memory_space<vmem>> -> memref<128x256xi32, #tpu.memory_space<vmem>>
    %dma_start3A_84 = arith.constant 512 : i32
    %dma_start3A_85 = tpu.memref_slice %arg5[%dma_start3A_84] : memref<1152xi32, #tpu.memory_space<vmem>> -> memref<128xi32, #tpu.memory_space<vmem>>
    %dma_start3A_86 = arith.constant 0 : i32
    %dma_start3A_87 = arith.constant 0 : i32
    %dma_start3A_88 = tpu.memref_slice %arg2[%dma_start3A_86, %dma_start3A_87] : memref<4096x256xi32, #tpu.memory_space<hbm>> -> memref<4096x256xi32, #tpu.memory_space<hbm>>
    tpu.enqueue_indirect_dma source(%dma_start3A_88 : memref<4096x256xi32, #tpu.memory_space<hbm>>) target(%dma_start3A_83 : memref<128x256xi32, #tpu.memory_space<vmem>>) offsets(%dma_start3A_85 : memref<128xi32, #tpu.memory_space<vmem>>) semaphore(%arg7 : memref<!tpu.dma_semaphore, #tpu.memory_space<semaphore_mem>>)
    %dma_wait3A_89 = arith.constant 1 : i32
    %dma_wait3A_90 = arith.constant 0 : i32
    %dma_wait3A_91 = arith.constant 0 : i32
    %dma_wait3A_92 = tpu.memref_slice %arg6[%dma_wait3A_89, %dma_wait3A_90, %dma_wait3A_91] : memref<2x128x256xi32, #tpu.memory_space<vmem>> -> memref<1x128x256xi32, #tpu.memory_space<vmem>>
    %dma_wait3A_93 = tpu.memref_squeeze %dma_wait3A_92 : memref<1x128x256xi32, #tpu.memory_space<vmem>> -> memref<128x256xi32, #tpu.memory_space<vmem>>
    %dma_wait3A_94 = arith.constant 384 : i32
    %dma_wait3A_95 = tpu.memref_slice %arg5[%dma_wait3A_94] : memref<1152xi32, #tpu.memory_space<vmem>> -> memref<128xi32, #tpu.memory_space<vmem>>
    %dma_wait3A_96 = arith.constant 0 : i32
    %dma_wait3A_97 = arith.constant 0 : i32
    %dma_wait3A_98 = tpu.memref_slice %arg2[%dma_wait3A_96, %dma_wait3A_97] : memref<4096x256xi32, #tpu.memory_space<hbm>> -> memref<4096x256xi32, #tpu.memory_space<hbm>>
    tpu.wait_indirect_dma semaphore(%arg8 : memref<!tpu.dma_semaphore, #tpu.memory_space<semaphore_mem>>) src(%dma_wait3A_98 : memref<4096x256xi32, #tpu.memory_space<hbm>>) dst(%dma_wait3A_93 : memref<128x256xi32, #tpu.memory_space<vmem>>)
    %add3A_99 = arith.constant 384 : i32
    %add3A_100 = arith.addi %mul3A_2, %add3A_99 : i32
    %run_scoped3A_101 = arith.constant 1 : i32
    "tpu.region"() ({
      %run_scoped3A_207 = tpu.sem_alloc : memref<!tpu.dma_semaphore, #tpu.memory_space<semaphore_mem>>
      %dma_start3A_208 = arith.constant 0 : i32
      %dma_start3A_209 = arith.constant 0 : i32
      %dma_start3A_210 = tpu.memref_slice %arg6[%run_scoped3A_101, %dma_start3A_208, %dma_start3A_209] : memref<2x128x256xi32, #tpu.memory_space<vmem>> -> memref<1x128x256xi32, #tpu.memory_space<vmem>>
      %dma_start3A_211 = tpu.memref_squeeze %dma_start3A_210 : memref<1x128x256xi32, #tpu.memory_space<vmem>> -> memref<128x256xi32, #tpu.memory_space<vmem>>
      %dma_start3A_212 = arith.constant 0 : i32
      %dma_start3A_213 = tpu.memref_slice %arg4[%add3A_100, %dma_start3A_212] : memref<36864x256xi32, #tpu.memory_space<hbm>> -> memref<128x256xi32, #tpu.memory_space<hbm>>
      %dma_start3A_214 = arith.constant 0 : i32
      %dma_start3A_215 = tpu.memref_slice %arg4[%add3A_100, %dma_start3A_214] : memref<36864x256xi32, #tpu.memory_space<hbm>> -> memref<128x256xi32, #tpu.memory_space<hbm>>
      %dma_start3A_216 = arith.constant 0 : i32
      %dma_start3A_217 = arith.constant 0 : i32
      %dma_start3A_218 = tpu.memref_slice %arg6[%run_scoped3A_101, %dma_start3A_216, %dma_start3A_217] : memref<2x128x256xi32, #tpu.memory_space<vmem>> -> memref<1x128x256xi32, #tpu.memory_space<vmem>>
      %dma_start3A_219 = tpu.memref_squeeze %dma_start3A_218 : memref<1x128x256xi32, #tpu.memory_space<vmem>> -> memref<128x256xi32, #tpu.memory_space<vmem>>
      tpu.enqueue_dma source(%dma_start3A_219 : memref<128x256xi32, #tpu.memory_space<vmem>>) target(%dma_start3A_215 : memref<128x256xi32, #tpu.memory_space<hbm>>) target_semaphore(%run_scoped3A_207 : memref<!tpu.dma_semaphore, #tpu.memory_space<semaphore_mem>>)
      %dma_wait3A_220 = arith.constant 0 : i32
      %dma_wait3A_221 = arith.constant 0 : i32
      %dma_wait3A_222 = tpu.memref_slice %arg6[%run_scoped3A_101, %dma_wait3A_220, %dma_wait3A_221] : memref<2x128x256xi32, #tpu.memory_space<vmem>> -> memref<1x128x256xi32, #tpu.memory_space<vmem>>
      %dma_wait3A_223 = tpu.memref_squeeze %dma_wait3A_222 : memref<1x128x256xi32, #tpu.memory_space<vmem>> -> memref<128x256xi32, #tpu.memory_space<vmem>>
      %dma_wait3A_224 = arith.constant 0 : i32
      %dma_wait3A_225 = tpu.memref_slice %arg4[%add3A_100, %dma_wait3A_224] : memref<36864x256xi32, #tpu.memory_space<hbm>> -> memref<128x256xi32, #tpu.memory_space<hbm>>
      %dma_wait3A_226 = arith.constant 0 : i32
      %dma_wait3A_227 = tpu.memref_slice %arg4[%add3A_100, %dma_wait3A_226] : memref<36864x256xi32, #tpu.memory_space<hbm>> -> memref<128x256xi32, #tpu.memory_space<hbm>>
      %dma_wait3A_228 = arith.constant 0 : i32
      %dma_wait3A_229 = arith.constant 0 : i32
      %dma_wait3A_230 = tpu.memref_slice %arg6[%run_scoped3A_101, %dma_wait3A_228, %dma_wait3A_229] : memref<2x128x256xi32, #tpu.memory_space<vmem>> -> memref<1x128x256xi32, #tpu.memory_space<vmem>>
      %dma_wait3A_231 = tpu.memref_squeeze %dma_wait3A_230 : memref<1x128x256xi32, #tpu.memory_space<vmem>> -> memref<128x256xi32, #tpu.memory_space<vmem>>
      tpu.wait_dma2 semaphore(%run_scoped3A_207 : memref<!tpu.dma_semaphore, #tpu.memory_space<semaphore_mem>>) src(%dma_wait3A_231 : memref<128x256xi32, #tpu.memory_space<vmem>>) dst(%dma_wait3A_227 : memref<128x256xi32, #tpu.memory_space<hbm>>)
      tpu.yield
    }) : () -> ()
    %dma_start3A_102 = arith.constant 1 : i32
    %dma_start3A_103 = arith.constant 0 : i32
    %dma_start3A_104 = arith.constant 0 : i32
    %dma_start3A_105 = tpu.memref_slice %arg6[%dma_start3A_102, %dma_start3A_103, %dma_start3A_104] : memref<2x128x256xi32, #tpu.memory_space<vmem>> -> memref<1x128x256xi32, #tpu.memory_space<vmem>>
    %dma_start3A_106 = tpu.memref_squeeze %dma_start3A_105 : memref<1x128x256xi32, #tpu.memory_space<vmem>> -> memref<128x256xi32, #tpu.memory_space<vmem>>
    %dma_start3A_107 = arith.constant 640 : i32
    %dma_start3A_108 = tpu.memref_slice %arg5[%dma_start3A_107] : memref<1152xi32, #tpu.memory_space<vmem>> -> memref<128xi32, #tpu.memory_space<vmem>>
    %dma_start3A_109 = arith.constant 0 : i32
    %dma_start3A_110 = arith.constant 0 : i32
    %dma_start3A_111 = tpu.memref_slice %arg2[%dma_start3A_109, %dma_start3A_110] : memref<4096x256xi32, #tpu.memory_space<hbm>> -> memref<4096x256xi32, #tpu.memory_space<hbm>>
    tpu.enqueue_indirect_dma source(%dma_start3A_111 : memref<4096x256xi32, #tpu.memory_space<hbm>>) target(%dma_start3A_106 : memref<128x256xi32, #tpu.memory_space<vmem>>) offsets(%dma_start3A_108 : memref<128xi32, #tpu.memory_space<vmem>>) semaphore(%arg8 : memref<!tpu.dma_semaphore, #tpu.memory_space<semaphore_mem>>)
    %dma_wait3A_112 = arith.constant 0 : i32
    %dma_wait3A_113 = arith.constant 0 : i32
    %dma_wait3A_114 = arith.constant 0 : i32
    %dma_wait3A_115 = tpu.memref_slice %arg6[%dma_wait3A_112, %dma_wait3A_113, %dma_wait3A_114] : memref<2x128x256xi32, #tpu.memory_space<vmem>> -> memref<1x128x256xi32, #tpu.memory_space<vmem>>
    %dma_wait3A_116 = tpu.memref_squeeze %dma_wait3A_115 : memref<1x128x256xi32, #tpu.memory_space<vmem>> -> memref<128x256xi32, #tpu.memory_space<vmem>>
    %dma_wait3A_117 = arith.constant 512 : i32
    %dma_wait3A_118 = tpu.memref_slice %arg5[%dma_wait3A_117] : memref<1152xi32, #tpu.memory_space<vmem>> -> memref<128xi32, #tpu.memory_space<vmem>>
    %dma_wait3A_119 = arith.constant 0 : i32
    %dma_wait3A_120 = arith.constant 0 : i32
    %dma_wait3A_121 = tpu.memref_slice %arg2[%dma_wait3A_119, %dma_wait3A_120] : memref<4096x256xi32, #tpu.memory_space<hbm>> -> memref<4096x256xi32, #tpu.memory_space<hbm>>
    tpu.wait_indirect_dma semaphore(%arg7 : memref<!tpu.dma_semaphore, #tpu.memory_space<semaphore_mem>>) src(%dma_wait3A_121 : memref<4096x256xi32, #tpu.memory_space<hbm>>) dst(%dma_wait3A_116 : memref<128x256xi32, #tpu.memory_space<vmem>>)
    %add3A_122 = arith.constant 512 : i32
    %add3A_123 = arith.addi %mul3A_2, %add3A_122 : i32
    %run_scoped3A_124 = arith.constant 0 : i32
    "tpu.region"() ({
      %run_scoped3A_207 = tpu.sem_alloc : memref<!tpu.dma_semaphore, #tpu.memory_space<semaphore_mem>>
      %dma_start3A_208 = arith.constant 0 : i32
      %dma_start3A_209 = arith.constant 0 : i32
      %dma_start3A_210 = tpu.memref_slice %arg6[%run_scoped3A_124, %dma_start3A_208, %dma_start3A_209] : memref<2x128x256xi32, #tpu.memory_space<vmem>> -> memref<1x128x256xi32, #tpu.memory_space<vmem>>
      %dma_start3A_211 = tpu.memref_squeeze %dma_start3A_210 : memref<1x128x256xi32, #tpu.memory_space<vmem>> -> memref<128x256xi32, #tpu.memory_space<vmem>>
      %dma_start3A_212 = arith.constant 0 : i32
      %dma_start3A_213 = tpu.memref_slice %arg4[%add3A_123, %dma_start3A_212] : memref<36864x256xi32, #tpu.memory_space<hbm>> -> memref<128x256xi32, #tpu.memory_space<hbm>>
      %dma_start3A_214 = arith.constant 0 : i32
      %dma_start3A_215 = tpu.memref_slice %arg4[%add3A_123, %dma_start3A_214] : memref<36864x256xi32, #tpu.memory_space<hbm>> -> memref<128x256xi32, #tpu.memory_space<hbm>>
      %dma_start3A_216 = arith.constant 0 : i32
      %dma_start3A_217 = arith.constant 0 : i32
      %dma_start3A_218 = tpu.memref_slice %arg6[%run_scoped3A_124, %dma_start3A_216, %dma_start3A_217] : memref<2x128x256xi32, #tpu.memory_space<vmem>> -> memref<1x128x256xi32, #tpu.memory_space<vmem>>
      %dma_start3A_219 = tpu.memref_squeeze %dma_start3A_218 : memref<1x128x256xi32, #tpu.memory_space<vmem>> -> memref<128x256xi32, #tpu.memory_space<vmem>>
      tpu.enqueue_dma source(%dma_start3A_219 : memref<128x256xi32, #tpu.memory_space<vmem>>) target(%dma_start3A_215 : memref<128x256xi32, #tpu.memory_space<hbm>>) target_semaphore(%run_scoped3A_207 : memref<!tpu.dma_semaphore, #tpu.memory_space<semaphore_mem>>)
      %dma_wait3A_220 = arith.constant 0 : i32
      %dma_wait3A_221 = arith.constant 0 : i32
      %dma_wait3A_222 = tpu.memref_slice %arg6[%run_scoped3A_124, %dma_wait3A_220, %dma_wait3A_221] : memref<2x128x256xi32, #tpu.memory_space<vmem>> -> memref<1x128x256xi32, #tpu.memory_space<vmem>>
      %dma_wait3A_223 = tpu.memref_squeeze %dma_wait3A_222 : memref<1x128x256xi32, #tpu.memory_space<vmem>> -> memref<128x256xi32, #tpu.memory_space<vmem>>
      %dma_wait3A_224 = arith.constant 0 : i32
      %dma_wait3A_225 = tpu.memref_slice %arg4[%add3A_123, %dma_wait3A_224] : memref<36864x256xi32, #tpu.memory_space<hbm>> -> memref<128x256xi32, #tpu.memory_space<hbm>>
      %dma_wait3A_226 = arith.constant 0 : i32
      %dma_wait3A_227 = tpu.memref_slice %arg4[%add3A_123, %dma_wait3A_226] : memref<36864x256xi32, #tpu.memory_space<hbm>> -> memref<128x256xi32, #tpu.memory_space<hbm>>
      %dma_wait3A_228 = arith.constant 0 : i32
      %dma_wait3A_229 = arith.constant 0 : i32
      %dma_wait3A_230 = tpu.memref_slice %arg6[%run_scoped3A_124, %dma_wait3A_228, %dma_wait3A_229] : memref<2x128x256xi32, #tpu.memory_space<vmem>> -> memref<1x128x256xi32, #tpu.memory_space<vmem>>
      %dma_wait3A_231 = tpu.memref_squeeze %dma_wait3A_230 : memref<1x128x256xi32, #tpu.memory_space<vmem>> -> memref<128x256xi32, #tpu.memory_space<vmem>>
      tpu.wait_dma2 semaphore(%run_scoped3A_207 : memref<!tpu.dma_semaphore, #tpu.memory_space<semaphore_mem>>) src(%dma_wait3A_231 : memref<128x256xi32, #tpu.memory_space<vmem>>) dst(%dma_wait3A_227 : memref<128x256xi32, #tpu.memory_space<hbm>>)
      tpu.yield
    }) : () -> ()
    %dma_start3A_125 = arith.constant 0 : i32
    %dma_start3A_126 = arith.constant 0 : i32
    %dma_start3A_127 = arith.constant 0 : i32
    %dma_start3A_128 = tpu.memref_slice %arg6[%dma_start3A_125, %dma_start3A_126, %dma_start3A_127] : memref<2x128x256xi32, #tpu.memory_space<vmem>> -> memref<1x128x256xi32, #tpu.memory_space<vmem>>
    %dma_start3A_129 = tpu.memref_squeeze %dma_start3A_128 : memref<1x128x256xi32, #tpu.memory_space<vmem>> -> memref<128x256xi32, #tpu.memory_space<vmem>>
    %dma_start3A_130 = arith.constant 768 : i32
    %dma_start3A_131 = tpu.memref_slice %arg5[%dma_start3A_130] : memref<1152xi32, #tpu.memory_space<vmem>> -> memref<128xi32, #tpu.memory_space<vmem>>
    %dma_start3A_132 = arith.constant 0 : i32
    %dma_start3A_133 = arith.constant 0 : i32
    %dma_start3A_134 = tpu.memref_slice %arg2[%dma_start3A_132, %dma_start3A_133] : memref<4096x256xi32, #tpu.memory_space<hbm>> -> memref<4096x256xi32, #tpu.memory_space<hbm>>
    tpu.enqueue_indirect_dma source(%dma_start3A_134 : memref<4096x256xi32, #tpu.memory_space<hbm>>) target(%dma_start3A_129 : memref<128x256xi32, #tpu.memory_space<vmem>>) offsets(%dma_start3A_131 : memref<128xi32, #tpu.memory_space<vmem>>) semaphore(%arg7 : memref<!tpu.dma_semaphore, #tpu.memory_space<semaphore_mem>>)
    %dma_wait3A_135 = arith.constant 1 : i32
    %dma_wait3A_136 = arith.constant 0 : i32
    %dma_wait3A_137 = arith.constant 0 : i32
    %dma_wait3A_138 = tpu.memref_slice %arg6[%dma_wait3A_135, %dma_wait3A_136, %dma_wait3A_137] : memref<2x128x256xi32, #tpu.memory_space<vmem>> -> memref<1x128x256xi32, #tpu.memory_space<vmem>>
    %dma_wait3A_139 = tpu.memref_squeeze %dma_wait3A_138 : memref<1x128x256xi32, #tpu.memory_space<vmem>> -> memref<128x256xi32, #tpu.memory_space<vmem>>
    %dma_wait3A_140 = arith.constant 640 : i32
    %dma_wait3A_141 = tpu.memref_slice %arg5[%dma_wait3A_140] : memref<1152xi32, #tpu.memory_space<vmem>> -> memref<128xi32, #tpu.memory_space<vmem>>
    %dma_wait3A_142 = arith.constant 0 : i32
    %dma_wait3A_143 = arith.constant 0 : i32
    %dma_wait3A_144 = tpu.memref_slice %arg2[%dma_wait3A_142, %dma_wait3A_143] : memref<4096x256xi32, #tpu.memory_space<hbm>> -> memref<4096x256xi32, #tpu.memory_space<hbm>>
    tpu.wait_indirect_dma semaphore(%arg8 : memref<!tpu.dma_semaphore, #tpu.memory_space<semaphore_mem>>) src(%dma_wait3A_144 : memref<4096x256xi32, #tpu.memory_space<hbm>>) dst(%dma_wait3A_139 : memref<128x256xi32, #tpu.memory_space<vmem>>)
    %add3A_145 = arith.constant 640 : i32
    %add3A_146 = arith.addi %mul3A_2, %add3A_145 : i32
    %run_scoped3A_147 = arith.constant 1 : i32
    "tpu.region"() ({
      %run_scoped3A_207 = tpu.sem_alloc : memref<!tpu.dma_semaphore, #tpu.memory_space<semaphore_mem>>
      %dma_start3A_208 = arith.constant 0 : i32
      %dma_start3A_209 = arith.constant 0 : i32
      %dma_start3A_210 = tpu.memref_slice %arg6[%run_scoped3A_147, %dma_start3A_208, %dma_start3A_209] : memref<2x128x256xi32, #tpu.memory_space<vmem>> -> memref<1x128x256xi32, #tpu.memory_space<vmem>>
      %dma_start3A_211 = tpu.memref_squeeze %dma_start3A_210 : memref<1x128x256xi32, #tpu.memory_space<vmem>> -> memref<128x256xi32, #tpu.memory_space<vmem>>
      %dma_start3A_212 = arith.constant 0 : i32
      %dma_start3A_213 = tpu.memref_slice %arg4[%add3A_146, %dma_start3A_212] : memref<36864x256xi32, #tpu.memory_space<hbm>> -> memref<128x256xi32, #tpu.memory_space<hbm>>
      %dma_start3A_214 = arith.constant 0 : i32
      %dma_start3A_215 = tpu.memref_slice %arg4[%add3A_146, %dma_start3A_214] : memref<36864x256xi32, #tpu.memory_space<hbm>> -> memref<128x256xi32, #tpu.memory_space<hbm>>
      %dma_start3A_216 = arith.constant 0 : i32
      %dma_start3A_217 = arith.constant 0 : i32
      %dma_start3A_218 = tpu.memref_slice %arg6[%run_scoped3A_147, %dma_start3A_216, %dma_start3A_217] : memref<2x128x256xi32, #tpu.memory_space<vmem>> -> memref<1x128x256xi32, #tpu.memory_space<vmem>>
      %dma_start3A_219 = tpu.memref_squeeze %dma_start3A_218 : memref<1x128x256xi32, #tpu.memory_space<vmem>> -> memref<128x256xi32, #tpu.memory_space<vmem>>
      tpu.enqueue_dma source(%dma_start3A_219 : memref<128x256xi32, #tpu.memory_space<vmem>>) target(%dma_start3A_215 : memref<128x256xi32, #tpu.memory_space<hbm>>) target_semaphore(%run_scoped3A_207 : memref<!tpu.dma_semaphore, #tpu.memory_space<semaphore_mem>>)
      %dma_wait3A_220 = arith.constant 0 : i32
      %dma_wait3A_221 = arith.constant 0 : i32
      %dma_wait3A_222 = tpu.memref_slice %arg6[%run_scoped3A_147, %dma_wait3A_220, %dma_wait3A_221] : memref<2x128x256xi32, #tpu.memory_space<vmem>> -> memref<1x128x256xi32, #tpu.memory_space<vmem>>
      %dma_wait3A_223 = tpu.memref_squeeze %dma_wait3A_222 : memref<1x128x256xi32, #tpu.memory_space<vmem>> -> memref<128x256xi32, #tpu.memory_space<vmem>>
      %dma_wait3A_224 = arith.constant 0 : i32
      %dma_wait3A_225 = tpu.memref_slice %arg4[%add3A_146, %dma_wait3A_224] : memref<36864x256xi32, #tpu.memory_space<hbm>> -> memref<128x256xi32, #tpu.memory_space<hbm>>
      %dma_wait3A_226 = arith.constant 0 : i32
      %dma_wait3A_227 = tpu.memref_slice %arg4[%add3A_146, %dma_wait3A_226] : memref<36864x256xi32, #tpu.memory_space<hbm>> -> memref<128x256xi32, #tpu.memory_space<hbm>>
      %dma_wait3A_228 = arith.constant 0 : i32
      %dma_wait3A_229 = arith.constant 0 : i32
      %dma_wait3A_230 = tpu.memref_slice %arg6[%run_scoped3A_147, %dma_wait3A_228, %dma_wait3A_229] : memref<2x128x256xi32, #tpu.memory_space<vmem>> -> memref<1x128x256xi32, #tpu.memory_space<vmem>>
      %dma_wait3A_231 = tpu.memref_squeeze %dma_wait3A_230 : memref<1x128x256xi32, #tpu.memory_space<vmem>> -> memref<128x256xi32, #tpu.memory_space<vmem>>
      tpu.wait_dma2 semaphore(%run_scoped3A_207 : memref<!tpu.dma_semaphore, #tpu.memory_space<semaphore_mem>>) src(%dma_wait3A_231 : memref<128x256xi32, #tpu.memory_space<vmem>>) dst(%dma_wait3A_227 : memref<128x256xi32, #tpu.memory_space<hbm>>)
      tpu.yield
    }) : () -> ()
    %dma_start3A_148 = arith.constant 1 : i32
    %dma_start3A_149 = arith.constant 0 : i32
    %dma_start3A_150 = arith.constant 0 : i32
    %dma_start3A_151 = tpu.memref_slice %arg6[%dma_start3A_148, %dma_start3A_149, %dma_start3A_150] : memref<2x128x256xi32, #tpu.memory_space<vmem>> -> memref<1x128x256xi32, #tpu.memory_space<vmem>>
    %dma_start3A_152 = tpu.memref_squeeze %dma_start3A_151 : memref<1x128x256xi32, #tpu.memory_space<vmem>> -> memref<128x256xi32, #tpu.memory_space<vmem>>
    %dma_start3A_153 = arith.constant 896 : i32
    %dma_start3A_154 = tpu.memref_slice %arg5[%dma_start3A_153] : memref<1152xi32, #tpu.memory_space<vmem>> -> memref<128xi32, #tpu.memory_space<vmem>>
    %dma_start3A_155 = arith.constant 0 : i32
    %dma_start3A_156 = arith.constant 0 : i32
    %dma_start3A_157 = tpu.memref_slice %arg2[%dma_start3A_155, %dma_start3A_156] : memref<4096x256xi32, #tpu.memory_space<hbm>> -> memref<4096x256xi32, #tpu.memory_space<hbm>>
    tpu.enqueue_indirect_dma source(%dma_start3A_157 : memref<4096x256xi32, #tpu.memory_space<hbm>>) target(%dma_start3A_152 : memref<128x256xi32, #tpu.memory_space<vmem>>) offsets(%dma_start3A_154 : memref<128xi32, #tpu.memory_space<vmem>>) semaphore(%arg8 : memref<!tpu.dma_semaphore, #tpu.memory_space<semaphore_mem>>)
    %dma_wait3A_158 = arith.constant 0 : i32
    %dma_wait3A_159 = arith.constant 0 : i32
    %dma_wait3A_160 = arith.constant 0 : i32
    %dma_wait3A_161 = tpu.memref_slice %arg6[%dma_wait3A_158, %dma_wait3A_159, %dma_wait3A_160] : memref<2x128x256xi32, #tpu.memory_space<vmem>> -> memref<1x128x256xi32, #tpu.memory_space<vmem>>
    %dma_wait3A_162 = tpu.memref_squeeze %dma_wait3A_161 : memref<1x128x256xi32, #tpu.memory_space<vmem>> -> memref<128x256xi32, #tpu.memory_space<vmem>>
    %dma_wait3A_163 = arith.constant 768 : i32
    %dma_wait3A_164 = tpu.memref_slice %arg5[%dma_wait3A_163] : memref<1152xi32, #tpu.memory_space<vmem>> -> memref<128xi32, #tpu.memory_space<vmem>>
    %dma_wait3A_165 = arith.constant 0 : i32
    %dma_wait3A_166 = arith.constant 0 : i32
    %dma_wait3A_167 = tpu.memref_slice %arg2[%dma_wait3A_165, %dma_wait3A_166] : memref<4096x256xi32, #tpu.memory_space<hbm>> -> memref<4096x256xi32, #tpu.memory_space<hbm>>
    tpu.wait_indirect_dma semaphore(%arg7 : memref<!tpu.dma_semaphore, #tpu.memory_space<semaphore_mem>>) src(%dma_wait3A_167 : memref<4096x256xi32, #tpu.memory_space<hbm>>) dst(%dma_wait3A_162 : memref<128x256xi32, #tpu.memory_space<vmem>>)
    %add3A_168 = arith.constant 768 : i32
    %add3A_169 = arith.addi %mul3A_2, %add3A_168 : i32
    %run_scoped3A_170 = arith.constant 0 : i32
    "tpu.region"() ({
      %run_scoped3A_207 = tpu.sem_alloc : memref<!tpu.dma_semaphore, #tpu.memory_space<semaphore_mem>>
      %dma_start3A_208 = arith.constant 0 : i32
      %dma_start3A_209 = arith.constant 0 : i32
      %dma_start3A_210 = tpu.memref_slice %arg6[%run_scoped3A_170, %dma_start3A_208, %dma_start3A_209] : memref<2x128x256xi32, #tpu.memory_space<vmem>> -> memref<1x128x256xi32, #tpu.memory_space<vmem>>
      %dma_start3A_211 = tpu.memref_squeeze %dma_start3A_210 : memref<1x128x256xi32, #tpu.memory_space<vmem>> -> memref<128x256xi32, #tpu.memory_space<vmem>>
      %dma_start3A_212 = arith.constant 0 : i32
      %dma_start3A_213 = tpu.memref_slice %arg4[%add3A_169, %dma_start3A_212] : memref<36864x256xi32, #tpu.memory_space<hbm>> -> memref<128x256xi32, #tpu.memory_space<hbm>>
      %dma_start3A_214 = arith.constant 0 : i32
      %dma_start3A_215 = tpu.memref_slice %arg4[%add3A_169, %dma_start3A_214] : memref<36864x256xi32, #tpu.memory_space<hbm>> -> memref<128x256xi32, #tpu.memory_space<hbm>>
      %dma_start3A_216 = arith.constant 0 : i32
      %dma_start3A_217 = arith.constant 0 : i32
      %dma_start3A_218 = tpu.memref_slice %arg6[%run_scoped3A_170, %dma_start3A_216, %dma_start3A_217] : memref<2x128x256xi32, #tpu.memory_space<vmem>> -> memref<1x128x256xi32, #tpu.memory_space<vmem>>
      %dma_start3A_219 = tpu.memref_squeeze %dma_start3A_218 : memref<1x128x256xi32, #tpu.memory_space<vmem>> -> memref<128x256xi32, #tpu.memory_space<vmem>>
      tpu.enqueue_dma source(%dma_start3A_219 : memref<128x256xi32, #tpu.memory_space<vmem>>) target(%dma_start3A_215 : memref<128x256xi32, #tpu.memory_space<hbm>>) target_semaphore(%run_scoped3A_207 : memref<!tpu.dma_semaphore, #tpu.memory_space<semaphore_mem>>)
      %dma_wait3A_220 = arith.constant 0 : i32
      %dma_wait3A_221 = arith.constant 0 : i32
      %dma_wait3A_222 = tpu.memref_slice %arg6[%run_scoped3A_170, %dma_wait3A_220, %dma_wait3A_221] : memref<2x128x256xi32, #tpu.memory_space<vmem>> -> memref<1x128x256xi32, #tpu.memory_space<vmem>>
      %dma_wait3A_223 = tpu.memref_squeeze %dma_wait3A_222 : memref<1x128x256xi32, #tpu.memory_space<vmem>> -> memref<128x256xi32, #tpu.memory_space<vmem>>
      %dma_wait3A_224 = arith.constant 0 : i32
      %dma_wait3A_225 = tpu.memref_slice %arg4[%add3A_169, %dma_wait3A_224] : memref<36864x256xi32, #tpu.memory_space<hbm>> -> memref<128x256xi32, #tpu.memory_space<hbm>>
      %dma_wait3A_226 = arith.constant 0 : i32
      %dma_wait3A_227 = tpu.memref_slice %arg4[%add3A_169, %dma_wait3A_226] : memref<36864x256xi32, #tpu.memory_space<hbm>> -> memref<128x256xi32, #tpu.memory_space<hbm>>
      %dma_wait3A_228 = arith.constant 0 : i32
      %dma_wait3A_229 = arith.constant 0 : i32
      %dma_wait3A_230 = tpu.memref_slice %arg6[%run_scoped3A_170, %dma_wait3A_228, %dma_wait3A_229] : memref<2x128x256xi32, #tpu.memory_space<vmem>> -> memref<1x128x256xi32, #tpu.memory_space<vmem>>
      %dma_wait3A_231 = tpu.memref_squeeze %dma_wait3A_230 : memref<1x128x256xi32, #tpu.memory_space<vmem>> -> memref<128x256xi32, #tpu.memory_space<vmem>>
      tpu.wait_dma2 semaphore(%run_scoped3A_207 : memref<!tpu.dma_semaphore, #tpu.memory_space<semaphore_mem>>) src(%dma_wait3A_231 : memref<128x256xi32, #tpu.memory_space<vmem>>) dst(%dma_wait3A_227 : memref<128x256xi32, #tpu.memory_space<hbm>>)
      tpu.yield
    }) : () -> ()
    %dma_start3A_171 = arith.constant 0 : i32
    %dma_start3A_172 = arith.constant 0 : i32
    %dma_start3A_173 = arith.constant 0 : i32
    %dma_start3A_174 = tpu.memref_slice %arg6[%dma_start3A_171, %dma_start3A_172, %dma_start3A_173] : memref<2x128x256xi32, #tpu.memory_space<vmem>> -> memref<1x128x256xi32, #tpu.memory_space<vmem>>
    %dma_start3A_175 = tpu.memref_squeeze %dma_start3A_174 : memref<1x128x256xi32, #tpu.memory_space<vmem>> -> memref<128x256xi32, #tpu.memory_space<vmem>>
    %dma_start3A_176 = arith.constant 1024 : i32
    %dma_start3A_177 = tpu.memref_slice %arg5[%dma_start3A_176] : memref<1152xi32, #tpu.memory_space<vmem>> -> memref<128xi32, #tpu.memory_space<vmem>>
    %dma_start3A_178 = arith.constant 0 : i32
    %dma_start3A_179 = arith.constant 0 : i32
    %dma_start3A_180 = tpu.memref_slice %arg2[%dma_start3A_178, %dma_start3A_179] : memref<4096x256xi32, #tpu.memory_space<hbm>> -> memref<4096x256xi32, #tpu.memory_space<hbm>>
    tpu.enqueue_indirect_dma source(%dma_start3A_180 : memref<4096x256xi32, #tpu.memory_space<hbm>>) target(%dma_start3A_175 : memref<128x256xi32, #tpu.memory_space<vmem>>) offsets(%dma_start3A_177 : memref<128xi32, #tpu.memory_space<vmem>>) semaphore(%arg7 : memref<!tpu.dma_semaphore, #tpu.memory_space<semaphore_mem>>)
    %dma_wait3A_181 = arith.constant 1 : i32
    %dma_wait3A_182 = arith.constant 0 : i32
    %dma_wait3A_183 = arith.constant 0 : i32
    %dma_wait3A_184 = tpu.memref_slice %arg6[%dma_wait3A_181, %dma_wait3A_182, %dma_wait3A_183] : memref<2x128x256xi32, #tpu.memory_space<vmem>> -> memref<1x128x256xi32, #tpu.memory_space<vmem>>
    %dma_wait3A_185 = tpu.memref_squeeze %dma_wait3A_184 : memref<1x128x256xi32, #tpu.memory_space<vmem>> -> memref<128x256xi32, #tpu.memory_space<vmem>>
    %dma_wait3A_186 = arith.constant 896 : i32
    %dma_wait3A_187 = tpu.memref_slice %arg5[%dma_wait3A_186] : memref<1152xi32, #tpu.memory_space<vmem>> -> memref<128xi32, #tpu.memory_space<vmem>>
    %dma_wait3A_188 = arith.constant 0 : i32
    %dma_wait3A_189 = arith.constant 0 : i32
    %dma_wait3A_190 = tpu.memref_slice %arg2[%dma_wait3A_188, %dma_wait3A_189] : memref<4096x256xi32, #tpu.memory_space<hbm>> -> memref<4096x256xi32, #tpu.memory_space<hbm>>
    tpu.wait_indirect_dma semaphore(%arg8 : memref<!tpu.dma_semaphore, #tpu.memory_space<semaphore_mem>>) src(%dma_wait3A_190 : memref<4096x256xi32, #tpu.memory_space<hbm>>) dst(%dma_wait3A_185 : memref<128x256xi32, #tpu.memory_space<vmem>>)
    %add3A_191 = arith.constant 896 : i32
    %add3A_192 = arith.addi %mul3A_2, %add3A_191 : i32
    %run_scoped3A_193 = arith.constant 1 : i32
    "tpu.region"() ({
      %run_scoped3A_207 = tpu.sem_alloc : memref<!tpu.dma_semaphore, #tpu.memory_space<semaphore_mem>>
      %dma_start3A_208 = arith.constant 0 : i32
      %dma_start3A_209 = arith.constant 0 : i32
      %dma_start3A_210 = tpu.memref_slice %arg6[%run_scoped3A_193, %dma_start3A_208, %dma_start3A_209] : memref<2x128x256xi32, #tpu.memory_space<vmem>> -> memref<1x128x256xi32, #tpu.memory_space<vmem>>
      %dma_start3A_211 = tpu.memref_squeeze %dma_start3A_210 : memref<1x128x256xi32, #tpu.memory_space<vmem>> -> memref<128x256xi32, #tpu.memory_space<vmem>>
      %dma_start3A_212 = arith.constant 0 : i32
      %dma_start3A_213 = tpu.memref_slice %arg4[%add3A_192, %dma_start3A_212] : memref<36864x256xi32, #tpu.memory_space<hbm>> -> memref<128x256xi32, #tpu.memory_space<hbm>>
      %dma_start3A_214 = arith.constant 0 : i32
      %dma_start3A_215 = tpu.memref_slice %arg4[%add3A_192, %dma_start3A_214] : memref<36864x256xi32, #tpu.memory_space<hbm>> -> memref<128x256xi32, #tpu.memory_space<hbm>>
      %dma_start3A_216 = arith.constant 0 : i32
      %dma_start3A_217 = arith.constant 0 : i32
      %dma_start3A_218 = tpu.memref_slice %arg6[%run_scoped3A_193, %dma_start3A_216, %dma_start3A_217] : memref<2x128x256xi32, #tpu.memory_space<vmem>> -> memref<1x128x256xi32, #tpu.memory_space<vmem>>
      %dma_start3A_219 = tpu.memref_squeeze %dma_start3A_218 : memref<1x128x256xi32, #tpu.memory_space<vmem>> -> memref<128x256xi32, #tpu.memory_space<vmem>>
      tpu.enqueue_dma source(%dma_start3A_219 : memref<128x256xi32, #tpu.memory_space<vmem>>) target(%dma_start3A_215 : memref<128x256xi32, #tpu.memory_space<hbm>>) target_semaphore(%run_scoped3A_207 : memref<!tpu.dma_semaphore, #tpu.memory_space<semaphore_mem>>)
      %dma_wait3A_220 = arith.constant 0 : i32
      %dma_wait3A_221 = arith.constant 0 : i32
      %dma_wait3A_222 = tpu.memref_slice %arg6[%run_scoped3A_193, %dma_wait3A_220, %dma_wait3A_221] : memref<2x128x256xi32, #tpu.memory_space<vmem>> -> memref<1x128x256xi32, #tpu.memory_space<vmem>>
      %dma_wait3A_223 = tpu.memref_squeeze %dma_wait3A_222 : memref<1x128x256xi32, #tpu.memory_space<vmem>> -> memref<128x256xi32, #tpu.memory_space<vmem>>
      %dma_wait3A_224 = arith.constant 0 : i32
      %dma_wait3A_225 = tpu.memref_slice %arg4[%add3A_192, %dma_wait3A_224] : memref<36864x256xi32, #tpu.memory_space<hbm>> -> memref<128x256xi32, #tpu.memory_space<hbm>>
      %dma_wait3A_226 = arith.constant 0 : i32
      %dma_wait3A_227 = tpu.memref_slice %arg4[%add3A_192, %dma_wait3A_226] : memref<36864x256xi32, #tpu.memory_space<hbm>> -> memref<128x256xi32, #tpu.memory_space<hbm>>
      %dma_wait3A_228 = arith.constant 0 : i32
      %dma_wait3A_229 = arith.constant 0 : i32
      %dma_wait3A_230 = tpu.memref_slice %arg6[%run_scoped3A_193, %dma_wait3A_228, %dma_wait3A_229] : memref<2x128x256xi32, #tpu.memory_space<vmem>> -> memref<1x128x256xi32, #tpu.memory_space<vmem>>
      %dma_wait3A_231 = tpu.memref_squeeze %dma_wait3A_230 : memref<1x128x256xi32, #tpu.memory_space<vmem>> -> memref<128x256xi32, #tpu.memory_space<vmem>>
      tpu.wait_dma2 semaphore(%run_scoped3A_207 : memref<!tpu.dma_semaphore, #tpu.memory_space<semaphore_mem>>) src(%dma_wait3A_231 : memref<128x256xi32, #tpu.memory_space<vmem>>) dst(%dma_wait3A_227 : memref<128x256xi32, #tpu.memory_space<hbm>>)
      tpu.yield
    }) : () -> ()
    %dma_wait3A_194 = arith.constant 0 : i32
    %dma_wait3A_195 = arith.constant 0 : i32
    %dma_wait3A_196 = arith.constant 0 : i32
    %dma_wait3A_197 = tpu.memref_slice %arg6[%dma_wait3A_194, %dma_wait3A_195, %dma_wait3A_196] : memref<2x128x256xi32, #tpu.memory_space<vmem>> -> memref<1x128x256xi32, #tpu.memory_space<vmem>>
    %dma_wait3A_198 = tpu.memref_squeeze %dma_wait3A_197 : memref<1x128x256xi32, #tpu.memory_space<vmem>> -> memref<128x256xi32, #tpu.memory_space<vmem>>
    %dma_wait3A_199 = arith.constant 1024 : i32
    %dma_wait3A_200 = tpu.memref_slice %arg5[%dma_wait3A_199] : memref<1152xi32, #tpu.memory_space<vmem>> -> memref<128xi32, #tpu.memory_space<vmem>>
    %dma_wait3A_201 = arith.constant 0 : i32
    %dma_wait3A_202 = arith.constant 0 : i32
    %dma_wait3A_203 = tpu.memref_slice %arg2[%dma_wait3A_201, %dma_wait3A_202] : memref<4096x256xi32, #tpu.memory_space<hbm>> -> memref<4096x256xi32, #tpu.memory_space<hbm>>
    tpu.wait_indirect_dma semaphore(%arg7 : memref<!tpu.dma_semaphore, #tpu.memory_space<semaphore_mem>>) src(%dma_wait3A_203 : memref<4096x256xi32, #tpu.memory_space<hbm>>) dst(%dma_wait3A_198 : memref<128x256xi32, #tpu.memory_space<vmem>>)
    %add3A_204 = arith.constant 1024 : i32
    %add3A_205 = arith.addi %mul3A_2, %add3A_204 : i32
    %run_scoped3A_206 = arith.constant 0 : i32
    "tpu.region"() ({
      %run_scoped3A_207 = tpu.sem_alloc : memref<!tpu.dma_semaphore, #tpu.memory_space<semaphore_mem>>
      %dma_start3A_208 = arith.constant 0 : i32
      %dma_start3A_209 = arith.constant 0 : i32
      %dma_start3A_210 = tpu.memref_slice %arg6[%run_scoped3A_206, %dma_start3A_208, %dma_start3A_209] : memref<2x128x256xi32, #tpu.memory_space<vmem>> -> memref<1x128x256xi32, #tpu.memory_space<vmem>>
      %dma_start3A_211 = tpu.memref_squeeze %dma_start3A_210 : memref<1x128x256xi32, #tpu.memory_space<vmem>> -> memref<128x256xi32, #tpu.memory_space<vmem>>
      %dma_start3A_212 = arith.constant 0 : i32
      %dma_start3A_213 = tpu.memref_slice %arg4[%add3A_205, %dma_start3A_212] : memref<36864x256xi32, #tpu.memory_space<hbm>> -> memref<128x256xi32, #tpu.memory_space<hbm>>
      %dma_start3A_214 = arith.constant 0 : i32
      %dma_start3A_215 = tpu.memref_slice %arg4[%add3A_205, %dma_start3A_214] : memref<36864x256xi32, #tpu.memory_space<hbm>> -> memref<128x256xi32, #tpu.memory_space<hbm>>
      %dma_start3A_216 = arith.constant 0 : i32
      %dma_start3A_217 = arith.constant 0 : i32
      %dma_start3A_218 = tpu.memref_slice %arg6[%run_scoped3A_206, %dma_start3A_216, %dma_start3A_217] : memref<2x128x256xi32, #tpu.memory_space<vmem>> -> memref<1x128x256xi32, #tpu.memory_space<vmem>>
      %dma_start3A_219 = tpu.memref_squeeze %dma_start3A_218 : memref<1x128x256xi32, #tpu.memory_space<vmem>> -> memref<128x256xi32, #tpu.memory_space<vmem>>
      tpu.enqueue_dma source(%dma_start3A_219 : memref<128x256xi32, #tpu.memory_space<vmem>>) target(%dma_start3A_215 : memref<128x256xi32, #tpu.memory_space<hbm>>) target_semaphore(%run_scoped3A_207 : memref<!tpu.dma_semaphore, #tpu.memory_space<semaphore_mem>>)
      %dma_wait3A_220 = arith.constant 0 : i32
      %dma_wait3A_221 = arith.constant 0 : i32
      %dma_wait3A_222 = tpu.memref_slice %arg6[%run_scoped3A_206, %dma_wait3A_220, %dma_wait3A_221] : memref<2x128x256xi32, #tpu.memory_space<vmem>> -> memref<1x128x256xi32, #tpu.memory_space<vmem>>
      %dma_wait3A_223 = tpu.memref_squeeze %dma_wait3A_222 : memref<1x128x256xi32, #tpu.memory_space<vmem>> -> memref<128x256xi32, #tpu.memory_space<vmem>>
      %dma_wait3A_224 = arith.constant 0 : i32
      %dma_wait3A_225 = tpu.memref_slice %arg4[%add3A_205, %dma_wait3A_224] : memref<36864x256xi32, #tpu.memory_space<hbm>> -> memref<128x256xi32, #tpu.memory_space<hbm>>
      %dma_wait3A_226 = arith.constant 0 : i32
      %dma_wait3A_227 = tpu.memref_slice %arg4[%add3A_205, %dma_wait3A_226] : memref<36864x256xi32, #tpu.memory_space<hbm>> -> memref<128x256xi32, #tpu.memory_space<hbm>>
      %dma_wait3A_228 = arith.constant 0 : i32
      %dma_wait3A_229 = arith.constant 0 : i32
      %dma_wait3A_230 = tpu.memref_slice %arg6[%run_scoped3A_206, %dma_wait3A_228, %dma_wait3A_229] : memref<2x128x256xi32, #tpu.memory_space<vmem>> -> memref<1x128x256xi32, #tpu.memory_space<vmem>>
      %dma_wait3A_231 = tpu.memref_squeeze %dma_wait3A_230 : memref<1x128x256xi32, #tpu.memory_space<vmem>> -> memref<128x256xi32, #tpu.memory_space<vmem>>
      tpu.wait_dma2 semaphore(%run_scoped3A_207 : memref<!tpu.dma_semaphore, #tpu.memory_space<semaphore_mem>>) src(%dma_wait3A_231 : memref<128x256xi32, #tpu.memory_space<vmem>>) dst(%dma_wait3A_227 : memref<128x256xi32, #tpu.memory_space<hbm>>)
      tpu.yield
    }) : () -> ()
    return
  }
}

#map = affine_map<(d0, d1) -> (0, 0)>
#map1 = affine_map<(d0, d1) -> (0)>
module attributes {stable_mosaic.version = 14 : i64} {
  func.func @sc_gather(%arg0: i32, %arg1: i32, %arg2: memref<4096x256xi32, #tpu.memory_space<hbm>>, %arg3: memref<36864xi32, #tpu.memory_space<hbm>>, %arg4: memref<36864x256xi32, #tpu.memory_space<hbm>>, %arg5: memref<1152xi32, #tpu.memory_space<vmem>>, %arg6: memref<2x128x256xi32, #tpu.memory_space<vmem>>, %arg7: memref<!tpu.dma_semaphore, #tpu.memory_space<semaphore_mem>>, %arg8: memref<!tpu.dma_semaphore, #tpu.memory_space<semaphore_mem>>) attributes {dimension_semantics = [#tpu.dimension_semantics<core_parallel>, #tpu.dimension_semantics<subcore_parallel>], iteration_bounds = array<i64: 2, 16>, scalar_prefetch = 0 : i64, scratch_operands = 4 : i64, tpu.core_type = #tpu.core_type<sc_vector_subcore>, window_params = [{transform_indices = #map}, {transform_indices = #map1}, {transform_indices = #map}]} {
    %mul3A = arith.constant 2 : i32
    %mul3A_0 = arith.muli %arg1, %mul3A : i32
    %add3A = arith.addi %mul3A_0, %arg0 : i32
    %mul3A_1 = arith.constant 1152 : i32
    %mul3A_2 = arith.muli %add3A, %mul3A_1 : i32
    "tpu.region"() ({
      %run_scoped3A_207 = tpu.sem_alloc : memref<!tpu.dma_semaphore, #tpu.memory_space<semaphore_mem>>
      %dma_start3A_208 = tpu.memref_slice %arg3[%mul3A_2] : memref<36864xi32, #tpu.memory_space<hbm>> -> memref<1152xi32, #tpu.memory_space<hbm>>
      %dma_start3A_209 = tpu.memref_slice %arg3[%mul3A_2] : memref<36864xi32, #tpu.memory_space<hbm>> -> memref<1152xi32, #tpu.memory_space<hbm>>
      tpu.enqueue_dma source(%dma_start3A_209 : memref<1152xi32, #tpu.memory_space<hbm>>) target(%arg5 : memref<1152xi32, #tpu.memory_space<vmem>>) target_semaphore(%run_scoped3A_207 : memref<!tpu.dma_semaphore, #tpu.memory_space<semaphore_mem>>)
      %dma_wait3A_210 = tpu.memref_slice %arg3[%mul3A_2] : memref<36864xi32, #tpu.memory_space<hbm>> -> memref<1152xi32, #tpu.memory_space<hbm>>
      %dma_wait3A_211 = tpu.memref_slice %arg3[%mul3A_2] : memref<36864xi32, #tpu.memory_space<hbm>> -> memref<1152xi32, #tpu.memory_space<hbm>>
      tpu.wait_dma2 semaphore(%run_scoped3A_207 : memref<!tpu.dma_semaphore, #tpu.memory_space<semaphore_mem>>) src(%dma_wait3A_211 : memref<1152xi32, #tpu.memory_space<hbm>>) dst(%arg5 : memref<1152xi32, #tpu.memory_space<vmem>>)
      tpu.yield
    }) : () -> ()
    %dma_start3A = arith.constant 0 : i32
    %dma_start3A_3 = arith.constant 0 : i32
    %dma_start3A_4 = arith.constant 0 : i32
    %dma_start3A_5 = tpu.memref_slice %arg6[%dma_start3A, %dma_start3A_3, %dma_start3A_4] : memref<2x128x256xi32, #tpu.memory_space<vmem>> -> memref<1x128x256xi32, #tpu.memory_space<vmem>>
    %dma_start3A_6 = tpu.memref_squeeze %dma_start3A_5 : memref<1x128x256xi32, #tpu.memory_space<vmem>> -> memref<128x256xi32, #tpu.memory_space<vmem>>
    %dma_start3A_7 = arith.constant 0 : i32
    %dma_start3A_8 = tpu.memref_slice %arg5[%dma_start3A_7] : memref<1152xi32, #tpu.memory_space<vmem>> -> memref<128xi32, #tpu.memory_space<vmem>>
    %dma_start3A_9 = arith.constant 0 : i32
    %dma_start3A_10 = arith.constant 0 : i32
    %dma_start3A_11 = tpu.memref_slice %arg2[%dma_start3A_9, %dma_start3A_10] : memref<4096x256xi32, #tpu.memory_space<hbm>> -> memref<4096x256xi32, #tpu.memory_space<hbm>>
    tpu.enqueue_indirect_dma source(%dma_start3A_11 : memref<4096x256xi32, #tpu.memory_space<hbm>>) target(%dma_start3A_6 : memref<128x256xi32, #tpu.memory_space<vmem>>) offsets(%dma_start3A_8 : memref<128xi32, #tpu.memory_space<vmem>>) semaphore(%arg7 : memref<!tpu.dma_semaphore, #tpu.memory_space<semaphore_mem>>)
    %dma_start3A_12 = arith.constant 1 : i32
    %dma_start3A_13 = arith.constant 0 : i32
    %dma_start3A_14 = arith.constant 0 : i32
    %dma_start3A_15 = tpu.memref_slice %arg6[%dma_start3A_12, %dma_start3A_13, %dma_start3A_14] : memref<2x128x256xi32, #tpu.memory_space<vmem>> -> memref<1x128x256xi32, #tpu.memory_space<vmem>>
    %dma_start3A_16 = tpu.memref_squeeze %dma_start3A_15 : memref<1x128x256xi32, #tpu.memory_space<vmem>> -> memref<128x256xi32, #tpu.memory_space<vmem>>
    %dma_start3A_17 = arith.constant 128 : i32
    %dma_start3A_18 = tpu.memref_slice %arg5[%dma_start3A_17] : memref<1152xi32, #tpu.memory_space<vmem>> -> memref<128xi32, #tpu.memory_space<vmem>>
    %dma_start3A_19 = arith.constant 0 : i32
    %dma_start3A_20 = arith.constant 0 : i32
    %dma_start3A_21 = tpu.memref_slice %arg2[%dma_start3A_19, %dma_start3A_20] : memref<4096x256xi32, #tpu.memory_space<hbm>> -> memref<4096x256xi32, #tpu.memory_space<hbm>>
    tpu.enqueue_indirect_dma source(%dma_start3A_21 : memref<4096x256xi32, #tpu.memory_space<hbm>>) target(%dma_start3A_16 : memref<128x256xi32, #tpu.memory_space<vmem>>) offsets(%dma_start3A_18 : memref<128xi32, #tpu.memory_space<vmem>>) semaphore(%arg8 : memref<!tpu.dma_semaphore, #tpu.memory_space<semaphore_mem>>)
    %dma_wait3A = arith.constant 0 : i32
    %dma_wait3A_22 = arith.constant 0 : i32
    %dma_wait3A_23 = arith.constant 0 : i32
    %dma_wait3A_24 = tpu.memref_slice %arg6[%dma_wait3A, %dma_wait3A_22, %dma_wait3A_23] : memref<2x128x256xi32, #tpu.memory_space<vmem>> -> memref<1x128x256xi32, #tpu.memory_space<vmem>>
    %dma_wait3A_25 = tpu.memref_squeeze %dma_wait3A_24 : memref<1x128x256xi32, #tpu.memory_space<vmem>> -> memref<128x256xi32, #tpu.memory_space<vmem>>
    %dma_wait3A_26 = arith.constant 0 : i32
    %dma_wait3A_27 = tpu.memref_slice %arg5[%dma_wait3A_26] : memref<1152xi32, #tpu.memory_space<vmem>> -> memref<128xi32, #tpu.memory_space<vmem>>
    %dma_wait3A_28 = arith.constant 0 : i32
    %dma_wait3A_29 = arith.constant 0 : i32
    %dma_wait3A_30 = tpu.memref_slice %arg2[%dma_wait3A_28, %dma_wait3A_29] : memref<4096x256xi32, #tpu.memory_space<hbm>> -> memref<4096x256xi32, #tpu.memory_space<hbm>>
    tpu.wait_indirect_dma semaphore(%arg7 : memref<!tpu.dma_semaphore, #tpu.memory_space<semaphore_mem>>) src(%dma_wait3A_30 : memref<4096x256xi32, #tpu.memory_space<hbm>>) dst(%dma_wait3A_25 : memref<128x256xi32, #tpu.memory_space<vmem>>)
    %add3A_31 = arith.constant 0 : i32
    %add3A_32 = arith.addi %mul3A_2, %add3A_31 : i32
    %run_scoped3A = arith.constant 0 : i32
    "tpu.region"() ({
      %run_scoped3A_207 = tpu.sem_alloc : memref<!tpu.dma_semaphore, #tpu.memory_space<semaphore_mem>>
      %dma_start3A_208 = arith.constant 0 : i32
      %dma_start3A_209 = arith.constant 0 : i32
      %dma_start3A_210 = tpu.memref_slice %arg6[%run_scoped3A, %dma_start3A_208, %dma_start3A_209] : memref<2x128x256xi32, #tpu.memory_space<vmem>> -> memref<1x128x256xi32, #tpu.memory_space<vmem>>
      %dma_start3A_211 = tpu.memref_squeeze %dma_start3A_210 : memref<1x128x256xi32, #tpu.memory_space<vmem>> -> memref<128x256xi32, #tpu.memory_space<vmem>>
      %dma_start3A_212 = arith.constant 0 : i32
      %dma_start3A_213 = tpu.memref_slice %arg4[%add3A_32, %dma_start3A_212] : memref<36864x256xi32, #tpu.memory_space<hbm>> -> memref<128x256xi32, #tpu.memory_space<hbm>>
      %dma_start3A_214 = arith.constant 0 : i32
      %dma_start3A_215 = tpu.memref_slice %arg4[%add3A_32, %dma_start3A_214] : memref<36864x256xi32, #tpu.memory_space<hbm>> -> memref<128x256xi32, #tpu.memory_space<hbm>>
      %dma_start3A_216 = arith.constant 0 : i32
      %dma_start3A_217 = arith.constant 0 : i32
      %dma_start3A_218 = tpu.memref_slice %arg6[%run_scoped3A, %dma_start3A_216, %dma_start3A_217] : memref<2x128x256xi32, #tpu.memory_space<vmem>> -> memref<1x128x256xi32, #tpu.memory_space<vmem>>
      %dma_start3A_219 = tpu.memref_squeeze %dma_start3A_218 : memref<1x128x256xi32, #tpu.memory_space<vmem>> -> memref<128x256xi32, #tpu.memory_space<vmem>>
      tpu.enqueue_dma source(%dma_start3A_219 : memref<128x256xi32, #tpu.memory_space<vmem>>) target(%dma_start3A_215 : memref<128x256xi32, #tpu.memory_space<hbm>>) target_semaphore(%run_scoped3A_207 : memref<!tpu.dma_semaphore, #tpu.memory_space<semaphore_mem>>)
      %dma_wait3A_220 = arith.constant 0 : i32
      %dma_wait3A_221 = arith.constant 0 : i32
      %dma_wait3A_222 = tpu.memref_slice %arg6[%run_scoped3A, %dma_wait3A_220, %dma_wait3A_221] : memref<2x128x256xi32, #tpu.memory_space<vmem>> -> memref<1x128x256xi32, #tpu.memory_space<vmem>>
      %dma_wait3A_223 = tpu.memref_squeeze %dma_wait3A_222 : memref<1x128x256xi32, #tpu.memory_space<vmem>> -> memref<128x256xi32, #tpu.memory_space<vmem>>
      %dma_wait3A_224 = arith.constant 0 : i32
      %dma_wait3A_225 = tpu.memref_slice %arg4[%add3A_32, %dma_wait3A_224] : memref<36864x256xi32, #tpu.memory_space<hbm>> -> memref<128x256xi32, #tpu.memory_space<hbm>>
      %dma_wait3A_226 = arith.constant 0 : i32
      %dma_wait3A_227 = tpu.memref_slice %arg4[%add3A_32, %dma_wait3A_226] : memref<36864x256xi32, #tpu.memory_space<hbm>> -> memref<128x256xi32, #tpu.memory_space<hbm>>
      %dma_wait3A_228 = arith.constant 0 : i32
      %dma_wait3A_229 = arith.constant 0 : i32
      %dma_wait3A_230 = tpu.memref_slice %arg6[%run_scoped3A, %dma_wait3A_228, %dma_wait3A_229] : memref<2x128x256xi32, #tpu.memory_space<vmem>> -> memref<1x128x256xi32, #tpu.memory_space<vmem>>
      %dma_wait3A_231 = tpu.memref_squeeze %dma_wait3A_230 : memref<1x128x256xi32, #tpu.memory_space<vmem>> -> memref<128x256xi32, #tpu.memory_space<vmem>>
      tpu.wait_dma2 semaphore(%run_scoped3A_207 : memref<!tpu.dma_semaphore, #tpu.memory_space<semaphore_mem>>) src(%dma_wait3A_231 : memref<128x256xi32, #tpu.memory_space<vmem>>) dst(%dma_wait3A_227 : memref<128x256xi32, #tpu.memory_space<hbm>>)
      tpu.yield
    }) : () -> ()
    %dma_start3A_33 = arith.constant 0 : i32
    %dma_start3A_34 = arith.constant 0 : i32
    %dma_start3A_35 = arith.constant 0 : i32
    %dma_start3A_36 = tpu.memref_slice %arg6[%dma_start3A_33, %dma_start3A_34, %dma_start3A_35] : memref<2x128x256xi32, #tpu.memory_space<vmem>> -> memref<1x128x256xi32, #tpu.memory_space<vmem>>
    %dma_start3A_37 = tpu.memref_squeeze %dma_start3A_36 : memref<1x128x256xi32, #tpu.memory_space<vmem>> -> memref<128x256xi32, #tpu.memory_space<vmem>>
    %dma_start3A_38 = arith.constant 256 : i32
    %dma_start3A_39 = tpu.memref_slice %arg5[%dma_start3A_38] : memref<1152xi32, #tpu.memory_space<vmem>> -> memref<128xi32, #tpu.memory_space<vmem>>
    %dma_start3A_40 = arith.constant 0 : i32
    %dma_start3A_41 = arith.constant 0 : i32
    %dma_start3A_42 = tpu.memref_slice %arg2[%dma_start3A_40, %dma_start3A_41] : memref<4096x256xi32, #tpu.memory_space<hbm>> -> memref<4096x256xi32, #tpu.memory_space<hbm>>
    tpu.enqueue_indirect_dma source(%dma_start3A_42 : memref<4096x256xi32, #tpu.memory_space<hbm>>) target(%dma_start3A_37 : memref<128x256xi32, #tpu.memory_space<vmem>>) offsets(%dma_start3A_39 : memref<128xi32, #tpu.memory_space<vmem>>) semaphore(%arg7 : memref<!tpu.dma_semaphore, #tpu.memory_space<semaphore_mem>>)
    %dma_wait3A_43 = arith.constant 1 : i32
    %dma_wait3A_44 = arith.constant 0 : i32
    %dma_wait3A_45 = arith.constant 0 : i32
    %dma_wait3A_46 = tpu.memref_slice %arg6[%dma_wait3A_43, %dma_wait3A_44, %dma_wait3A_45] : memref<2x128x256xi32, #tpu.memory_space<vmem>> -> memref<1x128x256xi32, #tpu.memory_space<vmem>>
    %dma_wait3A_47 = tpu.memref_squeeze %dma_wait3A_46 : memref<1x128x256xi32, #tpu.memory_space<vmem>> -> memref<128x256xi32, #tpu.memory_space<vmem>>
    %dma_wait3A_48 = arith.constant 128 : i32
    %dma_wait3A_49 = tpu.memref_slice %arg5[%dma_wait3A_48] : memref<1152xi32, #tpu.memory_space<vmem>> -> memref<128xi32, #tpu.memory_space<vmem>>
    %dma_wait3A_50 = arith.constant 0 : i32
    %dma_wait3A_51 = arith.constant 0 : i32
    %dma_wait3A_52 = tpu.memref_slice %arg2[%dma_wait3A_50, %dma_wait3A_51] : memref<4096x256xi32, #tpu.memory_space<hbm>> -> memref<4096x256xi32, #tpu.memory_space<hbm>>
    tpu.wait_indirect_dma semaphore(%arg8 : memref<!tpu.dma_semaphore, #tpu.memory_space<semaphore_mem>>) src(%dma_wait3A_52 : memref<4096x256xi32, #tpu.memory_space<hbm>>) dst(%dma_wait3A_47 : memref<128x256xi32, #tpu.memory_space<vmem>>)
    %add3A_53 = arith.constant 128 : i32
    %add3A_54 = arith.addi %mul3A_2, %add3A_53 : i32
    %run_scoped3A_55 = arith.constant 1 : i32
    "tpu.region"() ({
      %run_scoped3A_207 = tpu.sem_alloc : memref<!tpu.dma_semaphore, #tpu.memory_space<semaphore_mem>>
      %dma_start3A_208 = arith.constant 0 : i32
      %dma_start3A_209 = arith.constant 0 : i32
      %dma_start3A_210 = tpu.memref_slice %arg6[%run_scoped3A_55, %dma_start3A_208, %dma_start3A_209] : memref<2x128x256xi32, #tpu.memory_space<vmem>> -> memref<1x128x256xi32, #tpu.memory_space<vmem>>
      %dma_start3A_211 = tpu.memref_squeeze %dma_start3A_210 : memref<1x128x256xi32, #tpu.memory_space<vmem>> -> memref<128x256xi32, #tpu.memory_space<vmem>>
      %dma_start3A_212 = arith.constant 0 : i32
      %dma_start3A_213 = tpu.memref_slice %arg4[%add3A_54, %dma_start3A_212] : memref<36864x256xi32, #tpu.memory_space<hbm>> -> memref<128x256xi32, #tpu.memory_space<hbm>>
      %dma_start3A_214 = arith.constant 0 : i32
      %dma_start3A_215 = tpu.memref_slice %arg4[%add3A_54, %dma_start3A_214] : memref<36864x256xi32, #tpu.memory_space<hbm>> -> memref<128x256xi32, #tpu.memory_space<hbm>>
      %dma_start3A_216 = arith.constant 0 : i32
      %dma_start3A_217 = arith.constant 0 : i32
      %dma_start3A_218 = tpu.memref_slice %arg6[%run_scoped3A_55, %dma_start3A_216, %dma_start3A_217] : memref<2x128x256xi32, #tpu.memory_space<vmem>> -> memref<1x128x256xi32, #tpu.memory_space<vmem>>
      %dma_start3A_219 = tpu.memref_squeeze %dma_start3A_218 : memref<1x128x256xi32, #tpu.memory_space<vmem>> -> memref<128x256xi32, #tpu.memory_space<vmem>>
      tpu.enqueue_dma source(%dma_start3A_219 : memref<128x256xi32, #tpu.memory_space<vmem>>) target(%dma_start3A_215 : memref<128x256xi32, #tpu.memory_space<hbm>>) target_semaphore(%run_scoped3A_207 : memref<!tpu.dma_semaphore, #tpu.memory_space<semaphore_mem>>)
      %dma_wait3A_220 = arith.constant 0 : i32
      %dma_wait3A_221 = arith.constant 0 : i32
      %dma_wait3A_222 = tpu.memref_slice %arg6[%run_scoped3A_55, %dma_wait3A_220, %dma_wait3A_221] : memref<2x128x256xi32, #tpu.memory_space<vmem>> -> memref<1x128x256xi32, #tpu.memory_space<vmem>>
      %dma_wait3A_223 = tpu.memref_squeeze %dma_wait3A_222 : memref<1x128x256xi32, #tpu.memory_space<vmem>> -> memref<128x256xi32, #tpu.memory_space<vmem>>
      %dma_wait3A_224 = arith.constant 0 : i32
      %dma_wait3A_225 = tpu.memref_slice %arg4[%add3A_54, %dma_wait3A_224] : memref<36864x256xi32, #tpu.memory_space<hbm>> -> memref<128x256xi32, #tpu.memory_space<hbm>>
      %dma_wait3A_226 = arith.constant 0 : i32
      %dma_wait3A_227 = tpu.memref_slice %arg4[%add3A_54, %dma_wait3A_226] : memref<36864x256xi32, #tpu.memory_space<hbm>> -> memref<128x256xi32, #tpu.memory_space<hbm>>
      %dma_wait3A_228 = arith.constant 0 : i32
      %dma_wait3A_229 = arith.constant 0 : i32
      %dma_wait3A_230 = tpu.memref_slice %arg6[%run_scoped3A_55, %dma_wait3A_228, %dma_wait3A_229] : memref<2x128x256xi32, #tpu.memory_space<vmem>> -> memref<1x128x256xi32, #tpu.memory_space<vmem>>
      %dma_wait3A_231 = tpu.memref_squeeze %dma_wait3A_230 : memref<1x128x256xi32, #tpu.memory_space<vmem>> -> memref<128x256xi32, #tpu.memory_space<vmem>>
      tpu.wait_dma2 semaphore(%run_scoped3A_207 : memref<!tpu.dma_semaphore, #tpu.memory_space<semaphore_mem>>) src(%dma_wait3A_231 : memref<128x256xi32, #tpu.memory_space<vmem>>) dst(%dma_wait3A_227 : memref<128x256xi32, #tpu.memory_space<hbm>>)
      tpu.yield
    }) : () -> ()
    %dma_start3A_56 = arith.constant 1 : i32
    %dma_start3A_57 = arith.constant 0 : i32
    %dma_start3A_58 = arith.constant 0 : i32
    %dma_start3A_59 = tpu.memref_slice %arg6[%dma_start3A_56, %dma_start3A_57, %dma_start3A_58] : memref<2x128x256xi32, #tpu.memory_space<vmem>> -> memref<1x128x256xi32, #tpu.memory_space<vmem>>
    %dma_start3A_60 = tpu.memref_squeeze %dma_start3A_59 : memref<1x128x256xi32, #tpu.memory_space<vmem>> -> memref<128x256xi32, #tpu.memory_space<vmem>>
    %dma_start3A_61 = arith.constant 384 : i32
    %dma_start3A_62 = tpu.memref_slice %arg5[%dma_start3A_61] : memref<1152xi32, #tpu.memory_space<vmem>> -> memref<128xi32, #tpu.memory_space<vmem>>
    %dma_start3A_63 = arith.constant 0 : i32
    %dma_start3A_64 = arith.constant 0 : i32
    %dma_start3A_65 = tpu.memref_slice %arg2[%dma_start3A_63, %dma_start3A_64] : memref<4096x256xi32, #tpu.memory_space<hbm>> -> memref<4096x256xi32, #tpu.memory_space<hbm>>
    tpu.enqueue_indirect_dma source(%dma_start3A_65 : memref<4096x256xi32, #tpu.memory_space<hbm>>) target(%dma_start3A_60 : memref<128x256xi32, #tpu.memory_space<vmem>>) offsets(%dma_start3A_62 : memref<128xi32, #tpu.memory_space<vmem>>) semaphore(%arg8 : memref<!tpu.dma_semaphore, #tpu.memory_space<semaphore_mem>>)
    %dma_wait3A_66 = arith.constant 0 : i32
    %dma_wait3A_67 = arith.constant 0 : i32
    %dma_wait3A_68 = arith.constant 0 : i32
    %dma_wait3A_69 = tpu.memref_slice %arg6[%dma_wait3A_66, %dma_wait3A_67, %dma_wait3A_68] : memref<2x128x256xi32, #tpu.memory_space<vmem>> -> memref<1x128x256xi32, #tpu.memory_space<vmem>>
    %dma_wait3A_70 = tpu.memref_squeeze %dma_wait3A_69 : memref<1x128x256xi32, #tpu.memory_space<vmem>> -> memref<128x256xi32, #tpu.memory_space<vmem>>
    %dma_wait3A_71 = arith.constant 256 : i32
    %dma_wait3A_72 = tpu.memref_slice %arg5[%dma_wait3A_71] : memref<1152xi32, #tpu.memory_space<vmem>> -> memref<128xi32, #tpu.memory_space<vmem>>
    %dma_wait3A_73 = arith.constant 0 : i32
    %dma_wait3A_74 = arith.constant 0 : i32
    %dma_wait3A_75 = tpu.memref_slice %arg2[%dma_wait3A_73, %dma_wait3A_74] : memref<4096x256xi32, #tpu.memory_space<hbm>> -> memref<4096x256xi32, #tpu.memory_space<hbm>>
    tpu.wait_indirect_dma semaphore(%arg7 : memref<!tpu.dma_semaphore, #tpu.memory_space<semaphore_mem>>) src(%dma_wait3A_75 : memref<4096x256xi32, #tpu.memory_space<hbm>>) dst(%dma_wait3A_70 : memref<128x256xi32, #tpu.memory_space<vmem>>)
    %add3A_76 = arith.constant 256 : i32
    %add3A_77 = arith.addi %mul3A_2, %add3A_76 : i32
    %run_scoped3A_78 = arith.constant 0 : i32
    "tpu.region"() ({
      %run_scoped3A_207 = tpu.sem_alloc : memref<!tpu.dma_semaphore, #tpu.memory_space<semaphore_mem>>
      %dma_start3A_208 = arith.constant 0 : i32
      %dma_start3A_209 = arith.constant 0 : i32
      %dma_start3A_210 = tpu.memref_slice %arg6[%run_scoped3A_78, %dma_start3A_208, %dma_start3A_209] : memref<2x128x256xi32, #tpu.memory_space<vmem>> -> memref<1x128x256xi32, #tpu.memory_space<vmem>>
      %dma_start3A_211 = tpu.memref_squeeze %dma_start3A_210 : memref<1x128x256xi32, #tpu.memory_space<vmem>> -> memref<128x256xi32, #tpu.memory_space<vmem>>
      %dma_start3A_212 = arith.constant 0 : i32
      %dma_start3A_213 = tpu.memref_slice %arg4[%add3A_77, %dma_start3A_212] : memref<36864x256xi32, #tpu.memory_space<hbm>> -> memref<128x256xi32, #tpu.memory_space<hbm>>
      %dma_start3A_214 = arith.constant 0 : i32
      %dma_start3A_215 = tpu.memref_slice %arg4[%add3A_77, %dma_start3A_214] : memref<36864x256xi32, #tpu.memory_space<hbm>> -> memref<128x256xi32, #tpu.memory_space<hbm>>
      %dma_start3A_216 = arith.constant 0 : i32
      %dma_start3A_217 = arith.constant 0 : i32
      %dma_start3A_218 = tpu.memref_slice %arg6[%run_scoped3A_78, %dma_start3A_216, %dma_start3A_217] : memref<2x128x256xi32, #tpu.memory_space<vmem>> -> memref<1x128x256xi32, #tpu.memory_space<vmem>>
      %dma_start3A_219 = tpu.memref_squeeze %dma_start3A_218 : memref<1x128x256xi32, #tpu.memory_space<vmem>> -> memref<128x256xi32, #tpu.memory_space<vmem>>
      tpu.enqueue_dma source(%dma_start3A_219 : memref<128x256xi32, #tpu.memory_space<vmem>>) target(%dma_start3A_215 : memref<128x256xi32, #tpu.memory_space<hbm>>) target_semaphore(%run_scoped3A_207 : memref<!tpu.dma_semaphore, #tpu.memory_space<semaphore_mem>>)
      %dma_wait3A_220 = arith.constant 0 : i32
      %dma_wait3A_221 = arith.constant 0 : i32
      %dma_wait3A_222 = tpu.memref_slice %arg6[%run_scoped3A_78, %dma_wait3A_220, %dma_wait3A_221] : memref<2x128x256xi32, #tpu.memory_space<vmem>> -> memref<1x128x256xi32, #tpu.memory_space<vmem>>
      %dma_wait3A_223 = tpu.memref_squeeze %dma_wait3A_222 : memref<1x128x256xi32, #tpu.memory_space<vmem>> -> memref<128x256xi32, #tpu.memory_space<vmem>>
      %dma_wait3A_224 = arith.constant 0 : i32
      %dma_wait3A_225 = tpu.memref_slice %arg4[%add3A_77, %dma_wait3A_224] : memref<36864x256xi32, #tpu.memory_space<hbm>> -> memref<128x256xi32, #tpu.memory_space<hbm>>
      %dma_wait3A_226 = arith.constant 0 : i32
      %dma_wait3A_227 = tpu.memref_slice %arg4[%add3A_77, %dma_wait3A_226] : memref<36864x256xi32, #tpu.memory_space<hbm>> -> memref<128x256xi32, #tpu.memory_space<hbm>>
      %dma_wait3A_228 = arith.constant 0 : i32
      %dma_wait3A_229 = arith.constant 0 : i32
      %dma_wait3A_230 = tpu.memref_slice %arg6[%run_scoped3A_78, %dma_wait3A_228, %dma_wait3A_229] : memref<2x128x256xi32, #tpu.memory_space<vmem>> -> memref<1x128x256xi32, #tpu.memory_space<vmem>>
      %dma_wait3A_231 = tpu.memref_squeeze %dma_wait3A_230 : memref<1x128x256xi32, #tpu.memory_space<vmem>> -> memref<128x256xi32, #tpu.memory_space<vmem>>
      tpu.wait_dma2 semaphore(%run_scoped3A_207 : memref<!tpu.dma_semaphore, #tpu.memory_space<semaphore_mem>>) src(%dma_wait3A_231 : memref<128x256xi32, #tpu.memory_space<vmem>>) dst(%dma_wait3A_227 : memref<128x256xi32, #tpu.memory_space<hbm>>)
      tpu.yield
    }) : () -> ()
    %dma_start3A_79 = arith.constant 0 : i32
    %dma_start3A_80 = arith.constant 0 : i32
    %dma_start3A_81 = arith.constant 0 : i32
    %dma_start3A_82 = tpu.memref_slice %arg6[%dma_start3A_79, %dma_start3A_80, %dma_start3A_81] : memref<2x128x256xi32, #tpu.memory_space<vmem>> -> memref<1x128x256xi32, #tpu.memory_space<vmem>>
    %dma_start3A_83 = tpu.memref_squeeze %dma_start3A_82 : memref<1x128x256xi32, #tpu.memory_space<vmem>> -> memref<128x256xi32, #tpu.memory_space<vmem>>
    %dma_start3A_84 = arith.constant 512 : i32
    %dma_start3A_85 = tpu.memref_slice %arg5[%dma_start3A_84] : memref<1152xi32, #tpu.memory_space<vmem>> -> memref<128xi32, #tpu.memory_space<vmem>>
    %dma_start3A_86 = arith.constant 0 : i32
    %dma_start3A_87 = arith.constant 0 : i32
    %dma_start3A_88 = tpu.memref_slice %arg2[%dma_start3A_86, %dma_start3A_87] : memref<4096x256xi32, #tpu.memory_space<hbm>> -> memref<4096x256xi32, #tpu.memory_space<hbm>>
    tpu.enqueue_indirect_dma source(%dma_start3A_88 : memref<4096x256xi32, #tpu.memory_space<hbm>>) target(%dma_start3A_83 : memref<128x256xi32, #tpu.memory_space<vmem>>) offsets(%dma_start3A_85 : memref<128xi32, #tpu.memory_space<vmem>>) semaphore(%arg7 : memref<!tpu.dma_semaphore, #tpu.memory_space<semaphore_mem>>)
    %dma_wait3A_89 = arith.constant 1 : i32
    %dma_wait3A_90 = arith.constant 0 : i32
    %dma_wait3A_91 = arith.constant 0 : i32
    %dma_wait3A_92 = tpu.memref_slice %arg6[%dma_wait3A_89, %dma_wait3A_90, %dma_wait3A_91] : memref<2x128x256xi32, #tpu.memory_space<vmem>> -> memref<1x128x256xi32, #tpu.memory_space<vmem>>
    %dma_wait3A_93 = tpu.memref_squeeze %dma_wait3A_92 : memref<1x128x256xi32, #tpu.memory_space<vmem>> -> memref<128x256xi32, #tpu.memory_space<vmem>>
    %dma_wait3A_94 = arith.constant 384 : i32
    %dma_wait3A_95 = tpu.memref_slice %arg5[%dma_wait3A_94] : memref<1152xi32, #tpu.memory_space<vmem>> -> memref<128xi32, #tpu.memory_space<vmem>>
    %dma_wait3A_96 = arith.constant 0 : i32
    %dma_wait3A_97 = arith.constant 0 : i32
    %dma_wait3A_98 = tpu.memref_slice %arg2[%dma_wait3A_96, %dma_wait3A_97] : memref<4096x256xi32, #tpu.memory_space<hbm>> -> memref<4096x256xi32, #tpu.memory_space<hbm>>
    tpu.wait_indirect_dma semaphore(%arg8 : memref<!tpu.dma_semaphore, #tpu.memory_space<semaphore_mem>>) src(%dma_wait3A_98 : memref<4096x256xi32, #tpu.memory_space<hbm>>) dst(%dma_wait3A_93 : memref<128x256xi32, #tpu.memory_space<vmem>>)
    %add3A_99 = arith.constant 384 : i32
    %add3A_100 = arith.addi %mul3A_2, %add3A_99 : i32
    %run_scoped3A_101 = arith.constant 1 : i32
    "tpu.region"() ({
      %run_scoped3A_207 = tpu.sem_alloc : memref<!tpu.dma_semaphore, #tpu.memory_space<semaphore_mem>>
      %dma_start3A_208 = arith.constant 0 : i32
      %dma_start3A_209 = arith.constant 0 : i32
      %dma_start3A_210 = tpu.memref_slice %arg6[%run_scoped3A_101, %dma_start3A_208, %dma_start3A_209] : memref<2x128x256xi32, #tpu.memory_space<vmem>> -> memref<1x128x256xi32, #tpu.memory_space<vmem>>
      %dma_start3A_211 = tpu.memref_squeeze %dma_start3A_210 : memref<1x128x256xi32, #tpu.memory_space<vmem>> -> memref<128x256xi32, #tpu.memory_space<vmem>>
      %dma_start3A_212 = arith.constant 0 : i32
      %dma_start3A_213 = tpu.memref_slice %arg4[%add3A_100, %dma_start3A_212] : memref<36864x256xi32, #tpu.memory_space<hbm>> -> memref<128x256xi32, #tpu.memory_space<hbm>>
      %dma_start3A_214 = arith.constant 0 : i32
      %dma_start3A_215 = tpu.memref_slice %arg4[%add3A_100, %dma_start3A_214] : memref<36864x256xi32, #tpu.memory_space<hbm>> -> memref<128x256xi32, #tpu.memory_space<hbm>>
      %dma_start3A_216 = arith.constant 0 : i32
      %dma_start3A_217 = arith.constant 0 : i32
      %dma_start3A_218 = tpu.memref_slice %arg6[%run_scoped3A_101, %dma_start3A_216, %dma_start3A_217] : memref<2x128x256xi32, #tpu.memory_space<vmem>> -> memref<1x128x256xi32, #tpu.memory_space<vmem>>
      %dma_start3A_219 = tpu.memref_squeeze %dma_start3A_218 : memref<1x128x256xi32, #tpu.memory_space<vmem>> -> memref<128x256xi32, #tpu.memory_space<vmem>>
      tpu.enqueue_dma source(%dma_start3A_219 : memref<128x256xi32, #tpu.memory_space<vmem>>) target(%dma_start3A_215 : memref<128x256xi32, #tpu.memory_space<hbm>>) target_semaphore(%run_scoped3A_207 : memref<!tpu.dma_semaphore, #tpu.memory_space<semaphore_mem>>)
      %dma_wait3A_220 = arith.constant 0 : i32
      %dma_wait3A_221 = arith.constant 0 : i32
      %dma_wait3A_222 = tpu.memref_slice %arg6[%run_scoped3A_101, %dma_wait3A_220, %dma_wait3A_221] : memref<2x128x256xi32, #tpu.memory_space<vmem>> -> memref<1x128x256xi32, #tpu.memory_space<vmem>>
      %dma_wait3A_223 = tpu.memref_squeeze %dma_wait3A_222 : memref<1x128x256xi32, #tpu.memory_space<vmem>> -> memref<128x256xi32, #tpu.memory_space<vmem>>
      %dma_wait3A_224 = arith.constant 0 : i32
      %dma_wait3A_225 = tpu.memref_slice %arg4[%add3A_100, %dma_wait3A_224] : memref<36864x256xi32, #tpu.memory_space<hbm>> -> memref<128x256xi32, #tpu.memory_space<hbm>>
      %dma_wait3A_226 = arith.constant 0 : i32
      %dma_wait3A_227 = tpu.memref_slice %arg4[%add3A_100, %dma_wait3A_226] : memref<36864x256xi32, #tpu.memory_space<hbm>> -> memref<128x256xi32, #tpu.memory_space<hbm>>
      %dma_wait3A_228 = arith.constant 0 : i32
      %dma_wait3A_229 = arith.constant 0 : i32
      %dma_wait3A_230 = tpu.memref_slice %arg6[%run_scoped3A_101, %dma_wait3A_228, %dma_wait3A_229] : memref<2x128x256xi32, #tpu.memory_space<vmem>> -> memref<1x128x256xi32, #tpu.memory_space<vmem>>
      %dma_wait3A_231 = tpu.memref_squeeze %dma_wait3A_230 : memref<1x128x256xi32, #tpu.memory_space<vmem>> -> memref<128x256xi32, #tpu.memory_space<vmem>>
      tpu.wait_dma2 semaphore(%run_scoped3A_207 : memref<!tpu.dma_semaphore, #tpu.memory_space<semaphore_mem>>) src(%dma_wait3A_231 : memref<128x256xi32, #tpu.memory_space<vmem>>) dst(%dma_wait3A_227 : memref<128x256xi32, #tpu.memory_space<hbm>>)
      tpu.yield
    }) : () -> ()
    %dma_start3A_102 = arith.constant 1 : i32
    %dma_start3A_103 = arith.constant 0 : i32
    %dma_start3A_104 = arith.constant 0 : i32
    %dma_start3A_105 = tpu.memref_slice %arg6[%dma_start3A_102, %dma_start3A_103, %dma_start3A_104] : memref<2x128x256xi32, #tpu.memory_space<vmem>> -> memref<1x128x256xi32, #tpu.memory_space<vmem>>
    %dma_start3A_106 = tpu.memref_squeeze %dma_start3A_105 : memref<1x128x256xi32, #tpu.memory_space<vmem>> -> memref<128x256xi32, #tpu.memory_space<vmem>>
    %dma_start3A_107 = arith.constant 640 : i32
    %dma_start3A_108 = tpu.memref_slice %arg5[%dma_start3A_107] : memref<1152xi32, #tpu.memory_space<vmem>> -> memref<128xi32, #tpu.memory_space<vmem>>
    %dma_start3A_109 = arith.constant 0 : i32
    %dma_start3A_110 = arith.constant 0 : i32
    %dma_start3A_111 = tpu.memref_slice %arg2[%dma_start3A_109, %dma_start3A_110] : memref<4096x256xi32, #tpu.memory_space<hbm>> -> memref<4096x256xi32, #tpu.memory_space<hbm>>
    tpu.enqueue_indirect_dma source(%dma_start3A_111 : memref<4096x256xi32, #tpu.memory_space<hbm>>) target(%dma_start3A_106 : memref<128x256xi32, #tpu.memory_space<vmem>>) offsets(%dma_start3A_108 : memref<128xi32, #tpu.memory_space<vmem>>) semaphore(%arg8 : memref<!tpu.dma_semaphore, #tpu.memory_space<semaphore_mem>>)
    %dma_wait3A_112 = arith.constant 0 : i32
    %dma_wait3A_113 = arith.constant 0 : i32
    %dma_wait3A_114 = arith.constant 0 : i32
    %dma_wait3A_115 = tpu.memref_slice %arg6[%dma_wait3A_112, %dma_wait3A_113, %dma_wait3A_114] : memref<2x128x256xi32, #tpu.memory_space<vmem>> -> memref<1x128x256xi32, #tpu.memory_space<vmem>>
    %dma_wait3A_116 = tpu.memref_squeeze %dma_wait3A_115 : memref<1x128x256xi32, #tpu.memory_space<vmem>> -> memref<128x256xi32, #tpu.memory_space<vmem>>
    %dma_wait3A_117 = arith.constant 512 : i32
    %dma_wait3A_118 = tpu.memref_slice %arg5[%dma_wait3A_117] : memref<1152xi32, #tpu.memory_space<vmem>> -> memref<128xi32, #tpu.memory_space<vmem>>
    %dma_wait3A_119 = arith.constant 0 : i32
    %dma_wait3A_120 = arith.constant 0 : i32
    %dma_wait3A_121 = tpu.memref_slice %arg2[%dma_wait3A_119, %dma_wait3A_120] : memref<4096x256xi32, #tpu.memory_space<hbm>> -> memref<4096x256xi32, #tpu.memory_space<hbm>>
    tpu.wait_indirect_dma semaphore(%arg7 : memref<!tpu.dma_semaphore, #tpu.memory_space<semaphore_mem>>) src(%dma_wait3A_121 : memref<4096x256xi32, #tpu.memory_space<hbm>>) dst(%dma_wait3A_116 : memref<128x256xi32, #tpu.memory_space<vmem>>)
    %add3A_122 = arith.constant 512 : i32
    %add3A_123 = arith.addi %mul3A_2, %add3A_122 : i32
    %run_scoped3A_124 = arith.constant 0 : i32
    "tpu.region"() ({
      %run_scoped3A_207 = tpu.sem_alloc : memref<!tpu.dma_semaphore, #tpu.memory_space<semaphore_mem>>
      %dma_start3A_208 = arith.constant 0 : i32
      %dma_start3A_209 = arith.constant 0 : i32
      %dma_start3A_210 = tpu.memref_slice %arg6[%run_scoped3A_124, %dma_start3A_208, %dma_start3A_209] : memref<2x128x256xi32, #tpu.memory_space<vmem>> -> memref<1x128x256xi32, #tpu.memory_space<vmem>>
      %dma_start3A_211 = tpu.memref_squeeze %dma_start3A_210 : memref<1x128x256xi32, #tpu.memory_space<vmem>> -> memref<128x256xi32, #tpu.memory_space<vmem>>
      %dma_start3A_212 = arith.constant 0 : i32
      %dma_start3A_213 = tpu.memref_slice %arg4[%add3A_123, %dma_start3A_212] : memref<36864x256xi32, #tpu.memory_space<hbm>> -> memref<128x256xi32, #tpu.memory_space<hbm>>
      %dma_start3A_214 = arith.constant 0 : i32
      %dma_start3A_215 = tpu.memref_slice %arg4[%add3A_123, %dma_start3A_214] : memref<36864x256xi32, #tpu.memory_space<hbm>> -> memref<128x256xi32, #tpu.memory_space<hbm>>
      %dma_start3A_216 = arith.constant 0 : i32
      %dma_start3A_217 = arith.constant 0 : i32
      %dma_start3A_218 = tpu.memref_slice %arg6[%run_scoped3A_124, %dma_start3A_216, %dma_start3A_217] : memref<2x128x256xi32, #tpu.memory_space<vmem>> -> memref<1x128x256xi32, #tpu.memory_space<vmem>>
      %dma_start3A_219 = tpu.memref_squeeze %dma_start3A_218 : memref<1x128x256xi32, #tpu.memory_space<vmem>> -> memref<128x256xi32, #tpu.memory_space<vmem>>
      tpu.enqueue_dma source(%dma_start3A_219 : memref<128x256xi32, #tpu.memory_space<vmem>>) target(%dma_start3A_215 : memref<128x256xi32, #tpu.memory_space<hbm>>) target_semaphore(%run_scoped3A_207 : memref<!tpu.dma_semaphore, #tpu.memory_space<semaphore_mem>>)
      %dma_wait3A_220 = arith.constant 0 : i32
      %dma_wait3A_221 = arith.constant 0 : i32
      %dma_wait3A_222 = tpu.memref_slice %arg6[%run_scoped3A_124, %dma_wait3A_220, %dma_wait3A_221] : memref<2x128x256xi32, #tpu.memory_space<vmem>> -> memref<1x128x256xi32, #tpu.memory_space<vmem>>
      %dma_wait3A_223 = tpu.memref_squeeze %dma_wait3A_222 : memref<1x128x256xi32, #tpu.memory_space<vmem>> -> memref<128x256xi32, #tpu.memory_space<vmem>>
      %dma_wait3A_224 = arith.constant 0 : i32
      %dma_wait3A_225 = tpu.memref_slice %arg4[%add3A_123, %dma_wait3A_224] : memref<36864x256xi32, #tpu.memory_space<hbm>> -> memref<128x256xi32, #tpu.memory_space<hbm>>
      %dma_wait3A_226 = arith.constant 0 : i32
      %dma_wait3A_227 = tpu.memref_slice %arg4[%add3A_123, %dma_wait3A_226] : memref<36864x256xi32, #tpu.memory_space<hbm>> -> memref<128x256xi32, #tpu.memory_space<hbm>>
      %dma_wait3A_228 = arith.constant 0 : i32
      %dma_wait3A_229 = arith.constant 0 : i32
      %dma_wait3A_230 = tpu.memref_slice %arg6[%run_scoped3A_124, %dma_wait3A_228, %dma_wait3A_229] : memref<2x128x256xi32, #tpu.memory_space<vmem>> -> memref<1x128x256xi32, #tpu.memory_space<vmem>>
      %dma_wait3A_231 = tpu.memref_squeeze %dma_wait3A_230 : memref<1x128x256xi32, #tpu.memory_space<vmem>> -> memref<128x256xi32, #tpu.memory_space<vmem>>
      tpu.wait_dma2 semaphore(%run_scoped3A_207 : memref<!tpu.dma_semaphore, #tpu.memory_space<semaphore_mem>>) src(%dma_wait3A_231 : memref<128x256xi32, #tpu.memory_space<vmem>>) dst(%dma_wait3A_227 : memref<128x256xi32, #tpu.memory_space<hbm>>)
      tpu.yield
    }) : () -> ()
    %dma_start3A_125 = arith.constant 0 : i32
    %dma_start3A_126 = arith.constant 0 : i32
    %dma_start3A_127 = arith.constant 0 : i32
    %dma_start3A_128 = tpu.memref_slice %arg6[%dma_start3A_125, %dma_start3A_126, %dma_start3A_127] : memref<2x128x256xi32, #tpu.memory_space<vmem>> -> memref<1x128x256xi32, #tpu.memory_space<vmem>>
    %dma_start3A_129 = tpu.memref_squeeze %dma_start3A_128 : memref<1x128x256xi32, #tpu.memory_space<vmem>> -> memref<128x256xi32, #tpu.memory_space<vmem>>
    %dma_start3A_130 = arith.constant 768 : i32
    %dma_start3A_131 = tpu.memref_slice %arg5[%dma_start3A_130] : memref<1152xi32, #tpu.memory_space<vmem>> -> memref<128xi32, #tpu.memory_space<vmem>>
    %dma_start3A_132 = arith.constant 0 : i32
    %dma_start3A_133 = arith.constant 0 : i32
    %dma_start3A_134 = tpu.memref_slice %arg2[%dma_start3A_132, %dma_start3A_133] : memref<4096x256xi32, #tpu.memory_space<hbm>> -> memref<4096x256xi32, #tpu.memory_space<hbm>>
    tpu.enqueue_indirect_dma source(%dma_start3A_134 : memref<4096x256xi32, #tpu.memory_space<hbm>>) target(%dma_start3A_129 : memref<128x256xi32, #tpu.memory_space<vmem>>) offsets(%dma_start3A_131 : memref<128xi32, #tpu.memory_space<vmem>>) semaphore(%arg7 : memref<!tpu.dma_semaphore, #tpu.memory_space<semaphore_mem>>)
    %dma_wait3A_135 = arith.constant 1 : i32
    %dma_wait3A_136 = arith.constant 0 : i32
    %dma_wait3A_137 = arith.constant 0 : i32
    %dma_wait3A_138 = tpu.memref_slice %arg6[%dma_wait3A_135, %dma_wait3A_136, %dma_wait3A_137] : memref<2x128x256xi32, #tpu.memory_space<vmem>> -> memref<1x128x256xi32, #tpu.memory_space<vmem>>
    %dma_wait3A_139 = tpu.memref_squeeze %dma_wait3A_138 : memref<1x128x256xi32, #tpu.memory_space<vmem>> -> memref<128x256xi32, #tpu.memory_space<vmem>>
    %dma_wait3A_140 = arith.constant 640 : i32
    %dma_wait3A_141 = tpu.memref_slice %arg5[%dma_wait3A_140] : memref<1152xi32, #tpu.memory_space<vmem>> -> memref<128xi32, #tpu.memory_space<vmem>>
    %dma_wait3A_142 = arith.constant 0 : i32
    %dma_wait3A_143 = arith.constant 0 : i32
    %dma_wait3A_144 = tpu.memref_slice %arg2[%dma_wait3A_142, %dma_wait3A_143] : memref<4096x256xi32, #tpu.memory_space<hbm>> -> memref<4096x256xi32, #tpu.memory_space<hbm>>
    tpu.wait_indirect_dma semaphore(%arg8 : memref<!tpu.dma_semaphore, #tpu.memory_space<semaphore_mem>>) src(%dma_wait3A_144 : memref<4096x256xi32, #tpu.memory_space<hbm>>) dst(%dma_wait3A_139 : memref<128x256xi32, #tpu.memory_space<vmem>>)
    %add3A_145 = arith.constant 640 : i32
    %add3A_146 = arith.addi %mul3A_2, %add3A_145 : i32
    %run_scoped3A_147 = arith.constant 1 : i32
    "tpu.region"() ({
      %run_scoped3A_207 = tpu.sem_alloc : memref<!tpu.dma_semaphore, #tpu.memory_space<semaphore_mem>>
      %dma_start3A_208 = arith.constant 0 : i32
      %dma_start3A_209 = arith.constant 0 : i32
      %dma_start3A_210 = tpu.memref_slice %arg6[%run_scoped3A_147, %dma_start3A_208, %dma_start3A_209] : memref<2x128x256xi32, #tpu.memory_space<vmem>> -> memref<1x128x256xi32, #tpu.memory_space<vmem>>
      %dma_start3A_211 = tpu.memref_squeeze %dma_start3A_210 : memref<1x128x256xi32, #tpu.memory_space<vmem>> -> memref<128x256xi32, #tpu.memory_space<vmem>>
      %dma_start3A_212 = arith.constant 0 : i32
      %dma_start3A_213 = tpu.memref_slice %arg4[%add3A_146, %dma_start3A_212] : memref<36864x256xi32, #tpu.memory_space<hbm>> -> memref<128x256xi32, #tpu.memory_space<hbm>>
      %dma_start3A_214 = arith.constant 0 : i32
      %dma_start3A_215 = tpu.memref_slice %arg4[%add3A_146, %dma_start3A_214] : memref<36864x256xi32, #tpu.memory_space<hbm>> -> memref<128x256xi32, #tpu.memory_space<hbm>>
      %dma_start3A_216 = arith.constant 0 : i32
      %dma_start3A_217 = arith.constant 0 : i32
      %dma_start3A_218 = tpu.memref_slice %arg6[%run_scoped3A_147, %dma_start3A_216, %dma_start3A_217] : memref<2x128x256xi32, #tpu.memory_space<vmem>> -> memref<1x128x256xi32, #tpu.memory_space<vmem>>
      %dma_start3A_219 = tpu.memref_squeeze %dma_start3A_218 : memref<1x128x256xi32, #tpu.memory_space<vmem>> -> memref<128x256xi32, #tpu.memory_space<vmem>>
      tpu.enqueue_dma source(%dma_start3A_219 : memref<128x256xi32, #tpu.memory_space<vmem>>) target(%dma_start3A_215 : memref<128x256xi32, #tpu.memory_space<hbm>>) target_semaphore(%run_scoped3A_207 : memref<!tpu.dma_semaphore, #tpu.memory_space<semaphore_mem>>)
      %dma_wait3A_220 = arith.constant 0 : i32
      %dma_wait3A_221 = arith.constant 0 : i32
      %dma_wait3A_222 = tpu.memref_slice %arg6[%run_scoped3A_147, %dma_wait3A_220, %dma_wait3A_221] : memref<2x128x256xi32, #tpu.memory_space<vmem>> -> memref<1x128x256xi32, #tpu.memory_space<vmem>>
      %dma_wait3A_223 = tpu.memref_squeeze %dma_wait3A_222 : memref<1x128x256xi32, #tpu.memory_space<vmem>> -> memref<128x256xi32, #tpu.memory_space<vmem>>
      %dma_wait3A_224 = arith.constant 0 : i32
      %dma_wait3A_225 = tpu.memref_slice %arg4[%add3A_146, %dma_wait3A_224] : memref<36864x256xi32, #tpu.memory_space<hbm>> -> memref<128x256xi32, #tpu.memory_space<hbm>>
      %dma_wait3A_226 = arith.constant 0 : i32
      %dma_wait3A_227 = tpu.memref_slice %arg4[%add3A_146, %dma_wait3A_226] : memref<36864x256xi32, #tpu.memory_space<hbm>> -> memref<128x256xi32, #tpu.memory_space<hbm>>
      %dma_wait3A_228 = arith.constant 0 : i32
      %dma_wait3A_229 = arith.constant 0 : i32
      %dma_wait3A_230 = tpu.memref_slice %arg6[%run_scoped3A_147, %dma_wait3A_228, %dma_wait3A_229] : memref<2x128x256xi32, #tpu.memory_space<vmem>> -> memref<1x128x256xi32, #tpu.memory_space<vmem>>
      %dma_wait3A_231 = tpu.memref_squeeze %dma_wait3A_230 : memref<1x128x256xi32, #tpu.memory_space<vmem>> -> memref<128x256xi32, #tpu.memory_space<vmem>>
      tpu.wait_dma2 semaphore(%run_scoped3A_207 : memref<!tpu.dma_semaphore, #tpu.memory_space<semaphore_mem>>) src(%dma_wait3A_231 : memref<128x256xi32, #tpu.memory_space<vmem>>) dst(%dma_wait3A_227 : memref<128x256xi32, #tpu.memory_space<hbm>>)
      tpu.yield
    }) : () -> ()
    %dma_start3A_148 = arith.constant 1 : i32
    %dma_start3A_149 = arith.constant 0 : i32
    %dma_start3A_150 = arith.constant 0 : i32
    %dma_start3A_151 = tpu.memref_slice %arg6[%dma_start3A_148, %dma_start3A_149, %dma_start3A_150] : memref<2x128x256xi32, #tpu.memory_space<vmem>> -> memref<1x128x256xi32, #tpu.memory_space<vmem>>
    %dma_start3A_152 = tpu.memref_squeeze %dma_start3A_151 : memref<1x128x256xi32, #tpu.memory_space<vmem>> -> memref<128x256xi32, #tpu.memory_space<vmem>>
    %dma_start3A_153 = arith.constant 896 : i32
    %dma_start3A_154 = tpu.memref_slice %arg5[%dma_start3A_153] : memref<1152xi32, #tpu.memory_space<vmem>> -> memref<128xi32, #tpu.memory_space<vmem>>
    %dma_start3A_155 = arith.constant 0 : i32
    %dma_start3A_156 = arith.constant 0 : i32
    %dma_start3A_157 = tpu.memref_slice %arg2[%dma_start3A_155, %dma_start3A_156] : memref<4096x256xi32, #tpu.memory_space<hbm>> -> memref<4096x256xi32, #tpu.memory_space<hbm>>
    tpu.enqueue_indirect_dma source(%dma_start3A_157 : memref<4096x256xi32, #tpu.memory_space<hbm>>) target(%dma_start3A_152 : memref<128x256xi32, #tpu.memory_space<vmem>>) offsets(%dma_start3A_154 : memref<128xi32, #tpu.memory_space<vmem>>) semaphore(%arg8 : memref<!tpu.dma_semaphore, #tpu.memory_space<semaphore_mem>>)
    %dma_wait3A_158 = arith.constant 0 : i32
    %dma_wait3A_159 = arith.constant 0 : i32
    %dma_wait3A_160 = arith.constant 0 : i32
    %dma_wait3A_161 = tpu.memref_slice %arg6[%dma_wait3A_158, %dma_wait3A_159, %dma_wait3A_160] : memref<2x128x256xi32, #tpu.memory_space<vmem>> -> memref<1x128x256xi32, #tpu.memory_space<vmem>>
    %dma_wait3A_162 = tpu.memref_squeeze %dma_wait3A_161 : memref<1x128x256xi32, #tpu.memory_space<vmem>> -> memref<128x256xi32, #tpu.memory_space<vmem>>
    %dma_wait3A_163 = arith.constant 768 : i32
    %dma_wait3A_164 = tpu.memref_slice %arg5[%dma_wait3A_163] : memref<1152xi32, #tpu.memory_space<vmem>> -> memref<128xi32, #tpu.memory_space<vmem>>
    %dma_wait3A_165 = arith.constant 0 : i32
    %dma_wait3A_166 = arith.constant 0 : i32
    %dma_wait3A_167 = tpu.memref_slice %arg2[%dma_wait3A_165, %dma_wait3A_166] : memref<4096x256xi32, #tpu.memory_space<hbm>> -> memref<4096x256xi32, #tpu.memory_space<hbm>>
    tpu.wait_indirect_dma semaphore(%arg7 : memref<!tpu.dma_semaphore, #tpu.memory_space<semaphore_mem>>) src(%dma_wait3A_167 : memref<4096x256xi32, #tpu.memory_space<hbm>>) dst(%dma_wait3A_162 : memref<128x256xi32, #tpu.memory_space<vmem>>)
    %add3A_168 = arith.constant 768 : i32
    %add3A_169 = arith.addi %mul3A_2, %add3A_168 : i32
    %run_scoped3A_170 = arith.constant 0 : i32
    "tpu.region"() ({
      %run_scoped3A_207 = tpu.sem_alloc : memref<!tpu.dma_semaphore, #tpu.memory_space<semaphore_mem>>
      %dma_start3A_208 = arith.constant 0 : i32
      %dma_start3A_209 = arith.constant 0 : i32
      %dma_start3A_210 = tpu.memref_slice %arg6[%run_scoped3A_170, %dma_start3A_208, %dma_start3A_209] : memref<2x128x256xi32, #tpu.memory_space<vmem>> -> memref<1x128x256xi32, #tpu.memory_space<vmem>>
      %dma_start3A_211 = tpu.memref_squeeze %dma_start3A_210 : memref<1x128x256xi32, #tpu.memory_space<vmem>> -> memref<128x256xi32, #tpu.memory_space<vmem>>
      %dma_start3A_212 = arith.constant 0 : i32
      %dma_start3A_213 = tpu.memref_slice %arg4[%add3A_169, %dma_start3A_212] : memref<36864x256xi32, #tpu.memory_space<hbm>> -> memref<128x256xi32, #tpu.memory_space<hbm>>
      %dma_start3A_214 = arith.constant 0 : i32
      %dma_start3A_215 = tpu.memref_slice %arg4[%add3A_169, %dma_start3A_214] : memref<36864x256xi32, #tpu.memory_space<hbm>> -> memref<128x256xi32, #tpu.memory_space<hbm>>
      %dma_start3A_216 = arith.constant 0 : i32
      %dma_start3A_217 = arith.constant 0 : i32
      %dma_start3A_218 = tpu.memref_slice %arg6[%run_scoped3A_170, %dma_start3A_216, %dma_start3A_217] : memref<2x128x256xi32, #tpu.memory_space<vmem>> -> memref<1x128x256xi32, #tpu.memory_space<vmem>>
      %dma_start3A_219 = tpu.memref_squeeze %dma_start3A_218 : memref<1x128x256xi32, #tpu.memory_space<vmem>> -> memref<128x256xi32, #tpu.memory_space<vmem>>
      tpu.enqueue_dma source(%dma_start3A_219 : memref<128x256xi32, #tpu.memory_space<vmem>>) target(%dma_start3A_215 : memref<128x256xi32, #tpu.memory_space<hbm>>) target_semaphore(%run_scoped3A_207 : memref<!tpu.dma_semaphore, #tpu.memory_space<semaphore_mem>>)
      %dma_wait3A_220 = arith.constant 0 : i32
      %dma_wait3A_221 = arith.constant 0 : i32
      %dma_wait3A_222 = tpu.memref_slice %arg6[%run_scoped3A_170, %dma_wait3A_220, %dma_wait3A_221] : memref<2x128x256xi32, #tpu.memory_space<vmem>> -> memref<1x128x256xi32, #tpu.memory_space<vmem>>
      %dma_wait3A_223 = tpu.memref_squeeze %dma_wait3A_222 : memref<1x128x256xi32, #tpu.memory_space<vmem>> -> memref<128x256xi32, #tpu.memory_space<vmem>>
      %dma_wait3A_224 = arith.constant 0 : i32
      %dma_wait3A_225 = tpu.memref_slice %arg4[%add3A_169, %dma_wait3A_224] : memref<36864x256xi32, #tpu.memory_space<hbm>> -> memref<128x256xi32, #tpu.memory_space<hbm>>
      %dma_wait3A_226 = arith.constant 0 : i32
      %dma_wait3A_227 = tpu.memref_slice %arg4[%add3A_169, %dma_wait3A_226] : memref<36864x256xi32, #tpu.memory_space<hbm>> -> memref<128x256xi32, #tpu.memory_space<hbm>>
      %dma_wait3A_228 = arith.constant 0 : i32
      %dma_wait3A_229 = arith.constant 0 : i32
      %dma_wait3A_230 = tpu.memref_slice %arg6[%run_scoped3A_170, %dma_wait3A_228, %dma_wait3A_229] : memref<2x128x256xi32, #tpu.memory_space<vmem>> -> memref<1x128x256xi32, #tpu.memory_space<vmem>>
      %dma_wait3A_231 = tpu.memref_squeeze %dma_wait3A_230 : memref<1x128x256xi32, #tpu.memory_space<vmem>> -> memref<128x256xi32, #tpu.memory_space<vmem>>
      tpu.wait_dma2 semaphore(%run_scoped3A_207 : memref<!tpu.dma_semaphore, #tpu.memory_space<semaphore_mem>>) src(%dma_wait3A_231 : memref<128x256xi32, #tpu.memory_space<vmem>>) dst(%dma_wait3A_227 : memref<128x256xi32, #tpu.memory_space<hbm>>)
      tpu.yield
    }) : () -> ()
    %dma_start3A_171 = arith.constant 0 : i32
    %dma_start3A_172 = arith.constant 0 : i32
    %dma_start3A_173 = arith.constant 0 : i32
    %dma_start3A_174 = tpu.memref_slice %arg6[%dma_start3A_171, %dma_start3A_172, %dma_start3A_173] : memref<2x128x256xi32, #tpu.memory_space<vmem>> -> memref<1x128x256xi32, #tpu.memory_space<vmem>>
    %dma_start3A_175 = tpu.memref_squeeze %dma_start3A_174 : memref<1x128x256xi32, #tpu.memory_space<vmem>> -> memref<128x256xi32, #tpu.memory_space<vmem>>
    %dma_start3A_176 = arith.constant 1024 : i32
    %dma_start3A_177 = tpu.memref_slice %arg5[%dma_start3A_176] : memref<1152xi32, #tpu.memory_space<vmem>> -> memref<128xi32, #tpu.memory_space<vmem>>
    %dma_start3A_178 = arith.constant 0 : i32
    %dma_start3A_179 = arith.constant 0 : i32
    %dma_start3A_180 = tpu.memref_slice %arg2[%dma_start3A_178, %dma_start3A_179] : memref<4096x256xi32, #tpu.memory_space<hbm>> -> memref<4096x256xi32, #tpu.memory_space<hbm>>
    tpu.enqueue_indirect_dma source(%dma_start3A_180 : memref<4096x256xi32, #tpu.memory_space<hbm>>) target(%dma_start3A_175 : memref<128x256xi32, #tpu.memory_space<vmem>>) offsets(%dma_start3A_177 : memref<128xi32, #tpu.memory_space<vmem>>) semaphore(%arg7 : memref<!tpu.dma_semaphore, #tpu.memory_space<semaphore_mem>>)
    %dma_wait3A_181 = arith.constant 1 : i32
    %dma_wait3A_182 = arith.constant 0 : i32
    %dma_wait3A_183 = arith.constant 0 : i32
    %dma_wait3A_184 = tpu.memref_slice %arg6[%dma_wait3A_181, %dma_wait3A_182, %dma_wait3A_183] : memref<2x128x256xi32, #tpu.memory_space<vmem>> -> memref<1x128x256xi32, #tpu.memory_space<vmem>>
    %dma_wait3A_185 = tpu.memref_squeeze %dma_wait3A_184 : memref<1x128x256xi32, #tpu.memory_space<vmem>> -> memref<128x256xi32, #tpu.memory_space<vmem>>
    %dma_wait3A_186 = arith.constant 896 : i32
    %dma_wait3A_187 = tpu.memref_slice %arg5[%dma_wait3A_186] : memref<1152xi32, #tpu.memory_space<vmem>> -> memref<128xi32, #tpu.memory_space<vmem>>
    %dma_wait3A_188 = arith.constant 0 : i32
    %dma_wait3A_189 = arith.constant 0 : i32
    %dma_wait3A_190 = tpu.memref_slice %arg2[%dma_wait3A_188, %dma_wait3A_189] : memref<4096x256xi32, #tpu.memory_space<hbm>> -> memref<4096x256xi32, #tpu.memory_space<hbm>>
    tpu.wait_indirect_dma semaphore(%arg8 : memref<!tpu.dma_semaphore, #tpu.memory_space<semaphore_mem>>) src(%dma_wait3A_190 : memref<4096x256xi32, #tpu.memory_space<hbm>>) dst(%dma_wait3A_185 : memref<128x256xi32, #tpu.memory_space<vmem>>)
    %add3A_191 = arith.constant 896 : i32
    %add3A_192 = arith.addi %mul3A_2, %add3A_191 : i32
    %run_scoped3A_193 = arith.constant 1 : i32
    "tpu.region"() ({
      %run_scoped3A_207 = tpu.sem_alloc : memref<!tpu.dma_semaphore, #tpu.memory_space<semaphore_mem>>
      %dma_start3A_208 = arith.constant 0 : i32
      %dma_start3A_209 = arith.constant 0 : i32
      %dma_start3A_210 = tpu.memref_slice %arg6[%run_scoped3A_193, %dma_start3A_208, %dma_start3A_209] : memref<2x128x256xi32, #tpu.memory_space<vmem>> -> memref<1x128x256xi32, #tpu.memory_space<vmem>>
      %dma_start3A_211 = tpu.memref_squeeze %dma_start3A_210 : memref<1x128x256xi32, #tpu.memory_space<vmem>> -> memref<128x256xi32, #tpu.memory_space<vmem>>
      %dma_start3A_212 = arith.constant 0 : i32
      %dma_start3A_213 = tpu.memref_slice %arg4[%add3A_192, %dma_start3A_212] : memref<36864x256xi32, #tpu.memory_space<hbm>> -> memref<128x256xi32, #tpu.memory_space<hbm>>
      %dma_start3A_214 = arith.constant 0 : i32
      %dma_start3A_215 = tpu.memref_slice %arg4[%add3A_192, %dma_start3A_214] : memref<36864x256xi32, #tpu.memory_space<hbm>> -> memref<128x256xi32, #tpu.memory_space<hbm>>
      %dma_start3A_216 = arith.constant 0 : i32
      %dma_start3A_217 = arith.constant 0 : i32
      %dma_start3A_218 = tpu.memref_slice %arg6[%run_scoped3A_193, %dma_start3A_216, %dma_start3A_217] : memref<2x128x256xi32, #tpu.memory_space<vmem>> -> memref<1x128x256xi32, #tpu.memory_space<vmem>>
      %dma_start3A_219 = tpu.memref_squeeze %dma_start3A_218 : memref<1x128x256xi32, #tpu.memory_space<vmem>> -> memref<128x256xi32, #tpu.memory_space<vmem>>
      tpu.enqueue_dma source(%dma_start3A_219 : memref<128x256xi32, #tpu.memory_space<vmem>>) target(%dma_start3A_215 : memref<128x256xi32, #tpu.memory_space<hbm>>) target_semaphore(%run_scoped3A_207 : memref<!tpu.dma_semaphore, #tpu.memory_space<semaphore_mem>>)
      %dma_wait3A_220 = arith.constant 0 : i32
      %dma_wait3A_221 = arith.constant 0 : i32
      %dma_wait3A_222 = tpu.memref_slice %arg6[%run_scoped3A_193, %dma_wait3A_220, %dma_wait3A_221] : memref<2x128x256xi32, #tpu.memory_space<vmem>> -> memref<1x128x256xi32, #tpu.memory_space<vmem>>
      %dma_wait3A_223 = tpu.memref_squeeze %dma_wait3A_222 : memref<1x128x256xi32, #tpu.memory_space<vmem>> -> memref<128x256xi32, #tpu.memory_space<vmem>>
      %dma_wait3A_224 = arith.constant 0 : i32
      %dma_wait3A_225 = tpu.memref_slice %arg4[%add3A_192, %dma_wait3A_224] : memref<36864x256xi32, #tpu.memory_space<hbm>> -> memref<128x256xi32, #tpu.memory_space<hbm>>
      %dma_wait3A_226 = arith.constant 0 : i32
      %dma_wait3A_227 = tpu.memref_slice %arg4[%add3A_192, %dma_wait3A_226] : memref<36864x256xi32, #tpu.memory_space<hbm>> -> memref<128x256xi32, #tpu.memory_space<hbm>>
      %dma_wait3A_228 = arith.constant 0 : i32
      %dma_wait3A_229 = arith.constant 0 : i32
      %dma_wait3A_230 = tpu.memref_slice %arg6[%run_scoped3A_193, %dma_wait3A_228, %dma_wait3A_229] : memref<2x128x256xi32, #tpu.memory_space<vmem>> -> memref<1x128x256xi32, #tpu.memory_space<vmem>>
      %dma_wait3A_231 = tpu.memref_squeeze %dma_wait3A_230 : memref<1x128x256xi32, #tpu.memory_space<vmem>> -> memref<128x256xi32, #tpu.memory_space<vmem>>
      tpu.wait_dma2 semaphore(%run_scoped3A_207 : memref<!tpu.dma_semaphore, #tpu.memory_space<semaphore_mem>>) src(%dma_wait3A_231 : memref<128x256xi32, #tpu.memory_space<vmem>>) dst(%dma_wait3A_227 : memref<128x256xi32, #tpu.memory_space<hbm>>)
      tpu.yield
    }) : () -> ()
    %dma_wait3A_194 = arith.constant 0 : i32
    %dma_wait3A_195 = arith.constant 0 : i32
    %dma_wait3A_196 = arith.constant 0 : i32
    %dma_wait3A_197 = tpu.memref_slice %arg6[%dma_wait3A_194, %dma_wait3A_195, %dma_wait3A_196] : memref<2x128x256xi32, #tpu.memory_space<vmem>> -> memref<1x128x256xi32, #tpu.memory_space<vmem>>
    %dma_wait3A_198 = tpu.memref_squeeze %dma_wait3A_197 : memref<1x128x256xi32, #tpu.memory_space<vmem>> -> memref<128x256xi32, #tpu.memory_space<vmem>>
    %dma_wait3A_199 = arith.constant 1024 : i32
    %dma_wait3A_200 = tpu.memref_slice %arg5[%dma_wait3A_199] : memref<1152xi32, #tpu.memory_space<vmem>> -> memref<128xi32, #tpu.memory_space<vmem>>
    %dma_wait3A_201 = arith.constant 0 : i32
    %dma_wait3A_202 = arith.constant 0 : i32
    %dma_wait3A_203 = tpu.memref_slice %arg2[%dma_wait3A_201, %dma_wait3A_202] : memref<4096x256xi32, #tpu.memory_space<hbm>> -> memref<4096x256xi32, #tpu.memory_space<hbm>>
    tpu.wait_indirect_dma semaphore(%arg7 : memref<!tpu.dma_semaphore, #tpu.memory_space<semaphore_mem>>) src(%dma_wait3A_203 : memref<4096x256xi32, #tpu.memory_space<hbm>>) dst(%dma_wait3A_198 : memref<128x256xi32, #tpu.memory_space<vmem>>)
    %add3A_204 = arith.constant 1024 : i32
    %add3A_205 = arith.addi %mul3A_2, %add3A_204 : i32
    %run_scoped3A_206 = arith.constant 0 : i32
    "tpu.region"() ({
      %run_scoped3A_207 = tpu.sem_alloc : memref<!tpu.dma_semaphore, #tpu.memory_space<semaphore_mem>>
      %dma_start3A_208 = arith.constant 0 : i32
      %dma_start3A_209 = arith.constant 0 : i32
      %dma_start3A_210 = tpu.memref_slice %arg6[%run_scoped3A_206, %dma_start3A_208, %dma_start3A_209] : memref<2x128x256xi32, #tpu.memory_space<vmem>> -> memref<1x128x256xi32, #tpu.memory_space<vmem>>
      %dma_start3A_211 = tpu.memref_squeeze %dma_start3A_210 : memref<1x128x256xi32, #tpu.memory_space<vmem>> -> memref<128x256xi32, #tpu.memory_space<vmem>>
      %dma_start3A_212 = arith.constant 0 : i32
      %dma_start3A_213 = tpu.memref_slice %arg4[%add3A_205, %dma_start3A_212] : memref<36864x256xi32, #tpu.memory_space<hbm>> -> memref<128x256xi32, #tpu.memory_space<hbm>>
      %dma_start3A_214 = arith.constant 0 : i32
      %dma_start3A_215 = tpu.memref_slice %arg4[%add3A_205, %dma_start3A_214] : memref<36864x256xi32, #tpu.memory_space<hbm>> -> memref<128x256xi32, #tpu.memory_space<hbm>>
      %dma_start3A_216 = arith.constant 0 : i32
      %dma_start3A_217 = arith.constant 0 : i32
      %dma_start3A_218 = tpu.memref_slice %arg6[%run_scoped3A_206, %dma_start3A_216, %dma_start3A_217] : memref<2x128x256xi32, #tpu.memory_space<vmem>> -> memref<1x128x256xi32, #tpu.memory_space<vmem>>
      %dma_start3A_219 = tpu.memref_squeeze %dma_start3A_218 : memref<1x128x256xi32, #tpu.memory_space<vmem>> -> memref<128x256xi32, #tpu.memory_space<vmem>>
      tpu.enqueue_dma source(%dma_start3A_219 : memref<128x256xi32, #tpu.memory_space<vmem>>) target(%dma_start3A_215 : memref<128x256xi32, #tpu.memory_space<hbm>>) target_semaphore(%run_scoped3A_207 : memref<!tpu.dma_semaphore, #tpu.memory_space<semaphore_mem>>)
      %dma_wait3A_220 = arith.constant 0 : i32
      %dma_wait3A_221 = arith.constant 0 : i32
      %dma_wait3A_222 = tpu.memref_slice %arg6[%run_scoped3A_206, %dma_wait3A_220, %dma_wait3A_221] : memref<2x128x256xi32, #tpu.memory_space<vmem>> -> memref<1x128x256xi32, #tpu.memory_space<vmem>>
      %dma_wait3A_223 = tpu.memref_squeeze %dma_wait3A_222 : memref<1x128x256xi32, #tpu.memory_space<vmem>> -> memref<128x256xi32, #tpu.memory_space<vmem>>
      %dma_wait3A_224 = arith.constant 0 : i32
      %dma_wait3A_225 = tpu.memref_slice %arg4[%add3A_205, %dma_wait3A_224] : memref<36864x256xi32, #tpu.memory_space<hbm>> -> memref<128x256xi32, #tpu.memory_space<hbm>>
      %dma_wait3A_226 = arith.constant 0 : i32
      %dma_wait3A_227 = tpu.memref_slice %arg4[%add3A_205, %dma_wait3A_226] : memref<36864x256xi32, #tpu.memory_space<hbm>> -> memref<128x256xi32, #tpu.memory_space<hbm>>
      %dma_wait3A_228 = arith.constant 0 : i32
      %dma_wait3A_229 = arith.constant 0 : i32
      %dma_wait3A_230 = tpu.memref_slice %arg6[%run_scoped3A_206, %dma_wait3A_228, %dma_wait3A_229] : memref<2x128x256xi32, #tpu.memory_space<vmem>> -> memref<1x128x256xi32, #tpu.memory_space<vmem>>
      %dma_wait3A_231 = tpu.memref_squeeze %dma_wait3A_230 : memref<1x128x256xi32, #tpu.memory_space<vmem>> -> memref<128x256xi32, #tpu.memory_space<vmem>>
      tpu.wait_dma2 semaphore(%run_scoped3A_207 : memref<!tpu.dma_semaphore, #tpu.memory_space<semaphore_mem>>) src(%dma_wait3A_231 : memref<128x256xi32, #tpu.memory_space<vmem>>) dst(%dma_wait3A_227 : memref<128x256xi32, #tpu.memory_space<hbm>>)
      tpu.yield
    }) : () -> ()
    return
  }
}

module attributes {stable_mosaic.version = 14 : i64} {
  func.func @_swin_body(%arg0: i32, %arg1: i32, %arg2: memref<1x16x32x256xf32, #tpu.memory_space<vmem>>, %arg3: memref<256x768xbf16, #tpu.memory_space<vmem>>, %arg4: memref<256x256xbf16, #tpu.memory_space<vmem>>, %arg5: memref<1x256xf32, #tpu.memory_space<vmem>>, %arg6: memref<1x256xf32, #tpu.memory_space<vmem>>, %arg7: memref<1x256xf32, #tpu.memory_space<vmem>>, %arg8: memref<1x256xf32, #tpu.memory_space<vmem>>, %arg9: memref<256x512xbf16, #tpu.memory_space<vmem>>, %arg10: memref<1x512xf32, #tpu.memory_space<vmem>>, %arg11: memref<512x256xbf16, #tpu.memory_space<vmem>>, %arg12: memref<1x256xf32, #tpu.memory_space<vmem>>, %arg13: memref<1x16x32x256xf32, #tpu.memory_space<vmem>>) attributes {dimension_semantics = [#tpu.dimension_semantics<parallel>, #tpu.dimension_semantics<parallel>], iteration_bounds = array<i64: 4, 2>, scalar_prefetch = 0 : i64, scratch_operands = 0 : i64, tpu.core_type = #tpu.core_type<tc>, window_params = [{transform_indices = @transform_0, window_bounds = array<i64: 1, 16, 32, 256>}, {pipeline_mode = #tpu.pipeline_mode<synchronous>, transform_indices = @transform_1, window_bounds = array<i64: 256, 768>}, {pipeline_mode = #tpu.pipeline_mode<synchronous>, transform_indices = @transform_2, window_bounds = array<i64: 256, 256>}, {pipeline_mode = #tpu.pipeline_mode<synchronous>, transform_indices = @transform_3, window_bounds = array<i64: 1, 256>}, {pipeline_mode = #tpu.pipeline_mode<synchronous>, transform_indices = @transform_4, window_bounds = array<i64: 1, 256>}, {pipeline_mode = #tpu.pipeline_mode<synchronous>, transform_indices = @transform_5, window_bounds = array<i64: 1, 256>}, {pipeline_mode = #tpu.pipeline_mode<synchronous>, transform_indices = @transform_6, window_bounds = array<i64: 1, 256>}, {pipeline_mode = #tpu.pipeline_mode<synchronous>, transform_indices = @transform_7, window_bounds = array<i64: 256, 512>}, {pipeline_mode = #tpu.pipeline_mode<synchronous>, transform_indices = @transform_8, window_bounds = array<i64: 1, 512>}, {pipeline_mode = #tpu.pipeline_mode<synchronous>, transform_indices = @transform_9, window_bounds = array<i64: 512, 256>}, {pipeline_mode = #tpu.pipeline_mode<synchronous>, transform_indices = @transform_10, window_bounds = array<i64: 1, 256>}, {transform_indices = @transform_11, window_bounds = array<i64: 1, 16, 32, 256>}]} {
    %get3A = arith.constant 0 : index
    %get3A_0 = arith.constant 0 : index
    %get3A_1 = arith.constant 0 : index
    %get3A_2 = arith.constant 0 : index
    %get3A_3 = vector.load %arg2[%get3A, %get3A_0, %get3A_1, %get3A_2] : memref<1x16x32x256xf32, #tpu.memory_space<vmem>>, vector<1x16x32x256xf32>
    %get3A_4 = vector.shape_cast %get3A_3 : vector<1x16x32x256xf32> to vector<16x32x256xf32>
    %reshape3A = vector.shape_cast %get3A_4 : vector<16x32x256xf32> to vector<512x256xf32>
    %get3A_5 = arith.constant 0 : index
    %get3A_6 = arith.constant 0 : index
    %get3A_7 = vector.load %arg5[%get3A_5, %get3A_6] : memref<1x256xf32, #tpu.memory_space<vmem>>, vector<1x256xf32>
    %get3A_8 = arith.constant 0 : index
    %get3A_9 = arith.constant 0 : index
    %get3A_10 = vector.load %arg6[%get3A_8, %get3A_9] : memref<1x256xf32, #tpu.memory_space<vmem>>, vector<1x256xf32>
    %reduce_sum3A = arith.constant dense<0.000000e+00> : vector<512xf32>
    %reduce_sum3A_11 = vector.multi_reduction <add>, %reshape3A, %reduce_sum3A [1] : vector<512x256xf32> to vector<512xf32>
    %broadcast_in_dim3A = vector.shape_cast %reduce_sum3A_11 : vector<512xf32> to vector<512x1xf32>
    %div3A = arith.constant 2.560000e+02 : f32
    %div3A_12 = vector.broadcast %div3A : f32 to vector<512x1xf32>
    %div3A_13 = arith.divf %broadcast_in_dim3A, %div3A_12 : vector<512x1xf32>
    %jit3A = arith.constant 0 : i32
    %reduce_sum3A_14 = arith.constant dense<0.000000e+00> : vector<512xf32>
    %reduce_sum3A_15 = vector.multi_reduction <add>, %reshape3A, %reduce_sum3A_14 [1] : vector<512x256xf32> to vector<512xf32>
    %broadcast_in_dim3A_16 = vector.shape_cast %reduce_sum3A_15 : vector<512xf32> to vector<512x1xf32>
    %div3A_17 = arith.constant 2.560000e+02 : f32
    %div3A_18 = vector.broadcast %div3A_17 : f32 to vector<512x1xf32>
    %div3A_19 = arith.divf %broadcast_in_dim3A_16, %div3A_18 : vector<512x1xf32>
    %sub3A = vector.broadcast %div3A_19 : vector<512x1xf32> to vector<512x256xf32>
    %sub3A_20 = arith.subf %reshape3A, %sub3A : vector<512x256xf32>
    %square3A = arith.mulf %sub3A_20, %sub3A_20 : vector<512x256xf32>
    %convert_element_type3A = arith.sitofp %jit3A : i32 to f32
    %sub3A_21 = arith.constant 2.560000e+02 : f32
    %sub3A_22 = arith.subf %sub3A_21, %convert_element_type3A : f32
    %reduce_sum3A_23 = arith.constant dense<0.000000e+00> : vector<512xf32>
    %reduce_sum3A_24 = vector.multi_reduction <add>, %square3A, %reduce_sum3A_23 [1] : vector<512x256xf32> to vector<512xf32>
    %broadcast_in_dim3A_25 = vector.shape_cast %reduce_sum3A_24 : vector<512xf32> to vector<512x1xf32>
    %div3A_26 = vector.broadcast %sub3A_22 : f32 to vector<512x1xf32>
    %div3A_27 = arith.divf %broadcast_in_dim3A_25, %div3A_26 : vector<512x1xf32>
    %gt3A = arith.constant 0.000000e+00 : f32
    %gt3A_28 = arith.cmpf ogt, %sub3A_22, %gt3A : f32
    %jit3A_29 = arith.constant 0x7FC00000 : f32
    %broadcast_in_dim3A_30 = vector.broadcast %jit3A_29 : f32 to vector<512x1xf32>
    %select_n3A = arith.select %gt3A_28, %div3A_27, %broadcast_in_dim3A_30 : vector<512x1xf32>
    %sub3A_31 = vector.broadcast %div3A_13 : vector<512x1xf32> to vector<512x256xf32>
    %sub3A_32 = arith.subf %reshape3A, %sub3A_31 : vector<512x256xf32>
    %add3A = arith.constant 9.99999974E-6 : f32
    %add3A_33 = vector.broadcast %add3A : f32 to vector<512x1xf32>
    %add3A_34 = arith.addf %select_n3A, %add3A_33 : vector<512x1xf32>
    %sqrt3A = math.sqrt %add3A_34 : vector<512x1xf32>
    %div3A_35 = vector.broadcast %sqrt3A : vector<512x1xf32> to vector<512x256xf32>
    %div3A_36 = arith.divf %sub3A_32, %div3A_35 : vector<512x256xf32>
    %mul3A = vector.broadcast %get3A_7 : vector<1x256xf32> to vector<512x256xf32>
    %mul3A_37 = arith.mulf %div3A_36, %mul3A : vector<512x256xf32>
    %add3A_38 = vector.broadcast %get3A_10 : vector<1x256xf32> to vector<512x256xf32>
    %add3A_39 = arith.addf %mul3A_37, %add3A_38 : vector<512x256xf32>
    %convert_element_type3A_40 = arith.truncf %add3A_39 : vector<512x256xf32> to vector<512x256xbf16>
    %get3A_41 = arith.constant 0 : index
    %get3A_42 = arith.constant 0 : index
    %get3A_43 = vector.load %arg3[%get3A_41, %get3A_42] : memref<256x768xbf16, #tpu.memory_space<vmem>>, vector<256x768xbf16>
    %dot_general3A = arith.constant dense<0.000000e+00> : vector<512x768xf32>
    %dot_general3A_44 = tpu.matmul %convert_element_type3A_40, %get3A_43, %dot_general3A {dimension_numbers = #tpu.dot_dimension_numbers<[1], [0], [0], [1], [0, 0, 1, 1], [], []>, transpose_lhs_hint = false} : vector<512x256xbf16>, vector<256x768xbf16>, vector<512x768xf32> -> vector<512x768xf32>
    %iota3A = tpu.iota {dimensions = array<i32: 0>} : vector<512x512xi32>
    %iota3A_45 = tpu.iota {dimensions = array<i32: 1>} : vector<512x512xi32>
    %jit3A_46 = arith.constant 256 : i32
    %div3A_47 = vector.broadcast %jit3A_46 : i32 to vector<512x512xi32>
    %div3A_48 = arith.divsi %iota3A, %div3A_47 : vector<512x512xi32>
    %sign3A = arith.constant 0 : i32
    %sign3A_49 = vector.broadcast %sign3A : i32 to vector<512x512xi32>
    %sign3A_50 = arith.cmpi sgt, %iota3A, %sign3A_49 : vector<512x512xi32>
    %sign3A_51 = arith.extui %sign3A_50 : vector<512x512xi1> to vector<512x512xi32>
    %sign3A_52 = arith.constant 0 : i32
    %sign3A_53 = vector.broadcast %sign3A_52 : i32 to vector<512x512xi32>
    %sign3A_54 = arith.cmpi slt, %iota3A, %sign3A_53 : vector<512x512xi32>
    %sign3A_55 = arith.extui %sign3A_54 : vector<512x512xi1> to vector<512x512xi32>
    %sign3A_56 = arith.subi %sign3A_51, %sign3A_55 : vector<512x512xi32>
    %sign3A_57 = arith.constant 0 : i32
    %sign3A_58 = arith.cmpi sgt, %jit3A_46, %sign3A_57 : i32
    %sign3A_59 = arith.extui %sign3A_58 : i1 to i32
    %sign3A_60 = arith.constant 0 : i32
    %sign3A_61 = arith.cmpi slt, %jit3A_46, %sign3A_60 : i32
    %sign3A_62 = arith.extui %sign3A_61 : i1 to i32
    %sign3A_63 = arith.subi %sign3A_59, %sign3A_62 : i32
    %ne3A = vector.broadcast %sign3A_63 : i32 to vector<512x512xi32>
    %ne3A_64 = arith.cmpi ne, %sign3A_56, %ne3A : vector<512x512xi32>
    %rem3A = vector.broadcast %jit3A_46 : i32 to vector<512x512xi32>
    %rem3A_65 = arith.remsi %iota3A, %rem3A : vector<512x512xi32>
    %ne3A_66 = arith.constant 0 : i32
    %ne3A_67 = vector.broadcast %ne3A_66 : i32 to vector<512x512xi32>
    %ne3A_68 = arith.cmpi ne, %rem3A_65, %ne3A_67 : vector<512x512xi32>
    %and3A = arith.andi %ne3A_64, %ne3A_68 : vector<512x512xi1>
    %sub3A_69 = arith.constant 1 : i32
    %sub3A_70 = vector.broadcast %sub3A_69 : i32 to vector<512x512xi32>
    %sub3A_71 = arith.subi %div3A_48, %sub3A_70 : vector<512x512xi32>
    %select_n3A_72 = arith.select %and3A, %sub3A_71, %div3A_48 : vector<512x512xi1>, vector<512x512xi32>
    %mul3A_73 = arith.constant 4 : i32
    %mul3A_74 = vector.broadcast %mul3A_73 : i32 to vector<512x512xi32>
    %mul3A_75 = arith.muli %select_n3A_72, %mul3A_74 : vector<512x512xi32>
    %jit3A_76 = arith.constant 32 : i32
    %eq3A = arith.constant 0 : i32
    %eq3A_77 = arith.cmpi eq, %jit3A_76, %eq3A : i32
    %jit3A_78 = arith.constant 1 : i32
    %select_n3A_79 = arith.select %eq3A_77, %jit3A_78, %jit3A_76 : i32
    %rem3A_80 = vector.broadcast %select_n3A_79 : i32 to vector<512x512xi32>
    %rem3A_81 = arith.remsi %iota3A, %rem3A_80 : vector<512x512xi32>
    %ne3A_82 = arith.constant 0 : i32
    %ne3A_83 = vector.broadcast %ne3A_82 : i32 to vector<512x512xi32>
    %ne3A_84 = arith.cmpi ne, %rem3A_81, %ne3A_83 : vector<512x512xi32>
    %lt3A = arith.constant 0 : i32
    %lt3A_85 = vector.broadcast %lt3A : i32 to vector<512x512xi32>
    %lt3A_86 = arith.cmpi slt, %rem3A_81, %lt3A_85 : vector<512x512xi32>
    %lt3A_87 = arith.constant 0 : i32
    %lt3A_88 = arith.cmpi slt, %select_n3A_79, %lt3A_87 : i32
    %ne3A_89 = vector.broadcast %lt3A_88 : i1 to vector<512x512xi1>
    %ne3A_90 = vector.broadcast %ne3A_89 : vector<512x512xi1> to vector<512x512xi1>
    %ne3A_91 = arith.xori %lt3A_86, %ne3A_90 : vector<512x512xi1>
    %and3A_92 = arith.andi %ne3A_91, %ne3A_84 : vector<512x512xi1>
    %add3A_93 = vector.broadcast %select_n3A_79 : i32 to vector<512x512xi32>
    %add3A_94 = arith.addi %rem3A_81, %add3A_93 : vector<512x512xi32>
    %select_n3A_95 = arith.select %and3A_92, %add3A_94, %rem3A_81 : vector<512x512xi1>, vector<512x512xi32>
    %jit3A_96 = arith.constant 8 : i32
    %div3A_97 = vector.broadcast %jit3A_96 : i32 to vector<512x512xi32>
    %div3A_98 = arith.divsi %select_n3A_95, %div3A_97 : vector<512x512xi32>
    %sign3A_99 = arith.constant 0 : i32
    %sign3A_100 = vector.broadcast %sign3A_99 : i32 to vector<512x512xi32>
    %sign3A_101 = arith.cmpi sgt, %select_n3A_95, %sign3A_100 : vector<512x512xi32>
    %sign3A_102 = arith.extui %sign3A_101 : vector<512x512xi1> to vector<512x512xi32>
    %sign3A_103 = arith.constant 0 : i32
    %sign3A_104 = vector.broadcast %sign3A_103 : i32 to vector<512x512xi32>
    %sign3A_105 = arith.cmpi slt, %select_n3A_95, %sign3A_104 : vector<512x512xi32>
    %sign3A_106 = arith.extui %sign3A_105 : vector<512x512xi1> to vector<512x512xi32>
    %sign3A_107 = arith.subi %sign3A_102, %sign3A_106 : vector<512x512xi32>
    %sign3A_108 = arith.constant 0 : i32
    %sign3A_109 = arith.cmpi sgt, %jit3A_96, %sign3A_108 : i32
    %sign3A_110 = arith.extui %sign3A_109 : i1 to i32
    %sign3A_111 = arith.constant 0 : i32
    %sign3A_112 = arith.cmpi slt, %jit3A_96, %sign3A_111 : i32
    %sign3A_113 = arith.extui %sign3A_112 : i1 to i32
    %sign3A_114 = arith.subi %sign3A_110, %sign3A_113 : i32
    %ne3A_115 = vector.broadcast %sign3A_114 : i32 to vector<512x512xi32>
    %ne3A_116 = arith.cmpi ne, %sign3A_107, %ne3A_115 : vector<512x512xi32>
    %rem3A_117 = vector.broadcast %jit3A_96 : i32 to vector<512x512xi32>
    %rem3A_118 = arith.remsi %select_n3A_95, %rem3A_117 : vector<512x512xi32>
    %ne3A_119 = arith.constant 0 : i32
    %ne3A_120 = vector.broadcast %ne3A_119 : i32 to vector<512x512xi32>
    %ne3A_121 = arith.cmpi ne, %rem3A_118, %ne3A_120 : vector<512x512xi32>
    %and3A_122 = arith.andi %ne3A_116, %ne3A_121 : vector<512x512xi1>
    %sub3A_123 = arith.constant 1 : i32
    %sub3A_124 = vector.broadcast %sub3A_123 : i32 to vector<512x512xi32>
    %sub3A_125 = arith.subi %div3A_98, %sub3A_124 : vector<512x512xi32>
    %select_n3A_126 = arith.select %and3A_122, %sub3A_125, %div3A_98 : vector<512x512xi1>, vector<512x512xi32>
    %add3A_127 = arith.addi %mul3A_75, %select_n3A_126 : vector<512x512xi32>
    %jit3A_128 = arith.constant 256 : i32
    %div3A_129 = vector.broadcast %jit3A_128 : i32 to vector<512x512xi32>
    %div3A_130 = arith.divsi %iota3A_45, %div3A_129 : vector<512x512xi32>
    %sign3A_131 = arith.constant 0 : i32
    %sign3A_132 = vector.broadcast %sign3A_131 : i32 to vector<512x512xi32>
    %sign3A_133 = arith.cmpi sgt, %iota3A_45, %sign3A_132 : vector<512x512xi32>
    %sign3A_134 = arith.extui %sign3A_133 : vector<512x512xi1> to vector<512x512xi32>
    %sign3A_135 = arith.constant 0 : i32
    %sign3A_136 = vector.broadcast %sign3A_135 : i32 to vector<512x512xi32>
    %sign3A_137 = arith.cmpi slt, %iota3A_45, %sign3A_136 : vector<512x512xi32>
    %sign3A_138 = arith.extui %sign3A_137 : vector<512x512xi1> to vector<512x512xi32>
    %sign3A_139 = arith.subi %sign3A_134, %sign3A_138 : vector<512x512xi32>
    %sign3A_140 = arith.constant 0 : i32
    %sign3A_141 = arith.cmpi sgt, %jit3A_128, %sign3A_140 : i32
    %sign3A_142 = arith.extui %sign3A_141 : i1 to i32
    %sign3A_143 = arith.constant 0 : i32
    %sign3A_144 = arith.cmpi slt, %jit3A_128, %sign3A_143 : i32
    %sign3A_145 = arith.extui %sign3A_144 : i1 to i32
    %sign3A_146 = arith.subi %sign3A_142, %sign3A_145 : i32
    %ne3A_147 = vector.broadcast %sign3A_146 : i32 to vector<512x512xi32>
    %ne3A_148 = arith.cmpi ne, %sign3A_139, %ne3A_147 : vector<512x512xi32>
    %rem3A_149 = vector.broadcast %jit3A_128 : i32 to vector<512x512xi32>
    %rem3A_150 = arith.remsi %iota3A_45, %rem3A_149 : vector<512x512xi32>
    %ne3A_151 = arith.constant 0 : i32
    %ne3A_152 = vector.broadcast %ne3A_151 : i32 to vector<512x512xi32>
    %ne3A_153 = arith.cmpi ne, %rem3A_150, %ne3A_152 : vector<512x512xi32>
    %and3A_154 = arith.andi %ne3A_148, %ne3A_153 : vector<512x512xi1>
    %sub3A_155 = arith.constant 1 : i32
    %sub3A_156 = vector.broadcast %sub3A_155 : i32 to vector<512x512xi32>
    %sub3A_157 = arith.subi %div3A_130, %sub3A_156 : vector<512x512xi32>
    %select_n3A_158 = arith.select %and3A_154, %sub3A_157, %div3A_130 : vector<512x512xi1>, vector<512x512xi32>
    %mul3A_159 = arith.constant 4 : i32
    %mul3A_160 = vector.broadcast %mul3A_159 : i32 to vector<512x512xi32>
    %mul3A_161 = arith.muli %select_n3A_158, %mul3A_160 : vector<512x512xi32>
    %jit3A_162 = arith.constant 32 : i32
    %eq3A_163 = arith.constant 0 : i32
    %eq3A_164 = arith.cmpi eq, %jit3A_162, %eq3A_163 : i32
    %jit3A_165 = arith.constant 1 : i32
    %select_n3A_166 = arith.select %eq3A_164, %jit3A_165, %jit3A_162 : i32
    %rem3A_167 = vector.broadcast %select_n3A_166 : i32 to vector<512x512xi32>
    %rem3A_168 = arith.remsi %iota3A_45, %rem3A_167 : vector<512x512xi32>
    %ne3A_169 = arith.constant 0 : i32
    %ne3A_170 = vector.broadcast %ne3A_169 : i32 to vector<512x512xi32>
    %ne3A_171 = arith.cmpi ne, %rem3A_168, %ne3A_170 : vector<512x512xi32>
    %lt3A_172 = arith.constant 0 : i32
    %lt3A_173 = vector.broadcast %lt3A_172 : i32 to vector<512x512xi32>
    %lt3A_174 = arith.cmpi slt, %rem3A_168, %lt3A_173 : vector<512x512xi32>
    %lt3A_175 = arith.constant 0 : i32
    %lt3A_176 = arith.cmpi slt, %select_n3A_166, %lt3A_175 : i32
    %ne3A_177 = vector.broadcast %lt3A_176 : i1 to vector<512x512xi1>
    %ne3A_178 = vector.broadcast %ne3A_177 : vector<512x512xi1> to vector<512x512xi1>
    %ne3A_179 = arith.xori %lt3A_174, %ne3A_178 : vector<512x512xi1>
    %and3A_180 = arith.andi %ne3A_179, %ne3A_171 : vector<512x512xi1>
    %add3A_181 = vector.broadcast %select_n3A_166 : i32 to vector<512x512xi32>
    %add3A_182 = arith.addi %rem3A_168, %add3A_181 : vector<512x512xi32>
    %select_n3A_183 = arith.select %and3A_180, %add3A_182, %rem3A_168 : vector<512x512xi1>, vector<512x512xi32>
    %jit3A_184 = arith.constant 8 : i32
    %div3A_185 = vector.broadcast %jit3A_184 : i32 to vector<512x512xi32>
    %div3A_186 = arith.divsi %select_n3A_183, %div3A_185 : vector<512x512xi32>
    %sign3A_187 = arith.constant 0 : i32
    %sign3A_188 = vector.broadcast %sign3A_187 : i32 to vector<512x512xi32>
    %sign3A_189 = arith.cmpi sgt, %select_n3A_183, %sign3A_188 : vector<512x512xi32>
    %sign3A_190 = arith.extui %sign3A_189 : vector<512x512xi1> to vector<512x512xi32>
    %sign3A_191 = arith.constant 0 : i32
    %sign3A_192 = vector.broadcast %sign3A_191 : i32 to vector<512x512xi32>
    %sign3A_193 = arith.cmpi slt, %select_n3A_183, %sign3A_192 : vector<512x512xi32>
    %sign3A_194 = arith.extui %sign3A_193 : vector<512x512xi1> to vector<512x512xi32>
    %sign3A_195 = arith.subi %sign3A_190, %sign3A_194 : vector<512x512xi32>
    %sign3A_196 = arith.constant 0 : i32
    %sign3A_197 = arith.cmpi sgt, %jit3A_184, %sign3A_196 : i32
    %sign3A_198 = arith.extui %sign3A_197 : i1 to i32
    %sign3A_199 = arith.constant 0 : i32
    %sign3A_200 = arith.cmpi slt, %jit3A_184, %sign3A_199 : i32
    %sign3A_201 = arith.extui %sign3A_200 : i1 to i32
    %sign3A_202 = arith.subi %sign3A_198, %sign3A_201 : i32
    %ne3A_203 = vector.broadcast %sign3A_202 : i32 to vector<512x512xi32>
    %ne3A_204 = arith.cmpi ne, %sign3A_195, %ne3A_203 : vector<512x512xi32>
    %rem3A_205 = vector.broadcast %jit3A_184 : i32 to vector<512x512xi32>
    %rem3A_206 = arith.remsi %select_n3A_183, %rem3A_205 : vector<512x512xi32>
    %ne3A_207 = arith.constant 0 : i32
    %ne3A_208 = vector.broadcast %ne3A_207 : i32 to vector<512x512xi32>
    %ne3A_209 = arith.cmpi ne, %rem3A_206, %ne3A_208 : vector<512x512xi32>
    %and3A_210 = arith.andi %ne3A_204, %ne3A_209 : vector<512x512xi1>
    %sub3A_211 = arith.constant 1 : i32
    %sub3A_212 = vector.broadcast %sub3A_211 : i32 to vector<512x512xi32>
    %sub3A_213 = arith.subi %div3A_186, %sub3A_212 : vector<512x512xi32>
    %select_n3A_214 = arith.select %and3A_210, %sub3A_213, %div3A_186 : vector<512x512xi1>, vector<512x512xi32>
    %add3A_215 = arith.addi %mul3A_161, %select_n3A_214 : vector<512x512xi32>
    %eq3A_216 = arith.cmpi eq, %add3A_127, %add3A_215 : vector<512x512xi32>
    %slice3A = vector.extract_strided_slice %dot_general3A_44 {offsets = [0, 0], sizes = [512, 32], strides = [1, 1]} : vector<512x768xf32> to vector<512x32xf32>
    %slice3A_217 = vector.extract_strided_slice %dot_general3A_44 {offsets = [0, 256], sizes = [512, 32], strides = [1, 1]} : vector<512x768xf32> to vector<512x32xf32>
    %slice3A_218 = vector.extract_strided_slice %dot_general3A_44 {offsets = [0, 512], sizes = [512, 32], strides = [1, 1]} : vector<512x768xf32> to vector<512x32xf32>
    %dot_general3A_219 = arith.constant dense<0.000000e+00> : vector<512x512xf32>
    %dot_general3A_220 = tpu.matmul %slice3A, %slice3A_217, %dot_general3A_219 {dimension_numbers = #tpu.dot_dimension_numbers<[1], [1], [0], [0], [0, 0, 1, 0], [], []>, transpose_lhs_hint = false} : vector<512x32xf32>, vector<512x32xf32>, vector<512x512xf32> -> vector<512x512xf32>
    %mul3A_221 = arith.constant 0.176776692 : f32
    %mul3A_222 = vector.broadcast %mul3A_221 : f32 to vector<512x512xf32>
    %mul3A_223 = arith.mulf %dot_general3A_220, %mul3A_222 : vector<512x512xf32>
    %jit3A_224 = arith.constant -1.000000e+30 : f32
    %broadcast_in_dim3A_225 = vector.broadcast %jit3A_224 : f32 to vector<512x512xf32>
    %select_n3A_226 = arith.select %eq3A_216, %mul3A_223, %broadcast_in_dim3A_225 : vector<512x512xi1>, vector<512x512xf32>
    %reduce_max3A = arith.constant dense<0xFF800000> : vector<512xf32>
    %reduce_max3A_227 = vector.multi_reduction <maximumf>, %select_n3A_226, %reduce_max3A [1] : vector<512x512xf32> to vector<512xf32>
    %broadcast_in_dim3A_228 = vector.shape_cast %reduce_max3A_227 : vector<512xf32> to vector<512x1xf32>
    %sub3A_229 = vector.broadcast %broadcast_in_dim3A_228 : vector<512x1xf32> to vector<512x512xf32>
    %sub3A_230 = arith.subf %select_n3A_226, %sub3A_229 : vector<512x512xf32>
    %exp3A = math.exp %sub3A_230 : vector<512x512xf32>
    %reduce_sum3A_231 = arith.constant dense<0.000000e+00> : vector<512xf32>
    %reduce_sum3A_232 = vector.multi_reduction <add>, %exp3A, %reduce_sum3A_231 [1] : vector<512x512xf32> to vector<512xf32>
    %broadcast_in_dim3A_233 = vector.shape_cast %reduce_sum3A_232 : vector<512xf32> to vector<512x1xf32>
    %div3A_234 = vector.broadcast %broadcast_in_dim3A_233 : vector<512x1xf32> to vector<512x512xf32>
    %div3A_235 = arith.divf %exp3A, %div3A_234 : vector<512x512xf32>
    %dot_general3A_236 = arith.constant dense<0.000000e+00> : vector<512x32xf32>
    %dot_general3A_237 = tpu.matmul %div3A_235, %slice3A_218, %dot_general3A_236 {dimension_numbers = #tpu.dot_dimension_numbers<[1], [0], [0], [1], [0, 0, 1, 1], [], []>, transpose_lhs_hint = false} : vector<512x512xf32>, vector<512x32xf32>, vector<512x32xf32> -> vector<512x32xf32>
    %slice3A_238 = vector.extract_strided_slice %dot_general3A_44 {offsets = [0, 32], sizes = [512, 32], strides = [1, 1]} : vector<512x768xf32> to vector<512x32xf32>
    %slice3A_239 = vector.extract_strided_slice %dot_general3A_44 {offsets = [0, 288], sizes = [512, 32], strides = [1, 1]} : vector<512x768xf32> to vector<512x32xf32>
    %slice3A_240 = vector.extract_strided_slice %dot_general3A_44 {offsets = [0, 544], sizes = [512, 32], strides = [1, 1]} : vector<512x768xf32> to vector<512x32xf32>
    %dot_general3A_241 = arith.constant dense<0.000000e+00> : vector<512x512xf32>
    %dot_general3A_242 = tpu.matmul %slice3A_238, %slice3A_239, %dot_general3A_241 {dimension_numbers = #tpu.dot_dimension_numbers<[1], [1], [0], [0], [0, 0, 1, 0], [], []>, transpose_lhs_hint = false} : vector<512x32xf32>, vector<512x32xf32>, vector<512x512xf32> -> vector<512x512xf32>
    %mul3A_243 = arith.constant 0.176776692 : f32
    %mul3A_244 = vector.broadcast %mul3A_243 : f32 to vector<512x512xf32>
    %mul3A_245 = arith.mulf %dot_general3A_242, %mul3A_244 : vector<512x512xf32>
    %jit3A_246 = arith.constant -1.000000e+30 : f32
    %broadcast_in_dim3A_247 = vector.broadcast %jit3A_246 : f32 to vector<512x512xf32>
    %select_n3A_248 = arith.select %eq3A_216, %mul3A_245, %broadcast_in_dim3A_247 : vector<512x512xi1>, vector<512x512xf32>
    %reduce_max3A_249 = arith.constant dense<0xFF800000> : vector<512xf32>
    %reduce_max3A_250 = vector.multi_reduction <maximumf>, %select_n3A_248, %reduce_max3A_249 [1] : vector<512x512xf32> to vector<512xf32>
    %broadcast_in_dim3A_251 = vector.shape_cast %reduce_max3A_250 : vector<512xf32> to vector<512x1xf32>
    %sub3A_252 = vector.broadcast %broadcast_in_dim3A_251 : vector<512x1xf32> to vector<512x512xf32>
    %sub3A_253 = arith.subf %select_n3A_248, %sub3A_252 : vector<512x512xf32>
    %exp3A_254 = math.exp %sub3A_253 : vector<512x512xf32>
    %reduce_sum3A_255 = arith.constant dense<0.000000e+00> : vector<512xf32>
    %reduce_sum3A_256 = vector.multi_reduction <add>, %exp3A_254, %reduce_sum3A_255 [1] : vector<512x512xf32> to vector<512xf32>
    %broadcast_in_dim3A_257 = vector.shape_cast %reduce_sum3A_256 : vector<512xf32> to vector<512x1xf32>
    %div3A_258 = vector.broadcast %broadcast_in_dim3A_257 : vector<512x1xf32> to vector<512x512xf32>
    %div3A_259 = arith.divf %exp3A_254, %div3A_258 : vector<512x512xf32>
    %dot_general3A_260 = arith.constant dense<0.000000e+00> : vector<512x32xf32>
    %dot_general3A_261 = tpu.matmul %div3A_259, %slice3A_240, %dot_general3A_260 {dimension_numbers = #tpu.dot_dimension_numbers<[1], [0], [0], [1], [0, 0, 1, 1], [], []>, transpose_lhs_hint = false} : vector<512x512xf32>, vector<512x32xf32>, vector<512x32xf32> -> vector<512x32xf32>
    %slice3A_262 = vector.extract_strided_slice %dot_general3A_44 {offsets = [0, 64], sizes = [512, 32], strides = [1, 1]} : vector<512x768xf32> to vector<512x32xf32>
    %slice3A_263 = vector.extract_strided_slice %dot_general3A_44 {offsets = [0, 320], sizes = [512, 32], strides = [1, 1]} : vector<512x768xf32> to vector<512x32xf32>
    %slice3A_264 = vector.extract_strided_slice %dot_general3A_44 {offsets = [0, 576], sizes = [512, 32], strides = [1, 1]} : vector<512x768xf32> to vector<512x32xf32>
    %dot_general3A_265 = arith.constant dense<0.000000e+00> : vector<512x512xf32>
    %dot_general3A_266 = tpu.matmul %slice3A_262, %slice3A_263, %dot_general3A_265 {dimension_numbers = #tpu.dot_dimension_numbers<[1], [1], [0], [0], [0, 0, 1, 0], [], []>, transpose_lhs_hint = false} : vector<512x32xf32>, vector<512x32xf32>, vector<512x512xf32> -> vector<512x512xf32>
    %mul3A_267 = arith.constant 0.176776692 : f32
    %mul3A_268 = vector.broadcast %mul3A_267 : f32 to vector<512x512xf32>
    %mul3A_269 = arith.mulf %dot_general3A_266, %mul3A_268 : vector<512x512xf32>
    %jit3A_270 = arith.constant -1.000000e+30 : f32
    %broadcast_in_dim3A_271 = vector.broadcast %jit3A_270 : f32 to vector<512x512xf32>
    %select_n3A_272 = arith.select %eq3A_216, %mul3A_269, %broadcast_in_dim3A_271 : vector<512x512xi1>, vector<512x512xf32>
    %reduce_max3A_273 = arith.constant dense<0xFF800000> : vector<512xf32>
    %reduce_max3A_274 = vector.multi_reduction <maximumf>, %select_n3A_272, %reduce_max3A_273 [1] : vector<512x512xf32> to vector<512xf32>
    %broadcast_in_dim3A_275 = vector.shape_cast %reduce_max3A_274 : vector<512xf32> to vector<512x1xf32>
    %sub3A_276 = vector.broadcast %broadcast_in_dim3A_275 : vector<512x1xf32> to vector<512x512xf32>
    %sub3A_277 = arith.subf %select_n3A_272, %sub3A_276 : vector<512x512xf32>
    %exp3A_278 = math.exp %sub3A_277 : vector<512x512xf32>
    %reduce_sum3A_279 = arith.constant dense<0.000000e+00> : vector<512xf32>
    %reduce_sum3A_280 = vector.multi_reduction <add>, %exp3A_278, %reduce_sum3A_279 [1] : vector<512x512xf32> to vector<512xf32>
    %broadcast_in_dim3A_281 = vector.shape_cast %reduce_sum3A_280 : vector<512xf32> to vector<512x1xf32>
    %div3A_282 = vector.broadcast %broadcast_in_dim3A_281 : vector<512x1xf32> to vector<512x512xf32>
    %div3A_283 = arith.divf %exp3A_278, %div3A_282 : vector<512x512xf32>
    %dot_general3A_284 = arith.constant dense<0.000000e+00> : vector<512x32xf32>
    %dot_general3A_285 = tpu.matmul %div3A_283, %slice3A_264, %dot_general3A_284 {dimension_numbers = #tpu.dot_dimension_numbers<[1], [0], [0], [1], [0, 0, 1, 1], [], []>, transpose_lhs_hint = false} : vector<512x512xf32>, vector<512x32xf32>, vector<512x32xf32> -> vector<512x32xf32>
    %slice3A_286 = vector.extract_strided_slice %dot_general3A_44 {offsets = [0, 96], sizes = [512, 32], strides = [1, 1]} : vector<512x768xf32> to vector<512x32xf32>
    %slice3A_287 = vector.extract_strided_slice %dot_general3A_44 {offsets = [0, 352], sizes = [512, 32], strides = [1, 1]} : vector<512x768xf32> to vector<512x32xf32>
    %slice3A_288 = vector.extract_strided_slice %dot_general3A_44 {offsets = [0, 608], sizes = [512, 32], strides = [1, 1]} : vector<512x768xf32> to vector<512x32xf32>
    %dot_general3A_289 = arith.constant dense<0.000000e+00> : vector<512x512xf32>
    %dot_general3A_290 = tpu.matmul %slice3A_286, %slice3A_287, %dot_general3A_289 {dimension_numbers = #tpu.dot_dimension_numbers<[1], [1], [0], [0], [0, 0, 1, 0], [], []>, transpose_lhs_hint = false} : vector<512x32xf32>, vector<512x32xf32>, vector<512x512xf32> -> vector<512x512xf32>
    %mul3A_291 = arith.constant 0.176776692 : f32
    %mul3A_292 = vector.broadcast %mul3A_291 : f32 to vector<512x512xf32>
    %mul3A_293 = arith.mulf %dot_general3A_290, %mul3A_292 : vector<512x512xf32>
    %jit3A_294 = arith.constant -1.000000e+30 : f32
    %broadcast_in_dim3A_295 = vector.broadcast %jit3A_294 : f32 to vector<512x512xf32>
    %select_n3A_296 = arith.select %eq3A_216, %mul3A_293, %broadcast_in_dim3A_295 : vector<512x512xi1>, vector<512x512xf32>
    %reduce_max3A_297 = arith.constant dense<0xFF800000> : vector<512xf32>
    %reduce_max3A_298 = vector.multi_reduction <maximumf>, %select_n3A_296, %reduce_max3A_297 [1] : vector<512x512xf32> to vector<512xf32>
    %broadcast_in_dim3A_299 = vector.shape_cast %reduce_max3A_298 : vector<512xf32> to vector<512x1xf32>
    %sub3A_300 = vector.broadcast %broadcast_in_dim3A_299 : vector<512x1xf32> to vector<512x512xf32>
    %sub3A_301 = arith.subf %select_n3A_296, %sub3A_300 : vector<512x512xf32>
    %exp3A_302 = math.exp %sub3A_301 : vector<512x512xf32>
    %reduce_sum3A_303 = arith.constant dense<0.000000e+00> : vector<512xf32>
    %reduce_sum3A_304 = vector.multi_reduction <add>, %exp3A_302, %reduce_sum3A_303 [1] : vector<512x512xf32> to vector<512xf32>
    %broadcast_in_dim3A_305 = vector.shape_cast %reduce_sum3A_304 : vector<512xf32> to vector<512x1xf32>
    %div3A_306 = vector.broadcast %broadcast_in_dim3A_305 : vector<512x1xf32> to vector<512x512xf32>
    %div3A_307 = arith.divf %exp3A_302, %div3A_306 : vector<512x512xf32>
    %dot_general3A_308 = arith.constant dense<0.000000e+00> : vector<512x32xf32>
    %dot_general3A_309 = tpu.matmul %div3A_307, %slice3A_288, %dot_general3A_308 {dimension_numbers = #tpu.dot_dimension_numbers<[1], [0], [0], [1], [0, 0, 1, 1], [], []>, transpose_lhs_hint = false} : vector<512x512xf32>, vector<512x32xf32>, vector<512x32xf32> -> vector<512x32xf32>
    %slice3A_310 = vector.extract_strided_slice %dot_general3A_44 {offsets = [0, 128], sizes = [512, 32], strides = [1, 1]} : vector<512x768xf32> to vector<512x32xf32>
    %slice3A_311 = vector.extract_strided_slice %dot_general3A_44 {offsets = [0, 384], sizes = [512, 32], strides = [1, 1]} : vector<512x768xf32> to vector<512x32xf32>
    %slice3A_312 = vector.extract_strided_slice %dot_general3A_44 {offsets = [0, 640], sizes = [512, 32], strides = [1, 1]} : vector<512x768xf32> to vector<512x32xf32>
    %dot_general3A_313 = arith.constant dense<0.000000e+00> : vector<512x512xf32>
    %dot_general3A_314 = tpu.matmul %slice3A_310, %slice3A_311, %dot_general3A_313 {dimension_numbers = #tpu.dot_dimension_numbers<[1], [1], [0], [0], [0, 0, 1, 0], [], []>, transpose_lhs_hint = false} : vector<512x32xf32>, vector<512x32xf32>, vector<512x512xf32> -> vector<512x512xf32>
    %mul3A_315 = arith.constant 0.176776692 : f32
    %mul3A_316 = vector.broadcast %mul3A_315 : f32 to vector<512x512xf32>
    %mul3A_317 = arith.mulf %dot_general3A_314, %mul3A_316 : vector<512x512xf32>
    %jit3A_318 = arith.constant -1.000000e+30 : f32
    %broadcast_in_dim3A_319 = vector.broadcast %jit3A_318 : f32 to vector<512x512xf32>
    %select_n3A_320 = arith.select %eq3A_216, %mul3A_317, %broadcast_in_dim3A_319 : vector<512x512xi1>, vector<512x512xf32>
    %reduce_max3A_321 = arith.constant dense<0xFF800000> : vector<512xf32>
    %reduce_max3A_322 = vector.multi_reduction <maximumf>, %select_n3A_320, %reduce_max3A_321 [1] : vector<512x512xf32> to vector<512xf32>
    %broadcast_in_dim3A_323 = vector.shape_cast %reduce_max3A_322 : vector<512xf32> to vector<512x1xf32>
    %sub3A_324 = vector.broadcast %broadcast_in_dim3A_323 : vector<512x1xf32> to vector<512x512xf32>
    %sub3A_325 = arith.subf %select_n3A_320, %sub3A_324 : vector<512x512xf32>
    %exp3A_326 = math.exp %sub3A_325 : vector<512x512xf32>
    %reduce_sum3A_327 = arith.constant dense<0.000000e+00> : vector<512xf32>
    %reduce_sum3A_328 = vector.multi_reduction <add>, %exp3A_326, %reduce_sum3A_327 [1] : vector<512x512xf32> to vector<512xf32>
    %broadcast_in_dim3A_329 = vector.shape_cast %reduce_sum3A_328 : vector<512xf32> to vector<512x1xf32>
    %div3A_330 = vector.broadcast %broadcast_in_dim3A_329 : vector<512x1xf32> to vector<512x512xf32>
    %div3A_331 = arith.divf %exp3A_326, %div3A_330 : vector<512x512xf32>
    %dot_general3A_332 = arith.constant dense<0.000000e+00> : vector<512x32xf32>
    %dot_general3A_333 = tpu.matmul %div3A_331, %slice3A_312, %dot_general3A_332 {dimension_numbers = #tpu.dot_dimension_numbers<[1], [0], [0], [1], [0, 0, 1, 1], [], []>, transpose_lhs_hint = false} : vector<512x512xf32>, vector<512x32xf32>, vector<512x32xf32> -> vector<512x32xf32>
    %slice3A_334 = vector.extract_strided_slice %dot_general3A_44 {offsets = [0, 160], sizes = [512, 32], strides = [1, 1]} : vector<512x768xf32> to vector<512x32xf32>
    %slice3A_335 = vector.extract_strided_slice %dot_general3A_44 {offsets = [0, 416], sizes = [512, 32], strides = [1, 1]} : vector<512x768xf32> to vector<512x32xf32>
    %slice3A_336 = vector.extract_strided_slice %dot_general3A_44 {offsets = [0, 672], sizes = [512, 32], strides = [1, 1]} : vector<512x768xf32> to vector<512x32xf32>
    %dot_general3A_337 = arith.constant dense<0.000000e+00> : vector<512x512xf32>
    %dot_general3A_338 = tpu.matmul %slice3A_334, %slice3A_335, %dot_general3A_337 {dimension_numbers = #tpu.dot_dimension_numbers<[1], [1], [0], [0], [0, 0, 1, 0], [], []>, transpose_lhs_hint = false} : vector<512x32xf32>, vector<512x32xf32>, vector<512x512xf32> -> vector<512x512xf32>
    %mul3A_339 = arith.constant 0.176776692 : f32
    %mul3A_340 = vector.broadcast %mul3A_339 : f32 to vector<512x512xf32>
    %mul3A_341 = arith.mulf %dot_general3A_338, %mul3A_340 : vector<512x512xf32>
    %jit3A_342 = arith.constant -1.000000e+30 : f32
    %broadcast_in_dim3A_343 = vector.broadcast %jit3A_342 : f32 to vector<512x512xf32>
    %select_n3A_344 = arith.select %eq3A_216, %mul3A_341, %broadcast_in_dim3A_343 : vector<512x512xi1>, vector<512x512xf32>
    %reduce_max3A_345 = arith.constant dense<0xFF800000> : vector<512xf32>
    %reduce_max3A_346 = vector.multi_reduction <maximumf>, %select_n3A_344, %reduce_max3A_345 [1] : vector<512x512xf32> to vector<512xf32>
    %broadcast_in_dim3A_347 = vector.shape_cast %reduce_max3A_346 : vector<512xf32> to vector<512x1xf32>
    %sub3A_348 = vector.broadcast %broadcast_in_dim3A_347 : vector<512x1xf32> to vector<512x512xf32>
    %sub3A_349 = arith.subf %select_n3A_344, %sub3A_348 : vector<512x512xf32>
    %exp3A_350 = math.exp %sub3A_349 : vector<512x512xf32>
    %reduce_sum3A_351 = arith.constant dense<0.000000e+00> : vector<512xf32>
    %reduce_sum3A_352 = vector.multi_reduction <add>, %exp3A_350, %reduce_sum3A_351 [1] : vector<512x512xf32> to vector<512xf32>
    %broadcast_in_dim3A_353 = vector.shape_cast %reduce_sum3A_352 : vector<512xf32> to vector<512x1xf32>
    %div3A_354 = vector.broadcast %broadcast_in_dim3A_353 : vector<512x1xf32> to vector<512x512xf32>
    %div3A_355 = arith.divf %exp3A_350, %div3A_354 : vector<512x512xf32>
    %dot_general3A_356 = arith.constant dense<0.000000e+00> : vector<512x32xf32>
    %dot_general3A_357 = tpu.matmul %div3A_355, %slice3A_336, %dot_general3A_356 {dimension_numbers = #tpu.dot_dimension_numbers<[1], [0], [0], [1], [0, 0, 1, 1], [], []>, transpose_lhs_hint = false} : vector<512x512xf32>, vector<512x32xf32>, vector<512x32xf32> -> vector<512x32xf32>
    %slice3A_358 = vector.extract_strided_slice %dot_general3A_44 {offsets = [0, 192], sizes = [512, 32], strides = [1, 1]} : vector<512x768xf32> to vector<512x32xf32>
    %slice3A_359 = vector.extract_strided_slice %dot_general3A_44 {offsets = [0, 448], sizes = [512, 32], strides = [1, 1]} : vector<512x768xf32> to vector<512x32xf32>
    %slice3A_360 = vector.extract_strided_slice %dot_general3A_44 {offsets = [0, 704], sizes = [512, 32], strides = [1, 1]} : vector<512x768xf32> to vector<512x32xf32>
    %dot_general3A_361 = arith.constant dense<0.000000e+00> : vector<512x512xf32>
    %dot_general3A_362 = tpu.matmul %slice3A_358, %slice3A_359, %dot_general3A_361 {dimension_numbers = #tpu.dot_dimension_numbers<[1], [1], [0], [0], [0, 0, 1, 0], [], []>, transpose_lhs_hint = false} : vector<512x32xf32>, vector<512x32xf32>, vector<512x512xf32> -> vector<512x512xf32>
    %mul3A_363 = arith.constant 0.176776692 : f32
    %mul3A_364 = vector.broadcast %mul3A_363 : f32 to vector<512x512xf32>
    %mul3A_365 = arith.mulf %dot_general3A_362, %mul3A_364 : vector<512x512xf32>
    %jit3A_366 = arith.constant -1.000000e+30 : f32
    %broadcast_in_dim3A_367 = vector.broadcast %jit3A_366 : f32 to vector<512x512xf32>
    %select_n3A_368 = arith.select %eq3A_216, %mul3A_365, %broadcast_in_dim3A_367 : vector<512x512xi1>, vector<512x512xf32>
    %reduce_max3A_369 = arith.constant dense<0xFF800000> : vector<512xf32>
    %reduce_max3A_370 = vector.multi_reduction <maximumf>, %select_n3A_368, %reduce_max3A_369 [1] : vector<512x512xf32> to vector<512xf32>
    %broadcast_in_dim3A_371 = vector.shape_cast %reduce_max3A_370 : vector<512xf32> to vector<512x1xf32>
    %sub3A_372 = vector.broadcast %broadcast_in_dim3A_371 : vector<512x1xf32> to vector<512x512xf32>
    %sub3A_373 = arith.subf %select_n3A_368, %sub3A_372 : vector<512x512xf32>
    %exp3A_374 = math.exp %sub3A_373 : vector<512x512xf32>
    %reduce_sum3A_375 = arith.constant dense<0.000000e+00> : vector<512xf32>
    %reduce_sum3A_376 = vector.multi_reduction <add>, %exp3A_374, %reduce_sum3A_375 [1] : vector<512x512xf32> to vector<512xf32>
    %broadcast_in_dim3A_377 = vector.shape_cast %reduce_sum3A_376 : vector<512xf32> to vector<512x1xf32>
    %div3A_378 = vector.broadcast %broadcast_in_dim3A_377 : vector<512x1xf32> to vector<512x512xf32>
    %div3A_379 = arith.divf %exp3A_374, %div3A_378 : vector<512x512xf32>
    %dot_general3A_380 = arith.constant dense<0.000000e+00> : vector<512x32xf32>
    %dot_general3A_381 = tpu.matmul %div3A_379, %slice3A_360, %dot_general3A_380 {dimension_numbers = #tpu.dot_dimension_numbers<[1], [0], [0], [1], [0, 0, 1, 1], [], []>, transpose_lhs_hint = false} : vector<512x512xf32>, vector<512x32xf32>, vector<512x32xf32> -> vector<512x32xf32>
    %slice3A_382 = vector.extract_strided_slice %dot_general3A_44 {offsets = [0, 224], sizes = [512, 32], strides = [1, 1]} : vector<512x768xf32> to vector<512x32xf32>
    %slice3A_383 = vector.extract_strided_slice %dot_general3A_44 {offsets = [0, 480], sizes = [512, 32], strides = [1, 1]} : vector<512x768xf32> to vector<512x32xf32>
    %slice3A_384 = vector.extract_strided_slice %dot_general3A_44 {offsets = [0, 736], sizes = [512, 32], strides = [1, 1]} : vector<512x768xf32> to vector<512x32xf32>
    %dot_general3A_385 = arith.constant dense<0.000000e+00> : vector<512x512xf32>
    %dot_general3A_386 = tpu.matmul %slice3A_382, %slice3A_383, %dot_general3A_385 {dimension_numbers = #tpu.dot_dimension_numbers<[1], [1], [0], [0], [0, 0, 1, 0], [], []>, transpose_lhs_hint = false} : vector<512x32xf32>, vector<512x32xf32>, vector<512x512xf32> -> vector<512x512xf32>
    %mul3A_387 = arith.constant 0.176776692 : f32
    %mul3A_388 = vector.broadcast %mul3A_387 : f32 to vector<512x512xf32>
    %mul3A_389 = arith.mulf %dot_general3A_386, %mul3A_388 : vector<512x512xf32>
    %jit3A_390 = arith.constant -1.000000e+30 : f32
    %broadcast_in_dim3A_391 = vector.broadcast %jit3A_390 : f32 to vector<512x512xf32>
    %select_n3A_392 = arith.select %eq3A_216, %mul3A_389, %broadcast_in_dim3A_391 : vector<512x512xi1>, vector<512x512xf32>
    %reduce_max3A_393 = arith.constant dense<0xFF800000> : vector<512xf32>
    %reduce_max3A_394 = vector.multi_reduction <maximumf>, %select_n3A_392, %reduce_max3A_393 [1] : vector<512x512xf32> to vector<512xf32>
    %broadcast_in_dim3A_395 = vector.shape_cast %reduce_max3A_394 : vector<512xf32> to vector<512x1xf32>
    %sub3A_396 = vector.broadcast %broadcast_in_dim3A_395 : vector<512x1xf32> to vector<512x512xf32>
    %sub3A_397 = arith.subf %select_n3A_392, %sub3A_396 : vector<512x512xf32>
    %exp3A_398 = math.exp %sub3A_397 : vector<512x512xf32>
    %reduce_sum3A_399 = arith.constant dense<0.000000e+00> : vector<512xf32>
    %reduce_sum3A_400 = vector.multi_reduction <add>, %exp3A_398, %reduce_sum3A_399 [1] : vector<512x512xf32> to vector<512xf32>
    %broadcast_in_dim3A_401 = vector.shape_cast %reduce_sum3A_400 : vector<512xf32> to vector<512x1xf32>
    %div3A_402 = vector.broadcast %broadcast_in_dim3A_401 : vector<512x1xf32> to vector<512x512xf32>
    %div3A_403 = arith.divf %exp3A_398, %div3A_402 : vector<512x512xf32>
    %dot_general3A_404 = arith.constant dense<0.000000e+00> : vector<512x32xf32>
    %dot_general3A_405 = tpu.matmul %div3A_403, %slice3A_384, %dot_general3A_404 {dimension_numbers = #tpu.dot_dimension_numbers<[1], [0], [0], [1], [0, 0, 1, 1], [], []>, transpose_lhs_hint = false} : vector<512x512xf32>, vector<512x32xf32>, vector<512x32xf32> -> vector<512x32xf32>
    %concatenate3A = tpu.concatenate %dot_general3A_237, %dot_general3A_261, %dot_general3A_285, %dot_general3A_309, %dot_general3A_333, %dot_general3A_357, %dot_general3A_381, %dot_general3A_405 in 1 : vector<512x32xf32>, vector<512x32xf32>, vector<512x32xf32>, vector<512x32xf32>, vector<512x32xf32>, vector<512x32xf32>, vector<512x32xf32>, vector<512x32xf32> -> vector<512x256xf32>
    %convert_element_type3A_406 = arith.truncf %concatenate3A : vector<512x256xf32> to vector<512x256xbf16>
    %get3A_407 = arith.constant 0 : index
    %get3A_408 = arith.constant 0 : index
    %get3A_409 = vector.load %arg4[%get3A_407, %get3A_408] : memref<256x256xbf16, #tpu.memory_space<vmem>>, vector<256x256xbf16>
    %dot_general3A_410 = arith.constant dense<0.000000e+00> : vector<512x256xf32>
    %dot_general3A_411 = tpu.matmul %convert_element_type3A_406, %get3A_409, %dot_general3A_410 {dimension_numbers = #tpu.dot_dimension_numbers<[1], [0], [0], [1], [0, 0, 1, 1], [], []>, transpose_lhs_hint = false} : vector<512x256xbf16>, vector<256x256xbf16>, vector<512x256xf32> -> vector<512x256xf32>
    %add3A_412 = arith.addf %reshape3A, %dot_general3A_411 : vector<512x256xf32>
    %get3A_413 = arith.constant 0 : index
    %get3A_414 = arith.constant 0 : index
    %get3A_415 = vector.load %arg7[%get3A_413, %get3A_414] : memref<1x256xf32, #tpu.memory_space<vmem>>, vector<1x256xf32>
    %get3A_416 = arith.constant 0 : index
    %get3A_417 = arith.constant 0 : index
    %get3A_418 = vector.load %arg8[%get3A_416, %get3A_417] : memref<1x256xf32, #tpu.memory_space<vmem>>, vector<1x256xf32>
    %reduce_sum3A_419 = arith.constant dense<0.000000e+00> : vector<512xf32>
    %reduce_sum3A_420 = vector.multi_reduction <add>, %add3A_412, %reduce_sum3A_419 [1] : vector<512x256xf32> to vector<512xf32>
    %broadcast_in_dim3A_421 = vector.shape_cast %reduce_sum3A_420 : vector<512xf32> to vector<512x1xf32>
    %div3A_422 = arith.constant 2.560000e+02 : f32
    %div3A_423 = vector.broadcast %div3A_422 : f32 to vector<512x1xf32>
    %div3A_424 = arith.divf %broadcast_in_dim3A_421, %div3A_423 : vector<512x1xf32>
    %jit3A_425 = arith.constant 0 : i32
    %reduce_sum3A_426 = arith.constant dense<0.000000e+00> : vector<512xf32>
    %reduce_sum3A_427 = vector.multi_reduction <add>, %add3A_412, %reduce_sum3A_426 [1] : vector<512x256xf32> to vector<512xf32>
    %broadcast_in_dim3A_428 = vector.shape_cast %reduce_sum3A_427 : vector<512xf32> to vector<512x1xf32>
    %div3A_429 = arith.constant 2.560000e+02 : f32
    %div3A_430 = vector.broadcast %div3A_429 : f32 to vector<512x1xf32>
    %div3A_431 = arith.divf %broadcast_in_dim3A_428, %div3A_430 : vector<512x1xf32>
    %sub3A_432 = vector.broadcast %div3A_431 : vector<512x1xf32> to vector<512x256xf32>
    %sub3A_433 = arith.subf %add3A_412, %sub3A_432 : vector<512x256xf32>
    %square3A_434 = arith.mulf %sub3A_433, %sub3A_433 : vector<512x256xf32>
    %convert_element_type3A_435 = arith.sitofp %jit3A_425 : i32 to f32
    %sub3A_436 = arith.constant 2.560000e+02 : f32
    %sub3A_437 = arith.subf %sub3A_436, %convert_element_type3A_435 : f32
    %reduce_sum3A_438 = arith.constant dense<0.000000e+00> : vector<512xf32>
    %reduce_sum3A_439 = vector.multi_reduction <add>, %square3A_434, %reduce_sum3A_438 [1] : vector<512x256xf32> to vector<512xf32>
    %broadcast_in_dim3A_440 = vector.shape_cast %reduce_sum3A_439 : vector<512xf32> to vector<512x1xf32>
    %div3A_441 = vector.broadcast %sub3A_437 : f32 to vector<512x1xf32>
    %div3A_442 = arith.divf %broadcast_in_dim3A_440, %div3A_441 : vector<512x1xf32>
    %gt3A_443 = arith.constant 0.000000e+00 : f32
    %gt3A_444 = arith.cmpf ogt, %sub3A_437, %gt3A_443 : f32
    %jit3A_445 = arith.constant 0x7FC00000 : f32
    %broadcast_in_dim3A_446 = vector.broadcast %jit3A_445 : f32 to vector<512x1xf32>
    %select_n3A_447 = arith.select %gt3A_444, %div3A_442, %broadcast_in_dim3A_446 : vector<512x1xf32>
    %sub3A_448 = vector.broadcast %div3A_424 : vector<512x1xf32> to vector<512x256xf32>
    %sub3A_449 = arith.subf %add3A_412, %sub3A_448 : vector<512x256xf32>
    %add3A_450 = arith.constant 9.99999974E-6 : f32
    %add3A_451 = vector.broadcast %add3A_450 : f32 to vector<512x1xf32>
    %add3A_452 = arith.addf %select_n3A_447, %add3A_451 : vector<512x1xf32>
    %sqrt3A_453 = math.sqrt %add3A_452 : vector<512x1xf32>
    %div3A_454 = vector.broadcast %sqrt3A_453 : vector<512x1xf32> to vector<512x256xf32>
    %div3A_455 = arith.divf %sub3A_449, %div3A_454 : vector<512x256xf32>
    %mul3A_456 = vector.broadcast %get3A_415 : vector<1x256xf32> to vector<512x256xf32>
    %mul3A_457 = arith.mulf %div3A_455, %mul3A_456 : vector<512x256xf32>
    %add3A_458 = vector.broadcast %get3A_418 : vector<1x256xf32> to vector<512x256xf32>
    %add3A_459 = arith.addf %mul3A_457, %add3A_458 : vector<512x256xf32>
    %convert_element_type3A_460 = arith.truncf %add3A_459 : vector<512x256xf32> to vector<512x256xbf16>
    %get3A_461 = arith.constant 0 : index
    %get3A_462 = arith.constant 0 : index
    %get3A_463 = vector.load %arg9[%get3A_461, %get3A_462] : memref<256x512xbf16, #tpu.memory_space<vmem>>, vector<256x512xbf16>
    %dot_general3A_464 = arith.constant dense<0.000000e+00> : vector<512x512xf32>
    %dot_general3A_465 = tpu.matmul %convert_element_type3A_460, %get3A_463, %dot_general3A_464 {dimension_numbers = #tpu.dot_dimension_numbers<[1], [0], [0], [1], [0, 0, 1, 1], [], []>, transpose_lhs_hint = false} : vector<512x256xbf16>, vector<256x512xbf16>, vector<512x512xf32> -> vector<512x512xf32>
    %get3A_466 = arith.constant 0 : index
    %get3A_467 = arith.constant 0 : index
    %get3A_468 = vector.load %arg10[%get3A_466, %get3A_467] : memref<1x512xf32, #tpu.memory_space<vmem>>, vector<1x512xf32>
    %add3A_469 = vector.broadcast %get3A_468 : vector<1x512xf32> to vector<512x512xf32>
    %add3A_470 = arith.addf %dot_general3A_465, %add3A_469 : vector<512x512xf32>
    %integer_pow3A = arith.mulf %add3A_470, %add3A_470 : vector<512x512xf32>
    %integer_pow3A_471 = arith.mulf %add3A_470, %integer_pow3A : vector<512x512xf32>
    %mul3A_472 = arith.constant 4.471500e-02 : f32
    %mul3A_473 = vector.broadcast %mul3A_472 : f32 to vector<512x512xf32>
    %mul3A_474 = arith.mulf %mul3A_473, %integer_pow3A_471 : vector<512x512xf32>
    %add3A_475 = arith.addf %add3A_470, %mul3A_474 : vector<512x512xf32>
    %mul3A_476 = arith.constant 0.797884583 : f32
    %mul3A_477 = vector.broadcast %mul3A_476 : f32 to vector<512x512xf32>
    %mul3A_478 = arith.mulf %mul3A_477, %add3A_475 : vector<512x512xf32>
    %tanh3A = math.tanh %mul3A_478 : vector<512x512xf32>
    %add3A_479 = arith.constant 1.000000e+00 : f32
    %add3A_480 = vector.broadcast %add3A_479 : f32 to vector<512x512xf32>
    %add3A_481 = arith.addf %add3A_480, %tanh3A : vector<512x512xf32>
    %mul3A_482 = arith.constant 5.000000e-01 : f32
    %mul3A_483 = vector.broadcast %mul3A_482 : f32 to vector<512x512xf32>
    %mul3A_484 = arith.mulf %mul3A_483, %add3A_481 : vector<512x512xf32>
    %mul3A_485 = arith.mulf %add3A_470, %mul3A_484 : vector<512x512xf32>
    %convert_element_type3A_486 = arith.truncf %mul3A_485 : vector<512x512xf32> to vector<512x512xbf16>
    %get3A_487 = arith.constant 0 : index
    %get3A_488 = arith.constant 0 : index
    %get3A_489 = vector.load %arg11[%get3A_487, %get3A_488] : memref<512x256xbf16, #tpu.memory_space<vmem>>, vector<512x256xbf16>
    %dot_general3A_490 = arith.constant dense<0.000000e+00> : vector<512x256xf32>
    %dot_general3A_491 = tpu.matmul %convert_element_type3A_486, %get3A_489, %dot_general3A_490 {dimension_numbers = #tpu.dot_dimension_numbers<[1], [0], [0], [1], [0, 0, 1, 1], [], []>, transpose_lhs_hint = false} : vector<512x512xbf16>, vector<512x256xbf16>, vector<512x256xf32> -> vector<512x256xf32>
    %add3A_492 = arith.addf %add3A_412, %dot_general3A_491 : vector<512x256xf32>
    %get3A_493 = arith.constant 0 : index
    %get3A_494 = arith.constant 0 : index
    %get3A_495 = vector.load %arg12[%get3A_493, %get3A_494] : memref<1x256xf32, #tpu.memory_space<vmem>>, vector<1x256xf32>
    %add3A_496 = vector.broadcast %get3A_495 : vector<1x256xf32> to vector<512x256xf32>
    %add3A_497 = arith.addf %add3A_492, %add3A_496 : vector<512x256xf32>
    %reshape3A_498 = vector.shape_cast %add3A_497 : vector<512x256xf32> to vector<16x32x256xf32>
    %swap3A = arith.constant 0 : index
    %swap3A_499 = arith.constant 0 : index
    %swap3A_500 = arith.constant 0 : index
    %swap3A_501 = arith.constant 0 : index
    %swap3A_502 = vector.load %arg13[%swap3A, %swap3A_499, %swap3A_500, %swap3A_501] : memref<1x16x32x256xf32, #tpu.memory_space<vmem>>, vector<1x16x32x256xf32>
    %swap3A_503 = vector.shape_cast %swap3A_502 : vector<1x16x32x256xf32> to vector<16x32x256xf32>
    %swap3A_504 = vector.shape_cast %reshape3A_498 : vector<16x32x256xf32> to vector<1x16x32x256xf32>
    tpu.vector_store %arg13[%swap3A, %swap3A_499, %swap3A_500, %swap3A_501], %swap3A_504 {strides = array<i32>} : memref<1x16x32x256xf32, #tpu.memory_space<vmem>>, vector<1x16x32x256xf32>,
    return
  }
  func.func @transform_0(%arg0: i32, %arg1: i32) -> (i32, i32, i32, i32) {
    %c0_i32 = arith.constant 0 : i32
    %c0_i32_0 = arith.constant 0 : i32
    %c0_i32_1 = arith.constant 0 : i32
    return %arg0, %arg1, %c0_i32, %c0_i32_0 : i32, i32, i32, i32
  }
  func.func @transform_1(%arg0: i32, %arg1: i32) -> (i32, i32) {
    %c0_i32 = arith.constant 0 : i32
    %c0_i32_0 = arith.constant 0 : i32
    %c0_i32_1 = arith.constant 0 : i32
    return %c0_i32, %c0_i32_0 : i32, i32
  }
  func.func @transform_2(%arg0: i32, %arg1: i32) -> (i32, i32) {
    %c0_i32 = arith.constant 0 : i32
    %c0_i32_0 = arith.constant 0 : i32
    %c0_i32_1 = arith.constant 0 : i32
    return %c0_i32, %c0_i32_0 : i32, i32
  }
  func.func @transform_3(%arg0: i32, %arg1: i32) -> (i32, i32) {
    %c0_i32 = arith.constant 0 : i32
    %c0_i32_0 = arith.constant 0 : i32
    %c0_i32_1 = arith.constant 0 : i32
    return %c0_i32, %c0_i32_0 : i32, i32
  }
  func.func @transform_4(%arg0: i32, %arg1: i32) -> (i32, i32) {
    %c0_i32 = arith.constant 0 : i32
    %c0_i32_0 = arith.constant 0 : i32
    %c0_i32_1 = arith.constant 0 : i32
    return %c0_i32, %c0_i32_0 : i32, i32
  }
  func.func @transform_5(%arg0: i32, %arg1: i32) -> (i32, i32) {
    %c0_i32 = arith.constant 0 : i32
    %c0_i32_0 = arith.constant 0 : i32
    %c0_i32_1 = arith.constant 0 : i32
    return %c0_i32, %c0_i32_0 : i32, i32
  }
  func.func @transform_6(%arg0: i32, %arg1: i32) -> (i32, i32) {
    %c0_i32 = arith.constant 0 : i32
    %c0_i32_0 = arith.constant 0 : i32
    %c0_i32_1 = arith.constant 0 : i32
    return %c0_i32, %c0_i32_0 : i32, i32
  }
  func.func @transform_7(%arg0: i32, %arg1: i32) -> (i32, i32) {
    %c0_i32 = arith.constant 0 : i32
    %c0_i32_0 = arith.constant 0 : i32
    %c0_i32_1 = arith.constant 0 : i32
    return %c0_i32, %c0_i32_0 : i32, i32
  }
  func.func @transform_8(%arg0: i32, %arg1: i32) -> (i32, i32) {
    %c0_i32 = arith.constant 0 : i32
    %c0_i32_0 = arith.constant 0 : i32
    %c0_i32_1 = arith.constant 0 : i32
    return %c0_i32, %c0_i32_0 : i32, i32
  }
  func.func @transform_9(%arg0: i32, %arg1: i32) -> (i32, i32) {
    %c0_i32 = arith.constant 0 : i32
    %c0_i32_0 = arith.constant 0 : i32
    %c0_i32_1 = arith.constant 0 : i32
    return %c0_i32, %c0_i32_0 : i32, i32
  }
  func.func @transform_10(%arg0: i32, %arg1: i32) -> (i32, i32) {
    %c0_i32 = arith.constant 0 : i32
    %c0_i32_0 = arith.constant 0 : i32
    %c0_i32_1 = arith.constant 0 : i32
    return %c0_i32, %c0_i32_0 : i32, i32
  }
  func.func @transform_11(%arg0: i32, %arg1: i32) -> (i32, i32, i32, i32) {
    %c0_i32 = arith.constant 0 : i32
    %c0_i32_0 = arith.constant 0 : i32
    %c0_i32_1 = arith.constant 0 : i32
    return %arg0, %arg1, %c0_i32, %c0_i32_0 : i32, i32, i32, i32
  }
}

module attributes {stable_mosaic.version = 14 : i64} {
  func.func @_topk_body(%arg0: i32, %arg1: memref<1x1024x2xf32, #tpu.memory_space<vmem>>, %arg2: memref<1x2x1024xf32, #tpu.memory_space<vmem>>, %arg3: memref<1x1024x9xi32, #tpu.memory_space<vmem>>) attributes {dimension_semantics = [#tpu.dimension_semantics<parallel>], iteration_bounds = array<i64: 4>, scalar_prefetch = 0 : i64, scratch_operands = 0 : i64, tpu.core_type = #tpu.core_type<tc>, window_params = [{transform_indices = @transform_0, window_bounds = array<i64: 1, 1024, 2>}, {transform_indices = @transform_1, window_bounds = array<i64: 1, 2, 1024>}, {transform_indices = @transform_2, window_bounds = array<i64: 1, 1024, 9>}]} {
    %get3A = arith.constant 0 : index
    %get3A_0 = arith.constant 0 : index
    %get3A_1 = arith.constant 0 : index
    %get3A_2 = vector.load %arg1[%get3A, %get3A_0, %get3A_1] : memref<1x1024x2xf32, #tpu.memory_space<vmem>>, vector<1x1024x2xf32>
    %get3A_3 = vector.shape_cast %get3A_2 : vector<1x1024x2xf32> to vector<1024x2xf32>
    %get3A_4 = arith.constant 0 : index
    %get3A_5 = arith.constant 0 : index
    %get3A_6 = arith.constant 0 : index
    %get3A_7 = vector.load %arg2[%get3A_4, %get3A_5, %get3A_6] : memref<1x2x1024xf32, #tpu.memory_space<vmem>>, vector<1x2x1024xf32>
    %get3A_8 = vector.shape_cast %get3A_7 : vector<1x2x1024xf32> to vector<2x1024xf32>
    %slice3A = vector.extract_strided_slice %get3A_3 {offsets = [0, 0], sizes = [1024, 1], strides = [1, 1]} : vector<1024x2xf32> to vector<1024x1xf32>
    %slice3A_9 = vector.extract_strided_slice %get3A_8 {offsets = [0, 0], sizes = [1, 1024], strides = [1, 1]} : vector<2x1024xf32> to vector<1x1024xf32>
    %sub3A = vector.broadcast %slice3A : vector<1024x1xf32> to vector<1024x1024xf32>
    %sub3A_10 = vector.broadcast %slice3A_9 : vector<1x1024xf32> to vector<1024x1024xf32>
    %sub3A_11 = arith.subf %sub3A, %sub3A_10 : vector<1024x1024xf32>
    %slice3A_12 = vector.extract_strided_slice %get3A_3 {offsets = [0, 1], sizes = [1024, 1], strides = [1, 1]} : vector<1024x2xf32> to vector<1024x1xf32>
    %slice3A_13 = vector.extract_strided_slice %get3A_8 {offsets = [1, 0], sizes = [1, 1024], strides = [1, 1]} : vector<2x1024xf32> to vector<1x1024xf32>
    %sub3A_14 = vector.broadcast %slice3A_12 : vector<1024x1xf32> to vector<1024x1024xf32>
    %sub3A_15 = vector.broadcast %slice3A_13 : vector<1x1024xf32> to vector<1024x1024xf32>
    %sub3A_16 = arith.subf %sub3A_14, %sub3A_15 : vector<1024x1024xf32>
    %mul3A = arith.mulf %sub3A_11, %sub3A_11 : vector<1024x1024xf32>
    %mul3A_17 = arith.mulf %sub3A_16, %sub3A_16 : vector<1024x1024xf32>
    %add3A = arith.addf %mul3A, %mul3A_17 : vector<1024x1024xf32>
    %iota3A = tpu.iota {dimensions = array<i32: 1>} : vector<1024x1024xi32>
    %reduce_min3A = arith.constant dense<0x7F800000> : vector<1024xf32>
    %reduce_min3A_18 = vector.multi_reduction <minimumf>, %add3A, %reduce_min3A [1] : vector<1024x1024xf32> to vector<1024xf32>
    %broadcast_in_dim3A = vector.shape_cast %reduce_min3A_18 : vector<1024xf32> to vector<1024x1xf32>
    %eq3A = vector.broadcast %broadcast_in_dim3A : vector<1024x1xf32> to vector<1024x1024xf32>
    %eq3A_19 = arith.cmpf oeq, %add3A, %eq3A : vector<1024x1024xf32>
    %jit3A = arith.constant 1024 : i32
    %broadcast_in_dim3A_20 = vector.broadcast %jit3A : i32 to vector<1024x1024xi32>
    %select_n3A = arith.select %eq3A_19, %iota3A, %broadcast_in_dim3A_20 : vector<1024x1024xi1>, vector<1024x1024xi32>
    %reduce_min3A_21 = arith.constant dense<2147483647> : vector<1024xi32>
    %reduce_min3A_22 = vector.multi_reduction <minsi>, %select_n3A, %reduce_min3A_21 [1] : vector<1024x1024xi32> to vector<1024xi32>
    %broadcast_in_dim3A_23 = vector.shape_cast %reduce_min3A_22 : vector<1024xi32> to vector<1024x1xi32>
    %eq3A_24 = vector.broadcast %broadcast_in_dim3A_23 : vector<1024x1xi32> to vector<1024x1024xi32>
    %eq3A_25 = arith.cmpi eq, %iota3A, %eq3A_24 : vector<1024x1024xi32>
    %jit3A_26 = arith.constant 0x7F800000 : f32
    %broadcast_in_dim3A_27 = vector.broadcast %jit3A_26 : f32 to vector<1024x1024xf32>
    %select_n3A_28 = arith.select %eq3A_25, %broadcast_in_dim3A_27, %add3A : vector<1024x1024xi1>, vector<1024x1024xf32>
    %reduce_min3A_29 = arith.constant dense<0x7F800000> : vector<1024xf32>
    %reduce_min3A_30 = vector.multi_reduction <minimumf>, %select_n3A_28, %reduce_min3A_29 [1] : vector<1024x1024xf32> to vector<1024xf32>
    %broadcast_in_dim3A_31 = vector.shape_cast %reduce_min3A_30 : vector<1024xf32> to vector<1024x1xf32>
    %eq3A_32 = vector.broadcast %broadcast_in_dim3A_31 : vector<1024x1xf32> to vector<1024x1024xf32>
    %eq3A_33 = arith.cmpf oeq, %select_n3A_28, %eq3A_32 : vector<1024x1024xf32>
    %jit3A_34 = arith.constant 1024 : i32
    %broadcast_in_dim3A_35 = vector.broadcast %jit3A_34 : i32 to vector<1024x1024xi32>
    %select_n3A_36 = arith.select %eq3A_33, %iota3A, %broadcast_in_dim3A_35 : vector<1024x1024xi1>, vector<1024x1024xi32>
    %reduce_min3A_37 = arith.constant dense<2147483647> : vector<1024xi32>
    %reduce_min3A_38 = vector.multi_reduction <minsi>, %select_n3A_36, %reduce_min3A_37 [1] : vector<1024x1024xi32> to vector<1024xi32>
    %broadcast_in_dim3A_39 = vector.shape_cast %reduce_min3A_38 : vector<1024xi32> to vector<1024x1xi32>
    %eq3A_40 = vector.broadcast %broadcast_in_dim3A_39 : vector<1024x1xi32> to vector<1024x1024xi32>
    %eq3A_41 = arith.cmpi eq, %iota3A, %eq3A_40 : vector<1024x1024xi32>
    %jit3A_42 = arith.constant 0x7F800000 : f32
    %broadcast_in_dim3A_43 = vector.broadcast %jit3A_42 : f32 to vector<1024x1024xf32>
    %select_n3A_44 = arith.select %eq3A_41, %broadcast_in_dim3A_43, %select_n3A_28 : vector<1024x1024xi1>, vector<1024x1024xf32>
    %reduce_min3A_45 = arith.constant dense<0x7F800000> : vector<1024xf32>
    %reduce_min3A_46 = vector.multi_reduction <minimumf>, %select_n3A_44, %reduce_min3A_45 [1] : vector<1024x1024xf32> to vector<1024xf32>
    %broadcast_in_dim3A_47 = vector.shape_cast %reduce_min3A_46 : vector<1024xf32> to vector<1024x1xf32>
    %eq3A_48 = vector.broadcast %broadcast_in_dim3A_47 : vector<1024x1xf32> to vector<1024x1024xf32>
    %eq3A_49 = arith.cmpf oeq, %select_n3A_44, %eq3A_48 : vector<1024x1024xf32>
    %jit3A_50 = arith.constant 1024 : i32
    %broadcast_in_dim3A_51 = vector.broadcast %jit3A_50 : i32 to vector<1024x1024xi32>
    %select_n3A_52 = arith.select %eq3A_49, %iota3A, %broadcast_in_dim3A_51 : vector<1024x1024xi1>, vector<1024x1024xi32>
    %reduce_min3A_53 = arith.constant dense<2147483647> : vector<1024xi32>
    %reduce_min3A_54 = vector.multi_reduction <minsi>, %select_n3A_52, %reduce_min3A_53 [1] : vector<1024x1024xi32> to vector<1024xi32>
    %broadcast_in_dim3A_55 = vector.shape_cast %reduce_min3A_54 : vector<1024xi32> to vector<1024x1xi32>
    %eq3A_56 = vector.broadcast %broadcast_in_dim3A_55 : vector<1024x1xi32> to vector<1024x1024xi32>
    %eq3A_57 = arith.cmpi eq, %iota3A, %eq3A_56 : vector<1024x1024xi32>
    %jit3A_58 = arith.constant 0x7F800000 : f32
    %broadcast_in_dim3A_59 = vector.broadcast %jit3A_58 : f32 to vector<1024x1024xf32>
    %select_n3A_60 = arith.select %eq3A_57, %broadcast_in_dim3A_59, %select_n3A_44 : vector<1024x1024xi1>, vector<1024x1024xf32>
    %reduce_min3A_61 = arith.constant dense<0x7F800000> : vector<1024xf32>
    %reduce_min3A_62 = vector.multi_reduction <minimumf>, %select_n3A_60, %reduce_min3A_61 [1] : vector<1024x1024xf32> to vector<1024xf32>
    %broadcast_in_dim3A_63 = vector.shape_cast %reduce_min3A_62 : vector<1024xf32> to vector<1024x1xf32>
    %eq3A_64 = vector.broadcast %broadcast_in_dim3A_63 : vector<1024x1xf32> to vector<1024x1024xf32>
    %eq3A_65 = arith.cmpf oeq, %select_n3A_60, %eq3A_64 : vector<1024x1024xf32>
    %jit3A_66 = arith.constant 1024 : i32
    %broadcast_in_dim3A_67 = vector.broadcast %jit3A_66 : i32 to vector<1024x1024xi32>
    %select_n3A_68 = arith.select %eq3A_65, %iota3A, %broadcast_in_dim3A_67 : vector<1024x1024xi1>, vector<1024x1024xi32>
    %reduce_min3A_69 = arith.constant dense<2147483647> : vector<1024xi32>
    %reduce_min3A_70 = vector.multi_reduction <minsi>, %select_n3A_68, %reduce_min3A_69 [1] : vector<1024x1024xi32> to vector<1024xi32>
    %broadcast_in_dim3A_71 = vector.shape_cast %reduce_min3A_70 : vector<1024xi32> to vector<1024x1xi32>
    %eq3A_72 = vector.broadcast %broadcast_in_dim3A_71 : vector<1024x1xi32> to vector<1024x1024xi32>
    %eq3A_73 = arith.cmpi eq, %iota3A, %eq3A_72 : vector<1024x1024xi32>
    %jit3A_74 = arith.constant 0x7F800000 : f32
    %broadcast_in_dim3A_75 = vector.broadcast %jit3A_74 : f32 to vector<1024x1024xf32>
    %select_n3A_76 = arith.select %eq3A_73, %broadcast_in_dim3A_75, %select_n3A_60 : vector<1024x1024xi1>, vector<1024x1024xf32>
    %reduce_min3A_77 = arith.constant dense<0x7F800000> : vector<1024xf32>
    %reduce_min3A_78 = vector.multi_reduction <minimumf>, %select_n3A_76, %reduce_min3A_77 [1] : vector<1024x1024xf32> to vector<1024xf32>
    %broadcast_in_dim3A_79 = vector.shape_cast %reduce_min3A_78 : vector<1024xf32> to vector<1024x1xf32>
    %eq3A_80 = vector.broadcast %broadcast_in_dim3A_79 : vector<1024x1xf32> to vector<1024x1024xf32>
    %eq3A_81 = arith.cmpf oeq, %select_n3A_76, %eq3A_80 : vector<1024x1024xf32>
    %jit3A_82 = arith.constant 1024 : i32
    %broadcast_in_dim3A_83 = vector.broadcast %jit3A_82 : i32 to vector<1024x1024xi32>
    %select_n3A_84 = arith.select %eq3A_81, %iota3A, %broadcast_in_dim3A_83 : vector<1024x1024xi1>, vector<1024x1024xi32>
    %reduce_min3A_85 = arith.constant dense<2147483647> : vector<1024xi32>
    %reduce_min3A_86 = vector.multi_reduction <minsi>, %select_n3A_84, %reduce_min3A_85 [1] : vector<1024x1024xi32> to vector<1024xi32>
    %broadcast_in_dim3A_87 = vector.shape_cast %reduce_min3A_86 : vector<1024xi32> to vector<1024x1xi32>
    %eq3A_88 = vector.broadcast %broadcast_in_dim3A_87 : vector<1024x1xi32> to vector<1024x1024xi32>
    %eq3A_89 = arith.cmpi eq, %iota3A, %eq3A_88 : vector<1024x1024xi32>
    %jit3A_90 = arith.constant 0x7F800000 : f32
    %broadcast_in_dim3A_91 = vector.broadcast %jit3A_90 : f32 to vector<1024x1024xf32>
    %select_n3A_92 = arith.select %eq3A_89, %broadcast_in_dim3A_91, %select_n3A_76 : vector<1024x1024xi1>, vector<1024x1024xf32>
    %reduce_min3A_93 = arith.constant dense<0x7F800000> : vector<1024xf32>
    %reduce_min3A_94 = vector.multi_reduction <minimumf>, %select_n3A_92, %reduce_min3A_93 [1] : vector<1024x1024xf32> to vector<1024xf32>
    %broadcast_in_dim3A_95 = vector.shape_cast %reduce_min3A_94 : vector<1024xf32> to vector<1024x1xf32>
    %eq3A_96 = vector.broadcast %broadcast_in_dim3A_95 : vector<1024x1xf32> to vector<1024x1024xf32>
    %eq3A_97 = arith.cmpf oeq, %select_n3A_92, %eq3A_96 : vector<1024x1024xf32>
    %jit3A_98 = arith.constant 1024 : i32
    %broadcast_in_dim3A_99 = vector.broadcast %jit3A_98 : i32 to vector<1024x1024xi32>
    %select_n3A_100 = arith.select %eq3A_97, %iota3A, %broadcast_in_dim3A_99 : vector<1024x1024xi1>, vector<1024x1024xi32>
    %reduce_min3A_101 = arith.constant dense<2147483647> : vector<1024xi32>
    %reduce_min3A_102 = vector.multi_reduction <minsi>, %select_n3A_100, %reduce_min3A_101 [1] : vector<1024x1024xi32> to vector<1024xi32>
    %broadcast_in_dim3A_103 = vector.shape_cast %reduce_min3A_102 : vector<1024xi32> to vector<1024x1xi32>
    %eq3A_104 = vector.broadcast %broadcast_in_dim3A_103 : vector<1024x1xi32> to vector<1024x1024xi32>
    %eq3A_105 = arith.cmpi eq, %iota3A, %eq3A_104 : vector<1024x1024xi32>
    %jit3A_106 = arith.constant 0x7F800000 : f32
    %broadcast_in_dim3A_107 = vector.broadcast %jit3A_106 : f32 to vector<1024x1024xf32>
    %select_n3A_108 = arith.select %eq3A_105, %broadcast_in_dim3A_107, %select_n3A_92 : vector<1024x1024xi1>, vector<1024x1024xf32>
    %reduce_min3A_109 = arith.constant dense<0x7F800000> : vector<1024xf32>
    %reduce_min3A_110 = vector.multi_reduction <minimumf>, %select_n3A_108, %reduce_min3A_109 [1] : vector<1024x1024xf32> to vector<1024xf32>
    %broadcast_in_dim3A_111 = vector.shape_cast %reduce_min3A_110 : vector<1024xf32> to vector<1024x1xf32>
    %eq3A_112 = vector.broadcast %broadcast_in_dim3A_111 : vector<1024x1xf32> to vector<1024x1024xf32>
    %eq3A_113 = arith.cmpf oeq, %select_n3A_108, %eq3A_112 : vector<1024x1024xf32>
    %jit3A_114 = arith.constant 1024 : i32
    %broadcast_in_dim3A_115 = vector.broadcast %jit3A_114 : i32 to vector<1024x1024xi32>
    %select_n3A_116 = arith.select %eq3A_113, %iota3A, %broadcast_in_dim3A_115 : vector<1024x1024xi1>, vector<1024x1024xi32>
    %reduce_min3A_117 = arith.constant dense<2147483647> : vector<1024xi32>
    %reduce_min3A_118 = vector.multi_reduction <minsi>, %select_n3A_116, %reduce_min3A_117 [1] : vector<1024x1024xi32> to vector<1024xi32>
    %broadcast_in_dim3A_119 = vector.shape_cast %reduce_min3A_118 : vector<1024xi32> to vector<1024x1xi32>
    %eq3A_120 = vector.broadcast %broadcast_in_dim3A_119 : vector<1024x1xi32> to vector<1024x1024xi32>
    %eq3A_121 = arith.cmpi eq, %iota3A, %eq3A_120 : vector<1024x1024xi32>
    %jit3A_122 = arith.constant 0x7F800000 : f32
    %broadcast_in_dim3A_123 = vector.broadcast %jit3A_122 : f32 to vector<1024x1024xf32>
    %select_n3A_124 = arith.select %eq3A_121, %broadcast_in_dim3A_123, %select_n3A_108 : vector<1024x1024xi1>, vector<1024x1024xf32>
    %reduce_min3A_125 = arith.constant dense<0x7F800000> : vector<1024xf32>
    %reduce_min3A_126 = vector.multi_reduction <minimumf>, %select_n3A_124, %reduce_min3A_125 [1] : vector<1024x1024xf32> to vector<1024xf32>
    %broadcast_in_dim3A_127 = vector.shape_cast %reduce_min3A_126 : vector<1024xf32> to vector<1024x1xf32>
    %eq3A_128 = vector.broadcast %broadcast_in_dim3A_127 : vector<1024x1xf32> to vector<1024x1024xf32>
    %eq3A_129 = arith.cmpf oeq, %select_n3A_124, %eq3A_128 : vector<1024x1024xf32>
    %jit3A_130 = arith.constant 1024 : i32
    %broadcast_in_dim3A_131 = vector.broadcast %jit3A_130 : i32 to vector<1024x1024xi32>
    %select_n3A_132 = arith.select %eq3A_129, %iota3A, %broadcast_in_dim3A_131 : vector<1024x1024xi1>, vector<1024x1024xi32>
    %reduce_min3A_133 = arith.constant dense<2147483647> : vector<1024xi32>
    %reduce_min3A_134 = vector.multi_reduction <minsi>, %select_n3A_132, %reduce_min3A_133 [1] : vector<1024x1024xi32> to vector<1024xi32>
    %broadcast_in_dim3A_135 = vector.shape_cast %reduce_min3A_134 : vector<1024xi32> to vector<1024x1xi32>
    %eq3A_136 = vector.broadcast %broadcast_in_dim3A_135 : vector<1024x1xi32> to vector<1024x1024xi32>
    %eq3A_137 = arith.cmpi eq, %iota3A, %eq3A_136 : vector<1024x1024xi32>
    %jit3A_138 = arith.constant 0x7F800000 : f32
    %broadcast_in_dim3A_139 = vector.broadcast %jit3A_138 : f32 to vector<1024x1024xf32>
    %select_n3A_140 = arith.select %eq3A_137, %broadcast_in_dim3A_139, %select_n3A_124 : vector<1024x1024xi1>, vector<1024x1024xf32>
    %reduce_min3A_141 = arith.constant dense<0x7F800000> : vector<1024xf32>
    %reduce_min3A_142 = vector.multi_reduction <minimumf>, %select_n3A_140, %reduce_min3A_141 [1] : vector<1024x1024xf32> to vector<1024xf32>
    %broadcast_in_dim3A_143 = vector.shape_cast %reduce_min3A_142 : vector<1024xf32> to vector<1024x1xf32>
    %eq3A_144 = vector.broadcast %broadcast_in_dim3A_143 : vector<1024x1xf32> to vector<1024x1024xf32>
    %eq3A_145 = arith.cmpf oeq, %select_n3A_140, %eq3A_144 : vector<1024x1024xf32>
    %jit3A_146 = arith.constant 1024 : i32
    %broadcast_in_dim3A_147 = vector.broadcast %jit3A_146 : i32 to vector<1024x1024xi32>
    %select_n3A_148 = arith.select %eq3A_145, %iota3A, %broadcast_in_dim3A_147 : vector<1024x1024xi1>, vector<1024x1024xi32>
    %reduce_min3A_149 = arith.constant dense<2147483647> : vector<1024xi32>
    %reduce_min3A_150 = vector.multi_reduction <minsi>, %select_n3A_148, %reduce_min3A_149 [1] : vector<1024x1024xi32> to vector<1024xi32>
    %broadcast_in_dim3A_151 = vector.shape_cast %reduce_min3A_150 : vector<1024xi32> to vector<1024x1xi32>
    %concatenate3A = tpu.concatenate %broadcast_in_dim3A_23, %broadcast_in_dim3A_39, %broadcast_in_dim3A_55, %broadcast_in_dim3A_71, %broadcast_in_dim3A_87, %broadcast_in_dim3A_103, %broadcast_in_dim3A_119, %broadcast_in_dim3A_135, %broadcast_in_dim3A_151 in 1 : vector<1024x1xi32>, vector<1024x1xi32>, vector<1024x1xi32>, vector<1024x1xi32>, vector<1024x1xi32>, vector<1024x1xi32>, vector<1024x1xi32>, vector<1024x1xi32>, vector<1024x1xi32> -> vector<1024x9xi32>
    %swap3A = arith.constant 0 : index
    %swap3A_152 = arith.constant 0 : index
    %swap3A_153 = arith.constant 0 : index
    %swap3A_154 = vector.load %arg3[%swap3A, %swap3A_152, %swap3A_153] : memref<1x1024x9xi32, #tpu.memory_space<vmem>>, vector<1x1024x9xi32>
    %swap3A_155 = vector.shape_cast %swap3A_154 : vector<1x1024x9xi32> to vector<1024x9xi32>
    %swap3A_156 = vector.shape_cast %concatenate3A : vector<1024x9xi32> to vector<1x1024x9xi32>
    tpu.vector_store %arg3[%swap3A, %swap3A_152, %swap3A_153], %swap3A_156 {strides = array<i32>} : memref<1x1024x9xi32, #tpu.memory_space<vmem>>, vector<1x1024x9xi32>,
    return
  }
  func.func @transform_0(%arg0: i32) -> (i32, i32, i32) {
    %c0_i32 = arith.constant 0 : i32
    %c0_i32_0 = arith.constant 0 : i32
    %c0_i32_1 = arith.constant 0 : i32
    return %arg0, %c0_i32, %c0_i32_0 : i32, i32, i32
  }
  func.func @transform_1(%arg0: i32) -> (i32, i32, i32) {
    %c0_i32 = arith.constant 0 : i32
    %c0_i32_0 = arith.constant 0 : i32
    %c0_i32_1 = arith.constant 0 : i32
    return %arg0, %c0_i32, %c0_i32_0 : i32, i32, i32
  }
  func.func @transform_2(%arg0: i32) -> (i32, i32, i32) {
    %c0_i32 = arith.constant 0 : i32
    %c0_i32_0 = arith.constant 0 : i32
    %c0_i32_1 = arith.constant 0 : i32
    return %arg0, %c0_i32, %c0_i32_0 : i32, i32, i32
  }
}

module attributes {stable_mosaic.version = 14 : i64} {
  func.func @_kvproj_body(%arg0: i32, %arg1: memref<1x1024x256xf32, #tpu.memory_space<vmem>>, %arg2: memref<256x512xbf16, #tpu.memory_space<vmem>>, %arg3: memref<1x256xf32, #tpu.memory_space<vmem>>, %arg4: memref<1x256xf32, #tpu.memory_space<vmem>>, %arg5: memref<1x1024x256xi32, #tpu.memory_space<vmem>>) attributes {dimension_semantics = [#tpu.dimension_semantics<parallel>], iteration_bounds = array<i64: 4>, scalar_prefetch = 0 : i64, scratch_operands = 0 : i64, tpu.core_type = #tpu.core_type<tc>, window_params = [{transform_indices = @transform_0, window_bounds = array<i64: 1, 1024, 256>}, {pipeline_mode = #tpu.pipeline_mode<synchronous>, transform_indices = @transform_1, window_bounds = array<i64: 256, 512>}, {pipeline_mode = #tpu.pipeline_mode<synchronous>, transform_indices = @transform_2, window_bounds = array<i64: 1, 256>}, {pipeline_mode = #tpu.pipeline_mode<synchronous>, transform_indices = @transform_3, window_bounds = array<i64: 1, 256>}, {transform_indices = @transform_4, window_bounds = array<i64: 1, 1024, 256>}]} {
    %get3A = arith.constant 0 : index
    %get3A_0 = arith.constant 0 : index
    %get3A_1 = arith.constant 0 : index
    %get3A_2 = vector.load %arg1[%get3A, %get3A_0, %get3A_1] : memref<1x1024x256xf32, #tpu.memory_space<vmem>>, vector<1x1024x256xf32>
    %get3A_3 = vector.shape_cast %get3A_2 : vector<1x1024x256xf32> to vector<1024x256xf32>
    %get3A_4 = arith.constant 0 : index
    %get3A_5 = arith.constant 0 : index
    %get3A_6 = vector.load %arg3[%get3A_4, %get3A_5] : memref<1x256xf32, #tpu.memory_space<vmem>>, vector<1x256xf32>
    %get3A_7 = arith.constant 0 : index
    %get3A_8 = arith.constant 0 : index
    %get3A_9 = vector.load %arg4[%get3A_7, %get3A_8] : memref<1x256xf32, #tpu.memory_space<vmem>>, vector<1x256xf32>
    %reduce_sum3A = arith.constant dense<0.000000e+00> : vector<1024xf32>
    %reduce_sum3A_10 = vector.multi_reduction <add>, %get3A_3, %reduce_sum3A [1] : vector<1024x256xf32> to vector<1024xf32>
    %broadcast_in_dim3A = vector.shape_cast %reduce_sum3A_10 : vector<1024xf32> to vector<1024x1xf32>
    %div3A = arith.constant 2.560000e+02 : f32
    %div3A_11 = vector.broadcast %div3A : f32 to vector<1024x1xf32>
    %div3A_12 = arith.divf %broadcast_in_dim3A, %div3A_11 : vector<1024x1xf32>
    %jit3A = arith.constant 0 : i32
    %reduce_sum3A_13 = arith.constant dense<0.000000e+00> : vector<1024xf32>
    %reduce_sum3A_14 = vector.multi_reduction <add>, %get3A_3, %reduce_sum3A_13 [1] : vector<1024x256xf32> to vector<1024xf32>
    %broadcast_in_dim3A_15 = vector.shape_cast %reduce_sum3A_14 : vector<1024xf32> to vector<1024x1xf32>
    %div3A_16 = arith.constant 2.560000e+02 : f32
    %div3A_17 = vector.broadcast %div3A_16 : f32 to vector<1024x1xf32>
    %div3A_18 = arith.divf %broadcast_in_dim3A_15, %div3A_17 : vector<1024x1xf32>
    %sub3A = vector.broadcast %div3A_18 : vector<1024x1xf32> to vector<1024x256xf32>
    %sub3A_19 = arith.subf %get3A_3, %sub3A : vector<1024x256xf32>
    %square3A = arith.mulf %sub3A_19, %sub3A_19 : vector<1024x256xf32>
    %convert_element_type3A = arith.sitofp %jit3A : i32 to f32
    %sub3A_20 = arith.constant 2.560000e+02 : f32
    %sub3A_21 = arith.subf %sub3A_20, %convert_element_type3A : f32
    %reduce_sum3A_22 = arith.constant dense<0.000000e+00> : vector<1024xf32>
    %reduce_sum3A_23 = vector.multi_reduction <add>, %square3A, %reduce_sum3A_22 [1] : vector<1024x256xf32> to vector<1024xf32>
    %broadcast_in_dim3A_24 = vector.shape_cast %reduce_sum3A_23 : vector<1024xf32> to vector<1024x1xf32>
    %div3A_25 = vector.broadcast %sub3A_21 : f32 to vector<1024x1xf32>
    %div3A_26 = arith.divf %broadcast_in_dim3A_24, %div3A_25 : vector<1024x1xf32>
    %gt3A = arith.constant 0.000000e+00 : f32
    %gt3A_27 = arith.cmpf ogt, %sub3A_21, %gt3A : f32
    %jit3A_28 = arith.constant 0x7FC00000 : f32
    %broadcast_in_dim3A_29 = vector.broadcast %jit3A_28 : f32 to vector<1024x1xf32>
    %select_n3A = arith.select %gt3A_27, %div3A_26, %broadcast_in_dim3A_29 : vector<1024x1xf32>
    %sub3A_30 = vector.broadcast %div3A_12 : vector<1024x1xf32> to vector<1024x256xf32>
    %sub3A_31 = arith.subf %get3A_3, %sub3A_30 : vector<1024x256xf32>
    %add3A = arith.constant 9.99999974E-6 : f32
    %add3A_32 = vector.broadcast %add3A : f32 to vector<1024x1xf32>
    %add3A_33 = arith.addf %select_n3A, %add3A_32 : vector<1024x1xf32>
    %sqrt3A = math.sqrt %add3A_33 : vector<1024x1xf32>
    %div3A_34 = vector.broadcast %sqrt3A : vector<1024x1xf32> to vector<1024x256xf32>
    %div3A_35 = arith.divf %sub3A_31, %div3A_34 : vector<1024x256xf32>
    %mul3A = vector.broadcast %get3A_6 : vector<1x256xf32> to vector<1024x256xf32>
    %mul3A_36 = arith.mulf %div3A_35, %mul3A : vector<1024x256xf32>
    %add3A_37 = vector.broadcast %get3A_9 : vector<1x256xf32> to vector<1024x256xf32>
    %add3A_38 = arith.addf %mul3A_36, %add3A_37 : vector<1024x256xf32>
    %convert_element_type3A_39 = arith.truncf %add3A_38 : vector<1024x256xf32> to vector<1024x256xbf16>
    %get3A_40 = arith.constant 0 : index
    %get3A_41 = arith.constant 0 : index
    %get3A_42 = vector.load %arg2[%get3A_40, %get3A_41] : memref<256x512xbf16, #tpu.memory_space<vmem>>, vector<256x512xbf16>
    %dot_general3A = arith.constant dense<0.000000e+00> : vector<1024x512xf32>
    %dot_general3A_43 = tpu.matmul %convert_element_type3A_39, %get3A_42, %dot_general3A {dimension_numbers = #tpu.dot_dimension_numbers<[1], [0], [0], [1], [0, 0, 1, 1], [], []>, transpose_lhs_hint = false} : vector<1024x256xbf16>, vector<256x512xbf16>, vector<1024x512xf32> -> vector<1024x512xf32>
    %slice3A = vector.extract_strided_slice %dot_general3A_43 {offsets = [0, 0], sizes = [1024, 256], strides = [1, 1]} : vector<1024x512xf32> to vector<1024x256xf32>
    %convert_element_type3A_44 = arith.truncf %slice3A : vector<1024x256xf32> to vector<1024x256xbf16>
    %bitcast_convert_type3A = tpu.bitcast %convert_element_type3A_44 : vector<1024x256xbf16> -> vector<1024x256xi16>
    %convert_element_type3A_45 = arith.extui %bitcast_convert_type3A : vector<1024x256xi16> to vector<1024x256xi32>
    %slice3A_46 = vector.extract_strided_slice %dot_general3A_43 {offsets = [0, 256], sizes = [1024, 256], strides = [1, 1]} : vector<1024x512xf32> to vector<1024x256xf32>
    %convert_element_type3A_47 = arith.truncf %slice3A_46 : vector<1024x256xf32> to vector<1024x256xbf16>
    %bitcast_convert_type3A_48 = tpu.bitcast %convert_element_type3A_47 : vector<1024x256xbf16> -> vector<1024x256xi16>
    %convert_element_type3A_49 = arith.extui %bitcast_convert_type3A_48 : vector<1024x256xi16> to vector<1024x256xi32>
    %shift_left3A = arith.constant 16 : i32
    %shift_left3A_50 = vector.broadcast %shift_left3A : i32 to vector<1024x256xi32>
    %shift_left3A_51 = arith.shli %convert_element_type3A_45, %shift_left3A_50 : vector<1024x256xi32>
    %or3A = arith.ori %shift_left3A_51, %convert_element_type3A_49 : vector<1024x256xi32>
    %swap3A = arith.constant 0 : index
    %swap3A_52 = arith.constant 0 : index
    %swap3A_53 = arith.constant 0 : index
    %swap3A_54 = vector.load %arg5[%swap3A, %swap3A_52, %swap3A_53] : memref<1x1024x256xi32, #tpu.memory_space<vmem>>, vector<1x1024x256xi32>
    %swap3A_55 = vector.shape_cast %swap3A_54 : vector<1x1024x256xi32> to vector<1024x256xi32>
    %swap3A_56 = vector.shape_cast %or3A : vector<1024x256xi32> to vector<1x1024x256xi32>
    tpu.vector_store %arg5[%swap3A, %swap3A_52, %swap3A_53], %swap3A_56 {strides = array<i32>} : memref<1x1024x256xi32, #tpu.memory_space<vmem>>, vector<1x1024x256xi32>,
    return
  }
  func.func @transform_0(%arg0: i32) -> (i32, i32, i32) {
    %c0_i32 = arith.constant 0 : i32
    %c0_i32_0 = arith.constant 0 : i32
    %c0_i32_1 = arith.constant 0 : i32
    return %arg0, %c0_i32, %c0_i32_0 : i32, i32, i32
  }
  func.func @transform_1(%arg0: i32) -> (i32, i32) {
    %c0_i32 = arith.constant 0 : i32
    %c0_i32_0 = arith.constant 0 : i32
    %c0_i32_1 = arith.constant 0 : i32
    return %c0_i32, %c0_i32_0 : i32, i32
  }
  func.func @transform_2(%arg0: i32) -> (i32, i32) {
    %c0_i32 = arith.constant 0 : i32
    %c0_i32_0 = arith.constant 0 : i32
    %c0_i32_1 = arith.constant 0 : i32
    return %c0_i32, %c0_i32_0 : i32, i32
  }
  func.func @transform_3(%arg0: i32) -> (i32, i32) {
    %c0_i32 = arith.constant 0 : i32
    %c0_i32_0 = arith.constant 0 : i32
    %c0_i32_1 = arith.constant 0 : i32
    return %c0_i32, %c0_i32_0 : i32, i32
  }
  func.func @transform_4(%arg0: i32) -> (i32, i32, i32) {
    %c0_i32 = arith.constant 0 : i32
    %c0_i32_0 = arith.constant 0 : i32
    %c0_i32_1 = arith.constant 0 : i32
    return %arg0, %c0_i32, %c0_i32_0 : i32, i32, i32
  }
}

module attributes {stable_mosaic.version = 14 : i64} {
  func.func @_mhca_body(%arg0: i32, %arg1: memref<1x1024x256xf32, #tpu.memory_space<vmem>>, %arg2: memref<9x1x1024x256xi32, #tpu.memory_space<vmem>>, %arg3: memref<256x256xbf16, #tpu.memory_space<vmem>>, %arg4: memref<256x256xbf16, #tpu.memory_space<vmem>>, %arg5: memref<1x256xf32, #tpu.memory_space<vmem>>, %arg6: memref<1x256xf32, #tpu.memory_space<vmem>>, %arg7: memref<1x256xf32, #tpu.memory_space<vmem>>, %arg8: memref<1x256xf32, #tpu.memory_space<vmem>>, %arg9: memref<256x512xbf16, #tpu.memory_space<vmem>>, %arg10: memref<1x512xf32, #tpu.memory_space<vmem>>, %arg11: memref<512x256xbf16, #tpu.memory_space<vmem>>, %arg12: memref<1x256xf32, #tpu.memory_space<vmem>>, %arg13: memref<1x1024x256xf32, #tpu.memory_space<vmem>>) attributes {dimension_semantics = [#tpu.dimension_semantics<parallel>], iteration_bounds = array<i64: 4>, scalar_prefetch = 0 : i64, scratch_operands = 0 : i64, tpu.core_type = #tpu.core_type<tc>, window_params = [{transform_indices = @transform_0, window_bounds = array<i64: 1, 1024, 256>}, {transform_indices = @transform_1, window_bounds = array<i64: 9, 1, 1024, 256>}, {pipeline_mode = #tpu.pipeline_mode<synchronous>, transform_indices = @transform_2, window_bounds = array<i64: 256, 256>}, {pipeline_mode = #tpu.pipeline_mode<synchronous>, transform_indices = @transform_3, window_bounds = array<i64: 256, 256>}, {pipeline_mode = #tpu.pipeline_mode<synchronous>, transform_indices = @transform_4, window_bounds = array<i64: 1, 256>}, {pipeline_mode = #tpu.pipeline_mode<synchronous>, transform_indices = @transform_5, window_bounds = array<i64: 1, 256>}, {pipeline_mode = #tpu.pipeline_mode<synchronous>, transform_indices = @transform_6, window_bounds = array<i64: 1, 256>}, {pipeline_mode = #tpu.pipeline_mode<synchronous>, transform_indices = @transform_7, window_bounds = array<i64: 1, 256>}, {pipeline_mode = #tpu.pipeline_mode<synchronous>, transform_indices = @transform_8, window_bounds = array<i64: 256, 512>}, {pipeline_mode = #tpu.pipeline_mode<synchronous>, transform_indices = @transform_9, window_bounds = array<i64: 1, 512>}, {pipeline_mode = #tpu.pipeline_mode<synchronous>, transform_indices = @transform_10, window_bounds = array<i64: 512, 256>}, {pipeline_mode = #tpu.pipeline_mode<synchronous>, transform_indices = @transform_11, window_bounds = array<i64: 1, 256>}, {transform_indices = @transform_12, window_bounds = array<i64: 1, 1024, 256>}]} {
    %get3A = arith.constant 0 : index
    %get3A_0 = arith.constant 0 : index
    %get3A_1 = arith.constant 0 : index
    %get3A_2 = vector.load %arg1[%get3A, %get3A_0, %get3A_1] : memref<1x1024x256xf32, #tpu.memory_space<vmem>>, vector<1x1024x256xf32>
    %get3A_3 = vector.shape_cast %get3A_2 : vector<1x1024x256xf32> to vector<1024x256xf32>
    %get3A_4 = arith.constant 0 : index
    %get3A_5 = arith.constant 0 : index
    %get3A_6 = vector.load %arg5[%get3A_4, %get3A_5] : memref<1x256xf32, #tpu.memory_space<vmem>>, vector<1x256xf32>
    %get3A_7 = arith.constant 0 : index
    %get3A_8 = arith.constant 0 : index
    %get3A_9 = vector.load %arg6[%get3A_7, %get3A_8] : memref<1x256xf32, #tpu.memory_space<vmem>>, vector<1x256xf32>
    %reduce_sum3A = arith.constant dense<0.000000e+00> : vector<1024xf32>
    %reduce_sum3A_10 = vector.multi_reduction <add>, %get3A_3, %reduce_sum3A [1] : vector<1024x256xf32> to vector<1024xf32>
    %broadcast_in_dim3A = vector.shape_cast %reduce_sum3A_10 : vector<1024xf32> to vector<1024x1xf32>
    %div3A = arith.constant 2.560000e+02 : f32
    %div3A_11 = vector.broadcast %div3A : f32 to vector<1024x1xf32>
    %div3A_12 = arith.divf %broadcast_in_dim3A, %div3A_11 : vector<1024x1xf32>
    %jit3A = arith.constant 0 : i32
    %reduce_sum3A_13 = arith.constant dense<0.000000e+00> : vector<1024xf32>
    %reduce_sum3A_14 = vector.multi_reduction <add>, %get3A_3, %reduce_sum3A_13 [1] : vector<1024x256xf32> to vector<1024xf32>
    %broadcast_in_dim3A_15 = vector.shape_cast %reduce_sum3A_14 : vector<1024xf32> to vector<1024x1xf32>
    %div3A_16 = arith.constant 2.560000e+02 : f32
    %div3A_17 = vector.broadcast %div3A_16 : f32 to vector<1024x1xf32>
    %div3A_18 = arith.divf %broadcast_in_dim3A_15, %div3A_17 : vector<1024x1xf32>
    %sub3A = vector.broadcast %div3A_18 : vector<1024x1xf32> to vector<1024x256xf32>
    %sub3A_19 = arith.subf %get3A_3, %sub3A : vector<1024x256xf32>
    %square3A = arith.mulf %sub3A_19, %sub3A_19 : vector<1024x256xf32>
    %convert_element_type3A = arith.sitofp %jit3A : i32 to f32
    %sub3A_20 = arith.constant 2.560000e+02 : f32
    %sub3A_21 = arith.subf %sub3A_20, %convert_element_type3A : f32
    %reduce_sum3A_22 = arith.constant dense<0.000000e+00> : vector<1024xf32>
    %reduce_sum3A_23 = vector.multi_reduction <add>, %square3A, %reduce_sum3A_22 [1] : vector<1024x256xf32> to vector<1024xf32>
    %broadcast_in_dim3A_24 = vector.shape_cast %reduce_sum3A_23 : vector<1024xf32> to vector<1024x1xf32>
    %div3A_25 = vector.broadcast %sub3A_21 : f32 to vector<1024x1xf32>
    %div3A_26 = arith.divf %broadcast_in_dim3A_24, %div3A_25 : vector<1024x1xf32>
    %gt3A = arith.constant 0.000000e+00 : f32
    %gt3A_27 = arith.cmpf ogt, %sub3A_21, %gt3A : f32
    %jit3A_28 = arith.constant 0x7FC00000 : f32
    %broadcast_in_dim3A_29 = vector.broadcast %jit3A_28 : f32 to vector<1024x1xf32>
    %select_n3A = arith.select %gt3A_27, %div3A_26, %broadcast_in_dim3A_29 : vector<1024x1xf32>
    %sub3A_30 = vector.broadcast %div3A_12 : vector<1024x1xf32> to vector<1024x256xf32>
    %sub3A_31 = arith.subf %get3A_3, %sub3A_30 : vector<1024x256xf32>
    %add3A = arith.constant 9.99999974E-6 : f32
    %add3A_32 = vector.broadcast %add3A : f32 to vector<1024x1xf32>
    %add3A_33 = arith.addf %select_n3A, %add3A_32 : vector<1024x1xf32>
    %sqrt3A = math.sqrt %add3A_33 : vector<1024x1xf32>
    %div3A_34 = vector.broadcast %sqrt3A : vector<1024x1xf32> to vector<1024x256xf32>
    %div3A_35 = arith.divf %sub3A_31, %div3A_34 : vector<1024x256xf32>
    %mul3A = vector.broadcast %get3A_6 : vector<1x256xf32> to vector<1024x256xf32>
    %mul3A_36 = arith.mulf %div3A_35, %mul3A : vector<1024x256xf32>
    %add3A_37 = vector.broadcast %get3A_9 : vector<1x256xf32> to vector<1024x256xf32>
    %add3A_38 = arith.addf %mul3A_36, %add3A_37 : vector<1024x256xf32>
    %convert_element_type3A_39 = arith.truncf %add3A_38 : vector<1024x256xf32> to vector<1024x256xbf16>
    %get3A_40 = arith.constant 0 : index
    %get3A_41 = arith.constant 0 : index
    %get3A_42 = vector.load %arg3[%get3A_40, %get3A_41] : memref<256x256xbf16, #tpu.memory_space<vmem>>, vector<256x256xbf16>
    %dot_general3A = arith.constant dense<0.000000e+00> : vector<1024x256xf32>
    %dot_general3A_43 = tpu.matmul %convert_element_type3A_39, %get3A_42, %dot_general3A {dimension_numbers = #tpu.dot_dimension_numbers<[1], [0], [0], [1], [0, 0, 1, 1], [], []>, transpose_lhs_hint = false} : vector<1024x256xbf16>, vector<256x256xbf16>, vector<1024x256xf32> -> vector<1024x256xf32>
    %iota3A = tpu.iota {dimensions = array<i32: 0>} : vector<256x8xi32>
    %jit3A_44 = arith.constant 32 : i32
    %div3A_45 = vector.broadcast %jit3A_44 : i32 to vector<256x8xi32>
    %div3A_46 = arith.divsi %iota3A, %div3A_45 : vector<256x8xi32>
    %sign3A = arith.constant 0 : i32
    %sign3A_47 = vector.broadcast %sign3A : i32 to vector<256x8xi32>
    %sign3A_48 = arith.cmpi sgt, %iota3A, %sign3A_47 : vector<256x8xi32>
    %sign3A_49 = arith.extui %sign3A_48 : vector<256x8xi1> to vector<256x8xi32>
    %sign3A_50 = arith.constant 0 : i32
    %sign3A_51 = vector.broadcast %sign3A_50 : i32 to vector<256x8xi32>
    %sign3A_52 = arith.cmpi slt, %iota3A, %sign3A_51 : vector<256x8xi32>
    %sign3A_53 = arith.extui %sign3A_52 : vector<256x8xi1> to vector<256x8xi32>
    %sign3A_54 = arith.subi %sign3A_49, %sign3A_53 : vector<256x8xi32>
    %sign3A_55 = arith.constant 0 : i32
    %sign3A_56 = arith.cmpi sgt, %jit3A_44, %sign3A_55 : i32
    %sign3A_57 = arith.extui %sign3A_56 : i1 to i32
    %sign3A_58 = arith.constant 0 : i32
    %sign3A_59 = arith.cmpi slt, %jit3A_44, %sign3A_58 : i32
    %sign3A_60 = arith.extui %sign3A_59 : i1 to i32
    %sign3A_61 = arith.subi %sign3A_57, %sign3A_60 : i32
    %ne3A = vector.broadcast %sign3A_61 : i32 to vector<256x8xi32>
    %ne3A_62 = arith.cmpi ne, %sign3A_54, %ne3A : vector<256x8xi32>
    %rem3A = vector.broadcast %jit3A_44 : i32 to vector<256x8xi32>
    %rem3A_63 = arith.remsi %iota3A, %rem3A : vector<256x8xi32>
    %ne3A_64 = arith.constant 0 : i32
    %ne3A_65 = vector.broadcast %ne3A_64 : i32 to vector<256x8xi32>
    %ne3A_66 = arith.cmpi ne, %rem3A_63, %ne3A_65 : vector<256x8xi32>
    %and3A = arith.andi %ne3A_62, %ne3A_66 : vector<256x8xi1>
    %sub3A_67 = arith.constant 1 : i32
    %sub3A_68 = vector.broadcast %sub3A_67 : i32 to vector<256x8xi32>
    %sub3A_69 = arith.subi %div3A_46, %sub3A_68 : vector<256x8xi32>
    %select_n3A_70 = arith.select %and3A, %sub3A_69, %div3A_46 : vector<256x8xi1>, vector<256x8xi32>
    %iota3A_71 = tpu.iota {dimensions = array<i32: 1>} : vector<256x8xi32>
    %eq3A = arith.cmpi eq, %select_n3A_70, %iota3A_71 : vector<256x8xi32>
    %convert_element_type3A_72 = arith.extui %eq3A : vector<256x8xi1> to vector<256x8xi32>
    %convert_element_type3A_73 = arith.sitofp %convert_element_type3A_72 : vector<256x8xi32> to vector<256x8xf32>
    %iota3A_74 = tpu.iota {dimensions = array<i32: 0>} : vector<8x256xi32>
    %iota3A_75 = tpu.iota {dimensions = array<i32: 1>} : vector<8x256xi32>
    %jit3A_76 = arith.constant 32 : i32
    %div3A_77 = vector.broadcast %jit3A_76 : i32 to vector<8x256xi32>
    %div3A_78 = arith.divsi %iota3A_75, %div3A_77 : vector<8x256xi32>
    %sign3A_79 = arith.constant 0 : i32
    %sign3A_80 = vector.broadcast %sign3A_79 : i32 to vector<8x256xi32>
    %sign3A_81 = arith.cmpi sgt, %iota3A_75, %sign3A_80 : vector<8x256xi32>
    %sign3A_82 = arith.extui %sign3A_81 : vector<8x256xi1> to vector<8x256xi32>
    %sign3A_83 = arith.constant 0 : i32
    %sign3A_84 = vector.broadcast %sign3A_83 : i32 to vector<8x256xi32>
    %sign3A_85 = arith.cmpi slt, %iota3A_75, %sign3A_84 : vector<8x256xi32>
    %sign3A_86 = arith.extui %sign3A_85 : vector<8x256xi1> to vector<8x256xi32>
    %sign3A_87 = arith.subi %sign3A_82, %sign3A_86 : vector<8x256xi32>
    %sign3A_88 = arith.constant 0 : i32
    %sign3A_89 = arith.cmpi sgt, %jit3A_76, %sign3A_88 : i32
    %sign3A_90 = arith.extui %sign3A_89 : i1 to i32
    %sign3A_91 = arith.constant 0 : i32
    %sign3A_92 = arith.cmpi slt, %jit3A_76, %sign3A_91 : i32
    %sign3A_93 = arith.extui %sign3A_92 : i1 to i32
    %sign3A_94 = arith.subi %sign3A_90, %sign3A_93 : i32
    %ne3A_95 = vector.broadcast %sign3A_94 : i32 to vector<8x256xi32>
    %ne3A_96 = arith.cmpi ne, %sign3A_87, %ne3A_95 : vector<8x256xi32>
    %rem3A_97 = vector.broadcast %jit3A_76 : i32 to vector<8x256xi32>
    %rem3A_98 = arith.remsi %iota3A_75, %rem3A_97 : vector<8x256xi32>
    %ne3A_99 = arith.constant 0 : i32
    %ne3A_100 = vector.broadcast %ne3A_99 : i32 to vector<8x256xi32>
    %ne3A_101 = arith.cmpi ne, %rem3A_98, %ne3A_100 : vector<8x256xi32>
    %and3A_102 = arith.andi %ne3A_96, %ne3A_101 : vector<8x256xi1>
    %sub3A_103 = arith.constant 1 : i32
    %sub3A_104 = vector.broadcast %sub3A_103 : i32 to vector<8x256xi32>
    %sub3A_105 = arith.subi %div3A_78, %sub3A_104 : vector<8x256xi32>
    %select_n3A_106 = arith.select %and3A_102, %sub3A_105, %div3A_78 : vector<8x256xi1>, vector<8x256xi32>
    %eq3A_107 = arith.cmpi eq, %iota3A_74, %select_n3A_106 : vector<8x256xi32>
    %convert_element_type3A_108 = arith.extui %eq3A_107 : vector<8x256xi1> to vector<8x256xi32>
    %convert_element_type3A_109 = arith.sitofp %convert_element_type3A_108 : vector<8x256xi32> to vector<8x256xf32>
    %get3A_110 = arith.constant 0 : index
    %get3A_111 = arith.constant 0 : index
    %get3A_112 = arith.constant 0 : index
    %get3A_113 = arith.constant 0 : index
    %get3A_114 = vector.load %arg2[%get3A_110, %get3A_111, %get3A_112, %get3A_113] : memref<9x1x1024x256xi32, #tpu.memory_space<vmem>>, vector<1x1x1024x256xi32>
    %get3A_115 = vector.shape_cast %get3A_114 : vector<1x1x1024x256xi32> to vector<1024x256xi32>
    %shift_right_logical3A = arith.constant 16 : i32
    %shift_right_logical3A_116 = vector.broadcast %shift_right_logical3A : i32 to vector<1024x256xi32>
    %shift_right_logical3A_117 = arith.shrui %get3A_115, %shift_right_logical3A_116 : vector<1024x256xi32>
    %convert_element_type3A_118 = arith.trunci %shift_right_logical3A_117 : vector<1024x256xi32> to vector<1024x256xi16>
    %bitcast_convert_type3A = tpu.bitcast %convert_element_type3A_118 : vector<1024x256xi16> -> vector<1024x256xbf16>
    %convert_element_type3A_119 = arith.extf %bitcast_convert_type3A : vector<1024x256xbf16> to vector<1024x256xf32>
    %mul3A_120 = arith.mulf %dot_general3A_43, %convert_element_type3A_119 : vector<1024x256xf32>
    %dot_general3A_121 = arith.constant dense<0.000000e+00> : vector<1024x8xf32>
    %dot_general3A_122 = tpu.matmul %mul3A_120, %convert_element_type3A_73, %dot_general3A_121 {dimension_numbers = #tpu.dot_dimension_numbers<[1], [0], [0], [1], [0, 0, 1, 1], [], []>, transpose_lhs_hint = false} : vector<1024x256xf32>, vector<256x8xf32>, vector<1024x8xf32> -> vector<1024x8xf32>
    %mul3A_123 = arith.constant 0.176776692 : f32
    %mul3A_124 = vector.broadcast %mul3A_123 : f32 to vector<1024x8xf32>
    %mul3A_125 = arith.mulf %dot_general3A_122, %mul3A_124 : vector<1024x8xf32>
    %get3A_126 = arith.constant 1 : index
    %get3A_127 = arith.constant 0 : index
    %get3A_128 = arith.constant 0 : index
    %get3A_129 = arith.constant 0 : index
    %get3A_130 = vector.load %arg2[%get3A_126, %get3A_127, %get3A_128, %get3A_129] : memref<9x1x1024x256xi32, #tpu.memory_space<vmem>>, vector<1x1x1024x256xi32>
    %get3A_131 = vector.shape_cast %get3A_130 : vector<1x1x1024x256xi32> to vector<1024x256xi32>
    %shift_right_logical3A_132 = arith.constant 16 : i32
    %shift_right_logical3A_133 = vector.broadcast %shift_right_logical3A_132 : i32 to vector<1024x256xi32>
    %shift_right_logical3A_134 = arith.shrui %get3A_131, %shift_right_logical3A_133 : vector<1024x256xi32>
    %convert_element_type3A_135 = arith.trunci %shift_right_logical3A_134 : vector<1024x256xi32> to vector<1024x256xi16>
    %bitcast_convert_type3A_136 = tpu.bitcast %convert_element_type3A_135 : vector<1024x256xi16> -> vector<1024x256xbf16>
    %convert_element_type3A_137 = arith.extf %bitcast_convert_type3A_136 : vector<1024x256xbf16> to vector<1024x256xf32>
    %mul3A_138 = arith.mulf %dot_general3A_43, %convert_element_type3A_137 : vector<1024x256xf32>
    %dot_general3A_139 = arith.constant dense<0.000000e+00> : vector<1024x8xf32>
    %dot_general3A_140 = tpu.matmul %mul3A_138, %convert_element_type3A_73, %dot_general3A_139 {dimension_numbers = #tpu.dot_dimension_numbers<[1], [0], [0], [1], [0, 0, 1, 1], [], []>, transpose_lhs_hint = false} : vector<1024x256xf32>, vector<256x8xf32>, vector<1024x8xf32> -> vector<1024x8xf32>
    %mul3A_141 = arith.constant 0.176776692 : f32
    %mul3A_142 = vector.broadcast %mul3A_141 : f32 to vector<1024x8xf32>
    %mul3A_143 = arith.mulf %dot_general3A_140, %mul3A_142 : vector<1024x8xf32>
    %get3A_144 = arith.constant 2 : index
    %get3A_145 = arith.constant 0 : index
    %get3A_146 = arith.constant 0 : index
    %get3A_147 = arith.constant 0 : index
    %get3A_148 = vector.load %arg2[%get3A_144, %get3A_145, %get3A_146, %get3A_147] : memref<9x1x1024x256xi32, #tpu.memory_space<vmem>>, vector<1x1x1024x256xi32>
    %get3A_149 = vector.shape_cast %get3A_148 : vector<1x1x1024x256xi32> to vector<1024x256xi32>
    %shift_right_logical3A_150 = arith.constant 16 : i32
    %shift_right_logical3A_151 = vector.broadcast %shift_right_logical3A_150 : i32 to vector<1024x256xi32>
    %shift_right_logical3A_152 = arith.shrui %get3A_149, %shift_right_logical3A_151 : vector<1024x256xi32>
    %convert_element_type3A_153 = arith.trunci %shift_right_logical3A_152 : vector<1024x256xi32> to vector<1024x256xi16>
    %bitcast_convert_type3A_154 = tpu.bitcast %convert_element_type3A_153 : vector<1024x256xi16> -> vector<1024x256xbf16>
    %convert_element_type3A_155 = arith.extf %bitcast_convert_type3A_154 : vector<1024x256xbf16> to vector<1024x256xf32>
    %mul3A_156 = arith.mulf %dot_general3A_43, %convert_element_type3A_155 : vector<1024x256xf32>
    %dot_general3A_157 = arith.constant dense<0.000000e+00> : vector<1024x8xf32>
    %dot_general3A_158 = tpu.matmul %mul3A_156, %convert_element_type3A_73, %dot_general3A_157 {dimension_numbers = #tpu.dot_dimension_numbers<[1], [0], [0], [1], [0, 0, 1, 1], [], []>, transpose_lhs_hint = false} : vector<1024x256xf32>, vector<256x8xf32>, vector<1024x8xf32> -> vector<1024x8xf32>
    %mul3A_159 = arith.constant 0.176776692 : f32
    %mul3A_160 = vector.broadcast %mul3A_159 : f32 to vector<1024x8xf32>
    %mul3A_161 = arith.mulf %dot_general3A_158, %mul3A_160 : vector<1024x8xf32>
    %get3A_162 = arith.constant 3 : index
    %get3A_163 = arith.constant 0 : index
    %get3A_164 = arith.constant 0 : index
    %get3A_165 = arith.constant 0 : index
    %get3A_166 = vector.load %arg2[%get3A_162, %get3A_163, %get3A_164, %get3A_165] : memref<9x1x1024x256xi32, #tpu.memory_space<vmem>>, vector<1x1x1024x256xi32>
    %get3A_167 = vector.shape_cast %get3A_166 : vector<1x1x1024x256xi32> to vector<1024x256xi32>
    %shift_right_logical3A_168 = arith.constant 16 : i32
    %shift_right_logical3A_169 = vector.broadcast %shift_right_logical3A_168 : i32 to vector<1024x256xi32>
    %shift_right_logical3A_170 = arith.shrui %get3A_167, %shift_right_logical3A_169 : vector<1024x256xi32>
    %convert_element_type3A_171 = arith.trunci %shift_right_logical3A_170 : vector<1024x256xi32> to vector<1024x256xi16>
    %bitcast_convert_type3A_172 = tpu.bitcast %convert_element_type3A_171 : vector<1024x256xi16> -> vector<1024x256xbf16>
    %convert_element_type3A_173 = arith.extf %bitcast_convert_type3A_172 : vector<1024x256xbf16> to vector<1024x256xf32>
    %mul3A_174 = arith.mulf %dot_general3A_43, %convert_element_type3A_173 : vector<1024x256xf32>
    %dot_general3A_175 = arith.constant dense<0.000000e+00> : vector<1024x8xf32>
    %dot_general3A_176 = tpu.matmul %mul3A_174, %convert_element_type3A_73, %dot_general3A_175 {dimension_numbers = #tpu.dot_dimension_numbers<[1], [0], [0], [1], [0, 0, 1, 1], [], []>, transpose_lhs_hint = false} : vector<1024x256xf32>, vector<256x8xf32>, vector<1024x8xf32> -> vector<1024x8xf32>
    %mul3A_177 = arith.constant 0.176776692 : f32
    %mul3A_178 = vector.broadcast %mul3A_177 : f32 to vector<1024x8xf32>
    %mul3A_179 = arith.mulf %dot_general3A_176, %mul3A_178 : vector<1024x8xf32>
    %get3A_180 = arith.constant 4 : index
    %get3A_181 = arith.constant 0 : index
    %get3A_182 = arith.constant 0 : index
    %get3A_183 = arith.constant 0 : index
    %get3A_184 = vector.load %arg2[%get3A_180, %get3A_181, %get3A_182, %get3A_183] : memref<9x1x1024x256xi32, #tpu.memory_space<vmem>>, vector<1x1x1024x256xi32>
    %get3A_185 = vector.shape_cast %get3A_184 : vector<1x1x1024x256xi32> to vector<1024x256xi32>
    %shift_right_logical3A_186 = arith.constant 16 : i32
    %shift_right_logical3A_187 = vector.broadcast %shift_right_logical3A_186 : i32 to vector<1024x256xi32>
    %shift_right_logical3A_188 = arith.shrui %get3A_185, %shift_right_logical3A_187 : vector<1024x256xi32>
    %convert_element_type3A_189 = arith.trunci %shift_right_logical3A_188 : vector<1024x256xi32> to vector<1024x256xi16>
    %bitcast_convert_type3A_190 = tpu.bitcast %convert_element_type3A_189 : vector<1024x256xi16> -> vector<1024x256xbf16>
    %convert_element_type3A_191 = arith.extf %bitcast_convert_type3A_190 : vector<1024x256xbf16> to vector<1024x256xf32>
    %mul3A_192 = arith.mulf %dot_general3A_43, %convert_element_type3A_191 : vector<1024x256xf32>
    %dot_general3A_193 = arith.constant dense<0.000000e+00> : vector<1024x8xf32>
    %dot_general3A_194 = tpu.matmul %mul3A_192, %convert_element_type3A_73, %dot_general3A_193 {dimension_numbers = #tpu.dot_dimension_numbers<[1], [0], [0], [1], [0, 0, 1, 1], [], []>, transpose_lhs_hint = false} : vector<1024x256xf32>, vector<256x8xf32>, vector<1024x8xf32> -> vector<1024x8xf32>
    %mul3A_195 = arith.constant 0.176776692 : f32
    %mul3A_196 = vector.broadcast %mul3A_195 : f32 to vector<1024x8xf32>
    %mul3A_197 = arith.mulf %dot_general3A_194, %mul3A_196 : vector<1024x8xf32>
    %get3A_198 = arith.constant 5 : index
    %get3A_199 = arith.constant 0 : index
    %get3A_200 = arith.constant 0 : index
    %get3A_201 = arith.constant 0 : index
    %get3A_202 = vector.load %arg2[%get3A_198, %get3A_199, %get3A_200, %get3A_201] : memref<9x1x1024x256xi32, #tpu.memory_space<vmem>>, vector<1x1x1024x256xi32>
    %get3A_203 = vector.shape_cast %get3A_202 : vector<1x1x1024x256xi32> to vector<1024x256xi32>
    %shift_right_logical3A_204 = arith.constant 16 : i32
    %shift_right_logical3A_205 = vector.broadcast %shift_right_logical3A_204 : i32 to vector<1024x256xi32>
    %shift_right_logical3A_206 = arith.shrui %get3A_203, %shift_right_logical3A_205 : vector<1024x256xi32>
    %convert_element_type3A_207 = arith.trunci %shift_right_logical3A_206 : vector<1024x256xi32> to vector<1024x256xi16>
    %bitcast_convert_type3A_208 = tpu.bitcast %convert_element_type3A_207 : vector<1024x256xi16> -> vector<1024x256xbf16>
    %convert_element_type3A_209 = arith.extf %bitcast_convert_type3A_208 : vector<1024x256xbf16> to vector<1024x256xf32>
    %mul3A_210 = arith.mulf %dot_general3A_43, %convert_element_type3A_209 : vector<1024x256xf32>
    %dot_general3A_211 = arith.constant dense<0.000000e+00> : vector<1024x8xf32>
    %dot_general3A_212 = tpu.matmul %mul3A_210, %convert_element_type3A_73, %dot_general3A_211 {dimension_numbers = #tpu.dot_dimension_numbers<[1], [0], [0], [1], [0, 0, 1, 1], [], []>, transpose_lhs_hint = false} : vector<1024x256xf32>, vector<256x8xf32>, vector<1024x8xf32> -> vector<1024x8xf32>
    %mul3A_213 = arith.constant 0.176776692 : f32
    %mul3A_214 = vector.broadcast %mul3A_213 : f32 to vector<1024x8xf32>
    %mul3A_215 = arith.mulf %dot_general3A_212, %mul3A_214 : vector<1024x8xf32>
    %get3A_216 = arith.constant 6 : index
    %get3A_217 = arith.constant 0 : index
    %get3A_218 = arith.constant 0 : index
    %get3A_219 = arith.constant 0 : index
    %get3A_220 = vector.load %arg2[%get3A_216, %get3A_217, %get3A_218, %get3A_219] : memref<9x1x1024x256xi32, #tpu.memory_space<vmem>>, vector<1x1x1024x256xi32>
    %get3A_221 = vector.shape_cast %get3A_220 : vector<1x1x1024x256xi32> to vector<1024x256xi32>
    %shift_right_logical3A_222 = arith.constant 16 : i32
    %shift_right_logical3A_223 = vector.broadcast %shift_right_logical3A_222 : i32 to vector<1024x256xi32>
    %shift_right_logical3A_224 = arith.shrui %get3A_221, %shift_right_logical3A_223 : vector<1024x256xi32>
    %convert_element_type3A_225 = arith.trunci %shift_right_logical3A_224 : vector<1024x256xi32> to vector<1024x256xi16>
    %bitcast_convert_type3A_226 = tpu.bitcast %convert_element_type3A_225 : vector<1024x256xi16> -> vector<1024x256xbf16>
    %convert_element_type3A_227 = arith.extf %bitcast_convert_type3A_226 : vector<1024x256xbf16> to vector<1024x256xf32>
    %mul3A_228 = arith.mulf %dot_general3A_43, %convert_element_type3A_227 : vector<1024x256xf32>
    %dot_general3A_229 = arith.constant dense<0.000000e+00> : vector<1024x8xf32>
    %dot_general3A_230 = tpu.matmul %mul3A_228, %convert_element_type3A_73, %dot_general3A_229 {dimension_numbers = #tpu.dot_dimension_numbers<[1], [0], [0], [1], [0, 0, 1, 1], [], []>, transpose_lhs_hint = false} : vector<1024x256xf32>, vector<256x8xf32>, vector<1024x8xf32> -> vector<1024x8xf32>
    %mul3A_231 = arith.constant 0.176776692 : f32
    %mul3A_232 = vector.broadcast %mul3A_231 : f32 to vector<1024x8xf32>
    %mul3A_233 = arith.mulf %dot_general3A_230, %mul3A_232 : vector<1024x8xf32>
    %get3A_234 = arith.constant 7 : index
    %get3A_235 = arith.constant 0 : index
    %get3A_236 = arith.constant 0 : index
    %get3A_237 = arith.constant 0 : index
    %get3A_238 = vector.load %arg2[%get3A_234, %get3A_235, %get3A_236, %get3A_237] : memref<9x1x1024x256xi32, #tpu.memory_space<vmem>>, vector<1x1x1024x256xi32>
    %get3A_239 = vector.shape_cast %get3A_238 : vector<1x1x1024x256xi32> to vector<1024x256xi32>
    %shift_right_logical3A_240 = arith.constant 16 : i32
    %shift_right_logical3A_241 = vector.broadcast %shift_right_logical3A_240 : i32 to vector<1024x256xi32>
    %shift_right_logical3A_242 = arith.shrui %get3A_239, %shift_right_logical3A_241 : vector<1024x256xi32>
    %convert_element_type3A_243 = arith.trunci %shift_right_logical3A_242 : vector<1024x256xi32> to vector<1024x256xi16>
    %bitcast_convert_type3A_244 = tpu.bitcast %convert_element_type3A_243 : vector<1024x256xi16> -> vector<1024x256xbf16>
    %convert_element_type3A_245 = arith.extf %bitcast_convert_type3A_244 : vector<1024x256xbf16> to vector<1024x256xf32>
    %mul3A_246 = arith.mulf %dot_general3A_43, %convert_element_type3A_245 : vector<1024x256xf32>
    %dot_general3A_247 = arith.constant dense<0.000000e+00> : vector<1024x8xf32>
    %dot_general3A_248 = tpu.matmul %mul3A_246, %convert_element_type3A_73, %dot_general3A_247 {dimension_numbers = #tpu.dot_dimension_numbers<[1], [0], [0], [1], [0, 0, 1, 1], [], []>, transpose_lhs_hint = false} : vector<1024x256xf32>, vector<256x8xf32>, vector<1024x8xf32> -> vector<1024x8xf32>
    %mul3A_249 = arith.constant 0.176776692 : f32
    %mul3A_250 = vector.broadcast %mul3A_249 : f32 to vector<1024x8xf32>
    %mul3A_251 = arith.mulf %dot_general3A_248, %mul3A_250 : vector<1024x8xf32>
    %get3A_252 = arith.constant 8 : index
    %get3A_253 = arith.constant 0 : index
    %get3A_254 = arith.constant 0 : index
    %get3A_255 = arith.constant 0 : index
    %get3A_256 = vector.load %arg2[%get3A_252, %get3A_253, %get3A_254, %get3A_255] : memref<9x1x1024x256xi32, #tpu.memory_space<vmem>>, vector<1x1x1024x256xi32>
    %get3A_257 = vector.shape_cast %get3A_256 : vector<1x1x1024x256xi32> to vector<1024x256xi32>
    %shift_right_logical3A_258 = arith.constant 16 : i32
    %shift_right_logical3A_259 = vector.broadcast %shift_right_logical3A_258 : i32 to vector<1024x256xi32>
    %shift_right_logical3A_260 = arith.shrui %get3A_257, %shift_right_logical3A_259 : vector<1024x256xi32>
    %convert_element_type3A_261 = arith.trunci %shift_right_logical3A_260 : vector<1024x256xi32> to vector<1024x256xi16>
    %bitcast_convert_type3A_262 = tpu.bitcast %convert_element_type3A_261 : vector<1024x256xi16> -> vector<1024x256xbf16>
    %convert_element_type3A_263 = arith.extf %bitcast_convert_type3A_262 : vector<1024x256xbf16> to vector<1024x256xf32>
    %mul3A_264 = arith.mulf %dot_general3A_43, %convert_element_type3A_263 : vector<1024x256xf32>
    %dot_general3A_265 = arith.constant dense<0.000000e+00> : vector<1024x8xf32>
    %dot_general3A_266 = tpu.matmul %mul3A_264, %convert_element_type3A_73, %dot_general3A_265 {dimension_numbers = #tpu.dot_dimension_numbers<[1], [0], [0], [1], [0, 0, 1, 1], [], []>, transpose_lhs_hint = false} : vector<1024x256xf32>, vector<256x8xf32>, vector<1024x8xf32> -> vector<1024x8xf32>
    %mul3A_267 = arith.constant 0.176776692 : f32
    %mul3A_268 = vector.broadcast %mul3A_267 : f32 to vector<1024x8xf32>
    %mul3A_269 = arith.mulf %dot_general3A_266, %mul3A_268 : vector<1024x8xf32>
    %max3A = arith.maximumf %mul3A_125, %mul3A_143 : vector<1024x8xf32>
    %max3A_270 = arith.maximumf %max3A, %mul3A_161 : vector<1024x8xf32>
    %max3A_271 = arith.maximumf %max3A_270, %mul3A_179 : vector<1024x8xf32>
    %max3A_272 = arith.maximumf %max3A_271, %mul3A_197 : vector<1024x8xf32>
    %max3A_273 = arith.maximumf %max3A_272, %mul3A_215 : vector<1024x8xf32>
    %max3A_274 = arith.maximumf %max3A_273, %mul3A_233 : vector<1024x8xf32>
    %max3A_275 = arith.maximumf %max3A_274, %mul3A_251 : vector<1024x8xf32>
    %max3A_276 = arith.maximumf %max3A_275, %mul3A_269 : vector<1024x8xf32>
    %sub3A_277 = arith.subf %mul3A_125, %max3A_276 : vector<1024x8xf32>
    %exp3A = math.exp %sub3A_277 : vector<1024x8xf32>
    %sub3A_278 = arith.subf %mul3A_143, %max3A_276 : vector<1024x8xf32>
    %exp3A_279 = math.exp %sub3A_278 : vector<1024x8xf32>
    %sub3A_280 = arith.subf %mul3A_161, %max3A_276 : vector<1024x8xf32>
    %exp3A_281 = math.exp %sub3A_280 : vector<1024x8xf32>
    %sub3A_282 = arith.subf %mul3A_179, %max3A_276 : vector<1024x8xf32>
    %exp3A_283 = math.exp %sub3A_282 : vector<1024x8xf32>
    %sub3A_284 = arith.subf %mul3A_197, %max3A_276 : vector<1024x8xf32>
    %exp3A_285 = math.exp %sub3A_284 : vector<1024x8xf32>
    %sub3A_286 = arith.subf %mul3A_215, %max3A_276 : vector<1024x8xf32>
    %exp3A_287 = math.exp %sub3A_286 : vector<1024x8xf32>
    %sub3A_288 = arith.subf %mul3A_233, %max3A_276 : vector<1024x8xf32>
    %exp3A_289 = math.exp %sub3A_288 : vector<1024x8xf32>
    %sub3A_290 = arith.subf %mul3A_251, %max3A_276 : vector<1024x8xf32>
    %exp3A_291 = math.exp %sub3A_290 : vector<1024x8xf32>
    %sub3A_292 = arith.subf %mul3A_269, %max3A_276 : vector<1024x8xf32>
    %exp3A_293 = math.exp %sub3A_292 : vector<1024x8xf32>
    %add3A_294 = arith.addf %exp3A, %exp3A_279 : vector<1024x8xf32>
    %add3A_295 = arith.addf %add3A_294, %exp3A_281 : vector<1024x8xf32>
    %add3A_296 = arith.addf %add3A_295, %exp3A_283 : vector<1024x8xf32>
    %add3A_297 = arith.addf %add3A_296, %exp3A_285 : vector<1024x8xf32>
    %add3A_298 = arith.addf %add3A_297, %exp3A_287 : vector<1024x8xf32>
    %add3A_299 = arith.addf %add3A_298, %exp3A_289 : vector<1024x8xf32>
    %add3A_300 = arith.addf %add3A_299, %exp3A_291 : vector<1024x8xf32>
    %add3A_301 = arith.addf %add3A_300, %exp3A_293 : vector<1024x8xf32>
    %div3A_302 = arith.constant 1.000000e+00 : f32
    %div3A_303 = vector.broadcast %div3A_302 : f32 to vector<1024x8xf32>
    %div3A_304 = arith.divf %div3A_303, %add3A_301 : vector<1024x8xf32>
    %broadcast_in_dim3A_305 = arith.constant 0.000000e+00 : f32
    %broadcast_in_dim3A_306 = vector.broadcast %broadcast_in_dim3A_305 : f32 to vector<1024x256xf32>
    %get3A_307 = arith.constant 0 : index
    %get3A_308 = arith.constant 0 : index
    %get3A_309 = arith.constant 0 : index
    %get3A_310 = arith.constant 0 : index
    %get3A_311 = vector.load %arg2[%get3A_307, %get3A_308, %get3A_309, %get3A_310] : memref<9x1x1024x256xi32, #tpu.memory_space<vmem>>, vector<1x1x1024x256xi32>
    %get3A_312 = vector.shape_cast %get3A_311 : vector<1x1x1024x256xi32> to vector<1024x256xi32>
    %convert_element_type3A_313 = arith.trunci %get3A_312 : vector<1024x256xi32> to vector<1024x256xi16>
    %bitcast_convert_type3A_314 = tpu.bitcast %convert_element_type3A_313 : vector<1024x256xi16> -> vector<1024x256xbf16>
    %convert_element_type3A_315 = arith.extf %bitcast_convert_type3A_314 : vector<1024x256xbf16> to vector<1024x256xf32>
    %mul3A_316 = arith.mulf %exp3A, %div3A_304 : vector<1024x8xf32>
    %dot_general3A_317 = arith.constant dense<0.000000e+00> : vector<1024x256xf32>
    %dot_general3A_318 = tpu.matmul %mul3A_316, %convert_element_type3A_109, %dot_general3A_317 {dimension_numbers = #tpu.dot_dimension_numbers<[1], [0], [0], [1], [0, 0, 1, 1], [], []>, transpose_lhs_hint = false} : vector<1024x8xf32>, vector<8x256xf32>, vector<1024x256xf32> -> vector<1024x256xf32>
    %mul3A_319 = arith.mulf %dot_general3A_318, %convert_element_type3A_315 : vector<1024x256xf32>
    %add3A_320 = arith.addf %broadcast_in_dim3A_306, %mul3A_319 : vector<1024x256xf32>
    %get3A_321 = arith.constant 1 : index
    %get3A_322 = arith.constant 0 : index
    %get3A_323 = arith.constant 0 : index
    %get3A_324 = arith.constant 0 : index
    %get3A_325 = vector.load %arg2[%get3A_321, %get3A_322, %get3A_323, %get3A_324] : memref<9x1x1024x256xi32, #tpu.memory_space<vmem>>, vector<1x1x1024x256xi32>
    %get3A_326 = vector.shape_cast %get3A_325 : vector<1x1x1024x256xi32> to vector<1024x256xi32>
    %convert_element_type3A_327 = arith.trunci %get3A_326 : vector<1024x256xi32> to vector<1024x256xi16>
    %bitcast_convert_type3A_328 = tpu.bitcast %convert_element_type3A_327 : vector<1024x256xi16> -> vector<1024x256xbf16>
    %convert_element_type3A_329 = arith.extf %bitcast_convert_type3A_328 : vector<1024x256xbf16> to vector<1024x256xf32>
    %mul3A_330 = arith.mulf %exp3A_279, %div3A_304 : vector<1024x8xf32>
    %dot_general3A_331 = arith.constant dense<0.000000e+00> : vector<1024x256xf32>
    %dot_general3A_332 = tpu.matmul %mul3A_330, %convert_element_type3A_109, %dot_general3A_331 {dimension_numbers = #tpu.dot_dimension_numbers<[1], [0], [0], [1], [0, 0, 1, 1], [], []>, transpose_lhs_hint = false} : vector<1024x8xf32>, vector<8x256xf32>, vector<1024x256xf32> -> vector<1024x256xf32>
    %mul3A_333 = arith.mulf %dot_general3A_332, %convert_element_type3A_329 : vector<1024x256xf32>
    %add3A_334 = arith.addf %add3A_320, %mul3A_333 : vector<1024x256xf32>
    %get3A_335 = arith.constant 2 : index
    %get3A_336 = arith.constant 0 : index
    %get3A_337 = arith.constant 0 : index
    %get3A_338 = arith.constant 0 : index
    %get3A_339 = vector.load %arg2[%get3A_335, %get3A_336, %get3A_337, %get3A_338] : memref<9x1x1024x256xi32, #tpu.memory_space<vmem>>, vector<1x1x1024x256xi32>
    %get3A_340 = vector.shape_cast %get3A_339 : vector<1x1x1024x256xi32> to vector<1024x256xi32>
    %convert_element_type3A_341 = arith.trunci %get3A_340 : vector<1024x256xi32> to vector<1024x256xi16>
    %bitcast_convert_type3A_342 = tpu.bitcast %convert_element_type3A_341 : vector<1024x256xi16> -> vector<1024x256xbf16>
    %convert_element_type3A_343 = arith.extf %bitcast_convert_type3A_342 : vector<1024x256xbf16> to vector<1024x256xf32>
    %mul3A_344 = arith.mulf %exp3A_281, %div3A_304 : vector<1024x8xf32>
    %dot_general3A_345 = arith.constant dense<0.000000e+00> : vector<1024x256xf32>
    %dot_general3A_346 = tpu.matmul %mul3A_344, %convert_element_type3A_109, %dot_general3A_345 {dimension_numbers = #tpu.dot_dimension_numbers<[1], [0], [0], [1], [0, 0, 1, 1], [], []>, transpose_lhs_hint = false} : vector<1024x8xf32>, vector<8x256xf32>, vector<1024x256xf32> -> vector<1024x256xf32>
    %mul3A_347 = arith.mulf %dot_general3A_346, %convert_element_type3A_343 : vector<1024x256xf32>
    %add3A_348 = arith.addf %add3A_334, %mul3A_347 : vector<1024x256xf32>
    %get3A_349 = arith.constant 3 : index
    %get3A_350 = arith.constant 0 : index
    %get3A_351 = arith.constant 0 : index
    %get3A_352 = arith.constant 0 : index
    %get3A_353 = vector.load %arg2[%get3A_349, %get3A_350, %get3A_351, %get3A_352] : memref<9x1x1024x256xi32, #tpu.memory_space<vmem>>, vector<1x1x1024x256xi32>
    %get3A_354 = vector.shape_cast %get3A_353 : vector<1x1x1024x256xi32> to vector<1024x256xi32>
    %convert_element_type3A_355 = arith.trunci %get3A_354 : vector<1024x256xi32> to vector<1024x256xi16>
    %bitcast_convert_type3A_356 = tpu.bitcast %convert_element_type3A_355 : vector<1024x256xi16> -> vector<1024x256xbf16>
    %convert_element_type3A_357 = arith.extf %bitcast_convert_type3A_356 : vector<1024x256xbf16> to vector<1024x256xf32>
    %mul3A_358 = arith.mulf %exp3A_283, %div3A_304 : vector<1024x8xf32>
    %dot_general3A_359 = arith.constant dense<0.000000e+00> : vector<1024x256xf32>
    %dot_general3A_360 = tpu.matmul %mul3A_358, %convert_element_type3A_109, %dot_general3A_359 {dimension_numbers = #tpu.dot_dimension_numbers<[1], [0], [0], [1], [0, 0, 1, 1], [], []>, transpose_lhs_hint = false} : vector<1024x8xf32>, vector<8x256xf32>, vector<1024x256xf32> -> vector<1024x256xf32>
    %mul3A_361 = arith.mulf %dot_general3A_360, %convert_element_type3A_357 : vector<1024x256xf32>
    %add3A_362 = arith.addf %add3A_348, %mul3A_361 : vector<1024x256xf32>
    %get3A_363 = arith.constant 4 : index
    %get3A_364 = arith.constant 0 : index
    %get3A_365 = arith.constant 0 : index
    %get3A_366 = arith.constant 0 : index
    %get3A_367 = vector.load %arg2[%get3A_363, %get3A_364, %get3A_365, %get3A_366] : memref<9x1x1024x256xi32, #tpu.memory_space<vmem>>, vector<1x1x1024x256xi32>
    %get3A_368 = vector.shape_cast %get3A_367 : vector<1x1x1024x256xi32> to vector<1024x256xi32>
    %convert_element_type3A_369 = arith.trunci %get3A_368 : vector<1024x256xi32> to vector<1024x256xi16>
    %bitcast_convert_type3A_370 = tpu.bitcast %convert_element_type3A_369 : vector<1024x256xi16> -> vector<1024x256xbf16>
    %convert_element_type3A_371 = arith.extf %bitcast_convert_type3A_370 : vector<1024x256xbf16> to vector<1024x256xf32>
    %mul3A_372 = arith.mulf %exp3A_285, %div3A_304 : vector<1024x8xf32>
    %dot_general3A_373 = arith.constant dense<0.000000e+00> : vector<1024x256xf32>
    %dot_general3A_374 = tpu.matmul %mul3A_372, %convert_element_type3A_109, %dot_general3A_373 {dimension_numbers = #tpu.dot_dimension_numbers<[1], [0], [0], [1], [0, 0, 1, 1], [], []>, transpose_lhs_hint = false} : vector<1024x8xf32>, vector<8x256xf32>, vector<1024x256xf32> -> vector<1024x256xf32>
    %mul3A_375 = arith.mulf %dot_general3A_374, %convert_element_type3A_371 : vector<1024x256xf32>
    %add3A_376 = arith.addf %add3A_362, %mul3A_375 : vector<1024x256xf32>
    %get3A_377 = arith.constant 5 : index
    %get3A_378 = arith.constant 0 : index
    %get3A_379 = arith.constant 0 : index
    %get3A_380 = arith.constant 0 : index
    %get3A_381 = vector.load %arg2[%get3A_377, %get3A_378, %get3A_379, %get3A_380] : memref<9x1x1024x256xi32, #tpu.memory_space<vmem>>, vector<1x1x1024x256xi32>
    %get3A_382 = vector.shape_cast %get3A_381 : vector<1x1x1024x256xi32> to vector<1024x256xi32>
    %convert_element_type3A_383 = arith.trunci %get3A_382 : vector<1024x256xi32> to vector<1024x256xi16>
    %bitcast_convert_type3A_384 = tpu.bitcast %convert_element_type3A_383 : vector<1024x256xi16> -> vector<1024x256xbf16>
    %convert_element_type3A_385 = arith.extf %bitcast_convert_type3A_384 : vector<1024x256xbf16> to vector<1024x256xf32>
    %mul3A_386 = arith.mulf %exp3A_287, %div3A_304 : vector<1024x8xf32>
    %dot_general3A_387 = arith.constant dense<0.000000e+00> : vector<1024x256xf32>
    %dot_general3A_388 = tpu.matmul %mul3A_386, %convert_element_type3A_109, %dot_general3A_387 {dimension_numbers = #tpu.dot_dimension_numbers<[1], [0], [0], [1], [0, 0, 1, 1], [], []>, transpose_lhs_hint = false} : vector<1024x8xf32>, vector<8x256xf32>, vector<1024x256xf32> -> vector<1024x256xf32>
    %mul3A_389 = arith.mulf %dot_general3A_388, %convert_element_type3A_385 : vector<1024x256xf32>
    %add3A_390 = arith.addf %add3A_376, %mul3A_389 : vector<1024x256xf32>
    %get3A_391 = arith.constant 6 : index
    %get3A_392 = arith.constant 0 : index
    %get3A_393 = arith.constant 0 : index
    %get3A_394 = arith.constant 0 : index
    %get3A_395 = vector.load %arg2[%get3A_391, %get3A_392, %get3A_393, %get3A_394] : memref<9x1x1024x256xi32, #tpu.memory_space<vmem>>, vector<1x1x1024x256xi32>
    %get3A_396 = vector.shape_cast %get3A_395 : vector<1x1x1024x256xi32> to vector<1024x256xi32>
    %convert_element_type3A_397 = arith.trunci %get3A_396 : vector<1024x256xi32> to vector<1024x256xi16>
    %bitcast_convert_type3A_398 = tpu.bitcast %convert_element_type3A_397 : vector<1024x256xi16> -> vector<1024x256xbf16>
    %convert_element_type3A_399 = arith.extf %bitcast_convert_type3A_398 : vector<1024x256xbf16> to vector<1024x256xf32>
    %mul3A_400 = arith.mulf %exp3A_289, %div3A_304 : vector<1024x8xf32>
    %dot_general3A_401 = arith.constant dense<0.000000e+00> : vector<1024x256xf32>
    %dot_general3A_402 = tpu.matmul %mul3A_400, %convert_element_type3A_109, %dot_general3A_401 {dimension_numbers = #tpu.dot_dimension_numbers<[1], [0], [0], [1], [0, 0, 1, 1], [], []>, transpose_lhs_hint = false} : vector<1024x8xf32>, vector<8x256xf32>, vector<1024x256xf32> -> vector<1024x256xf32>
    %mul3A_403 = arith.mulf %dot_general3A_402, %convert_element_type3A_399 : vector<1024x256xf32>
    %add3A_404 = arith.addf %add3A_390, %mul3A_403 : vector<1024x256xf32>
    %get3A_405 = arith.constant 7 : index
    %get3A_406 = arith.constant 0 : index
    %get3A_407 = arith.constant 0 : index
    %get3A_408 = arith.constant 0 : index
    %get3A_409 = vector.load %arg2[%get3A_405, %get3A_406, %get3A_407, %get3A_408] : memref<9x1x1024x256xi32, #tpu.memory_space<vmem>>, vector<1x1x1024x256xi32>
    %get3A_410 = vector.shape_cast %get3A_409 : vector<1x1x1024x256xi32> to vector<1024x256xi32>
    %convert_element_type3A_411 = arith.trunci %get3A_410 : vector<1024x256xi32> to vector<1024x256xi16>
    %bitcast_convert_type3A_412 = tpu.bitcast %convert_element_type3A_411 : vector<1024x256xi16> -> vector<1024x256xbf16>
    %convert_element_type3A_413 = arith.extf %bitcast_convert_type3A_412 : vector<1024x256xbf16> to vector<1024x256xf32>
    %mul3A_414 = arith.mulf %exp3A_291, %div3A_304 : vector<1024x8xf32>
    %dot_general3A_415 = arith.constant dense<0.000000e+00> : vector<1024x256xf32>
    %dot_general3A_416 = tpu.matmul %mul3A_414, %convert_element_type3A_109, %dot_general3A_415 {dimension_numbers = #tpu.dot_dimension_numbers<[1], [0], [0], [1], [0, 0, 1, 1], [], []>, transpose_lhs_hint = false} : vector<1024x8xf32>, vector<8x256xf32>, vector<1024x256xf32> -> vector<1024x256xf32>
    %mul3A_417 = arith.mulf %dot_general3A_416, %convert_element_type3A_413 : vector<1024x256xf32>
    %add3A_418 = arith.addf %add3A_404, %mul3A_417 : vector<1024x256xf32>
    %get3A_419 = arith.constant 8 : index
    %get3A_420 = arith.constant 0 : index
    %get3A_421 = arith.constant 0 : index
    %get3A_422 = arith.constant 0 : index
    %get3A_423 = vector.load %arg2[%get3A_419, %get3A_420, %get3A_421, %get3A_422] : memref<9x1x1024x256xi32, #tpu.memory_space<vmem>>, vector<1x1x1024x256xi32>
    %get3A_424 = vector.shape_cast %get3A_423 : vector<1x1x1024x256xi32> to vector<1024x256xi32>
    %convert_element_type3A_425 = arith.trunci %get3A_424 : vector<1024x256xi32> to vector<1024x256xi16>
    %bitcast_convert_type3A_426 = tpu.bitcast %convert_element_type3A_425 : vector<1024x256xi16> -> vector<1024x256xbf16>
    %convert_element_type3A_427 = arith.extf %bitcast_convert_type3A_426 : vector<1024x256xbf16> to vector<1024x256xf32>
    %mul3A_428 = arith.mulf %exp3A_293, %div3A_304 : vector<1024x8xf32>
    %dot_general3A_429 = arith.constant dense<0.000000e+00> : vector<1024x256xf32>
    %dot_general3A_430 = tpu.matmul %mul3A_428, %convert_element_type3A_109, %dot_general3A_429 {dimension_numbers = #tpu.dot_dimension_numbers<[1], [0], [0], [1], [0, 0, 1, 1], [], []>, transpose_lhs_hint = false} : vector<1024x8xf32>, vector<8x256xf32>, vector<1024x256xf32> -> vector<1024x256xf32>
    %mul3A_431 = arith.mulf %dot_general3A_430, %convert_element_type3A_427 : vector<1024x256xf32>
    %add3A_432 = arith.addf %add3A_418, %mul3A_431 : vector<1024x256xf32>
    %convert_element_type3A_433 = arith.truncf %add3A_432 : vector<1024x256xf32> to vector<1024x256xbf16>
    %get3A_434 = arith.constant 0 : index
    %get3A_435 = arith.constant 0 : index
    %get3A_436 = vector.load %arg4[%get3A_434, %get3A_435] : memref<256x256xbf16, #tpu.memory_space<vmem>>, vector<256x256xbf16>
    %dot_general3A_437 = arith.constant dense<0.000000e+00> : vector<1024x256xf32>
    %dot_general3A_438 = tpu.matmul %convert_element_type3A_433, %get3A_436, %dot_general3A_437 {dimension_numbers = #tpu.dot_dimension_numbers<[1], [0], [0], [1], [0, 0, 1, 1], [], []>, transpose_lhs_hint = false} : vector<1024x256xbf16>, vector<256x256xbf16>, vector<1024x256xf32> -> vector<1024x256xf32>
    %add3A_439 = arith.addf %get3A_3, %dot_general3A_438 : vector<1024x256xf32>
    %get3A_440 = arith.constant 0 : index
    %get3A_441 = arith.constant 0 : index
    %get3A_442 = vector.load %arg7[%get3A_440, %get3A_441] : memref<1x256xf32, #tpu.memory_space<vmem>>, vector<1x256xf32>
    %get3A_443 = arith.constant 0 : index
    %get3A_444 = arith.constant 0 : index
    %get3A_445 = vector.load %arg8[%get3A_443, %get3A_444] : memref<1x256xf32, #tpu.memory_space<vmem>>, vector<1x256xf32>
    %reduce_sum3A_446 = arith.constant dense<0.000000e+00> : vector<1024xf32>
    %reduce_sum3A_447 = vector.multi_reduction <add>, %add3A_439, %reduce_sum3A_446 [1] : vector<1024x256xf32> to vector<1024xf32>
    %broadcast_in_dim3A_448 = vector.shape_cast %reduce_sum3A_447 : vector<1024xf32> to vector<1024x1xf32>
    %div3A_449 = arith.constant 2.560000e+02 : f32
    %div3A_450 = vector.broadcast %div3A_449 : f32 to vector<1024x1xf32>
    %div3A_451 = arith.divf %broadcast_in_dim3A_448, %div3A_450 : vector<1024x1xf32>
    %jit3A_452 = arith.constant 0 : i32
    %reduce_sum3A_453 = arith.constant dense<0.000000e+00> : vector<1024xf32>
    %reduce_sum3A_454 = vector.multi_reduction <add>, %add3A_439, %reduce_sum3A_453 [1] : vector<1024x256xf32> to vector<1024xf32>
    %broadcast_in_dim3A_455 = vector.shape_cast %reduce_sum3A_454 : vector<1024xf32> to vector<1024x1xf32>
    %div3A_456 = arith.constant 2.560000e+02 : f32
    %div3A_457 = vector.broadcast %div3A_456 : f32 to vector<1024x1xf32>
    %div3A_458 = arith.divf %broadcast_in_dim3A_455, %div3A_457 : vector<1024x1xf32>
    %sub3A_459 = vector.broadcast %div3A_458 : vector<1024x1xf32> to vector<1024x256xf32>
    %sub3A_460 = arith.subf %add3A_439, %sub3A_459 : vector<1024x256xf32>
    %square3A_461 = arith.mulf %sub3A_460, %sub3A_460 : vector<1024x256xf32>
    %convert_element_type3A_462 = arith.sitofp %jit3A_452 : i32 to f32
    %sub3A_463 = arith.constant 2.560000e+02 : f32
    %sub3A_464 = arith.subf %sub3A_463, %convert_element_type3A_462 : f32
    %reduce_sum3A_465 = arith.constant dense<0.000000e+00> : vector<1024xf32>
    %reduce_sum3A_466 = vector.multi_reduction <add>, %square3A_461, %reduce_sum3A_465 [1] : vector<1024x256xf32> to vector<1024xf32>
    %broadcast_in_dim3A_467 = vector.shape_cast %reduce_sum3A_466 : vector<1024xf32> to vector<1024x1xf32>
    %div3A_468 = vector.broadcast %sub3A_464 : f32 to vector<1024x1xf32>
    %div3A_469 = arith.divf %broadcast_in_dim3A_467, %div3A_468 : vector<1024x1xf32>
    %gt3A_470 = arith.constant 0.000000e+00 : f32
    %gt3A_471 = arith.cmpf ogt, %sub3A_464, %gt3A_470 : f32
    %jit3A_472 = arith.constant 0x7FC00000 : f32
    %broadcast_in_dim3A_473 = vector.broadcast %jit3A_472 : f32 to vector<1024x1xf32>
    %select_n3A_474 = arith.select %gt3A_471, %div3A_469, %broadcast_in_dim3A_473 : vector<1024x1xf32>
    %sub3A_475 = vector.broadcast %div3A_451 : vector<1024x1xf32> to vector<1024x256xf32>
    %sub3A_476 = arith.subf %add3A_439, %sub3A_475 : vector<1024x256xf32>
    %add3A_477 = arith.constant 9.99999974E-6 : f32
    %add3A_478 = vector.broadcast %add3A_477 : f32 to vector<1024x1xf32>
    %add3A_479 = arith.addf %select_n3A_474, %add3A_478 : vector<1024x1xf32>
    %sqrt3A_480 = math.sqrt %add3A_479 : vector<1024x1xf32>
    %div3A_481 = vector.broadcast %sqrt3A_480 : vector<1024x1xf32> to vector<1024x256xf32>
    %div3A_482 = arith.divf %sub3A_476, %div3A_481 : vector<1024x256xf32>
    %mul3A_483 = vector.broadcast %get3A_442 : vector<1x256xf32> to vector<1024x256xf32>
    %mul3A_484 = arith.mulf %div3A_482, %mul3A_483 : vector<1024x256xf32>
    %add3A_485 = vector.broadcast %get3A_445 : vector<1x256xf32> to vector<1024x256xf32>
    %add3A_486 = arith.addf %mul3A_484, %add3A_485 : vector<1024x256xf32>
    %convert_element_type3A_487 = arith.truncf %add3A_486 : vector<1024x256xf32> to vector<1024x256xbf16>
    %get3A_488 = arith.constant 0 : index
    %get3A_489 = arith.constant 0 : index
    %get3A_490 = vector.load %arg9[%get3A_488, %get3A_489] : memref<256x512xbf16, #tpu.memory_space<vmem>>, vector<256x512xbf16>
    %dot_general3A_491 = arith.constant dense<0.000000e+00> : vector<1024x512xf32>
    %dot_general3A_492 = tpu.matmul %convert_element_type3A_487, %get3A_490, %dot_general3A_491 {dimension_numbers = #tpu.dot_dimension_numbers<[1], [0], [0], [1], [0, 0, 1, 1], [], []>, transpose_lhs_hint = false} : vector<1024x256xbf16>, vector<256x512xbf16>, vector<1024x512xf32> -> vector<1024x512xf32>
    %get3A_493 = arith.constant 0 : index
    %get3A_494 = arith.constant 0 : index
    %get3A_495 = vector.load %arg10[%get3A_493, %get3A_494] : memref<1x512xf32, #tpu.memory_space<vmem>>, vector<1x512xf32>
    %add3A_496 = vector.broadcast %get3A_495 : vector<1x512xf32> to vector<1024x512xf32>
    %add3A_497 = arith.addf %dot_general3A_492, %add3A_496 : vector<1024x512xf32>
    %integer_pow3A = arith.mulf %add3A_497, %add3A_497 : vector<1024x512xf32>
    %integer_pow3A_498 = arith.mulf %add3A_497, %integer_pow3A : vector<1024x512xf32>
    %mul3A_499 = arith.constant 4.471500e-02 : f32
    %mul3A_500 = vector.broadcast %mul3A_499 : f32 to vector<1024x512xf32>
    %mul3A_501 = arith.mulf %mul3A_500, %integer_pow3A_498 : vector<1024x512xf32>
    %add3A_502 = arith.addf %add3A_497, %mul3A_501 : vector<1024x512xf32>
    %mul3A_503 = arith.constant 0.797884583 : f32
    %mul3A_504 = vector.broadcast %mul3A_503 : f32 to vector<1024x512xf32>
    %mul3A_505 = arith.mulf %mul3A_504, %add3A_502 : vector<1024x512xf32>
    %tanh3A = math.tanh %mul3A_505 : vector<1024x512xf32>
    %add3A_506 = arith.constant 1.000000e+00 : f32
    %add3A_507 = vector.broadcast %add3A_506 : f32 to vector<1024x512xf32>
    %add3A_508 = arith.addf %add3A_507, %tanh3A : vector<1024x512xf32>
    %mul3A_509 = arith.constant 5.000000e-01 : f32
    %mul3A_510 = vector.broadcast %mul3A_509 : f32 to vector<1024x512xf32>
    %mul3A_511 = arith.mulf %mul3A_510, %add3A_508 : vector<1024x512xf32>
    %mul3A_512 = arith.mulf %add3A_497, %mul3A_511 : vector<1024x512xf32>
    %convert_element_type3A_513 = arith.truncf %mul3A_512 : vector<1024x512xf32> to vector<1024x512xbf16>
    %get3A_514 = arith.constant 0 : index
    %get3A_515 = arith.constant 0 : index
    %get3A_516 = vector.load %arg11[%get3A_514, %get3A_515] : memref<512x256xbf16, #tpu.memory_space<vmem>>, vector<512x256xbf16>
    %dot_general3A_517 = arith.constant dense<0.000000e+00> : vector<1024x256xf32>
    %dot_general3A_518 = tpu.matmul %convert_element_type3A_513, %get3A_516, %dot_general3A_517 {dimension_numbers = #tpu.dot_dimension_numbers<[1], [0], [0], [1], [0, 0, 1, 1], [], []>, transpose_lhs_hint = false} : vector<1024x512xbf16>, vector<512x256xbf16>, vector<1024x256xf32> -> vector<1024x256xf32>
    %add3A_519 = arith.addf %add3A_439, %dot_general3A_518 : vector<1024x256xf32>
    %get3A_520 = arith.constant 0 : index
    %get3A_521 = arith.constant 0 : index
    %get3A_522 = vector.load %arg12[%get3A_520, %get3A_521] : memref<1x256xf32, #tpu.memory_space<vmem>>, vector<1x256xf32>
    %add3A_523 = vector.broadcast %get3A_522 : vector<1x256xf32> to vector<1024x256xf32>
    %add3A_524 = arith.addf %add3A_519, %add3A_523 : vector<1024x256xf32>
    %swap3A = arith.constant 0 : index
    %swap3A_525 = arith.constant 0 : index
    %swap3A_526 = arith.constant 0 : index
    %swap3A_527 = vector.load %arg13[%swap3A, %swap3A_525, %swap3A_526] : memref<1x1024x256xf32, #tpu.memory_space<vmem>>, vector<1x1024x256xf32>
    %swap3A_528 = vector.shape_cast %swap3A_527 : vector<1x1024x256xf32> to vector<1024x256xf32>
    %swap3A_529 = vector.shape_cast %add3A_524 : vector<1024x256xf32> to vector<1x1024x256xf32>
    tpu.vector_store %arg13[%swap3A, %swap3A_525, %swap3A_526], %swap3A_529 {strides = array<i32>} : memref<1x1024x256xf32, #tpu.memory_space<vmem>>, vector<1x1024x256xf32>,
    return
  }
  func.func @transform_0(%arg0: i32) -> (i32, i32, i32) {
    %c0_i32 = arith.constant 0 : i32
    %c0_i32_0 = arith.constant 0 : i32
    %c0_i32_1 = arith.constant 0 : i32
    return %arg0, %c0_i32, %c0_i32_0 : i32, i32, i32
  }
  func.func @transform_1(%arg0: i32) -> (i32, i32, i32, i32) {
    %c0_i32 = arith.constant 0 : i32
    %c0_i32_0 = arith.constant 0 : i32
    %c0_i32_1 = arith.constant 0 : i32
    %c0_i32_2 = arith.constant 0 : i32
    return %c0_i32, %arg0, %c0_i32_0, %c0_i32_1 : i32, i32, i32, i32
  }
  func.func @transform_2(%arg0: i32) -> (i32, i32) {
    %c0_i32 = arith.constant 0 : i32
    %c0_i32_0 = arith.constant 0 : i32
    %c0_i32_1 = arith.constant 0 : i32
    return %c0_i32, %c0_i32_0 : i32, i32
  }
  func.func @transform_3(%arg0: i32) -> (i32, i32) {
    %c0_i32 = arith.constant 0 : i32
    %c0_i32_0 = arith.constant 0 : i32
    %c0_i32_1 = arith.constant 0 : i32
    return %c0_i32, %c0_i32_0 : i32, i32
  }
  func.func @transform_4(%arg0: i32) -> (i32, i32) {
    %c0_i32 = arith.constant 0 : i32
    %c0_i32_0 = arith.constant 0 : i32
    %c0_i32_1 = arith.constant 0 : i32
    return %c0_i32, %c0_i32_0 : i32, i32
  }
  func.func @transform_5(%arg0: i32) -> (i32, i32) {
    %c0_i32 = arith.constant 0 : i32
    %c0_i32_0 = arith.constant 0 : i32
    %c0_i32_1 = arith.constant 0 : i32
    return %c0_i32, %c0_i32_0 : i32, i32
  }
  func.func @transform_6(%arg0: i32) -> (i32, i32) {
    %c0_i32 = arith.constant 0 : i32
    %c0_i32_0 = arith.constant 0 : i32
    %c0_i32_1 = arith.constant 0 : i32
    return %c0_i32, %c0_i32_0 : i32, i32
  }
  func.func @transform_7(%arg0: i32) -> (i32, i32) {
    %c0_i32 = arith.constant 0 : i32
    %c0_i32_0 = arith.constant 0 : i32
    %c0_i32_1 = arith.constant 0 : i32
    return %c0_i32, %c0_i32_0 : i32, i32
  }
  func.func @transform_8(%arg0: i32) -> (i32, i32) {
    %c0_i32 = arith.constant 0 : i32
    %c0_i32_0 = arith.constant 0 : i32
    %c0_i32_1 = arith.constant 0 : i32
    return %c0_i32, %c0_i32_0 : i32, i32
  }
  func.func @transform_9(%arg0: i32) -> (i32, i32) {
    %c0_i32 = arith.constant 0 : i32
    %c0_i32_0 = arith.constant 0 : i32
    %c0_i32_1 = arith.constant 0 : i32
    return %c0_i32, %c0_i32_0 : i32, i32
  }
  func.func @transform_10(%arg0: i32) -> (i32, i32) {
    %c0_i32 = arith.constant 0 : i32
    %c0_i32_0 = arith.constant 0 : i32
    %c0_i32_1 = arith.constant 0 : i32
    return %c0_i32, %c0_i32_0 : i32, i32
  }
  func.func @transform_11(%arg0: i32) -> (i32, i32) {
    %c0_i32 = arith.constant 0 : i32
    %c0_i32_0 = arith.constant 0 : i32
    %c0_i32_1 = arith.constant 0 : i32
    return %c0_i32, %c0_i32_0 : i32, i32
  }
  func.func @transform_12(%arg0: i32) -> (i32, i32, i32) {
    %c0_i32 = arith.constant 0 : i32
    %c0_i32_0 = arith.constant 0 : i32
    %c0_i32_1 = arith.constant 0 : i32
    return %arg0, %c0_i32, %c0_i32_0 : i32, i32, i32
  }
}

module attributes {stable_mosaic.version = 14 : i64} {
  func.func @_mhca_body(%arg0: i32, %arg1: memref<1x1024x256xf32, #tpu.memory_space<vmem>>, %arg2: memref<9x1x1024x256xi32, #tpu.memory_space<vmem>>, %arg3: memref<256x256xbf16, #tpu.memory_space<vmem>>, %arg4: memref<256x256xbf16, #tpu.memory_space<vmem>>, %arg5: memref<1x256xf32, #tpu.memory_space<vmem>>, %arg6: memref<1x256xf32, #tpu.memory_space<vmem>>, %arg7: memref<1x256xf32, #tpu.memory_space<vmem>>, %arg8: memref<1x256xf32, #tpu.memory_space<vmem>>, %arg9: memref<256x512xbf16, #tpu.memory_space<vmem>>, %arg10: memref<1x512xf32, #tpu.memory_space<vmem>>, %arg11: memref<512x256xbf16, #tpu.memory_space<vmem>>, %arg12: memref<1x256xf32, #tpu.memory_space<vmem>>, %arg13: memref<1x1024x256xf32, #tpu.memory_space<vmem>>) attributes {dimension_semantics = [#tpu.dimension_semantics<parallel>], iteration_bounds = array<i64: 4>, scalar_prefetch = 0 : i64, scratch_operands = 0 : i64, tpu.core_type = #tpu.core_type<tc>, window_params = [{transform_indices = @transform_0, window_bounds = array<i64: 1, 1024, 256>}, {transform_indices = @transform_1, window_bounds = array<i64: 9, 1, 1024, 256>}, {pipeline_mode = #tpu.pipeline_mode<synchronous>, transform_indices = @transform_2, window_bounds = array<i64: 256, 256>}, {pipeline_mode = #tpu.pipeline_mode<synchronous>, transform_indices = @transform_3, window_bounds = array<i64: 256, 256>}, {pipeline_mode = #tpu.pipeline_mode<synchronous>, transform_indices = @transform_4, window_bounds = array<i64: 1, 256>}, {pipeline_mode = #tpu.pipeline_mode<synchronous>, transform_indices = @transform_5, window_bounds = array<i64: 1, 256>}, {pipeline_mode = #tpu.pipeline_mode<synchronous>, transform_indices = @transform_6, window_bounds = array<i64: 1, 256>}, {pipeline_mode = #tpu.pipeline_mode<synchronous>, transform_indices = @transform_7, window_bounds = array<i64: 1, 256>}, {pipeline_mode = #tpu.pipeline_mode<synchronous>, transform_indices = @transform_8, window_bounds = array<i64: 256, 512>}, {pipeline_mode = #tpu.pipeline_mode<synchronous>, transform_indices = @transform_9, window_bounds = array<i64: 1, 512>}, {pipeline_mode = #tpu.pipeline_mode<synchronous>, transform_indices = @transform_10, window_bounds = array<i64: 512, 256>}, {pipeline_mode = #tpu.pipeline_mode<synchronous>, transform_indices = @transform_11, window_bounds = array<i64: 1, 256>}, {transform_indices = @transform_12, window_bounds = array<i64: 1, 1024, 256>}]} {
    %get3A = arith.constant 0 : index
    %get3A_0 = arith.constant 0 : index
    %get3A_1 = arith.constant 0 : index
    %get3A_2 = vector.load %arg1[%get3A, %get3A_0, %get3A_1] : memref<1x1024x256xf32, #tpu.memory_space<vmem>>, vector<1x1024x256xf32>
    %get3A_3 = vector.shape_cast %get3A_2 : vector<1x1024x256xf32> to vector<1024x256xf32>
    %get3A_4 = arith.constant 0 : index
    %get3A_5 = arith.constant 0 : index
    %get3A_6 = vector.load %arg5[%get3A_4, %get3A_5] : memref<1x256xf32, #tpu.memory_space<vmem>>, vector<1x256xf32>
    %get3A_7 = arith.constant 0 : index
    %get3A_8 = arith.constant 0 : index
    %get3A_9 = vector.load %arg6[%get3A_7, %get3A_8] : memref<1x256xf32, #tpu.memory_space<vmem>>, vector<1x256xf32>
    %reduce_sum3A = arith.constant dense<0.000000e+00> : vector<1024xf32>
    %reduce_sum3A_10 = vector.multi_reduction <add>, %get3A_3, %reduce_sum3A [1] : vector<1024x256xf32> to vector<1024xf32>
    %broadcast_in_dim3A = vector.shape_cast %reduce_sum3A_10 : vector<1024xf32> to vector<1024x1xf32>
    %div3A = arith.constant 2.560000e+02 : f32
    %div3A_11 = vector.broadcast %div3A : f32 to vector<1024x1xf32>
    %div3A_12 = arith.divf %broadcast_in_dim3A, %div3A_11 : vector<1024x1xf32>
    %jit3A = arith.constant 0 : i32
    %reduce_sum3A_13 = arith.constant dense<0.000000e+00> : vector<1024xf32>
    %reduce_sum3A_14 = vector.multi_reduction <add>, %get3A_3, %reduce_sum3A_13 [1] : vector<1024x256xf32> to vector<1024xf32>
    %broadcast_in_dim3A_15 = vector.shape_cast %reduce_sum3A_14 : vector<1024xf32> to vector<1024x1xf32>
    %div3A_16 = arith.constant 2.560000e+02 : f32
    %div3A_17 = vector.broadcast %div3A_16 : f32 to vector<1024x1xf32>
    %div3A_18 = arith.divf %broadcast_in_dim3A_15, %div3A_17 : vector<1024x1xf32>
    %sub3A = vector.broadcast %div3A_18 : vector<1024x1xf32> to vector<1024x256xf32>
    %sub3A_19 = arith.subf %get3A_3, %sub3A : vector<1024x256xf32>
    %square3A = arith.mulf %sub3A_19, %sub3A_19 : vector<1024x256xf32>
    %convert_element_type3A = arith.sitofp %jit3A : i32 to f32
    %sub3A_20 = arith.constant 2.560000e+02 : f32
    %sub3A_21 = arith.subf %sub3A_20, %convert_element_type3A : f32
    %reduce_sum3A_22 = arith.constant dense<0.000000e+00> : vector<1024xf32>
    %reduce_sum3A_23 = vector.multi_reduction <add>, %square3A, %reduce_sum3A_22 [1] : vector<1024x256xf32> to vector<1024xf32>
    %broadcast_in_dim3A_24 = vector.shape_cast %reduce_sum3A_23 : vector<1024xf32> to vector<1024x1xf32>
    %div3A_25 = vector.broadcast %sub3A_21 : f32 to vector<1024x1xf32>
    %div3A_26 = arith.divf %broadcast_in_dim3A_24, %div3A_25 : vector<1024x1xf32>
    %gt3A = arith.constant 0.000000e+00 : f32
    %gt3A_27 = arith.cmpf ogt, %sub3A_21, %gt3A : f32
    %jit3A_28 = arith.constant 0x7FC00000 : f32
    %broadcast_in_dim3A_29 = vector.broadcast %jit3A_28 : f32 to vector<1024x1xf32>
    %select_n3A = arith.select %gt3A_27, %div3A_26, %broadcast_in_dim3A_29 : vector<1024x1xf32>
    %sub3A_30 = vector.broadcast %div3A_12 : vector<1024x1xf32> to vector<1024x256xf32>
    %sub3A_31 = arith.subf %get3A_3, %sub3A_30 : vector<1024x256xf32>
    %add3A = arith.constant 9.99999974E-6 : f32
    %add3A_32 = vector.broadcast %add3A : f32 to vector<1024x1xf32>
    %add3A_33 = arith.addf %select_n3A, %add3A_32 : vector<1024x1xf32>
    %sqrt3A = math.sqrt %add3A_33 : vector<1024x1xf32>
    %div3A_34 = vector.broadcast %sqrt3A : vector<1024x1xf32> to vector<1024x256xf32>
    %div3A_35 = arith.divf %sub3A_31, %div3A_34 : vector<1024x256xf32>
    %mul3A = vector.broadcast %get3A_6 : vector<1x256xf32> to vector<1024x256xf32>
    %mul3A_36 = arith.mulf %div3A_35, %mul3A : vector<1024x256xf32>
    %add3A_37 = vector.broadcast %get3A_9 : vector<1x256xf32> to vector<1024x256xf32>
    %add3A_38 = arith.addf %mul3A_36, %add3A_37 : vector<1024x256xf32>
    %convert_element_type3A_39 = arith.truncf %add3A_38 : vector<1024x256xf32> to vector<1024x256xbf16>
    %get3A_40 = arith.constant 0 : index
    %get3A_41 = arith.constant 0 : index
    %get3A_42 = vector.load %arg3[%get3A_40, %get3A_41] : memref<256x256xbf16, #tpu.memory_space<vmem>>, vector<256x256xbf16>
    %dot_general3A = arith.constant dense<0.000000e+00> : vector<1024x256xf32>
    %dot_general3A_43 = tpu.matmul %convert_element_type3A_39, %get3A_42, %dot_general3A {dimension_numbers = #tpu.dot_dimension_numbers<[1], [0], [0], [1], [0, 0, 1, 1], [], []>, transpose_lhs_hint = false} : vector<1024x256xbf16>, vector<256x256xbf16>, vector<1024x256xf32> -> vector<1024x256xf32>
    %iota3A = tpu.iota {dimensions = array<i32: 0>} : vector<256x8xi32>
    %jit3A_44 = arith.constant 32 : i32
    %div3A_45 = vector.broadcast %jit3A_44 : i32 to vector<256x8xi32>
    %div3A_46 = arith.divsi %iota3A, %div3A_45 : vector<256x8xi32>
    %sign3A = arith.constant 0 : i32
    %sign3A_47 = vector.broadcast %sign3A : i32 to vector<256x8xi32>
    %sign3A_48 = arith.cmpi sgt, %iota3A, %sign3A_47 : vector<256x8xi32>
    %sign3A_49 = arith.extui %sign3A_48 : vector<256x8xi1> to vector<256x8xi32>
    %sign3A_50 = arith.constant 0 : i32
    %sign3A_51 = vector.broadcast %sign3A_50 : i32 to vector<256x8xi32>
    %sign3A_52 = arith.cmpi slt, %iota3A, %sign3A_51 : vector<256x8xi32>
    %sign3A_53 = arith.extui %sign3A_52 : vector<256x8xi1> to vector<256x8xi32>
    %sign3A_54 = arith.subi %sign3A_49, %sign3A_53 : vector<256x8xi32>
    %sign3A_55 = arith.constant 0 : i32
    %sign3A_56 = arith.cmpi sgt, %jit3A_44, %sign3A_55 : i32
    %sign3A_57 = arith.extui %sign3A_56 : i1 to i32
    %sign3A_58 = arith.constant 0 : i32
    %sign3A_59 = arith.cmpi slt, %jit3A_44, %sign3A_58 : i32
    %sign3A_60 = arith.extui %sign3A_59 : i1 to i32
    %sign3A_61 = arith.subi %sign3A_57, %sign3A_60 : i32
    %ne3A = vector.broadcast %sign3A_61 : i32 to vector<256x8xi32>
    %ne3A_62 = arith.cmpi ne, %sign3A_54, %ne3A : vector<256x8xi32>
    %rem3A = vector.broadcast %jit3A_44 : i32 to vector<256x8xi32>
    %rem3A_63 = arith.remsi %iota3A, %rem3A : vector<256x8xi32>
    %ne3A_64 = arith.constant 0 : i32
    %ne3A_65 = vector.broadcast %ne3A_64 : i32 to vector<256x8xi32>
    %ne3A_66 = arith.cmpi ne, %rem3A_63, %ne3A_65 : vector<256x8xi32>
    %and3A = arith.andi %ne3A_62, %ne3A_66 : vector<256x8xi1>
    %sub3A_67 = arith.constant 1 : i32
    %sub3A_68 = vector.broadcast %sub3A_67 : i32 to vector<256x8xi32>
    %sub3A_69 = arith.subi %div3A_46, %sub3A_68 : vector<256x8xi32>
    %select_n3A_70 = arith.select %and3A, %sub3A_69, %div3A_46 : vector<256x8xi1>, vector<256x8xi32>
    %iota3A_71 = tpu.iota {dimensions = array<i32: 1>} : vector<256x8xi32>
    %eq3A = arith.cmpi eq, %select_n3A_70, %iota3A_71 : vector<256x8xi32>
    %convert_element_type3A_72 = arith.extui %eq3A : vector<256x8xi1> to vector<256x8xi32>
    %convert_element_type3A_73 = arith.sitofp %convert_element_type3A_72 : vector<256x8xi32> to vector<256x8xf32>
    %iota3A_74 = tpu.iota {dimensions = array<i32: 0>} : vector<8x256xi32>
    %iota3A_75 = tpu.iota {dimensions = array<i32: 1>} : vector<8x256xi32>
    %jit3A_76 = arith.constant 32 : i32
    %div3A_77 = vector.broadcast %jit3A_76 : i32 to vector<8x256xi32>
    %div3A_78 = arith.divsi %iota3A_75, %div3A_77 : vector<8x256xi32>
    %sign3A_79 = arith.constant 0 : i32
    %sign3A_80 = vector.broadcast %sign3A_79 : i32 to vector<8x256xi32>
    %sign3A_81 = arith.cmpi sgt, %iota3A_75, %sign3A_80 : vector<8x256xi32>
    %sign3A_82 = arith.extui %sign3A_81 : vector<8x256xi1> to vector<8x256xi32>
    %sign3A_83 = arith.constant 0 : i32
    %sign3A_84 = vector.broadcast %sign3A_83 : i32 to vector<8x256xi32>
    %sign3A_85 = arith.cmpi slt, %iota3A_75, %sign3A_84 : vector<8x256xi32>
    %sign3A_86 = arith.extui %sign3A_85 : vector<8x256xi1> to vector<8x256xi32>
    %sign3A_87 = arith.subi %sign3A_82, %sign3A_86 : vector<8x256xi32>
    %sign3A_88 = arith.constant 0 : i32
    %sign3A_89 = arith.cmpi sgt, %jit3A_76, %sign3A_88 : i32
    %sign3A_90 = arith.extui %sign3A_89 : i1 to i32
    %sign3A_91 = arith.constant 0 : i32
    %sign3A_92 = arith.cmpi slt, %jit3A_76, %sign3A_91 : i32
    %sign3A_93 = arith.extui %sign3A_92 : i1 to i32
    %sign3A_94 = arith.subi %sign3A_90, %sign3A_93 : i32
    %ne3A_95 = vector.broadcast %sign3A_94 : i32 to vector<8x256xi32>
    %ne3A_96 = arith.cmpi ne, %sign3A_87, %ne3A_95 : vector<8x256xi32>
    %rem3A_97 = vector.broadcast %jit3A_76 : i32 to vector<8x256xi32>
    %rem3A_98 = arith.remsi %iota3A_75, %rem3A_97 : vector<8x256xi32>
    %ne3A_99 = arith.constant 0 : i32
    %ne3A_100 = vector.broadcast %ne3A_99 : i32 to vector<8x256xi32>
    %ne3A_101 = arith.cmpi ne, %rem3A_98, %ne3A_100 : vector<8x256xi32>
    %and3A_102 = arith.andi %ne3A_96, %ne3A_101 : vector<8x256xi1>
    %sub3A_103 = arith.constant 1 : i32
    %sub3A_104 = vector.broadcast %sub3A_103 : i32 to vector<8x256xi32>
    %sub3A_105 = arith.subi %div3A_78, %sub3A_104 : vector<8x256xi32>
    %select_n3A_106 = arith.select %and3A_102, %sub3A_105, %div3A_78 : vector<8x256xi1>, vector<8x256xi32>
    %eq3A_107 = arith.cmpi eq, %iota3A_74, %select_n3A_106 : vector<8x256xi32>
    %convert_element_type3A_108 = arith.extui %eq3A_107 : vector<8x256xi1> to vector<8x256xi32>
    %convert_element_type3A_109 = arith.sitofp %convert_element_type3A_108 : vector<8x256xi32> to vector<8x256xf32>
    %get3A_110 = arith.constant 0 : index
    %get3A_111 = arith.constant 0 : index
    %get3A_112 = arith.constant 0 : index
    %get3A_113 = arith.constant 0 : index
    %get3A_114 = vector.load %arg2[%get3A_110, %get3A_111, %get3A_112, %get3A_113] : memref<9x1x1024x256xi32, #tpu.memory_space<vmem>>, vector<1x1x1024x256xi32>
    %get3A_115 = vector.shape_cast %get3A_114 : vector<1x1x1024x256xi32> to vector<1024x256xi32>
    %shift_right_logical3A = arith.constant 16 : i32
    %shift_right_logical3A_116 = vector.broadcast %shift_right_logical3A : i32 to vector<1024x256xi32>
    %shift_right_logical3A_117 = arith.shrui %get3A_115, %shift_right_logical3A_116 : vector<1024x256xi32>
    %convert_element_type3A_118 = arith.trunci %shift_right_logical3A_117 : vector<1024x256xi32> to vector<1024x256xi16>
    %bitcast_convert_type3A = tpu.bitcast %convert_element_type3A_118 : vector<1024x256xi16> -> vector<1024x256xbf16>
    %convert_element_type3A_119 = arith.extf %bitcast_convert_type3A : vector<1024x256xbf16> to vector<1024x256xf32>
    %mul3A_120 = arith.mulf %dot_general3A_43, %convert_element_type3A_119 : vector<1024x256xf32>
    %dot_general3A_121 = arith.constant dense<0.000000e+00> : vector<1024x8xf32>
    %dot_general3A_122 = tpu.matmul %mul3A_120, %convert_element_type3A_73, %dot_general3A_121 {dimension_numbers = #tpu.dot_dimension_numbers<[1], [0], [0], [1], [0, 0, 1, 1], [], []>, transpose_lhs_hint = false} : vector<1024x256xf32>, vector<256x8xf32>, vector<1024x8xf32> -> vector<1024x8xf32>
    %mul3A_123 = arith.constant 0.176776692 : f32
    %mul3A_124 = vector.broadcast %mul3A_123 : f32 to vector<1024x8xf32>
    %mul3A_125 = arith.mulf %dot_general3A_122, %mul3A_124 : vector<1024x8xf32>
    %get3A_126 = arith.constant 1 : index
    %get3A_127 = arith.constant 0 : index
    %get3A_128 = arith.constant 0 : index
    %get3A_129 = arith.constant 0 : index
    %get3A_130 = vector.load %arg2[%get3A_126, %get3A_127, %get3A_128, %get3A_129] : memref<9x1x1024x256xi32, #tpu.memory_space<vmem>>, vector<1x1x1024x256xi32>
    %get3A_131 = vector.shape_cast %get3A_130 : vector<1x1x1024x256xi32> to vector<1024x256xi32>
    %shift_right_logical3A_132 = arith.constant 16 : i32
    %shift_right_logical3A_133 = vector.broadcast %shift_right_logical3A_132 : i32 to vector<1024x256xi32>
    %shift_right_logical3A_134 = arith.shrui %get3A_131, %shift_right_logical3A_133 : vector<1024x256xi32>
    %convert_element_type3A_135 = arith.trunci %shift_right_logical3A_134 : vector<1024x256xi32> to vector<1024x256xi16>
    %bitcast_convert_type3A_136 = tpu.bitcast %convert_element_type3A_135 : vector<1024x256xi16> -> vector<1024x256xbf16>
    %convert_element_type3A_137 = arith.extf %bitcast_convert_type3A_136 : vector<1024x256xbf16> to vector<1024x256xf32>
    %mul3A_138 = arith.mulf %dot_general3A_43, %convert_element_type3A_137 : vector<1024x256xf32>
    %dot_general3A_139 = arith.constant dense<0.000000e+00> : vector<1024x8xf32>
    %dot_general3A_140 = tpu.matmul %mul3A_138, %convert_element_type3A_73, %dot_general3A_139 {dimension_numbers = #tpu.dot_dimension_numbers<[1], [0], [0], [1], [0, 0, 1, 1], [], []>, transpose_lhs_hint = false} : vector<1024x256xf32>, vector<256x8xf32>, vector<1024x8xf32> -> vector<1024x8xf32>
    %mul3A_141 = arith.constant 0.176776692 : f32
    %mul3A_142 = vector.broadcast %mul3A_141 : f32 to vector<1024x8xf32>
    %mul3A_143 = arith.mulf %dot_general3A_140, %mul3A_142 : vector<1024x8xf32>
    %get3A_144 = arith.constant 2 : index
    %get3A_145 = arith.constant 0 : index
    %get3A_146 = arith.constant 0 : index
    %get3A_147 = arith.constant 0 : index
    %get3A_148 = vector.load %arg2[%get3A_144, %get3A_145, %get3A_146, %get3A_147] : memref<9x1x1024x256xi32, #tpu.memory_space<vmem>>, vector<1x1x1024x256xi32>
    %get3A_149 = vector.shape_cast %get3A_148 : vector<1x1x1024x256xi32> to vector<1024x256xi32>
    %shift_right_logical3A_150 = arith.constant 16 : i32
    %shift_right_logical3A_151 = vector.broadcast %shift_right_logical3A_150 : i32 to vector<1024x256xi32>
    %shift_right_logical3A_152 = arith.shrui %get3A_149, %shift_right_logical3A_151 : vector<1024x256xi32>
    %convert_element_type3A_153 = arith.trunci %shift_right_logical3A_152 : vector<1024x256xi32> to vector<1024x256xi16>
    %bitcast_convert_type3A_154 = tpu.bitcast %convert_element_type3A_153 : vector<1024x256xi16> -> vector<1024x256xbf16>
    %convert_element_type3A_155 = arith.extf %bitcast_convert_type3A_154 : vector<1024x256xbf16> to vector<1024x256xf32>
    %mul3A_156 = arith.mulf %dot_general3A_43, %convert_element_type3A_155 : vector<1024x256xf32>
    %dot_general3A_157 = arith.constant dense<0.000000e+00> : vector<1024x8xf32>
    %dot_general3A_158 = tpu.matmul %mul3A_156, %convert_element_type3A_73, %dot_general3A_157 {dimension_numbers = #tpu.dot_dimension_numbers<[1], [0], [0], [1], [0, 0, 1, 1], [], []>, transpose_lhs_hint = false} : vector<1024x256xf32>, vector<256x8xf32>, vector<1024x8xf32> -> vector<1024x8xf32>
    %mul3A_159 = arith.constant 0.176776692 : f32
    %mul3A_160 = vector.broadcast %mul3A_159 : f32 to vector<1024x8xf32>
    %mul3A_161 = arith.mulf %dot_general3A_158, %mul3A_160 : vector<1024x8xf32>
    %get3A_162 = arith.constant 3 : index
    %get3A_163 = arith.constant 0 : index
    %get3A_164 = arith.constant 0 : index
    %get3A_165 = arith.constant 0 : index
    %get3A_166 = vector.load %arg2[%get3A_162, %get3A_163, %get3A_164, %get3A_165] : memref<9x1x1024x256xi32, #tpu.memory_space<vmem>>, vector<1x1x1024x256xi32>
    %get3A_167 = vector.shape_cast %get3A_166 : vector<1x1x1024x256xi32> to vector<1024x256xi32>
    %shift_right_logical3A_168 = arith.constant 16 : i32
    %shift_right_logical3A_169 = vector.broadcast %shift_right_logical3A_168 : i32 to vector<1024x256xi32>
    %shift_right_logical3A_170 = arith.shrui %get3A_167, %shift_right_logical3A_169 : vector<1024x256xi32>
    %convert_element_type3A_171 = arith.trunci %shift_right_logical3A_170 : vector<1024x256xi32> to vector<1024x256xi16>
    %bitcast_convert_type3A_172 = tpu.bitcast %convert_element_type3A_171 : vector<1024x256xi16> -> vector<1024x256xbf16>
    %convert_element_type3A_173 = arith.extf %bitcast_convert_type3A_172 : vector<1024x256xbf16> to vector<1024x256xf32>
    %mul3A_174 = arith.mulf %dot_general3A_43, %convert_element_type3A_173 : vector<1024x256xf32>
    %dot_general3A_175 = arith.constant dense<0.000000e+00> : vector<1024x8xf32>
    %dot_general3A_176 = tpu.matmul %mul3A_174, %convert_element_type3A_73, %dot_general3A_175 {dimension_numbers = #tpu.dot_dimension_numbers<[1], [0], [0], [1], [0, 0, 1, 1], [], []>, transpose_lhs_hint = false} : vector<1024x256xf32>, vector<256x8xf32>, vector<1024x8xf32> -> vector<1024x8xf32>
    %mul3A_177 = arith.constant 0.176776692 : f32
    %mul3A_178 = vector.broadcast %mul3A_177 : f32 to vector<1024x8xf32>
    %mul3A_179 = arith.mulf %dot_general3A_176, %mul3A_178 : vector<1024x8xf32>
    %get3A_180 = arith.constant 4 : index
    %get3A_181 = arith.constant 0 : index
    %get3A_182 = arith.constant 0 : index
    %get3A_183 = arith.constant 0 : index
    %get3A_184 = vector.load %arg2[%get3A_180, %get3A_181, %get3A_182, %get3A_183] : memref<9x1x1024x256xi32, #tpu.memory_space<vmem>>, vector<1x1x1024x256xi32>
    %get3A_185 = vector.shape_cast %get3A_184 : vector<1x1x1024x256xi32> to vector<1024x256xi32>
    %shift_right_logical3A_186 = arith.constant 16 : i32
    %shift_right_logical3A_187 = vector.broadcast %shift_right_logical3A_186 : i32 to vector<1024x256xi32>
    %shift_right_logical3A_188 = arith.shrui %get3A_185, %shift_right_logical3A_187 : vector<1024x256xi32>
    %convert_element_type3A_189 = arith.trunci %shift_right_logical3A_188 : vector<1024x256xi32> to vector<1024x256xi16>
    %bitcast_convert_type3A_190 = tpu.bitcast %convert_element_type3A_189 : vector<1024x256xi16> -> vector<1024x256xbf16>
    %convert_element_type3A_191 = arith.extf %bitcast_convert_type3A_190 : vector<1024x256xbf16> to vector<1024x256xf32>
    %mul3A_192 = arith.mulf %dot_general3A_43, %convert_element_type3A_191 : vector<1024x256xf32>
    %dot_general3A_193 = arith.constant dense<0.000000e+00> : vector<1024x8xf32>
    %dot_general3A_194 = tpu.matmul %mul3A_192, %convert_element_type3A_73, %dot_general3A_193 {dimension_numbers = #tpu.dot_dimension_numbers<[1], [0], [0], [1], [0, 0, 1, 1], [], []>, transpose_lhs_hint = false} : vector<1024x256xf32>, vector<256x8xf32>, vector<1024x8xf32> -> vector<1024x8xf32>
    %mul3A_195 = arith.constant 0.176776692 : f32
    %mul3A_196 = vector.broadcast %mul3A_195 : f32 to vector<1024x8xf32>
    %mul3A_197 = arith.mulf %dot_general3A_194, %mul3A_196 : vector<1024x8xf32>
    %get3A_198 = arith.constant 5 : index
    %get3A_199 = arith.constant 0 : index
    %get3A_200 = arith.constant 0 : index
    %get3A_201 = arith.constant 0 : index
    %get3A_202 = vector.load %arg2[%get3A_198, %get3A_199, %get3A_200, %get3A_201] : memref<9x1x1024x256xi32, #tpu.memory_space<vmem>>, vector<1x1x1024x256xi32>
    %get3A_203 = vector.shape_cast %get3A_202 : vector<1x1x1024x256xi32> to vector<1024x256xi32>
    %shift_right_logical3A_204 = arith.constant 16 : i32
    %shift_right_logical3A_205 = vector.broadcast %shift_right_logical3A_204 : i32 to vector<1024x256xi32>
    %shift_right_logical3A_206 = arith.shrui %get3A_203, %shift_right_logical3A_205 : vector<1024x256xi32>
    %convert_element_type3A_207 = arith.trunci %shift_right_logical3A_206 : vector<1024x256xi32> to vector<1024x256xi16>
    %bitcast_convert_type3A_208 = tpu.bitcast %convert_element_type3A_207 : vector<1024x256xi16> -> vector<1024x256xbf16>
    %convert_element_type3A_209 = arith.extf %bitcast_convert_type3A_208 : vector<1024x256xbf16> to vector<1024x256xf32>
    %mul3A_210 = arith.mulf %dot_general3A_43, %convert_element_type3A_209 : vector<1024x256xf32>
    %dot_general3A_211 = arith.constant dense<0.000000e+00> : vector<1024x8xf32>
    %dot_general3A_212 = tpu.matmul %mul3A_210, %convert_element_type3A_73, %dot_general3A_211 {dimension_numbers = #tpu.dot_dimension_numbers<[1], [0], [0], [1], [0, 0, 1, 1], [], []>, transpose_lhs_hint = false} : vector<1024x256xf32>, vector<256x8xf32>, vector<1024x8xf32> -> vector<1024x8xf32>
    %mul3A_213 = arith.constant 0.176776692 : f32
    %mul3A_214 = vector.broadcast %mul3A_213 : f32 to vector<1024x8xf32>
    %mul3A_215 = arith.mulf %dot_general3A_212, %mul3A_214 : vector<1024x8xf32>
    %get3A_216 = arith.constant 6 : index
    %get3A_217 = arith.constant 0 : index
    %get3A_218 = arith.constant 0 : index
    %get3A_219 = arith.constant 0 : index
    %get3A_220 = vector.load %arg2[%get3A_216, %get3A_217, %get3A_218, %get3A_219] : memref<9x1x1024x256xi32, #tpu.memory_space<vmem>>, vector<1x1x1024x256xi32>
    %get3A_221 = vector.shape_cast %get3A_220 : vector<1x1x1024x256xi32> to vector<1024x256xi32>
    %shift_right_logical3A_222 = arith.constant 16 : i32
    %shift_right_logical3A_223 = vector.broadcast %shift_right_logical3A_222 : i32 to vector<1024x256xi32>
    %shift_right_logical3A_224 = arith.shrui %get3A_221, %shift_right_logical3A_223 : vector<1024x256xi32>
    %convert_element_type3A_225 = arith.trunci %shift_right_logical3A_224 : vector<1024x256xi32> to vector<1024x256xi16>
    %bitcast_convert_type3A_226 = tpu.bitcast %convert_element_type3A_225 : vector<1024x256xi16> -> vector<1024x256xbf16>
    %convert_element_type3A_227 = arith.extf %bitcast_convert_type3A_226 : vector<1024x256xbf16> to vector<1024x256xf32>
    %mul3A_228 = arith.mulf %dot_general3A_43, %convert_element_type3A_227 : vector<1024x256xf32>
    %dot_general3A_229 = arith.constant dense<0.000000e+00> : vector<1024x8xf32>
    %dot_general3A_230 = tpu.matmul %mul3A_228, %convert_element_type3A_73, %dot_general3A_229 {dimension_numbers = #tpu.dot_dimension_numbers<[1], [0], [0], [1], [0, 0, 1, 1], [], []>, transpose_lhs_hint = false} : vector<1024x256xf32>, vector<256x8xf32>, vector<1024x8xf32> -> vector<1024x8xf32>
    %mul3A_231 = arith.constant 0.176776692 : f32
    %mul3A_232 = vector.broadcast %mul3A_231 : f32 to vector<1024x8xf32>
    %mul3A_233 = arith.mulf %dot_general3A_230, %mul3A_232 : vector<1024x8xf32>
    %get3A_234 = arith.constant 7 : index
    %get3A_235 = arith.constant 0 : index
    %get3A_236 = arith.constant 0 : index
    %get3A_237 = arith.constant 0 : index
    %get3A_238 = vector.load %arg2[%get3A_234, %get3A_235, %get3A_236, %get3A_237] : memref<9x1x1024x256xi32, #tpu.memory_space<vmem>>, vector<1x1x1024x256xi32>
    %get3A_239 = vector.shape_cast %get3A_238 : vector<1x1x1024x256xi32> to vector<1024x256xi32>
    %shift_right_logical3A_240 = arith.constant 16 : i32
    %shift_right_logical3A_241 = vector.broadcast %shift_right_logical3A_240 : i32 to vector<1024x256xi32>
    %shift_right_logical3A_242 = arith.shrui %get3A_239, %shift_right_logical3A_241 : vector<1024x256xi32>
    %convert_element_type3A_243 = arith.trunci %shift_right_logical3A_242 : vector<1024x256xi32> to vector<1024x256xi16>
    %bitcast_convert_type3A_244 = tpu.bitcast %convert_element_type3A_243 : vector<1024x256xi16> -> vector<1024x256xbf16>
    %convert_element_type3A_245 = arith.extf %bitcast_convert_type3A_244 : vector<1024x256xbf16> to vector<1024x256xf32>
    %mul3A_246 = arith.mulf %dot_general3A_43, %convert_element_type3A_245 : vector<1024x256xf32>
    %dot_general3A_247 = arith.constant dense<0.000000e+00> : vector<1024x8xf32>
    %dot_general3A_248 = tpu.matmul %mul3A_246, %convert_element_type3A_73, %dot_general3A_247 {dimension_numbers = #tpu.dot_dimension_numbers<[1], [0], [0], [1], [0, 0, 1, 1], [], []>, transpose_lhs_hint = false} : vector<1024x256xf32>, vector<256x8xf32>, vector<1024x8xf32> -> vector<1024x8xf32>
    %mul3A_249 = arith.constant 0.176776692 : f32
    %mul3A_250 = vector.broadcast %mul3A_249 : f32 to vector<1024x8xf32>
    %mul3A_251 = arith.mulf %dot_general3A_248, %mul3A_250 : vector<1024x8xf32>
    %get3A_252 = arith.constant 8 : index
    %get3A_253 = arith.constant 0 : index
    %get3A_254 = arith.constant 0 : index
    %get3A_255 = arith.constant 0 : index
    %get3A_256 = vector.load %arg2[%get3A_252, %get3A_253, %get3A_254, %get3A_255] : memref<9x1x1024x256xi32, #tpu.memory_space<vmem>>, vector<1x1x1024x256xi32>
    %get3A_257 = vector.shape_cast %get3A_256 : vector<1x1x1024x256xi32> to vector<1024x256xi32>
    %shift_right_logical3A_258 = arith.constant 16 : i32
    %shift_right_logical3A_259 = vector.broadcast %shift_right_logical3A_258 : i32 to vector<1024x256xi32>
    %shift_right_logical3A_260 = arith.shrui %get3A_257, %shift_right_logical3A_259 : vector<1024x256xi32>
    %convert_element_type3A_261 = arith.trunci %shift_right_logical3A_260 : vector<1024x256xi32> to vector<1024x256xi16>
    %bitcast_convert_type3A_262 = tpu.bitcast %convert_element_type3A_261 : vector<1024x256xi16> -> vector<1024x256xbf16>
    %convert_element_type3A_263 = arith.extf %bitcast_convert_type3A_262 : vector<1024x256xbf16> to vector<1024x256xf32>
    %mul3A_264 = arith.mulf %dot_general3A_43, %convert_element_type3A_263 : vector<1024x256xf32>
    %dot_general3A_265 = arith.constant dense<0.000000e+00> : vector<1024x8xf32>
    %dot_general3A_266 = tpu.matmul %mul3A_264, %convert_element_type3A_73, %dot_general3A_265 {dimension_numbers = #tpu.dot_dimension_numbers<[1], [0], [0], [1], [0, 0, 1, 1], [], []>, transpose_lhs_hint = false} : vector<1024x256xf32>, vector<256x8xf32>, vector<1024x8xf32> -> vector<1024x8xf32>
    %mul3A_267 = arith.constant 0.176776692 : f32
    %mul3A_268 = vector.broadcast %mul3A_267 : f32 to vector<1024x8xf32>
    %mul3A_269 = arith.mulf %dot_general3A_266, %mul3A_268 : vector<1024x8xf32>
    %max3A = arith.maximumf %mul3A_125, %mul3A_143 : vector<1024x8xf32>
    %max3A_270 = arith.maximumf %max3A, %mul3A_161 : vector<1024x8xf32>
    %max3A_271 = arith.maximumf %max3A_270, %mul3A_179 : vector<1024x8xf32>
    %max3A_272 = arith.maximumf %max3A_271, %mul3A_197 : vector<1024x8xf32>
    %max3A_273 = arith.maximumf %max3A_272, %mul3A_215 : vector<1024x8xf32>
    %max3A_274 = arith.maximumf %max3A_273, %mul3A_233 : vector<1024x8xf32>
    %max3A_275 = arith.maximumf %max3A_274, %mul3A_251 : vector<1024x8xf32>
    %max3A_276 = arith.maximumf %max3A_275, %mul3A_269 : vector<1024x8xf32>
    %sub3A_277 = arith.subf %mul3A_125, %max3A_276 : vector<1024x8xf32>
    %exp3A = math.exp %sub3A_277 : vector<1024x8xf32>
    %sub3A_278 = arith.subf %mul3A_143, %max3A_276 : vector<1024x8xf32>
    %exp3A_279 = math.exp %sub3A_278 : vector<1024x8xf32>
    %sub3A_280 = arith.subf %mul3A_161, %max3A_276 : vector<1024x8xf32>
    %exp3A_281 = math.exp %sub3A_280 : vector<1024x8xf32>
    %sub3A_282 = arith.subf %mul3A_179, %max3A_276 : vector<1024x8xf32>
    %exp3A_283 = math.exp %sub3A_282 : vector<1024x8xf32>
    %sub3A_284 = arith.subf %mul3A_197, %max3A_276 : vector<1024x8xf32>
    %exp3A_285 = math.exp %sub3A_284 : vector<1024x8xf32>
    %sub3A_286 = arith.subf %mul3A_215, %max3A_276 : vector<1024x8xf32>
    %exp3A_287 = math.exp %sub3A_286 : vector<1024x8xf32>
    %sub3A_288 = arith.subf %mul3A_233, %max3A_276 : vector<1024x8xf32>
    %exp3A_289 = math.exp %sub3A_288 : vector<1024x8xf32>
    %sub3A_290 = arith.subf %mul3A_251, %max3A_276 : vector<1024x8xf32>
    %exp3A_291 = math.exp %sub3A_290 : vector<1024x8xf32>
    %sub3A_292 = arith.subf %mul3A_269, %max3A_276 : vector<1024x8xf32>
    %exp3A_293 = math.exp %sub3A_292 : vector<1024x8xf32>
    %add3A_294 = arith.addf %exp3A, %exp3A_279 : vector<1024x8xf32>
    %add3A_295 = arith.addf %add3A_294, %exp3A_281 : vector<1024x8xf32>
    %add3A_296 = arith.addf %add3A_295, %exp3A_283 : vector<1024x8xf32>
    %add3A_297 = arith.addf %add3A_296, %exp3A_285 : vector<1024x8xf32>
    %add3A_298 = arith.addf %add3A_297, %exp3A_287 : vector<1024x8xf32>
    %add3A_299 = arith.addf %add3A_298, %exp3A_289 : vector<1024x8xf32>
    %add3A_300 = arith.addf %add3A_299, %exp3A_291 : vector<1024x8xf32>
    %add3A_301 = arith.addf %add3A_300, %exp3A_293 : vector<1024x8xf32>
    %div3A_302 = arith.constant 1.000000e+00 : f32
    %div3A_303 = vector.broadcast %div3A_302 : f32 to vector<1024x8xf32>
    %div3A_304 = arith.divf %div3A_303, %add3A_301 : vector<1024x8xf32>
    %broadcast_in_dim3A_305 = arith.constant 0.000000e+00 : f32
    %broadcast_in_dim3A_306 = vector.broadcast %broadcast_in_dim3A_305 : f32 to vector<1024x256xf32>
    %get3A_307 = arith.constant 0 : index
    %get3A_308 = arith.constant 0 : index
    %get3A_309 = arith.constant 0 : index
    %get3A_310 = arith.constant 0 : index
    %get3A_311 = vector.load %arg2[%get3A_307, %get3A_308, %get3A_309, %get3A_310] : memref<9x1x1024x256xi32, #tpu.memory_space<vmem>>, vector<1x1x1024x256xi32>
    %get3A_312 = vector.shape_cast %get3A_311 : vector<1x1x1024x256xi32> to vector<1024x256xi32>
    %convert_element_type3A_313 = arith.trunci %get3A_312 : vector<1024x256xi32> to vector<1024x256xi16>
    %bitcast_convert_type3A_314 = tpu.bitcast %convert_element_type3A_313 : vector<1024x256xi16> -> vector<1024x256xbf16>
    %convert_element_type3A_315 = arith.extf %bitcast_convert_type3A_314 : vector<1024x256xbf16> to vector<1024x256xf32>
    %mul3A_316 = arith.mulf %exp3A, %div3A_304 : vector<1024x8xf32>
    %dot_general3A_317 = arith.constant dense<0.000000e+00> : vector<1024x256xf32>
    %dot_general3A_318 = tpu.matmul %mul3A_316, %convert_element_type3A_109, %dot_general3A_317 {dimension_numbers = #tpu.dot_dimension_numbers<[1], [0], [0], [1], [0, 0, 1, 1], [], []>, transpose_lhs_hint = false} : vector<1024x8xf32>, vector<8x256xf32>, vector<1024x256xf32> -> vector<1024x256xf32>
    %mul3A_319 = arith.mulf %dot_general3A_318, %convert_element_type3A_315 : vector<1024x256xf32>
    %add3A_320 = arith.addf %broadcast_in_dim3A_306, %mul3A_319 : vector<1024x256xf32>
    %get3A_321 = arith.constant 1 : index
    %get3A_322 = arith.constant 0 : index
    %get3A_323 = arith.constant 0 : index
    %get3A_324 = arith.constant 0 : index
    %get3A_325 = vector.load %arg2[%get3A_321, %get3A_322, %get3A_323, %get3A_324] : memref<9x1x1024x256xi32, #tpu.memory_space<vmem>>, vector<1x1x1024x256xi32>
    %get3A_326 = vector.shape_cast %get3A_325 : vector<1x1x1024x256xi32> to vector<1024x256xi32>
    %convert_element_type3A_327 = arith.trunci %get3A_326 : vector<1024x256xi32> to vector<1024x256xi16>
    %bitcast_convert_type3A_328 = tpu.bitcast %convert_element_type3A_327 : vector<1024x256xi16> -> vector<1024x256xbf16>
    %convert_element_type3A_329 = arith.extf %bitcast_convert_type3A_328 : vector<1024x256xbf16> to vector<1024x256xf32>
    %mul3A_330 = arith.mulf %exp3A_279, %div3A_304 : vector<1024x8xf32>
    %dot_general3A_331 = arith.constant dense<0.000000e+00> : vector<1024x256xf32>
    %dot_general3A_332 = tpu.matmul %mul3A_330, %convert_element_type3A_109, %dot_general3A_331 {dimension_numbers = #tpu.dot_dimension_numbers<[1], [0], [0], [1], [0, 0, 1, 1], [], []>, transpose_lhs_hint = false} : vector<1024x8xf32>, vector<8x256xf32>, vector<1024x256xf32> -> vector<1024x256xf32>
    %mul3A_333 = arith.mulf %dot_general3A_332, %convert_element_type3A_329 : vector<1024x256xf32>
    %add3A_334 = arith.addf %add3A_320, %mul3A_333 : vector<1024x256xf32>
    %get3A_335 = arith.constant 2 : index
    %get3A_336 = arith.constant 0 : index
    %get3A_337 = arith.constant 0 : index
    %get3A_338 = arith.constant 0 : index
    %get3A_339 = vector.load %arg2[%get3A_335, %get3A_336, %get3A_337, %get3A_338] : memref<9x1x1024x256xi32, #tpu.memory_space<vmem>>, vector<1x1x1024x256xi32>
    %get3A_340 = vector.shape_cast %get3A_339 : vector<1x1x1024x256xi32> to vector<1024x256xi32>
    %convert_element_type3A_341 = arith.trunci %get3A_340 : vector<1024x256xi32> to vector<1024x256xi16>
    %bitcast_convert_type3A_342 = tpu.bitcast %convert_element_type3A_341 : vector<1024x256xi16> -> vector<1024x256xbf16>
    %convert_element_type3A_343 = arith.extf %bitcast_convert_type3A_342 : vector<1024x256xbf16> to vector<1024x256xf32>
    %mul3A_344 = arith.mulf %exp3A_281, %div3A_304 : vector<1024x8xf32>
    %dot_general3A_345 = arith.constant dense<0.000000e+00> : vector<1024x256xf32>
    %dot_general3A_346 = tpu.matmul %mul3A_344, %convert_element_type3A_109, %dot_general3A_345 {dimension_numbers = #tpu.dot_dimension_numbers<[1], [0], [0], [1], [0, 0, 1, 1], [], []>, transpose_lhs_hint = false} : vector<1024x8xf32>, vector<8x256xf32>, vector<1024x256xf32> -> vector<1024x256xf32>
    %mul3A_347 = arith.mulf %dot_general3A_346, %convert_element_type3A_343 : vector<1024x256xf32>
    %add3A_348 = arith.addf %add3A_334, %mul3A_347 : vector<1024x256xf32>
    %get3A_349 = arith.constant 3 : index
    %get3A_350 = arith.constant 0 : index
    %get3A_351 = arith.constant 0 : index
    %get3A_352 = arith.constant 0 : index
    %get3A_353 = vector.load %arg2[%get3A_349, %get3A_350, %get3A_351, %get3A_352] : memref<9x1x1024x256xi32, #tpu.memory_space<vmem>>, vector<1x1x1024x256xi32>
    %get3A_354 = vector.shape_cast %get3A_353 : vector<1x1x1024x256xi32> to vector<1024x256xi32>
    %convert_element_type3A_355 = arith.trunci %get3A_354 : vector<1024x256xi32> to vector<1024x256xi16>
    %bitcast_convert_type3A_356 = tpu.bitcast %convert_element_type3A_355 : vector<1024x256xi16> -> vector<1024x256xbf16>
    %convert_element_type3A_357 = arith.extf %bitcast_convert_type3A_356 : vector<1024x256xbf16> to vector<1024x256xf32>
    %mul3A_358 = arith.mulf %exp3A_283, %div3A_304 : vector<1024x8xf32>
    %dot_general3A_359 = arith.constant dense<0.000000e+00> : vector<1024x256xf32>
    %dot_general3A_360 = tpu.matmul %mul3A_358, %convert_element_type3A_109, %dot_general3A_359 {dimension_numbers = #tpu.dot_dimension_numbers<[1], [0], [0], [1], [0, 0, 1, 1], [], []>, transpose_lhs_hint = false} : vector<1024x8xf32>, vector<8x256xf32>, vector<1024x256xf32> -> vector<1024x256xf32>
    %mul3A_361 = arith.mulf %dot_general3A_360, %convert_element_type3A_357 : vector<1024x256xf32>
    %add3A_362 = arith.addf %add3A_348, %mul3A_361 : vector<1024x256xf32>
    %get3A_363 = arith.constant 4 : index
    %get3A_364 = arith.constant 0 : index
    %get3A_365 = arith.constant 0 : index
    %get3A_366 = arith.constant 0 : index
    %get3A_367 = vector.load %arg2[%get3A_363, %get3A_364, %get3A_365, %get3A_366] : memref<9x1x1024x256xi32, #tpu.memory_space<vmem>>, vector<1x1x1024x256xi32>
    %get3A_368 = vector.shape_cast %get3A_367 : vector<1x1x1024x256xi32> to vector<1024x256xi32>
    %convert_element_type3A_369 = arith.trunci %get3A_368 : vector<1024x256xi32> to vector<1024x256xi16>
    %bitcast_convert_type3A_370 = tpu.bitcast %convert_element_type3A_369 : vector<1024x256xi16> -> vector<1024x256xbf16>
    %convert_element_type3A_371 = arith.extf %bitcast_convert_type3A_370 : vector<1024x256xbf16> to vector<1024x256xf32>
    %mul3A_372 = arith.mulf %exp3A_285, %div3A_304 : vector<1024x8xf32>
    %dot_general3A_373 = arith.constant dense<0.000000e+00> : vector<1024x256xf32>
    %dot_general3A_374 = tpu.matmul %mul3A_372, %convert_element_type3A_109, %dot_general3A_373 {dimension_numbers = #tpu.dot_dimension_numbers<[1], [0], [0], [1], [0, 0, 1, 1], [], []>, transpose_lhs_hint = false} : vector<1024x8xf32>, vector<8x256xf32>, vector<1024x256xf32> -> vector<1024x256xf32>
    %mul3A_375 = arith.mulf %dot_general3A_374, %convert_element_type3A_371 : vector<1024x256xf32>
    %add3A_376 = arith.addf %add3A_362, %mul3A_375 : vector<1024x256xf32>
    %get3A_377 = arith.constant 5 : index
    %get3A_378 = arith.constant 0 : index
    %get3A_379 = arith.constant 0 : index
    %get3A_380 = arith.constant 0 : index
    %get3A_381 = vector.load %arg2[%get3A_377, %get3A_378, %get3A_379, %get3A_380] : memref<9x1x1024x256xi32, #tpu.memory_space<vmem>>, vector<1x1x1024x256xi32>
    %get3A_382 = vector.shape_cast %get3A_381 : vector<1x1x1024x256xi32> to vector<1024x256xi32>
    %convert_element_type3A_383 = arith.trunci %get3A_382 : vector<1024x256xi32> to vector<1024x256xi16>
    %bitcast_convert_type3A_384 = tpu.bitcast %convert_element_type3A_383 : vector<1024x256xi16> -> vector<1024x256xbf16>
    %convert_element_type3A_385 = arith.extf %bitcast_convert_type3A_384 : vector<1024x256xbf16> to vector<1024x256xf32>
    %mul3A_386 = arith.mulf %exp3A_287, %div3A_304 : vector<1024x8xf32>
    %dot_general3A_387 = arith.constant dense<0.000000e+00> : vector<1024x256xf32>
    %dot_general3A_388 = tpu.matmul %mul3A_386, %convert_element_type3A_109, %dot_general3A_387 {dimension_numbers = #tpu.dot_dimension_numbers<[1], [0], [0], [1], [0, 0, 1, 1], [], []>, transpose_lhs_hint = false} : vector<1024x8xf32>, vector<8x256xf32>, vector<1024x256xf32> -> vector<1024x256xf32>
    %mul3A_389 = arith.mulf %dot_general3A_388, %convert_element_type3A_385 : vector<1024x256xf32>
    %add3A_390 = arith.addf %add3A_376, %mul3A_389 : vector<1024x256xf32>
    %get3A_391 = arith.constant 6 : index
    %get3A_392 = arith.constant 0 : index
    %get3A_393 = arith.constant 0 : index
    %get3A_394 = arith.constant 0 : index
    %get3A_395 = vector.load %arg2[%get3A_391, %get3A_392, %get3A_393, %get3A_394] : memref<9x1x1024x256xi32, #tpu.memory_space<vmem>>, vector<1x1x1024x256xi32>
    %get3A_396 = vector.shape_cast %get3A_395 : vector<1x1x1024x256xi32> to vector<1024x256xi32>
    %convert_element_type3A_397 = arith.trunci %get3A_396 : vector<1024x256xi32> to vector<1024x256xi16>
    %bitcast_convert_type3A_398 = tpu.bitcast %convert_element_type3A_397 : vector<1024x256xi16> -> vector<1024x256xbf16>
    %convert_element_type3A_399 = arith.extf %bitcast_convert_type3A_398 : vector<1024x256xbf16> to vector<1024x256xf32>
    %mul3A_400 = arith.mulf %exp3A_289, %div3A_304 : vector<1024x8xf32>
    %dot_general3A_401 = arith.constant dense<0.000000e+00> : vector<1024x256xf32>
    %dot_general3A_402 = tpu.matmul %mul3A_400, %convert_element_type3A_109, %dot_general3A_401 {dimension_numbers = #tpu.dot_dimension_numbers<[1], [0], [0], [1], [0, 0, 1, 1], [], []>, transpose_lhs_hint = false} : vector<1024x8xf32>, vector<8x256xf32>, vector<1024x256xf32> -> vector<1024x256xf32>
    %mul3A_403 = arith.mulf %dot_general3A_402, %convert_element_type3A_399 : vector<1024x256xf32>
    %add3A_404 = arith.addf %add3A_390, %mul3A_403 : vector<1024x256xf32>
    %get3A_405 = arith.constant 7 : index
    %get3A_406 = arith.constant 0 : index
    %get3A_407 = arith.constant 0 : index
    %get3A_408 = arith.constant 0 : index
    %get3A_409 = vector.load %arg2[%get3A_405, %get3A_406, %get3A_407, %get3A_408] : memref<9x1x1024x256xi32, #tpu.memory_space<vmem>>, vector<1x1x1024x256xi32>
    %get3A_410 = vector.shape_cast %get3A_409 : vector<1x1x1024x256xi32> to vector<1024x256xi32>
    %convert_element_type3A_411 = arith.trunci %get3A_410 : vector<1024x256xi32> to vector<1024x256xi16>
    %bitcast_convert_type3A_412 = tpu.bitcast %convert_element_type3A_411 : vector<1024x256xi16> -> vector<1024x256xbf16>
    %convert_element_type3A_413 = arith.extf %bitcast_convert_type3A_412 : vector<1024x256xbf16> to vector<1024x256xf32>
    %mul3A_414 = arith.mulf %exp3A_291, %div3A_304 : vector<1024x8xf32>
    %dot_general3A_415 = arith.constant dense<0.000000e+00> : vector<1024x256xf32>
    %dot_general3A_416 = tpu.matmul %mul3A_414, %convert_element_type3A_109, %dot_general3A_415 {dimension_numbers = #tpu.dot_dimension_numbers<[1], [0], [0], [1], [0, 0, 1, 1], [], []>, transpose_lhs_hint = false} : vector<1024x8xf32>, vector<8x256xf32>, vector<1024x256xf32> -> vector<1024x256xf32>
    %mul3A_417 = arith.mulf %dot_general3A_416, %convert_element_type3A_413 : vector<1024x256xf32>
    %add3A_418 = arith.addf %add3A_404, %mul3A_417 : vector<1024x256xf32>
    %get3A_419 = arith.constant 8 : index
    %get3A_420 = arith.constant 0 : index
    %get3A_421 = arith.constant 0 : index
    %get3A_422 = arith.constant 0 : index
    %get3A_423 = vector.load %arg2[%get3A_419, %get3A_420, %get3A_421, %get3A_422] : memref<9x1x1024x256xi32, #tpu.memory_space<vmem>>, vector<1x1x1024x256xi32>
    %get3A_424 = vector.shape_cast %get3A_423 : vector<1x1x1024x256xi32> to vector<1024x256xi32>
    %convert_element_type3A_425 = arith.trunci %get3A_424 : vector<1024x256xi32> to vector<1024x256xi16>
    %bitcast_convert_type3A_426 = tpu.bitcast %convert_element_type3A_425 : vector<1024x256xi16> -> vector<1024x256xbf16>
    %convert_element_type3A_427 = arith.extf %bitcast_convert_type3A_426 : vector<1024x256xbf16> to vector<1024x256xf32>
    %mul3A_428 = arith.mulf %exp3A_293, %div3A_304 : vector<1024x8xf32>
    %dot_general3A_429 = arith.constant dense<0.000000e+00> : vector<1024x256xf32>
    %dot_general3A_430 = tpu.matmul %mul3A_428, %convert_element_type3A_109, %dot_general3A_429 {dimension_numbers = #tpu.dot_dimension_numbers<[1], [0], [0], [1], [0, 0, 1, 1], [], []>, transpose_lhs_hint = false} : vector<1024x8xf32>, vector<8x256xf32>, vector<1024x256xf32> -> vector<1024x256xf32>
    %mul3A_431 = arith.mulf %dot_general3A_430, %convert_element_type3A_427 : vector<1024x256xf32>
    %add3A_432 = arith.addf %add3A_418, %mul3A_431 : vector<1024x256xf32>
    %convert_element_type3A_433 = arith.truncf %add3A_432 : vector<1024x256xf32> to vector<1024x256xbf16>
    %get3A_434 = arith.constant 0 : index
    %get3A_435 = arith.constant 0 : index
    %get3A_436 = vector.load %arg4[%get3A_434, %get3A_435] : memref<256x256xbf16, #tpu.memory_space<vmem>>, vector<256x256xbf16>
    %dot_general3A_437 = arith.constant dense<0.000000e+00> : vector<1024x256xf32>
    %dot_general3A_438 = tpu.matmul %convert_element_type3A_433, %get3A_436, %dot_general3A_437 {dimension_numbers = #tpu.dot_dimension_numbers<[1], [0], [0], [1], [0, 0, 1, 1], [], []>, transpose_lhs_hint = false} : vector<1024x256xbf16>, vector<256x256xbf16>, vector<1024x256xf32> -> vector<1024x256xf32>
    %add3A_439 = arith.addf %get3A_3, %dot_general3A_438 : vector<1024x256xf32>
    %get3A_440 = arith.constant 0 : index
    %get3A_441 = arith.constant 0 : index
    %get3A_442 = vector.load %arg7[%get3A_440, %get3A_441] : memref<1x256xf32, #tpu.memory_space<vmem>>, vector<1x256xf32>
    %get3A_443 = arith.constant 0 : index
    %get3A_444 = arith.constant 0 : index
    %get3A_445 = vector.load %arg8[%get3A_443, %get3A_444] : memref<1x256xf32, #tpu.memory_space<vmem>>, vector<1x256xf32>
    %reduce_sum3A_446 = arith.constant dense<0.000000e+00> : vector<1024xf32>
    %reduce_sum3A_447 = vector.multi_reduction <add>, %add3A_439, %reduce_sum3A_446 [1] : vector<1024x256xf32> to vector<1024xf32>
    %broadcast_in_dim3A_448 = vector.shape_cast %reduce_sum3A_447 : vector<1024xf32> to vector<1024x1xf32>
    %div3A_449 = arith.constant 2.560000e+02 : f32
    %div3A_450 = vector.broadcast %div3A_449 : f32 to vector<1024x1xf32>
    %div3A_451 = arith.divf %broadcast_in_dim3A_448, %div3A_450 : vector<1024x1xf32>
    %jit3A_452 = arith.constant 0 : i32
    %reduce_sum3A_453 = arith.constant dense<0.000000e+00> : vector<1024xf32>
    %reduce_sum3A_454 = vector.multi_reduction <add>, %add3A_439, %reduce_sum3A_453 [1] : vector<1024x256xf32> to vector<1024xf32>
    %broadcast_in_dim3A_455 = vector.shape_cast %reduce_sum3A_454 : vector<1024xf32> to vector<1024x1xf32>
    %div3A_456 = arith.constant 2.560000e+02 : f32
    %div3A_457 = vector.broadcast %div3A_456 : f32 to vector<1024x1xf32>
    %div3A_458 = arith.divf %broadcast_in_dim3A_455, %div3A_457 : vector<1024x1xf32>
    %sub3A_459 = vector.broadcast %div3A_458 : vector<1024x1xf32> to vector<1024x256xf32>
    %sub3A_460 = arith.subf %add3A_439, %sub3A_459 : vector<1024x256xf32>
    %square3A_461 = arith.mulf %sub3A_460, %sub3A_460 : vector<1024x256xf32>
    %convert_element_type3A_462 = arith.sitofp %jit3A_452 : i32 to f32
    %sub3A_463 = arith.constant 2.560000e+02 : f32
    %sub3A_464 = arith.subf %sub3A_463, %convert_element_type3A_462 : f32
    %reduce_sum3A_465 = arith.constant dense<0.000000e+00> : vector<1024xf32>
    %reduce_sum3A_466 = vector.multi_reduction <add>, %square3A_461, %reduce_sum3A_465 [1] : vector<1024x256xf32> to vector<1024xf32>
    %broadcast_in_dim3A_467 = vector.shape_cast %reduce_sum3A_466 : vector<1024xf32> to vector<1024x1xf32>
    %div3A_468 = vector.broadcast %sub3A_464 : f32 to vector<1024x1xf32>
    %div3A_469 = arith.divf %broadcast_in_dim3A_467, %div3A_468 : vector<1024x1xf32>
    %gt3A_470 = arith.constant 0.000000e+00 : f32
    %gt3A_471 = arith.cmpf ogt, %sub3A_464, %gt3A_470 : f32
    %jit3A_472 = arith.constant 0x7FC00000 : f32
    %broadcast_in_dim3A_473 = vector.broadcast %jit3A_472 : f32 to vector<1024x1xf32>
    %select_n3A_474 = arith.select %gt3A_471, %div3A_469, %broadcast_in_dim3A_473 : vector<1024x1xf32>
    %sub3A_475 = vector.broadcast %div3A_451 : vector<1024x1xf32> to vector<1024x256xf32>
    %sub3A_476 = arith.subf %add3A_439, %sub3A_475 : vector<1024x256xf32>
    %add3A_477 = arith.constant 9.99999974E-6 : f32
    %add3A_478 = vector.broadcast %add3A_477 : f32 to vector<1024x1xf32>
    %add3A_479 = arith.addf %select_n3A_474, %add3A_478 : vector<1024x1xf32>
    %sqrt3A_480 = math.sqrt %add3A_479 : vector<1024x1xf32>
    %div3A_481 = vector.broadcast %sqrt3A_480 : vector<1024x1xf32> to vector<1024x256xf32>
    %div3A_482 = arith.divf %sub3A_476, %div3A_481 : vector<1024x256xf32>
    %mul3A_483 = vector.broadcast %get3A_442 : vector<1x256xf32> to vector<1024x256xf32>
    %mul3A_484 = arith.mulf %div3A_482, %mul3A_483 : vector<1024x256xf32>
    %add3A_485 = vector.broadcast %get3A_445 : vector<1x256xf32> to vector<1024x256xf32>
    %add3A_486 = arith.addf %mul3A_484, %add3A_485 : vector<1024x256xf32>
    %convert_element_type3A_487 = arith.truncf %add3A_486 : vector<1024x256xf32> to vector<1024x256xbf16>
    %get3A_488 = arith.constant 0 : index
    %get3A_489 = arith.constant 0 : index
    %get3A_490 = vector.load %arg9[%get3A_488, %get3A_489] : memref<256x512xbf16, #tpu.memory_space<vmem>>, vector<256x512xbf16>
    %dot_general3A_491 = arith.constant dense<0.000000e+00> : vector<1024x512xf32>
    %dot_general3A_492 = tpu.matmul %convert_element_type3A_487, %get3A_490, %dot_general3A_491 {dimension_numbers = #tpu.dot_dimension_numbers<[1], [0], [0], [1], [0, 0, 1, 1], [], []>, transpose_lhs_hint = false} : vector<1024x256xbf16>, vector<256x512xbf16>, vector<1024x512xf32> -> vector<1024x512xf32>
    %get3A_493 = arith.constant 0 : index
    %get3A_494 = arith.constant 0 : index
    %get3A_495 = vector.load %arg10[%get3A_493, %get3A_494] : memref<1x512xf32, #tpu.memory_space<vmem>>, vector<1x512xf32>
    %add3A_496 = vector.broadcast %get3A_495 : vector<1x512xf32> to vector<1024x512xf32>
    %add3A_497 = arith.addf %dot_general3A_492, %add3A_496 : vector<1024x512xf32>
    %integer_pow3A = arith.mulf %add3A_497, %add3A_497 : vector<1024x512xf32>
    %integer_pow3A_498 = arith.mulf %add3A_497, %integer_pow3A : vector<1024x512xf32>
    %mul3A_499 = arith.constant 4.471500e-02 : f32
    %mul3A_500 = vector.broadcast %mul3A_499 : f32 to vector<1024x512xf32>
    %mul3A_501 = arith.mulf %mul3A_500, %integer_pow3A_498 : vector<1024x512xf32>
    %add3A_502 = arith.addf %add3A_497, %mul3A_501 : vector<1024x512xf32>
    %mul3A_503 = arith.constant 0.797884583 : f32
    %mul3A_504 = vector.broadcast %mul3A_503 : f32 to vector<1024x512xf32>
    %mul3A_505 = arith.mulf %mul3A_504, %add3A_502 : vector<1024x512xf32>
    %tanh3A = math.tanh %mul3A_505 : vector<1024x512xf32>
    %add3A_506 = arith.constant 1.000000e+00 : f32
    %add3A_507 = vector.broadcast %add3A_506 : f32 to vector<1024x512xf32>
    %add3A_508 = arith.addf %add3A_507, %tanh3A : vector<1024x512xf32>
    %mul3A_509 = arith.constant 5.000000e-01 : f32
    %mul3A_510 = vector.broadcast %mul3A_509 : f32 to vector<1024x512xf32>
    %mul3A_511 = arith.mulf %mul3A_510, %add3A_508 : vector<1024x512xf32>
    %mul3A_512 = arith.mulf %add3A_497, %mul3A_511 : vector<1024x512xf32>
    %convert_element_type3A_513 = arith.truncf %mul3A_512 : vector<1024x512xf32> to vector<1024x512xbf16>
    %get3A_514 = arith.constant 0 : index
    %get3A_515 = arith.constant 0 : index
    %get3A_516 = vector.load %arg11[%get3A_514, %get3A_515] : memref<512x256xbf16, #tpu.memory_space<vmem>>, vector<512x256xbf16>
    %dot_general3A_517 = arith.constant dense<0.000000e+00> : vector<1024x256xf32>
    %dot_general3A_518 = tpu.matmul %convert_element_type3A_513, %get3A_516, %dot_general3A_517 {dimension_numbers = #tpu.dot_dimension_numbers<[1], [0], [0], [1], [0, 0, 1, 1], [], []>, transpose_lhs_hint = false} : vector<1024x512xbf16>, vector<512x256xbf16>, vector<1024x256xf32> -> vector<1024x256xf32>
    %add3A_519 = arith.addf %add3A_439, %dot_general3A_518 : vector<1024x256xf32>
    %get3A_520 = arith.constant 0 : index
    %get3A_521 = arith.constant 0 : index
    %get3A_522 = vector.load %arg12[%get3A_520, %get3A_521] : memref<1x256xf32, #tpu.memory_space<vmem>>, vector<1x256xf32>
    %add3A_523 = vector.broadcast %get3A_522 : vector<1x256xf32> to vector<1024x256xf32>
    %add3A_524 = arith.addf %add3A_519, %add3A_523 : vector<1024x256xf32>
    %swap3A = arith.constant 0 : index
    %swap3A_525 = arith.constant 0 : index
    %swap3A_526 = arith.constant 0 : index
    %swap3A_527 = vector.load %arg13[%swap3A, %swap3A_525, %swap3A_526] : memref<1x1024x256xf32, #tpu.memory_space<vmem>>, vector<1x1024x256xf32>
    %swap3A_528 = vector.shape_cast %swap3A_527 : vector<1x1024x256xf32> to vector<1024x256xf32>
    %swap3A_529 = vector.shape_cast %add3A_524 : vector<1024x256xf32> to vector<1x1024x256xf32>
    tpu.vector_store %arg13[%swap3A, %swap3A_525, %swap3A_526], %swap3A_529 {strides = array<i32>} : memref<1x1024x256xf32, #tpu.memory_space<vmem>>, vector<1x1024x256xf32>,
    return
  }
  func.func @transform_0(%arg0: i32) -> (i32, i32, i32) {
    %c0_i32 = arith.constant 0 : i32
    %c0_i32_0 = arith.constant 0 : i32
    %c0_i32_1 = arith.constant 0 : i32
    return %arg0, %c0_i32, %c0_i32_0 : i32, i32, i32
  }
  func.func @transform_1(%arg0: i32) -> (i32, i32, i32, i32) {
    %c0_i32 = arith.constant 0 : i32
    %c0_i32_0 = arith.constant 0 : i32
    %c0_i32_1 = arith.constant 0 : i32
    %c0_i32_2 = arith.constant 0 : i32
    return %c0_i32, %arg0, %c0_i32_0, %c0_i32_1 : i32, i32, i32, i32
  }
  func.func @transform_2(%arg0: i32) -> (i32, i32) {
    %c0_i32 = arith.constant 0 : i32
    %c0_i32_0 = arith.constant 0 : i32
    %c0_i32_1 = arith.constant 0 : i32
    return %c0_i32, %c0_i32_0 : i32, i32
  }
  func.func @transform_3(%arg0: i32) -> (i32, i32) {
    %c0_i32 = arith.constant 0 : i32
    %c0_i32_0 = arith.constant 0 : i32
    %c0_i32_1 = arith.constant 0 : i32
    return %c0_i32, %c0_i32_0 : i32, i32
  }
  func.func @transform_4(%arg0: i32) -> (i32, i32) {
    %c0_i32 = arith.constant 0 : i32
    %c0_i32_0 = arith.constant 0 : i32
    %c0_i32_1 = arith.constant 0 : i32
    return %c0_i32, %c0_i32_0 : i32, i32
  }
  func.func @transform_5(%arg0: i32) -> (i32, i32) {
    %c0_i32 = arith.constant 0 : i32
    %c0_i32_0 = arith.constant 0 : i32
    %c0_i32_1 = arith.constant 0 : i32
    return %c0_i32, %c0_i32_0 : i32, i32
  }
  func.func @transform_6(%arg0: i32) -> (i32, i32) {
    %c0_i32 = arith.constant 0 : i32
    %c0_i32_0 = arith.constant 0 : i32
    %c0_i32_1 = arith.constant 0 : i32
    return %c0_i32, %c0_i32_0 : i32, i32
  }
  func.func @transform_7(%arg0: i32) -> (i32, i32) {
    %c0_i32 = arith.constant 0 : i32
    %c0_i32_0 = arith.constant 0 : i32
    %c0_i32_1 = arith.constant 0 : i32
    return %c0_i32, %c0_i32_0 : i32, i32
  }
  func.func @transform_8(%arg0: i32) -> (i32, i32) {
    %c0_i32 = arith.constant 0 : i32
    %c0_i32_0 = arith.constant 0 : i32
    %c0_i32_1 = arith.constant 0 : i32
    return %c0_i32, %c0_i32_0 : i32, i32
  }
  func.func @transform_9(%arg0: i32) -> (i32, i32) {
    %c0_i32 = arith.constant 0 : i32
    %c0_i32_0 = arith.constant 0 : i32
    %c0_i32_1 = arith.constant 0 : i32
    return %c0_i32, %c0_i32_0 : i32, i32
  }
  func.func @transform_10(%arg0: i32) -> (i32, i32) {
    %c0_i32 = arith.constant 0 : i32
    %c0_i32_0 = arith.constant 0 : i32
    %c0_i32_1 = arith.constant 0 : i32
    return %c0_i32, %c0_i32_0 : i32, i32
  }
  func.func @transform_11(%arg0: i32) -> (i32, i32) {
    %c0_i32 = arith.constant 0 : i32
    %c0_i32_0 = arith.constant 0 : i32
    %c0_i32_1 = arith.constant 0 : i32
    return %c0_i32, %c0_i32_0 : i32, i32
  }
  func.func @transform_12(%arg0: i32) -> (i32, i32, i32) {
    %c0_i32 = arith.constant 0 : i32
    %c0_i32_0 = arith.constant 0 : i32
    %c0_i32_1 = arith.constant 0 : i32
    return %arg0, %c0_i32, %c0_i32_0 : i32, i32, i32
  }
}

</mosaic_0001>

<sc_bundles>
// kernel: kernel.13.cloned.1.call-start
scs
__scs_entry_jumppad:
0x0: {  	(pc) =	sbr.rel $0x88, $3  }
0x1: {  	(tag) =	ssettag $0x0;
	lr =	simm.s32 $0x1  }
0x2: {  	[smem:$0x3F5B] =	sst lr;
	_ =	strace $0xD0000000  }
0x3: {  	_ = 	snop  }
0x4: {  	_ = 	snop  }
0x5: {  	_ = 	snop  }
0x6: {  	_ = 	snop  }
0x7: {  	_ = 	snop  }
__scs_overlays_trampoline_lowered:
0x8: {  	[smem:$0x3F6A] =	sst s0  }
0x9: {  	[smem:$0x3F6B] =	sst s1  }
0xa: {  	[smem:$0x3F6C] =	sst s2  }
0xb: {  	[smem:$0x3F6D] =	sst s3  }
0xc: {  	[smem:$0x3F6E] =	sst s4  }
0xd: {  	[smem:$0x3F6F] =	sst s5  }
0xe: {  	[smem:$0x3F70] =	sst s6  }
0xf: {  	[smem:$0x3F71] =	sst s7  }
0x10: {  	[smem:$0x3F72] =	sst s8  }
0x11: {  	[smem:$0x3F73] =	sst s9;
	s0 =	simm.s32 @!p0 $0x0  }
0x12: {  	s1 =	sld [smem:$0x3F59];
	s0 =	simm.s32 @p0 $0x1  }
0x13: {  	[smem:$0x3F74] =	sst s0;
	s0 =	simm.s32 @!p1 $0x0  }
0x14: {  	s2 =	sld [smem:$0x3F58];
	s0 =	simm.s32 @p1 $0x1  }
0x15: {  	[smem:$0x3F75] =	sst s0;
	s0 =	simm.s32 @!p2 $0x0  }
0x16: {  	s3 =	sld [smem:$0x3FDB];
	s0 =	simm.s32 @p2 $0x1  }
0x17: {  	s4 =	simm.s32 $0x1BF5;
	[smem:$0x3F77] =	sst s0  }
0x18: {  	s0 =	sld [smem:$0x3F5A];
	_ =	swait.ge [sflag:s4], $0x0  }
0x19: {  	s7 =	sld [smem:$0x3F5B]  }
0x1a: {  	s8 =	sadd.s32 $0xFFFFE003, lr  }
0x1b: {  	s9 =	sadd.s32 $0xFFFFFEF7, lr;
	s5 =	simm.s32 $0xFFFFFFFF;
	p2 =	slt.u32 s8, $0xFFFFF086  }
0x1c: {  	p1 =	slt.u32 s9, $0xF7A;
	s5 =	simm.s32 @!p2 $0x0  }
0x1d: {  	s5 =	simm.s32 @p1 $0x1;
	p0 =	seq.s32 s7, s2  }
0x1e: {  	s7 =	smul.u32 @!p0 $0xF7A, s2;
	p2 =	seq.s32 @!p0 s5, $0x0  }
0x1f: {  	s9 =	smul.u32 $0xF7A, s1;
	s8 =	simm.s32 @!p0 $0x1BF5;
	p2 =	por !p2, p0  }
0x20: {  	[sflag:s8] =	ssyncset.s32 @!p0 $0xFFFFF086;
	s6 =	sadd.s32 @!p0 s3, s7;
	s7 =	simm.s32 @!p0 $0x108  }
0x21: {  	s3 =	sadd.s32 s3, s9;
	s6 =	sadd.s32 @!p0 $0x88, s6;
	s7 =	simm.s32 @p2 $0x1082  }
0x22: {  	[simem:s7], [sflag:s8] =	dma.local @!p0 [hbm:s6], $0xF7A  }
0x23: {  	s9 =	sor.u32 $0xD0000000, s2;
	s6 =	simm.s32 $0x108;
	_ =	swait.ge @!p0 [sflag:s8], $0x0  }
0x24: {  	s3 =	sadd.s32 $0x88, s3;
	s6 =	simm.s32 @!p1 $0x1082;
	[sflag:s4] =	ssyncset.s32 $0xFFFFF086  }
0x25: {  	[simem:s6], [sflag:s4] =	dma.local [hbm:s3], $0xF7A  }
0x26: {  	[smem:$0x3F5B] =	sst s1;
	(tag) =	ssettag s2;
	_ =	strace s9  }
0x27: {  	s1 =	sld [smem:$0x3F6B]  }
0x28: {  	s2 =	sld [smem:$0x3F6C]  }
0x29: {  	s4 =	sld [smem:$0x3F6E]  }
0x2a: {  	p0 =	seq.s32 s5, $0x0;
	s5 =	sld [smem:$0x3F6F]  }
0x2b: {  	s6 =	sld [smem:$0x3F70]  }
0x2c: {  	s7 =	sld [smem:$0x3F71]  }
0x2d: {  	s3 =	simm.s32 $0x108;
	s8 =	sld [smem:$0x3F72]  }
0x2e: {  	s3 =	simm.s32 @!p0 $0x1082;
	s9 =	sld [smem:$0x3F73]  }
0x2f: {  	lr =	sadd.s32 s0, s3;
	s0 =	sld [smem:$0x3F6A]  }
0x30: {  	s3 =	sld [smem:$0x3F6D]  }
0x31: {  	[smem:$0x3F76] =	sst s10  }
0x32: {  	s10 =	sld [smem:$0x3F74];
	_ =	sdelay $0x3  }
0x33: {  	p0 =	seq.s32 s10, $0x1;
	s10 =	sld [smem:$0x3F76];
	_ =	sdelay $0x3  }
0x34: {  	[smem:$0x3F76] =	sst s10  }
0x35: {  	s10 =	sld [smem:$0x3F75];
	_ =	sdelay $0x3  }
0x36: {  	p1 =	seq.s32 s10, $0x1;
	s10 =	sld [smem:$0x3F76];
	_ =	sdelay $0x3  }
0x37: {  	[smem:$0x3F76] =	sst s10  }
0x38: {  	s10 =	sld [smem:$0x3F77]  }
0x39: {  	_ = 	snop;
	(pc) =	sbr.ind lr, $3  }
0x3a: {  	_ = 	snop  }
0x3b: {  	_ = 	snop  }
0x3c: {  	p2 =	seq.s32 s10, $0x1;
	s10 =	sld [smem:$0x3F76]  }
0x3d: {  	_ =	shalt  }
0x3e: {  	_ =	shalt  }
0x3f: {  	_ =	shalt  }
0x40: {  	_ =	shalt  }
0x41: {  	_ =	shalt  }
0x42: {  	_ =	shalt  }
0x43: {  	_ =	shalt  }
0x44: {  	_ =	shalt  }
0x45: {  	_ =	shalt  }
0x46: {  	_ =	shalt  }
0x47: {  	_ =	shalt  }
0x48: {  	_ =	shalt  }
0x49: {  	_ =	shalt  }
0x4a: {  	_ =	shalt  }
0x4b: {  	_ =	shalt  }
0x4c: {  	_ =	shalt  }
0x4d: {  	_ =	shalt  }
0x4e: {  	_ =	shalt  }
0x4f: {  	_ =	shalt  }
0x50: {  	_ =	shalt  }
0x51: {  	_ =	shalt  }
0x52: {  	_ =	shalt  }
0x53: {  	_ =	shalt  }
0x54: {  	_ =	shalt  }
0x55: {  	_ =	shalt  }
0x56: {  	_ =	shalt  }
0x57: {  	_ =	shalt  }
0x58: {  	_ =	shalt  }
0x59: {  	_ =	shalt  }
0x5a: {  	_ =	shalt  }
0x5b: {  	_ =	shalt  }
0x5c: {  	_ =	shalt  }
0x5d: {  	_ =	shalt  }
0x5e: {  	_ =	shalt  }
0x5f: {  	_ =	shalt  }
0x60: {  	_ =	shalt  }
0x61: {  	_ =	shalt  }
0x62: {  	_ =	shalt  }
0x63: {  	_ =	shalt  }
0x64: {  	_ =	shalt  }
0x65: {  	_ =	shalt  }
0x66: {  	_ =	shalt  }
0x67: {  	_ =	shalt  }
0x68: {  	_ =	shalt  }
0x69: {  	_ =	shalt  }
0x6a: {  	_ =	shalt  }
0x6b: {  	_ =	shalt  }
0x6c: {  	_ =	shalt  }
0x6d: {  	_ =	shalt  }
0x6e: {  	_ =	shalt  }
0x6f: {  	_ =	shalt  }
0x70: {  	_ =	shalt  }
0x71: {  	_ =	shalt  }
0x72: {  	_ =	shalt  }
0x73: {  	_ =	shalt  }
0x74: {  	_ =	shalt  }
0x75: {  	_ =	shalt  }
0x76: {  	_ =	shalt  }
0x77: {  	_ =	shalt  }
0x78: {  	_ =	shalt  }
0x79: {  	_ =	shalt  }
0x7a: {  	_ =	shalt  }
0x7b: {  	_ =	shalt  }
0x7c: {  	_ =	shalt  }
0x7d: {  	_ =	shalt  }
0x7e: {  	_ =	shalt  }
0x7f: {  	_ =	shalt  }
0x80: {  	_ =	shalt  }
0x81: {  	_ =	shalt  }
0x82: {  	_ =	shalt  }
0x83: {  	_ =	shalt  }
0x84: {  	_ =	shalt  }
0x85: {  	_ =	shalt  }
0x86: {  	_ =	shalt  }
0x87: {  	_ =	shalt  }
.Lfunc_end0:
.L_simem_size_0:
called_computation_lowered:
.L_overlay_start_0:
0x88: {  	s2 =	sld [smem:$0x3FD9]  }
0x89: {  	s3 =	sld [smem:$0x3FFE];
	_ =	sdelay $0x1  }
0x8a: {  	s1 =	srdreg.scid  }
0x8b: {  	s0 =	sand.u32 $0x1, s1  }
0x8c: {  	s17 =	sshll.u32 s0, $0xA;
	s2 =	sadd.s32 s3, s2  }
0x8d: {  	s2 =	sadd.s32 s2, s17  }
0x8e: {  	[smem:$0x3F82] =	sst s2  }
0x8f: {  	_ = 	snop  }
0x90: {  	s2 =	sld [smem:$0x3FD0];
	(tm) =	ssettm $0x1  }
0x91: {  	s18 =	sld [smem:$0x3FFB];
	_ =	sdelay $0x3  }
0x92: {  	_ =	strace s18  }
0x93: {  	s3 =	sld [smem:$0x3FFC];
	_ =	sdelay $0x3  }
0x94: {  	_ =	strace s3  }
0x95: {  	s3 =	sld [smem:$0x3FFD];
	_ =	sdelay $0x3  }
0x96: {  	_ =	strace s3  }
0x97: {  	_ =	strace $0x8FFFFFFF  }
0x98: {  	s19 =	sld [smem:$0x3FDB];
	_ =	sdelay $0x1  }
0x99: {  	s4 =	simm.s32 $_scs_section_size  }
0x9a: {  	s5 =	simm.s32 $_size__tile_overlayer_lowered;
	s6 =	simm.s32 $_tile_overlayer_lowered  }
0x9b: {  	s22 =	simm.s32 $0x1BFF;
	s21 =	sshll.u32 s6, $0x1;
	s3 =	sadd.s32 s4, s19  }
0x9c: {  	s7 =	simm.s32 $0x0;
	s20 =	sshll.u32 s5, $0x1;
	s5 =	sadd.s32 s21, s3  }
0x9d: {  	[timem:s7], [sflag:s22] =	dma.local [hbm:s5], s20  }
0x9e: {  	_ =	swait.ge [sflag:s22], s20  }
0x9f: {  	s4 =	ssub.s32 $0x0, s20;
	[sflag:s22] =	ssyncset.done $0x0  }
0xa0: {  	[sflag:s22] =	ssyncadd.s32 s4;
	_ =	sdelay $0x1  }
0xa1: {  	s23 =	simm.s32 $0x1B8B  }
0xa2: {  	_ =	swait.ge [sflag:s23], $0x1  }
0xa3: {  	[sflag:s23] =	ssyncset.done $0x0  }
0xa4: {  	s25 =	simm.s32 $0x1B8E;
	s24 =	sld [smem:$0x3FFE];
	[sflag:s23] =	ssyncadd.s32 $0xFFFFFFFF  }
0xa5: {  	s26 =	simm.s32 $execute0_lowered;
	[smem:$0x3FD2] =	sst s25  }
0xa6: {  	s5 =	sshll.u32 s26, $0x1;
	_ =	strace $0x80000046;
	[dreg:$0x1] =	wrdreg $0xFFFFFFFF  }
0xa7: {  	s28 =	simm.s32 $_size_execute0_lowered;
	s3 =	sadd.s32 s3, s5;
	[dreg:$0x0] =	wrdreg $0x0  }
0xa8: {  	s5 =	sshll.u32 s28, $0x1;
	[dreg:$0x2] =	wrdreg s3  }
0xa9: {  	[dreg:$0x3] =	wrdreg s5  }
0xaa: {  	[dreg:$0x4] =	wrdreg $0xC0  }
0xab: {  	_ =	task [dreg:s7], $0x5FFFF  }
0xac: {  	[dreg:$0x1] =	wrdreg $0xFFFFFFFF  }
0xad: {  	[dreg:$0x0] =	wrdreg $0x60  }
0xae: {  	[dreg:$0x2] =	wrdreg s2  }
0xaf: {  	[dreg:$0x3] =	wrdreg s24  }
0xb0: {  	[dreg:$0x4] =	wrdreg $0x9  }
0xb1: {  	_ =	task.clear_ibuf [dreg:s7], $0x5FFFF;
	_ =	strace $0x90000046  }
0xb2: {  	s29 =	simm.s32 $0x9;
	_ =	strace $0x80000048  }
0xb3: {  	_ =	swait.ge [sflag:s29], $0x1  }
0xb4: {  	[sflag:s29] =	ssyncadd.s32 $0xFFFFFFFF  }
0xb5: {  	_ =	strace $0x90000048  }
0xb6: {  	_ =	sfence  }
0xb7: {  	s30 =	sld [smem:$0x0];
	_ =	sdelay $0x2  }
0xb8: {  	s31 =	sshll.u32 s1, $0xD;
	s1 =	sshrl.u32 s1, $0x2  }
0xb9: {  	s3 =	sand.u32 $0x4000, s31;
	s1 =	sadd.s32 s1, s30  }
0xba: {  	s0 =	sor.u32 s3, s0;
	s1 =	sshll.u32 s1, $0x11  }
0xbb: {  	s0 =	sor.u32 s1, s0  }
0xbc: {  	s0 =	sadd.s32 $0x8F2B, s0  }
0xbd: {  	[sflag:s0] =	ssyncadd.remote.s32 $0x1  }
0xbe: {  	_ =	sfence.sel $0xFFFF  }
0xbf: {  	[dreg:$0x0] =	wrdreg $0xFFFFFFFF;
	(pc) =	sbr.abs _section_cstart, $3  }
0xc0: {  	[dreg:$0x1] =	wrdreg $0xFFFFFFFF  }
0xc1: {  	_ =	task.clear_ibuf [dreg:s7], $0x2FFFF;
	_ =	strace $0x9FFFFFFF  }
0xc2: {  	(tm) =	ssettm $0x7FFFFFFF  }
0xc3: {  	_ =	shalt  }
tec
execute0_lowered:
.L_overlay_start_1:
0x0: {  	(tag) =	ssettag $0x1  }
0x1: {  	s0 =	srdreg.scid;
	s1 =	stileid.u32  }
0x2: {  	s0 =	sand.u32 $0x1, s0;
	s1 =	sshll.u32 s1, $0x1  }
0x3: {  	s2 =	rddreg [dreg:$0x0];
	s1 =	sor.u32 s0, s1  }
0x4: {  	s4 =	rddreg [dreg:$0x1];
	s3 =	simm.s32 $0x0;
	s5 =	smul.u32 $0x90, s1  }
0x5: {  	[smem:$0x7FF] =	sst s3;
	s6 =	smul.u32 $0x48000, s1  }
0x6: {  	_ =	strace $0x80000047;
	s1 =	smul.u32 $0x9000, s1;
	s5 =	sadd.s32 s5, s4  }
0x7: {  	s4 =	sadd.s32 $0xAC00, s4;
	s6 =	sshrl.u32 s6, $0x3;
	s5 =	sadd.s32 $0x9A00, s5  }
0x8: {  	s1 =	sadd.s32 s4, s1;
	s4 =	sadd.s32 s4, s6;
	[dreg:$0x3] =	wrdreg s5  }
0x9: {  	[dreg:$0x4] =	wrdreg s1;
	s20 =	sadd.s32 $0x1000, s4  }
0xa: {  	s12 =	simm.s32 $0x480;
	s21 =	sadd.s32 $0x2000, s4;
	[dreg:$0x5] =	wrdreg s20  }
0xb: {  	s29 =	simm.s32 $0x1;
	s22 =	sadd.s32 $0x3000, s4;
	[dreg:$0x6] =	wrdreg s21  }
0xc: {  	s30 =	simm.s32 $0x2;
	s23 =	sadd.s32 $0x4000, s4;
	[dreg:$0x7] =	wrdreg s22  }
0xd: {  	s0 =	ssub.s32 $0x2, s0;
	s24 =	sadd.s32 $0x5000, s4;
	[dreg:$0x8] =	wrdreg s23  }
0xe: {  	s28 =	sshrl.u32 s0, $0x1;
	s25 =	sadd.s32 $0x6000, s4;
	[dreg:$0x9] =	wrdreg s24  }
0xf: {  	v2 =	vlaneseq.u32;
	s0 =	ssub.s32 s0, s28;
	s26 =	sadd.s32 $0x7000, s4;
	[dreg:$0xa] =	wrdreg s25  }
0x10: {  	vm0 =	vmmov $0xffff;
	v1 =	vshrl.u32 v2, $0x3;
	s6 =	simm.s32 $0x8480;
	s31 =	sadd.s32 $0x8000, s4;
	[dreg:$0xb] =	wrdreg s26  }
0x11: {  	v0 =	vand.u32 $0x7, v2;
	v2 =	vor.u32 $0x8, v2;
	v1 =	vmul.u32 $0x8, v1;
	s4 =	smax.u32 s0, $0x1;
	s5 =	simm.s32 $0x3;
	[dreg:$0xc] =	wrdreg s31  }
.LBB2_1:
0x12: {  	s31 =	rddreg [dreg:$0x3]  }
0x13: {  	[tilespmem:s3], [sflag:$0x3] =	stream.linear.gather [hbm4b:s31+s3], $0x480, $0x38;
	[tilespmem:$0x10480] =	vst v63  }
0x14: {  	_ =	swait.ge [sflag:s5], $0x480  }
0x15: {  	[sflag:s5] =	ssyncset.done $0x0  }
0x16: {  	[sflag:s5] =	ssyncadd.s32 $0xFFFFFB80  }
0x17: {  	v3 =	vld [tilespmem:$0x0];
	_ =	sdelay $0x4  }
0x18: {  	v4 =	vshll.u32 v3, $0x1  }
0x19: {  	v3 =	vand.u32 $0x7, v3;
	v4 =	vand.u32 $0xFFFFFFF0, v4  }
0x1a: {  	v3 =	vor.u32 v3, v4  }
0x1b: {  	v4 =	vperm.xlane v3, v0;
	_ =	sdelay $0x1  }
0x1c: {  	v3 =	vperm.xlane v3, v2;
	v4 =	vadd.s32 v1, v4;
	_ =	sdelay $0x1  }
0x1d: {  	v3 =	vadd.s32 v1, v3;
	_ =	sdelay $0x2  }
0x1e: {  	[tilespmem:s12], [sflag:$0x1] =	stream.indirect_vreg.gather [hbm4b:s2+s3], $0x80, v4, vm0, $0xb8;
	[tilespmem:$0x10480] =	vst v63  }
0x1f: {  	s0 =	simm.s32 $0xC80  }
0x20: {  	[tilespmem:s0], [sflag:$0x1] =	stream.indirect_vreg.gather [hbm4b:s2+s3], $0x80, v3, vm0, $0xb8;
	[tilespmem:$0x10480] =	vst v63  }
0x21: {  	v3 =	vld [tilespmem:$0x10];
	_ =	sdelay $0x4  }
0x22: {  	v49 =	vshll.u32 v3, $0x1  }
0x23: {  	v3 =	vand.u32 $0x7, v3;
	v4 =	vand.u32 $0xFFFFFFF0, v49  }
0x24: {  	v3 =	vor.u32 v3, v4  }
0x25: {  	v4 =	vperm.xlane v3, v0;
	_ =	sdelay $0x1  }
0x26: {  	v3 =	vperm.xlane v3, v2;
	v4 =	vadd.s32 v1, v4;
	_ =	sdelay $0x1  }
0x27: {  	v3 =	vadd.s32 v1, v3;
	_ =	sdelay $0x1  }
0x28: {  	s11 =	simm.s32 $0x1480  }
0x29: {  	[tilespmem:s11], [sflag:$0x1] =	stream.indirect_vreg.gather [hbm4b:s2+s3], $0x80, v4, vm0, $0xb8;
	[tilespmem:$0x10480] =	vst v63  }
0x2a: {  	s13 =	simm.s32 $0x1C80  }
0x2b: {  	[tilespmem:s13], [sflag:$0x1] =	stream.indirect_vreg.gather [hbm4b:s2+s3], $0x80, v3, vm0, $0xb8;
	[tilespmem:$0x10480] =	vst v63  }
0x2c: {  	v3 =	vld [tilespmem:$0x20];
	_ =	sdelay $0x4  }
0x2d: {  	v50 =	vshll.u32 v3, $0x1  }
0x2e: {  	v3 =	vand.u32 $0x7, v3;
	v4 =	vand.u32 $0xFFFFFFF0, v50  }
0x2f: {  	v3 =	vor.u32 v3, v4  }
0x30: {  	v4 =	vperm.xlane v3, v0;
	_ =	sdelay $0x1  }
0x31: {  	v3 =	vperm.xlane v3, v2;
	v4 =	vadd.s32 v1, v4;
	_ =	sdelay $0x1  }
0x32: {  	v3 =	vadd.s32 v1, v3;
	_ =	sdelay $0x1  }
0x33: {  	s14 =	simm.s32 $0x2480  }
0x34: {  	[tilespmem:s14], [sflag:$0x1] =	stream.indirect_vreg.gather [hbm4b:s2+s3], $0x80, v4, vm0, $0xb8;
	[tilespmem:$0x10480] =	vst v63  }
0x35: {  	s15 =	simm.s32 $0x2C80  }
0x36: {  	[tilespmem:s15], [sflag:$0x1] =	stream.indirect_vreg.gather [hbm4b:s2+s3], $0x80, v3, vm0, $0xb8;
	[tilespmem:$0x10480] =	vst v63  }
0x37: {  	v3 =	vld [tilespmem:$0x30];
	_ =	sdelay $0x4  }
0x38: {  	v51 =	vshll.u32 v3, $0x1  }
0x39: {  	v3 =	vand.u32 $0x7, v3;
	v4 =	vand.u32 $0xFFFFFFF0, v51  }
0x3a: {  	v3 =	vor.u32 v3, v4  }
0x3b: {  	v4 =	vperm.xlane v3, v0;
	_ =	sdelay $0x1  }
0x3c: {  	v3 =	vperm.xlane v3, v2;
	v4 =	vadd.s32 v1, v4;
	_ =	sdelay $0x1  }
0x3d: {  	v3 =	vadd.s32 v1, v3;
	_ =	sdelay $0x1  }
0x3e: {  	s16 =	simm.s32 $0x3480  }
0x3f: {  	[tilespmem:s16], [sflag:$0x1] =	stream.indirect_vreg.gather [hbm4b:s2+s3], $0x80, v4, vm0, $0xb8;
	[tilespmem:$0x10480] =	vst v63  }
0x40: {  	s19 =	simm.s32 $0x3C80  }
0x41: {  	[tilespmem:s19], [sflag:$0x1] =	stream.indirect_vreg.gather [hbm4b:s2+s3], $0x80, v3, vm0, $0xb8;
	[tilespmem:$0x10480] =	vst v63  }
0x42: {  	v3 =	vld [tilespmem:$0x40];
	_ =	sdelay $0x4  }
0x43: {  	v52 =	vshll.u32 v3, $0x1  }
0x44: {  	v3 =	vand.u32 $0x7, v3;
	v4 =	vand.u32 $0xFFFFFFF0, v52  }
0x45: {  	v3 =	vor.u32 v3, v4  }
0x46: {  	v4 =	vperm.xlane v3, v0;
	_ =	sdelay $0x1  }
0x47: {  	v3 =	vperm.xlane v3, v2;
	v4 =	vadd.s32 v1, v4;
	_ =	sdelay $0x1  }
0x48: {  	v3 =	vadd.s32 v1, v3;
	_ =	sdelay $0x1  }
0x49: {  	s20 =	simm.s32 $0x4480  }
0x4a: {  	[tilespmem:s20], [sflag:$0x1] =	stream.indirect_vreg.gather [hbm4b:s2+s3], $0x80, v4, vm0, $0xb8;
	[tilespmem:$0x10480] =	vst v63  }
0x4b: {  	s21 =	simm.s32 $0x4C80  }
0x4c: {  	[tilespmem:s21], [sflag:$0x1] =	stream.indirect_vreg.gather [hbm4b:s2+s3], $0x80, v3, vm0, $0xb8;
	[tilespmem:$0x10480] =	vst v63  }
0x4d: {  	v3 =	vld [tilespmem:$0x50];
	_ =	sdelay $0x4  }
0x4e: {  	v53 =	vshll.u32 v3, $0x1  }
0x4f: {  	v3 =	vand.u32 $0x7, v3;
	v4 =	vand.u32 $0xFFFFFFF0, v53  }
0x50: {  	v3 =	vor.u32 v3, v4  }
0x51: {  	v4 =	vperm.xlane v3, v0;
	_ =	sdelay $0x1  }
0x52: {  	v3 =	vperm.xlane v3, v2;
	v4 =	vadd.s32 v1, v4;
	_ =	sdelay $0x1  }
0x53: {  	v3 =	vadd.s32 v1, v3;
	_ =	sdelay $0x1  }
0x54: {  	s22 =	simm.s32 $0x5480  }
0x55: {  	[tilespmem:s22], [sflag:$0x1] =	stream.indirect_vreg.gather [hbm4b:s2+s3], $0x80, v4, vm0, $0xb8;
	[tilespmem:$0x10480] =	vst v63  }
0x56: {  	s23 =	simm.s32 $0x5C80  }
0x57: {  	[tilespmem:s23], [sflag:$0x1] =	stream.indirect_vreg.gather [hbm4b:s2+s3], $0x80, v3, vm0, $0xb8;
	[tilespmem:$0x10480] =	vst v63  }
0x58: {  	v3 =	vld [tilespmem:$0x60];
	_ =	sdelay $0x4  }
0x59: {  	v54 =	vshll.u32 v3, $0x1  }
0x5a: {  	v3 =	vand.u32 $0x7, v3;
	v4 =	vand.u32 $0xFFFFFFF0, v54  }
0x5b: {  	v3 =	vor.u32 v3, v4  }
0x5c: {  	v4 =	vperm.xlane v3, v0;
	_ =	sdelay $0x1  }
0x5d: {  	v3 =	vperm.xlane v3, v2;
	v4 =	vadd.s32 v1, v4;
	_ =	sdelay $0x1  }
0x5e: {  	v3 =	vadd.s32 v1, v3;
	_ =	sdelay $0x1  }
0x5f: {  	s24 =	simm.s32 $0x6480  }
0x60: {  	[tilespmem:s24], [sflag:$0x1] =	stream.indirect_vreg.gather [hbm4b:s2+s3], $0x80, v4, vm0, $0xb8;
	[tilespmem:$0x10480] =	vst v63  }
0x61: {  	s25 =	simm.s32 $0x6C80  }
0x62: {  	[tilespmem:s25], [sflag:$0x1] =	stream.indirect_vreg.gather [hbm4b:s2+s3], $0x80, v3, vm0, $0xb8;
	[tilespmem:$0x10480] =	vst v63  }
0x63: {  	v3 =	vld [tilespmem:$0x70];
	_ =	sdelay $0x4  }
0x64: {  	v55 =	vshll.u32 v3, $0x1  }
0x65: {  	v3 =	vand.u32 $0x7, v3;
	v4 =	vand.u32 $0xFFFFFFF0, v55  }
0x66: {  	v3 =	vor.u32 v3, v4  }
0x67: {  	v4 =	vperm.xlane v3, v0;
	_ =	sdelay $0x1  }
0x68: {  	v3 =	vperm.xlane v3, v2;
	v4 =	vadd.s32 v1, v4;
	_ =	sdelay $0x1  }
0x69: {  	v3 =	vadd.s32 v1, v3;
	_ =	sdelay $0x1  }
0x6a: {  	s26 =	simm.s32 $0x7480  }
0x6b: {  	[tilespmem:s26], [sflag:$0x1] =	stream.indirect_vreg.gather [hbm4b:s2+s3], $0x80, v4, vm0, $0xb8;
	[tilespmem:$0x10480] =	vst v63  }
0x6c: {  	s28 =	simm.s32 $0x7C80  }
0x6d: {  	[tilespmem:s28], [sflag:$0x1] =	stream.indirect_vreg.gather [hbm4b:s2+s3], $0x80, v3, vm0, $0xb8;
	[tilespmem:$0x10480] =	vst v63  }
0x6e: {  	v3 =	vld [tilespmem:$0x80];
	_ =	sdelay $0x4  }
0x6f: {  	v56 =	vshll.u32 v3, $0x1  }
0x70: {  	v3 =	vand.u32 $0x7, v3;
	v4 =	vand.u32 $0xFFFFFFF0, v56  }
0x71: {  	v3 =	vor.u32 v3, v4  }
0x72: {  	v4 =	vperm.xlane v3, v0;
	_ =	sdelay $0x1  }
0x73: {  	v3 =	vperm.xlane v3, v2;
	v4 =	vadd.s32 v1, v4;
	_ =	sdelay $0x1  }
0x74: {  	v3 =	vadd.s32 v1, v3;
	_ =	sdelay $0x2  }
0x75: {  	[tilespmem:s6], [sflag:$0x2] =	stream.indirect_vreg.gather [hbm4b:s2+s3], $0x80, v4, vm0, $0xb8;
	[tilespmem:$0x10480] =	vst v63  }
0x76: {  	s31 =	simm.s32 $0x8C80  }
0x77: {  	[tilespmem:s31], [sflag:$0x2] =	stream.indirect_vreg.gather [hbm4b:s2+s3], $0x80, v3, vm0, $0xb8;
	[tilespmem:$0x10480] =	vst v63  }
0x78: {  	v3 =	vld [tilespmem:$0x90];
	_ =	sdelay $0x4  }
0x79: {  	v57 =	vshll.u32 v3, $0x1  }
0x7a: {  	v3 =	vand.u32 $0x7, v3;
	v4 =	vand.u32 $0xFFFFFFF0, v57  }
0x7b: {  	v3 =	vor.u32 v3, v4  }
0x7c: {  	v4 =	vperm.xlane v3, v0;
	_ =	sdelay $0x1  }
0x7d: {  	v3 =	vperm.xlane v3, v2;
	v4 =	vadd.s32 v1, v4;
	_ =	sdelay $0x1  }
0x7e: {  	v3 =	vadd.s32 v1, v3;
	_ =	sdelay $0x1  }
0x7f: {  	s8 =	simm.s32 $0x9480  }
0x80: {  	[tilespmem:s8], [sflag:$0x2] =	stream.indirect_vreg.gather [hbm4b:s2+s3], $0x80, v4, vm0, $0xb8;
	[tilespmem:$0x10480] =	vst v63  }
0x81: {  	s9 =	simm.s32 $0x9C80  }
0x82: {  	[tilespmem:s9], [sflag:$0x2] =	stream.indirect_vreg.gather [hbm4b:s2+s3], $0x80, v3, vm0, $0xb8;
	[tilespmem:$0x10480] =	vst v63  }
0x83: {  	v3 =	vld [tilespmem:$0xA0];
	_ =	sdelay $0x4  }
0x84: {  	v58 =	vshll.u32 v3, $0x1  }
0x85: {  	v3 =	vand.u32 $0x7, v3;
	v4 =	vand.u32 $0xFFFFFFF0, v58  }
0x86: {  	v3 =	vor.u32 v3, v4  }
0x87: {  	v4 =	vperm.xlane v3, v0;
	_ =	sdelay $0x1  }
0x88: {  	v3 =	vperm.xlane v3, v2;
	v4 =	vadd.s32 v1, v4;
	_ =	sdelay $0x1  }
0x89: {  	v3 =	vadd.s32 v1, v3;
	_ =	sdelay $0x1  }
0x8a: {  	s10 =	simm.s32 $0xA480  }
0x8b: {  	[tilespmem:s10], [sflag:$0x2] =	stream.indirect_vreg.gather [hbm4b:s2+s3], $0x80, v4, vm0, $0xb8;
	[tilespmem:$0x10480] =	vst v63  }
0x8c: {  	s11 =	simm.s32 $0xAC80  }
0x8d: {  	[tilespmem:s11], [sflag:$0x2] =	stream.indirect_vreg.gather [hbm4b:s2+s3], $0x80, v3, vm0, $0xb8;
	[tilespmem:$0x10480] =	vst v63  }
0x8e: {  	v3 =	vld [tilespmem:$0xB0];
	_ =	sdelay $0x4  }
0x8f: {  	v59 =	vshll.u32 v3, $0x1  }
0x90: {  	v3 =	vand.u32 $0x7, v3;
	v4 =	vand.u32 $0xFFFFFFF0, v59  }
0x91: {  	v3 =	vor.u32 v3, v4  }
0x92: {  	v4 =	vperm.xlane v3, v0;
	_ =	sdelay $0x1  }
0x93: {  	v3 =	vperm.xlane v3, v2;
	v4 =	vadd.s32 v1, v4;
	_ =	sdelay $0x1  }
0x94: {  	v3 =	vadd.s32 v1, v3;
	_ =	sdelay $0x1  }
0x95: {  	s13 =	simm.s32 $0xB480  }
0x96: {  	[tilespmem:s13], [sflag:$0x2] =	stream.indirect_vreg.gather [hbm4b:s2+s3], $0x80, v4, vm0, $0xb8;
	[tilespmem:$0x10480] =	vst v63  }
0x97: {  	s14 =	simm.s32 $0xBC80  }
0x98: {  	[tilespmem:s14], [sflag:$0x2] =	stream.indirect_vreg.gather [hbm4b:s2+s3], $0x80, v3, vm0, $0xb8;
	[tilespmem:$0x10480] =	vst v63  }
0x99: {  	v3 =	vld [tilespmem:$0xC0];
	_ =	sdelay $0x4  }
0x9a: {  	v60 =	vshll.u32 v3, $0x1  }
0x9b: {  	v3 =	vand.u32 $0x7, v3;
	v4 =	vand.u32 $0xFFFFFFF0, v60  }
0x9c: {  	v3 =	vor.u32 v3, v4  }
0x9d: {  	v4 =	vperm.xlane v3, v0;
	_ =	sdelay $0x1  }
0x9e: {  	v3 =	vperm.xlane v3, v2;
	v4 =	vadd.s32 v1, v4;
	_ =	sdelay $0x1  }
0x9f: {  	v3 =	vadd.s32 v1, v3;
	_ =	sdelay $0x1  }
0xa0: {  	s16 =	simm.s32 $0xC480  }
0xa1: {  	[tilespmem:s16], [sflag:$0x2] =	stream.indirect_vreg.gather [hbm4b:s2+s3], $0x80, v4, vm0, $0xb8;
	[tilespmem:$0x10480] =	vst v63  }
0xa2: {  	s22 =	simm.s32 $0xCC80  }
0xa3: {  	[tilespmem:s22], [sflag:$0x2] =	stream.indirect_vreg.gather [hbm4b:s2+s3], $0x80, v3, vm0, $0xb8;
	[tilespmem:$0x10480] =	vst v63  }
0xa4: {  	v3 =	vld [tilespmem:$0xD0];
	_ =	sdelay $0x4  }
0xa5: {  	v61 =	vshll.u32 v3, $0x1  }
0xa6: {  	v3 =	vand.u32 $0x7, v3;
	v4 =	vand.u32 $0xFFFFFFF0, v61  }
0xa7: {  	v3 =	vor.u32 v3, v4  }
0xa8: {  	v4 =	vperm.xlane v3, v0;
	_ =	sdelay $0x1  }
0xa9: {  	v3 =	vperm.xlane v3, v2;
	v4 =	vadd.s32 v1, v4;
	_ =	sdelay $0x1  }
0xaa: {  	v3 =	vadd.s32 v1, v3;
	_ =	sdelay $0x1  }
0xab: {  	s23 =	simm.s32 $0xD480  }
0xac: {  	[tilespmem:s23], [sflag:$0x2] =	stream.indirect_vreg.gather [hbm4b:s2+s3], $0x80, v4, vm0, $0xb8;
	[tilespmem:$0x10480] =	vst v63  }
0xad: {  	s24 =	simm.s32 $0xDC80  }
0xae: {  	[tilespmem:s24], [sflag:$0x2] =	stream.indirect_vreg.gather [hbm4b:s2+s3], $0x80, v3, vm0, $0xb8;
	[tilespmem:$0x10480] =	vst v63  }
0xaf: {  	v3 =	vld [tilespmem:$0xE0];
	_ =	sdelay $0x4  }
0xb0: {  	v62 =	vshll.u32 v3, $0x1  }
0xb1: {  	v3 =	vand.u32 $0x7, v3;
	v4 =	vand.u32 $0xFFFFFFF0, v62  }
0xb2: {  	v3 =	vor.u32 v3, v4  }
0xb3: {  	v4 =	vperm.xlane v3, v0;
	_ =	sdelay $0x1  }
0xb4: {  	v3 =	vperm.xlane v3, v2;
	v4 =	vadd.s32 v1, v4;
	_ =	sdelay $0x1  }
0xb5: {  	v3 =	vadd.s32 v1, v3;
	_ =	sdelay $0x1  }
0xb6: {  	s28 =	simm.s32 $0xE480  }
0xb7: {  	[tilespmem:s28], [sflag:$0x2] =	stream.indirect_vreg.gather [hbm4b:s2+s3], $0x80, v4, vm0, $0xb8;
	[tilespmem:$0x10480] =	vst v63  }
0xb8: {  	s31 =	simm.s32 $0xEC80  }
0xb9: {  	[tilespmem:s31], [sflag:$0x2] =	stream.indirect_vreg.gather [hbm4b:s2+s3], $0x80, v3, vm0, $0xb8;
	[tilespmem:$0x10480] =	vst v63  }
0xba: {  	v3 =	vld [tilespmem:$0xF0];
	_ =	sdelay $0x4  }
0xbb: {  	v63 =	vshll.u32 v3, $0x1  }
0xbc: {  	v3 =	vand.u32 $0x7, v3;
	v4 =	vand.u32 $0xFFFFFFF0, v63  }
0xbd: {  	v3 =	vor.u32 v3, v4  }
0xbe: {  	v4 =	vperm.xlane v3, v0;
	_ =	sdelay $0x1  }
0xbf: {  	v3 =	vperm.xlane v3, v2;
	v4 =	vadd.s32 v1, v4;
	_ =	sdelay $0x1  }
0xc0: {  	v3 =	vadd.s32 v1, v3;
	_ =	sdelay $0x1  }
0xc1: {  	s8 =	simm.s32 $0xF480  }
0xc2: {  	[tilespmem:s8], [sflag:$0x2] =	stream.indirect_vreg.gather [hbm4b:s2+s3], $0x80, v4, vm0, $0xb8;
	[tilespmem:$0x10480] =	vst v63  }
0xc3: {  	s9 =	simm.s32 $0xFC80  }
0xc4: {  	[tilespmem:s9], [sflag:$0x2] =	stream.indirect_vreg.gather [hbm4b:s2+s3], $0x80, v3, vm0, $0xb8;
	[tilespmem:$0x10480] =	vst v63  }
0xc5: {  	_ =	swait.ge [sflag:s29], $0x8000  }
0xc6: {  	[sflag:s29] =	ssyncset.done $0x0  }
0xc7: {  	s10 =	rddreg [dreg:$0x4];
	[sflag:s29] =	ssyncadd.s32 $0xFFFF8000  }
0xc8: {  	[hbm4b:s10+s3] =	stream.linear.scatter [tilespmem:s12], [sflag:$0x3], $0x8000, $0x38;
	[tilespmem:$0x10480] =	vst v63  }
0xc9: {  	_ =	swait.ge [sflag:s5], $0x8000  }
0xca: {  	[sflag:s5] =	ssyncset.done $0x0  }
0xcb: {  	[sflag:s5] =	ssyncadd.s32 $0xFFFF8000  }
0xcc: {  	v3 =	vld [tilespmem:$0x100];
	_ =	sdelay $0x4  }
0xcd: {  	v8 =	vshll.u32 v3, $0x1  }
0xce: {  	v3 =	vand.u32 $0x7, v3;
	v4 =	vand.u32 $0xFFFFFFF0, v8  }
0xcf: {  	v3 =	vor.u32 v3, v4  }
0xd0: {  	v4 =	vperm.xlane v3, v0;
	_ =	sdelay $0x1  }
0xd1: {  	v3 =	vperm.xlane v3, v2;
	v4 =	vadd.s32 v1, v4;
	_ =	sdelay $0x1  }
0xd2: {  	v3 =	vadd.s32 v1, v3;
	_ =	sdelay $0x2  }
0xd3: {  	[tilespmem:s12], [sflag:$0x1] =	stream.indirect_vreg.gather [hbm4b:s2+s3], $0x80, v4, vm0, $0xb8;
	[tilespmem:$0x10480] =	vst v63  }
0xd4: {  	s1 =	simm.s32 $0xC80  }
0xd5: {  	[tilespmem:s1], [sflag:$0x1] =	stream.indirect_vreg.gather [hbm4b:s2+s3], $0x80, v3, vm0, $0xb8;
	[tilespmem:$0x10480] =	vst v63  }
0xd6: {  	v3 =	vld [tilespmem:$0x110];
	_ =	sdelay $0x4  }
0xd7: {  	v9 =	vshll.u32 v3, $0x1  }
0xd8: {  	v3 =	vand.u32 $0x7, v3;
	v4 =	vand.u32 $0xFFFFFFF0, v9  }
0xd9: {  	v3 =	vor.u32 v3, v4  }
0xda: {  	v4 =	vperm.xlane v3, v0;
	_ =	sdelay $0x1  }
0xdb: {  	v3 =	vperm.xlane v3, v2;
	v4 =	vadd.s32 v1, v4;
	_ =	sdelay $0x1  }
0xdc: {  	v3 =	vadd.s32 v1, v3;
	_ =	sdelay $0x1  }
0xdd: {  	s0 =	simm.s32 $0x1480  }
0xde: {  	[tilespmem:s0], [sflag:$0x1] =	stream.indirect_vreg.gather [hbm4b:s2+s3], $0x80, v4, vm0, $0xb8;
	[tilespmem:$0x10480] =	vst v63  }
0xdf: {  	s17 =	simm.s32 $0x1C80  }
0xe0: {  	[tilespmem:s17], [sflag:$0x1] =	stream.indirect_vreg.gather [hbm4b:s2+s3], $0x80, v3, vm0, $0xb8;
	[tilespmem:$0x10480] =	vst v63  }
0xe1: {  	v3 =	vld [tilespmem:$0x120];
	_ =	sdelay $0x4  }
0xe2: {  	v10 =	vshll.u32 v3, $0x1  }
0xe3: {  	v3 =	vand.u32 $0x7, v3;
	v4 =	vand.u32 $0xFFFFFFF0, v10  }
0xe4: {  	v3 =	vor.u32 v3, v4  }
0xe5: {  	v4 =	vperm.xlane v3, v0;
	_ =	sdelay $0x1  }
0xe6: {  	v3 =	vperm.xlane v3, v2;
	v4 =	vadd.s32 v1, v4;
	_ =	sdelay $0x1  }
0xe7: {  	v3 =	vadd.s32 v1, v3;
	_ =	sdelay $0x1  }
0xe8: {  	s1 =	simm.s32 $0x2480  }
0xe9: {  	[tilespmem:s1], [sflag:$0x1] =	stream.indirect_vreg.gather [hbm4b:s2+s3], $0x80, v4, vm0, $0xb8;
	[tilespmem:$0x10480] =	vst v63  }
0xea: {  	s18 =	simm.s32 $0x2C80  }
0xeb: {  	[tilespmem:s18], [sflag:$0x1] =	stream.indirect_vreg.gather [hbm4b:s2+s3], $0x80, v3, vm0, $0xb8;
	[tilespmem:$0x10480] =	vst v63  }
0xec: {  	v3 =	vld [tilespmem:$0x130];
	_ =	sdelay $0x4  }
0xed: {  	v11 =	vshll.u32 v3, $0x1  }
0xee: {  	v3 =	vand.u32 $0x7, v3;
	v4 =	vand.u32 $0xFFFFFFF0, v11  }
0xef: {  	v3 =	vor.u32 v3, v4  }
0xf0: {  	v4 =	vperm.xlane v3, v0;
	_ =	sdelay $0x1  }
0xf1: {  	v3 =	vperm.xlane v3, v2;
	v4 =	vadd.s32 v1, v4;
	_ =	sdelay $0x1  }
0xf2: {  	v3 =	vadd.s32 v1, v3;
	_ =	sdelay $0x1  }
0xf3: {  	s22 =	simm.s32 $0x3480  }
0xf4: {  	[tilespmem:s22], [sflag:$0x1] =	stream.indirect_vreg.gather [hbm4b:s2+s3], $0x80, v4, vm0, $0xb8;
	[tilespmem:$0x10480] =	vst v63  }
0xf5: {  	s19 =	simm.s32 $0x3C80  }
0xf6: {  	[tilespmem:s19], [sflag:$0x1] =	stream.indirect_vreg.gather [hbm4b:s2+s3], $0x80, v3, vm0, $0xb8;
	[tilespmem:$0x10480] =	vst v63  }
0xf7: {  	v3 =	vld [tilespmem:$0x140];
	_ =	sdelay $0x4  }
0xf8: {  	v12 =	vshll.u32 v3, $0x1  }
0xf9: {  	v3 =	vand.u32 $0x7, v3;
	v4 =	vand.u32 $0xFFFFFFF0, v12  }
0xfa: {  	v3 =	vor.u32 v3, v4  }
0xfb: {  	v4 =	vperm.xlane v3, v0;
	_ =	sdelay $0x1  }
0xfc: {  	v3 =	vperm.xlane v3, v2;
	v4 =	vadd.s32 v1, v4;
	_ =	sdelay $0x1  }
0xfd: {  	v3 =	vadd.s32 v1, v3;
	_ =	sdelay $0x1  }
0xfe: {  	s17 =	simm.s32 $0x4480  }
0xff: {  	[tilespmem:s17], [sflag:$0x1] =	stream.indirect_vreg.gather [hbm4b:s2+s3], $0x80, v4, vm0, $0xb8;
	[tilespmem:$0x10480] =	vst v63  }
0x100: {  	s20 =	simm.s32 $0x4C80  }
0x101: {  	[tilespmem:s20], [sflag:$0x1] =	stream.indirect_vreg.gather [hbm4b:s2+s3], $0x80, v3, vm0, $0xb8;
	[tilespmem:$0x10480] =	vst v63  }
0x102: {  	v3 =	vld [tilespmem:$0x150];
	_ =	sdelay $0x4  }
0x103: {  	v13 =	vshll.u32 v3, $0x1  }
0x104: {  	v3 =	vand.u32 $0x7, v3;
	v4 =	vand.u32 $0xFFFFFFF0, v13  }
0x105: {  	v3 =	vor.u32 v3, v4  }
0x106: {  	v4 =	vperm.xlane v3, v0;
	_ =	sdelay $0x1  }
0x107: {  	v3 =	vperm.xlane v3, v2;
	v4 =	vadd.s32 v1, v4;
	_ =	sdelay $0x1  }
0x108: {  	v3 =	vadd.s32 v1, v3;
	_ =	sdelay $0x1  }
0x109: {  	s18 =	simm.s32 $0x5480  }
0x10a: {  	[tilespmem:s18], [sflag:$0x1] =	stream.indirect_vreg.gather [hbm4b:s2+s3], $0x80, v4, vm0, $0xb8;
	[tilespmem:$0x10480] =	vst v63  }
0x10b: {  	s8 =	simm.s32 $0x5C80  }
0x10c: {  	[tilespmem:s8], [sflag:$0x1] =	stream.indirect_vreg.gather [hbm4b:s2+s3], $0x80, v3, vm0, $0xb8;
	[tilespmem:$0x10480] =	vst v63  }
0x10d: {  	v3 =	vld [tilespmem:$0x160];
	_ =	sdelay $0x4  }
0x10e: {  	v14 =	vshll.u32 v3, $0x1  }
0x10f: {  	v3 =	vand.u32 $0x7, v3;
	v4 =	vand.u32 $0xFFFFFFF0, v14  }
0x110: {  	v3 =	vor.u32 v3, v4  }
0x111: {  	v4 =	vperm.xlane v3, v0;
	_ =	sdelay $0x1  }
0x112: {  	v3 =	vperm.xlane v3, v2;
	v4 =	vadd.s32 v1, v4;
	_ =	sdelay $0x1  }
0x113: {  	v3 =	vadd.s32 v1, v3;
	_ =	sdelay $0x1  }
0x114: {  	s19 =	simm.s32 $0x6480  }
0x115: {  	[tilespmem:s19], [sflag:$0x1] =	stream.indirect_vreg.gather [hbm4b:s2+s3], $0x80, v4, vm0, $0xb8;
	[tilespmem:$0x10480] =	vst v63  }
0x116: {  	s9 =	simm.s32 $0x6C80  }
0x117: {  	[tilespmem:s9], [sflag:$0x1] =	stream.indirect_vreg.gather [hbm4b:s2+s3], $0x80, v3, vm0, $0xb8;
	[tilespmem:$0x10480] =	vst v63  }
0x118: {  	v3 =	vld [tilespmem:$0x170];
	_ =	sdelay $0x4  }
0x119: {  	v15 =	vshll.u32 v3, $0x1  }
0x11a: {  	v3 =	vand.u32 $0x7, v3;
	v4 =	vand.u32 $0xFFFFFFF0, v15  }
0x11b: {  	v3 =	vor.u32 v3, v4  }
0x11c: {  	v4 =	vperm.xlane v3, v0;
	_ =	sdelay $0x1  }
0x11d: {  	v3 =	vperm.xlane v3, v2;
	v4 =	vadd.s32 v1, v4;
	_ =	sdelay $0x1  }
0x11e: {  	v3 =	vadd.s32 v1, v3;
	_ =	sdelay $0x1  }
0x11f: {  	s20 =	simm.s32 $0x7480  }
0x120: {  	[tilespmem:s20], [sflag:$0x1] =	stream.indirect_vreg.gather [hbm4b:s2+s3], $0x80, v4, vm0, $0xb8;
	[tilespmem:$0x10480] =	vst v63  }
0x121: {  	s7 =	simm.s32 $0x7C80  }
0x122: {  	[tilespmem:s7], [sflag:$0x1] =	stream.indirect_vreg.gather [hbm4b:s2+s3], $0x80, v3, vm0, $0xb8;
	[tilespmem:$0x10480] =	vst v63  }
0x123: {  	_ =	swait.ge [sflag:s30], $0x8000  }
0x124: {  	[sflag:s30] =	ssyncset.done $0x0  }
0x125: {  	s11 =	rddreg [dreg:$0x5];
	[sflag:s30] =	ssyncadd.s32 $0xFFFF8000  }
0x126: {  	[hbm4b:s11+s3] =	stream.linear.scatter [tilespmem:s6], [sflag:$0x3], $0x8000, $0x38;
	[tilespmem:$0x10480] =	vst v63  }
0x127: {  	_ =	swait.ge [sflag:s5], $0x8000  }
0x128: {  	[sflag:s5] =	ssyncset.done $0x0  }
0x129: {  	[sflag:s5] =	ssyncadd.s32 $0xFFFF8000  }
0x12a: {  	v3 =	vld [tilespmem:$0x180];
	_ =	sdelay $0x4  }
0x12b: {  	v16 =	vshll.u32 v3, $0x1  }
0x12c: {  	v3 =	vand.u32 $0x7, v3;
	v4 =	vand.u32 $0xFFFFFFF0, v16  }
0x12d: {  	v3 =	vor.u32 v3, v4  }
0x12e: {  	v4 =	vperm.xlane v3, v0;
	_ =	sdelay $0x1  }
0x12f: {  	v3 =	vperm.xlane v3, v2;
	v4 =	vadd.s32 v1, v4;
	_ =	sdelay $0x1  }
0x130: {  	v3 =	vadd.s32 v1, v3;
	_ =	sdelay $0x2  }
0x131: {  	[tilespmem:s6], [sflag:$0x2] =	stream.indirect_vreg.gather [hbm4b:s2+s3], $0x80, v4, vm0, $0xb8;
	[tilespmem:$0x10480] =	vst v63  }
0x132: {  	s15 =	simm.s32 $0x8C80  }
0x133: {  	[tilespmem:s15], [sflag:$0x2] =	stream.indirect_vreg.gather [hbm4b:s2+s3], $0x80, v3, vm0, $0xb8;
	[tilespmem:$0x10480] =	vst v63  }
0x134: {  	v3 =	vld [tilespmem:$0x190];
	_ =	sdelay $0x4  }
0x135: {  	v17 =	vshll.u32 v3, $0x1  }
0x136: {  	v3 =	vand.u32 $0x7, v3;
	v4 =	vand.u32 $0xFFFFFFF0, v17  }
0x137: {  	v3 =	vor.u32 v3, v4  }
0x138: {  	v4 =	vperm.xlane v3, v0;
	_ =	sdelay $0x1  }
0x139: {  	v3 =	vperm.xlane v3, v2;
	v4 =	vadd.s32 v1, v4;
	_ =	sdelay $0x1  }
0x13a: {  	v3 =	vadd.s32 v1, v3;
	_ =	sdelay $0x1  }
0x13b: {  	s15 =	simm.s32 $0x9480  }
0x13c: {  	[tilespmem:s15], [sflag:$0x2] =	stream.indirect_vreg.gather [hbm4b:s2+s3], $0x80, v4, vm0, $0xb8;
	[tilespmem:$0x10480] =	vst v63  }
0x13d: {  	s26 =	simm.s32 $0x9C80  }
0x13e: {  	[tilespmem:s26], [sflag:$0x2] =	stream.indirect_vreg.gather [hbm4b:s2+s3], $0x80, v3, vm0, $0xb8;
	[tilespmem:$0x10480] =	vst v63  }
0x13f: {  	v3 =	vld [tilespmem:$0x1A0];
	_ =	sdelay $0x4  }
0x140: {  	v18 =	vshll.u32 v3, $0x1  }
0x141: {  	v3 =	vand.u32 $0x7, v3;
	v4 =	vand.u32 $0xFFFFFFF0, v18  }
0x142: {  	v3 =	vor.u32 v3, v4  }
0x143: {  	v4 =	vperm.xlane v3, v0;
	_ =	sdelay $0x1  }
0x144: {  	v3 =	vperm.xlane v3, v2;
	v4 =	vadd.s32 v1, v4;
	_ =	sdelay $0x1  }
0x145: {  	v3 =	vadd.s32 v1, v3;
	_ =	sdelay $0x1  }
0x146: {  	s21 =	simm.s32 $0xA480  }
0x147: {  	[tilespmem:s21], [sflag:$0x2] =	stream.indirect_vreg.gather [hbm4b:s2+s3], $0x80, v4, vm0, $0xb8;
	[tilespmem:$0x10480] =	vst v63  }
0x148: {  	s11 =	simm.s32 $0xAC80  }
0x149: {  	[tilespmem:s11], [sflag:$0x2] =	stream.indirect_vreg.gather [hbm4b:s2+s3], $0x80, v3, vm0, $0xb8;
	[tilespmem:$0x10480] =	vst v63  }
0x14a: {  	v3 =	vld [tilespmem:$0x1B0];
	_ =	sdelay $0x4  }
0x14b: {  	v19 =	vshll.u32 v3, $0x1  }
0x14c: {  	v3 =	vand.u32 $0x7, v3;
	v4 =	vand.u32 $0xFFFFFFF0, v19  }
0x14d: {  	v3 =	vor.u32 v3, v4  }
0x14e: {  	v4 =	vperm.xlane v3, v0;
	_ =	sdelay $0x1  }
0x14f: {  	v3 =	vperm.xlane v3, v2;
	v4 =	vadd.s32 v1, v4;
	_ =	sdelay $0x1  }
0x150: {  	v3 =	vadd.s32 v1, v3;
	_ =	sdelay $0x1  }
0x151: {  	s25 =	simm.s32 $0xB480  }
0x152: {  	[tilespmem:s25], [sflag:$0x2] =	stream.indirect_vreg.gather [hbm4b:s2+s3], $0x80, v4, vm0, $0xb8;
	[tilespmem:$0x10480] =	vst v63  }
0x153: {  	s10 =	simm.s32 $0xBC80  }
0x154: {  	[tilespmem:s10], [sflag:$0x2] =	stream.indirect_vreg.gather [hbm4b:s2+s3], $0x80, v3, vm0, $0xb8;
	[tilespmem:$0x10480] =	vst v63  }
0x155: {  	v3 =	vld [tilespmem:$0x1C0];
	_ =	sdelay $0x4  }
0x156: {  	v20 =	vshll.u32 v3, $0x1  }
0x157: {  	v3 =	vand.u32 $0x7, v3;
	v4 =	vand.u32 $0xFFFFFFF0, v20  }
0x158: {  	v3 =	vor.u32 v3, v4  }
0x159: {  	v4 =	vperm.xlane v3, v0;
	_ =	sdelay $0x1  }
0x15a: {  	v3 =	vperm.xlane v3, v2;
	v4 =	vadd.s32 v1, v4;
	_ =	sdelay $0x1  }
0x15b: {  	v3 =	vadd.s32 v1, v3;
	_ =	sdelay $0x1  }
0x15c: {  	s21 =	simm.s32 $0xC480  }
0x15d: {  	[tilespmem:s21], [sflag:$0x2] =	stream.indirect_vreg.gather [hbm4b:s2+s3], $0x80, v4, vm0, $0xb8;
	[tilespmem:$0x10480] =	vst v63  }
0x15e: {  	s25 =	simm.s32 $0xCC80  }
0x15f: {  	[tilespmem:s25], [sflag:$0x2] =	stream.indirect_vreg.gather [hbm4b:s2+s3], $0x80, v3, vm0, $0xb8;
	[tilespmem:$0x10480] =	vst v63  }
0x160: {  	v3 =	vld [tilespmem:$0x1D0];
	_ =	sdelay $0x4  }
0x161: {  	v21 =	vshll.u32 v3, $0x1  }
0x162: {  	v3 =	vand.u32 $0x7, v3;
	v4 =	vand.u32 $0xFFFFFFF0, v21  }
0x163: {  	v3 =	vor.u32 v3, v4  }
0x164: {  	v4 =	vperm.xlane v3, v0;
	_ =	sdelay $0x1  }
0x165: {  	v3 =	vperm.xlane v3, v2;
	v4 =	vadd.s32 v1, v4;
	_ =	sdelay $0x1  }
0x166: {  	v3 =	vadd.s32 v1, v3;
	_ =	sdelay $0x1  }
0x167: {  	s7 =	simm.s32 $0xD480  }
0x168: {  	[tilespmem:s7], [sflag:$0x2] =	stream.indirect_vreg.gather [hbm4b:s2+s3], $0x80, v4, vm0, $0xb8;
	[tilespmem:$0x10480] =	vst v63  }
0x169: {  	s26 =	simm.s32 $0xDC80  }
0x16a: {  	[tilespmem:s26], [sflag:$0x2] =	stream.indirect_vreg.gather [hbm4b:s2+s3], $0x80, v3, vm0, $0xb8;
	[tilespmem:$0x10480] =	vst v63  }
0x16b: {  	v3 =	vld [tilespmem:$0x1E0];
	_ =	sdelay $0x4  }
0x16c: {  	v22 =	vshll.u32 v3, $0x1  }
0x16d: {  	v3 =	vand.u32 $0x7, v3;
	v4 =	vand.u32 $0xFFFFFFF0, v22  }
0x16e: {  	v3 =	vor.u32 v3, v4  }
0x16f: {  	v4 =	vperm.xlane v3, v0;
	_ =	sdelay $0x1  }
0x170: {  	v3 =	vperm.xlane v3, v2;
	v4 =	vadd.s32 v1, v4;
	_ =	sdelay $0x1  }
0x171: {  	v3 =	vadd.s32 v1, v3;
	_ =	sdelay $0x1  }
0x172: {  	s28 =	simm.s32 $0xE480  }
0x173: {  	[tilespmem:s28], [sflag:$0x2] =	stream.indirect_vreg.gather [hbm4b:s2+s3], $0x80, v4, vm0, $0xb8;
	[tilespmem:$0x10480] =	vst v63  }
0x174: {  	s28 =	simm.s32 $0xEC80  }
0x175: {  	[tilespmem:s28], [sflag:$0x2] =	stream.indirect_vreg.gather [hbm4b:s2+s3], $0x80, v3, vm0, $0xb8;
	[tilespmem:$0x10480] =	vst v63  }
0x176: {  	v3 =	vld [tilespmem:$0x1F0];
	_ =	sdelay $0x4  }
0x177: {  	v23 =	vshll.u32 v3, $0x1  }
0x178: {  	v3 =	vand.u32 $0x7, v3;
	v4 =	vand.u32 $0xFFFFFFF0, v23  }
0x179: {  	v3 =	vor.u32 v3, v4  }
0x17a: {  	v4 =	vperm.xlane v3, v0;
	_ =	sdelay $0x1  }
0x17b: {  	v3 =	vperm.xlane v3, v2;
	v4 =	vadd.s32 v1, v4;
	_ =	sdelay $0x1  }
0x17c: {  	v3 =	vadd.s32 v1, v3;
	_ =	sdelay $0x1  }
0x17d: {  	s31 =	simm.s32 $0xF480  }
0x17e: {  	[tilespmem:s31], [sflag:$0x2] =	stream.indirect_vreg.gather [hbm4b:s2+s3], $0x80, v4, vm0, $0xb8;
	[tilespmem:$0x10480] =	vst v63  }
0x17f: {  	s13 =	simm.s32 $0xFC80  }
0x180: {  	[tilespmem:s13], [sflag:$0x2] =	stream.indirect_vreg.gather [hbm4b:s2+s3], $0x80, v3, vm0, $0xb8;
	[tilespmem:$0x10480] =	vst v63  }
0x181: {  	_ =	swait.ge [sflag:s29], $0x8000  }
0x182: {  	[sflag:s29] =	ssyncset.done $0x0  }
0x183: {  	s13 =	rddreg [dreg:$0x6];
	[sflag:s29] =	ssyncadd.s32 $0xFFFF8000  }
0x184: {  	[hbm4b:s13+s3] =	stream.linear.scatter [tilespmem:s12], [sflag:$0x3], $0x8000, $0x38;
	[tilespmem:$0x10480] =	vst v63  }
0x185: {  	_ =	swait.ge [sflag:s5], $0x8000  }
0x186: {  	[sflag:s5] =	ssyncset.done $0x0  }
0x187: {  	[sflag:s5] =	ssyncadd.s32 $0xFFFF8000  }
0x188: {  	v3 =	vld [tilespmem:$0x200];
	_ =	sdelay $0x4  }
0x189: {  	v24 =	vshll.u32 v3, $0x1  }
0x18a: {  	v3 =	vand.u32 $0x7, v3;
	v4 =	vand.u32 $0xFFFFFFF0, v24  }
0x18b: {  	v3 =	vor.u32 v3, v4  }
0x18c: {  	v4 =	vperm.xlane v3, v0;
	_ =	sdelay $0x1  }
0x18d: {  	v3 =	vperm.xlane v3, v2;
	v4 =	vadd.s32 v1, v4;
	_ =	sdelay $0x1  }
0x18e: {  	v3 =	vadd.s32 v1, v3;
	_ =	sdelay $0x2  }
0x18f: {  	[tilespmem:s12], [sflag:$0x1] =	stream.indirect_vreg.gather [hbm4b:s2+s3], $0x80, v4, vm0, $0xb8;
	[tilespmem:$0x10480] =	vst v63  }
0x190: {  	s31 =	simm.s32 $0xC80  }
0x191: {  	[tilespmem:s31], [sflag:$0x1] =	stream.indirect_vreg.gather [hbm4b:s2+s3], $0x80, v3, vm0, $0xb8;
	[tilespmem:$0x10480] =	vst v63  }
0x192: {  	v3 =	vld [tilespmem:$0x210];
	_ =	sdelay $0x4  }
0x193: {  	v25 =	vshll.u32 v3, $0x1  }
0x194: {  	v3 =	vand.u32 $0x7, v3;
	v4 =	vand.u32 $0xFFFFFFF0, v25  }
0x195: {  	v3 =	vor.u32 v3, v4  }
0x196: {  	v4 =	vperm.xlane v3, v0;
	_ =	sdelay $0x1  }
0x197: {  	v3 =	vperm.xlane v3, v2;
	v4 =	vadd.s32 v1, v4;
	_ =	sdelay $0x1  }
0x198: {  	v3 =	vadd.s32 v1, v3;
	_ =	sdelay $0x2  }
0x199: {  	[tilespmem:s0], [sflag:$0x1] =	stream.indirect_vreg.gather [hbm4b:s2+s3], $0x80, v4, vm0, $0xb8;
	[tilespmem:$0x10480] =	vst v63  }
0x19a: {  	s31 =	simm.s32 $0x1C80  }
0x19b: {  	[tilespmem:s31], [sflag:$0x1] =	stream.indirect_vreg.gather [hbm4b:s2+s3], $0x80, v3, vm0, $0xb8;
	[tilespmem:$0x10480] =	vst v63  }
0x19c: {  	v3 =	vld [tilespmem:$0x220];
	_ =	sdelay $0x4  }
0x19d: {  	v26 =	vshll.u32 v3, $0x1  }
0x19e: {  	v3 =	vand.u32 $0x7, v3;
	v4 =	vand.u32 $0xFFFFFFF0, v26  }
0x19f: {  	v3 =	vor.u32 v3, v4  }
0x1a0: {  	v4 =	vperm.xlane v3, v0;
	_ =	sdelay $0x1  }
0x1a1: {  	v3 =	vperm.xlane v3, v2;
	v4 =	vadd.s32 v1, v4;
	_ =	sdelay $0x1  }
0x1a2: {  	v3 =	vadd.s32 v1, v3;
	_ =	sdelay $0x2  }
0x1a3: {  	[tilespmem:s1], [sflag:$0x1] =	stream.indirect_vreg.gather [hbm4b:s2+s3], $0x80, v4, vm0, $0xb8;
	[tilespmem:$0x10480] =	vst v63  }
0x1a4: {  	s14 =	simm.s32 $0x2C80  }
0x1a5: {  	[tilespmem:s14], [sflag:$0x1] =	stream.indirect_vreg.gather [hbm4b:s2+s3], $0x80, v3, vm0, $0xb8;
	[tilespmem:$0x10480] =	vst v63  }
0x1a6: {  	v3 =	vld [tilespmem:$0x230];
	_ =	sdelay $0x4  }
0x1a7: {  	v27 =	vshll.u32 v3, $0x1  }
0x1a8: {  	v3 =	vand.u32 $0x7, v3;
	v4 =	vand.u32 $0xFFFFFFF0, v27  }
0x1a9: {  	v3 =	vor.u32 v3, v4  }
0x1aa: {  	v4 =	vperm.xlane v3, v0;
	_ =	sdelay $0x1  }
0x1ab: {  	v3 =	vperm.xlane v3, v2;
	v4 =	vadd.s32 v1, v4;
	_ =	sdelay $0x1  }
0x1ac: {  	v3 =	vadd.s32 v1, v3;
	_ =	sdelay $0x2  }
0x1ad: {  	[tilespmem:s22], [sflag:$0x1] =	stream.indirect_vreg.gather [hbm4b:s2+s3], $0x80, v4, vm0, $0xb8;
	[tilespmem:$0x10480] =	vst v63  }
0x1ae: {  	s16 =	simm.s32 $0x3C80  }
0x1af: {  	[tilespmem:s16], [sflag:$0x1] =	stream.indirect_vreg.gather [hbm4b:s2+s3], $0x80, v3, vm0, $0xb8;
	[tilespmem:$0x10480] =	vst v63  }
0x1b0: {  	v3 =	vld [tilespmem:$0x240];
	_ =	sdelay $0x4  }
0x1b1: {  	v28 =	vshll.u32 v3, $0x1  }
0x1b2: {  	v3 =	vand.u32 $0x7, v3;
	v4 =	vand.u32 $0xFFFFFFF0, v28  }
0x1b3: {  	v3 =	vor.u32 v3, v4  }
0x1b4: {  	v4 =	vperm.xlane v3, v0;
	_ =	sdelay $0x1  }
0x1b5: {  	v3 =	vperm.xlane v3, v2;
	v4 =	vadd.s32 v1, v4;
	_ =	sdelay $0x1  }
0x1b6: {  	v3 =	vadd.s32 v1, v3;
	_ =	sdelay $0x2  }
0x1b7: {  	[tilespmem:s17], [sflag:$0x1] =	stream.indirect_vreg.gather [hbm4b:s2+s3], $0x80, v4, vm0, $0xb8;
	[tilespmem:$0x10480] =	vst v63  }
0x1b8: {  	s24 =	simm.s32 $0x4C80  }
0x1b9: {  	[tilespmem:s24], [sflag:$0x1] =	stream.indirect_vreg.gather [hbm4b:s2+s3], $0x80, v3, vm0, $0xb8;
	[tilespmem:$0x10480] =	vst v63  }
0x1ba: {  	v3 =	vld [tilespmem:$0x250];
	_ =	sdelay $0x4  }
0x1bb: {  	v29 =	vshll.u32 v3, $0x1  }
0x1bc: {  	v3 =	vand.u32 $0x7, v3;
	v4 =	vand.u32 $0xFFFFFFF0, v29  }
0x1bd: {  	v3 =	vor.u32 v3, v4  }
0x1be: {  	v4 =	vperm.xlane v3, v0;
	_ =	sdelay $0x1  }
0x1bf: {  	v3 =	vperm.xlane v3, v2;
	v4 =	vadd.s32 v1, v4;
	_ =	sdelay $0x1  }
0x1c0: {  	v3 =	vadd.s32 v1, v3;
	_ =	sdelay $0x2  }
0x1c1: {  	[tilespmem:s18], [sflag:$0x1] =	stream.indirect_vreg.gather [hbm4b:s2+s3], $0x80, v4, vm0, $0xb8;
	[tilespmem:$0x10480] =	vst v63  }
0x1c2: {  	_ = 	snop  }
0x1c3: {  	[tilespmem:s8], [sflag:$0x1] =	stream.indirect_vreg.gather [hbm4b:s2+s3], $0x80, v3, vm0, $0xb8;
	[tilespmem:$0x10480] =	vst v63  }
0x1c4: {  	v3 =	vld [tilespmem:$0x260];
	_ =	sdelay $0x4  }
0x1c5: {  	v30 =	vshll.u32 v3, $0x1  }
0x1c6: {  	v3 =	vand.u32 $0x7, v3;
	v4 =	vand.u32 $0xFFFFFFF0, v30  }
0x1c7: {  	v3 =	vor.u32 v3, v4  }
0x1c8: {  	v4 =	vperm.xlane v3, v0;
	_ =	sdelay $0x1  }
0x1c9: {  	v3 =	vperm.xlane v3, v2;
	v4 =	vadd.s32 v1, v4;
	_ =	sdelay $0x1  }
0x1ca: {  	v3 =	vadd.s32 v1, v3;
	_ =	sdelay $0x2  }
0x1cb: {  	[tilespmem:s19], [sflag:$0x1] =	stream.indirect_vreg.gather [hbm4b:s2+s3], $0x80, v4, vm0, $0xb8;
	[tilespmem:$0x10480] =	vst v63  }
0x1cc: {  	_ = 	snop  }
0x1cd: {  	[tilespmem:s9], [sflag:$0x1] =	stream.indirect_vreg.gather [hbm4b:s2+s3], $0x80, v3, vm0, $0xb8;
	[tilespmem:$0x10480] =	vst v63  }
0x1ce: {  	v3 =	vld [tilespmem:$0x270];
	_ =	sdelay $0x4  }
0x1cf: {  	v31 =	vshll.u32 v3, $0x1  }
0x1d0: {  	v3 =	vand.u32 $0x7, v3;
	v4 =	vand.u32 $0xFFFFFFF0, v31  }
0x1d1: {  	v3 =	vor.u32 v3, v4  }
0x1d2: {  	v4 =	vperm.xlane v3, v0;
	_ =	sdelay $0x1  }
0x1d3: {  	v3 =	vperm.xlane v3, v2;
	v4 =	vadd.s32 v1, v4;
	_ =	sdelay $0x1  }
0x1d4: {  	v3 =	vadd.s32 v1, v3;
	_ =	sdelay $0x2  }
0x1d5: {  	[tilespmem:s20], [sflag:$0x1] =	stream.indirect_vreg.gather [hbm4b:s2+s3], $0x80, v4, vm0, $0xb8;
	[tilespmem:$0x10480] =	vst v63  }
0x1d6: {  	s23 =	simm.s32 $0x7C80  }
0x1d7: {  	[tilespmem:s23], [sflag:$0x1] =	stream.indirect_vreg.gather [hbm4b:s2+s3], $0x80, v3, vm0, $0xb8;
	[tilespmem:$0x10480] =	vst v63  }
0x1d8: {  	_ =	swait.ge [sflag:s30], $0x8000  }
0x1d9: {  	[sflag:s30] =	ssyncset.done $0x0  }
0x1da: {  	s8 =	rddreg [dreg:$0x7];
	[sflag:s30] =	ssyncadd.s32 $0xFFFF8000  }
0x1db: {  	[hbm4b:s8+s3] =	stream.linear.scatter [tilespmem:s6], [sflag:$0x3], $0x8000, $0x38;
	[tilespmem:$0x10480] =	vst v63  }
0x1dc: {  	_ =	swait.ge [sflag:s5], $0x8000  }
0x1dd: {  	[sflag:s5] =	ssyncset.done $0x0  }
0x1de: {  	[sflag:s5] =	ssyncadd.s32 $0xFFFF8000  }
0x1df: {  	v3 =	vld [tilespmem:$0x280];
	_ =	sdelay $0x4  }
0x1e0: {  	v32 =	vshll.u32 v3, $0x1  }
0x1e1: {  	v3 =	vand.u32 $0x7, v3;
	v4 =	vand.u32 $0xFFFFFFF0, v32  }
0x1e2: {  	v3 =	vor.u32 v3, v4  }
0x1e3: {  	v4 =	vperm.xlane v3, v0;
	_ =	sdelay $0x1  }
0x1e4: {  	v3 =	vperm.xlane v3, v2;
	v4 =	vadd.s32 v1, v4;
	_ =	sdelay $0x1  }
0x1e5: {  	v3 =	vadd.s32 v1, v3;
	_ =	sdelay $0x2  }
0x1e6: {  	[tilespmem:s6], [sflag:$0x2] =	stream.indirect_vreg.gather [hbm4b:s2+s3], $0x80, v4, vm0, $0xb8;
	[tilespmem:$0x10480] =	vst v63  }
0x1e7: {  	s13 =	simm.s32 $0x8C80  }
0x1e8: {  	[tilespmem:s13], [sflag:$0x2] =	stream.indirect_vreg.gather [hbm4b:s2+s3], $0x80, v3, vm0, $0xb8;
	[tilespmem:$0x10480] =	vst v63  }
0x1e9: {  	v3 =	vld [tilespmem:$0x290];
	_ =	sdelay $0x4  }
0x1ea: {  	v33 =	vshll.u32 v3, $0x1  }
0x1eb: {  	v3 =	vand.u32 $0x7, v3;
	v4 =	vand.u32 $0xFFFFFFF0, v33  }
0x1ec: {  	v3 =	vor.u32 v3, v4  }
0x1ed: {  	v4 =	vperm.xlane v3, v0;
	_ =	sdelay $0x1  }
0x1ee: {  	v3 =	vperm.xlane v3, v2;
	v4 =	vadd.s32 v1, v4;
	_ =	sdelay $0x1  }
0x1ef: {  	v3 =	vadd.s32 v1, v3;
	_ =	sdelay $0x2  }
0x1f0: {  	[tilespmem:s15], [sflag:$0x2] =	stream.indirect_vreg.gather [hbm4b:s2+s3], $0x80, v4, vm0, $0xb8;
	[tilespmem:$0x10480] =	vst v63  }
0x1f1: {  	s17 =	simm.s32 $0x9C80  }
0x1f2: {  	[tilespmem:s17], [sflag:$0x2] =	stream.indirect_vreg.gather [hbm4b:s2+s3], $0x80, v3, vm0, $0xb8;
	[tilespmem:$0x10480] =	vst v63  }
0x1f3: {  	v3 =	vld [tilespmem:$0x2A0];
	_ =	sdelay $0x4  }
0x1f4: {  	v34 =	vshll.u32 v3, $0x1  }
0x1f5: {  	v3 =	vand.u32 $0x7, v3;
	v4 =	vand.u32 $0xFFFFFFF0, v34  }
0x1f6: {  	v3 =	vor.u32 v3, v4  }
0x1f7: {  	v4 =	vperm.xlane v3, v0;
	_ =	sdelay $0x1  }
0x1f8: {  	v3 =	vperm.xlane v3, v2;
	v4 =	vadd.s32 v1, v4;
	_ =	sdelay $0x1  }
0x1f9: {  	v3 =	vadd.s32 v1, v3;
	_ =	sdelay $0x1  }
0x1fa: {  	s19 =	simm.s32 $0xA480  }
0x1fb: {  	[tilespmem:s19], [sflag:$0x2] =	stream.indirect_vreg.gather [hbm4b:s2+s3], $0x80, v4, vm0, $0xb8;
	[tilespmem:$0x10480] =	vst v63  }
0x1fc: {  	_ = 	snop  }
0x1fd: {  	[tilespmem:s11], [sflag:$0x2] =	stream.indirect_vreg.gather [hbm4b:s2+s3], $0x80, v3, vm0, $0xb8;
	[tilespmem:$0x10480] =	vst v63  }
0x1fe: {  	v3 =	vld [tilespmem:$0x2B0];
	_ =	sdelay $0x4  }
0x1ff: {  	v35 =	vshll.u32 v3, $0x1  }
0x200: {  	v3 =	vand.u32 $0x7, v3;
	v4 =	vand.u32 $0xFFFFFFF0, v35  }
0x201: {  	v3 =	vor.u32 v3, v4  }
0x202: {  	v4 =	vperm.xlane v3, v0;
	_ =	sdelay $0x1  }
0x203: {  	v3 =	vperm.xlane v3, v2;
	v4 =	vadd.s32 v1, v4;
	_ =	sdelay $0x1  }
0x204: {  	v3 =	vadd.s32 v1, v3;
	_ =	sdelay $0x1  }
0x205: {  	s20 =	simm.s32 $0xB480  }
0x206: {  	[tilespmem:s20], [sflag:$0x2] =	stream.indirect_vreg.gather [hbm4b:s2+s3], $0x80, v4, vm0, $0xb8;
	[tilespmem:$0x10480] =	vst v63  }
0x207: {  	_ = 	snop  }
0x208: {  	[tilespmem:s10], [sflag:$0x2] =	stream.indirect_vreg.gather [hbm4b:s2+s3], $0x80, v3, vm0, $0xb8;
	[tilespmem:$0x10480] =	vst v63  }
0x209: {  	v3 =	vld [tilespmem:$0x2C0];
	_ =	sdelay $0x4  }
0x20a: {  	v36 =	vshll.u32 v3, $0x1  }
0x20b: {  	v3 =	vand.u32 $0x7, v3;
	v4 =	vand.u32 $0xFFFFFFF0, v36  }
0x20c: {  	v3 =	vor.u32 v3, v4  }
0x20d: {  	v4 =	vperm.xlane v3, v0;
	_ =	sdelay $0x1  }
0x20e: {  	v3 =	vperm.xlane v3, v2;
	v4 =	vadd.s32 v1, v4;
	_ =	sdelay $0x1  }
0x20f: {  	v3 =	vadd.s32 v1, v3;
	_ =	sdelay $0x2  }
0x210: {  	[tilespmem:s21], [sflag:$0x2] =	stream.indirect_vreg.gather [hbm4b:s2+s3], $0x80, v4, vm0, $0xb8;
	[tilespmem:$0x10480] =	vst v63  }
0x211: {  	_ = 	snop  }
0x212: {  	[tilespmem:s25], [sflag:$0x2] =	stream.indirect_vreg.gather [hbm4b:s2+s3], $0x80, v3, vm0, $0xb8;
	[tilespmem:$0x10480] =	vst v63  }
0x213: {  	v3 =	vld [tilespmem:$0x2D0];
	_ =	sdelay $0x4  }
0x214: {  	v37 =	vshll.u32 v3, $0x1  }
0x215: {  	v3 =	vand.u32 $0x7, v3;
	v4 =	vand.u32 $0xFFFFFFF0, v37  }
0x216: {  	v3 =	vor.u32 v3, v4  }
0x217: {  	v4 =	vperm.xlane v3, v0;
	_ =	sdelay $0x1  }
0x218: {  	v3 =	vperm.xlane v3, v2;
	v4 =	vadd.s32 v1, v4;
	_ =	sdelay $0x1  }
0x219: {  	v3 =	vadd.s32 v1, v3;
	_ =	sdelay $0x2  }
0x21a: {  	[tilespmem:s7], [sflag:$0x2] =	stream.indirect_vreg.gather [hbm4b:s2+s3], $0x80, v4, vm0, $0xb8;
	[tilespmem:$0x10480] =	vst v63  }
0x21b: {  	_ = 	snop  }
0x21c: {  	[tilespmem:s26], [sflag:$0x2] =	stream.indirect_vreg.gather [hbm4b:s2+s3], $0x80, v3, vm0, $0xb8;
	[tilespmem:$0x10480] =	vst v63  }
0x21d: {  	v3 =	vld [tilespmem:$0x2E0];
	_ =	sdelay $0x4  }
0x21e: {  	v38 =	vshll.u32 v3, $0x1  }
0x21f: {  	v3 =	vand.u32 $0x7, v3;
	v4 =	vand.u32 $0xFFFFFFF0, v38  }
0x220: {  	v3 =	vor.u32 v3, v4  }
0x221: {  	v4 =	vperm.xlane v3, v0;
	_ =	sdelay $0x1  }
0x222: {  	v3 =	vperm.xlane v3, v2;
	v4 =	vadd.s32 v1, v4;
	_ =	sdelay $0x1  }
0x223: {  	v3 =	vadd.s32 v1, v3;
	_ =	sdelay $0x1  }
0x224: {  	s23 =	simm.s32 $0xE480  }
0x225: {  	[tilespmem:s23], [sflag:$0x2] =	stream.indirect_vreg.gather [hbm4b:s2+s3], $0x80, v4, vm0, $0xb8;
	[tilespmem:$0x10480] =	vst v63  }
0x226: {  	_ = 	snop  }
0x227: {  	[tilespmem:s28], [sflag:$0x2] =	stream.indirect_vreg.gather [hbm4b:s2+s3], $0x80, v3, vm0, $0xb8;
	[tilespmem:$0x10480] =	vst v63  }
0x228: {  	v3 =	vld [tilespmem:$0x2F0];
	_ =	sdelay $0x4  }
0x229: {  	v39 =	vshll.u32 v3, $0x1  }
0x22a: {  	v3 =	vand.u32 $0x7, v3;
	v4 =	vand.u32 $0xFFFFFFF0, v39  }
0x22b: {  	v3 =	vor.u32 v3, v4  }
0x22c: {  	v4 =	vperm.xlane v3, v0;
	_ =	sdelay $0x1  }
0x22d: {  	v3 =	vperm.xlane v3, v2;
	v4 =	vadd.s32 v1, v4;
	_ =	sdelay $0x1  }
0x22e: {  	v3 =	vadd.s32 v1, v3;
	_ =	sdelay $0x1  }
0x22f: {  	s24 =	simm.s32 $0xF480  }
0x230: {  	[tilespmem:s24], [sflag:$0x2] =	stream.indirect_vreg.gather [hbm4b:s2+s3], $0x80, v4, vm0, $0xb8;
	[tilespmem:$0x10480] =	vst v63  }
0x231: {  	s25 =	simm.s32 $0xFC80  }
0x232: {  	[tilespmem:s25], [sflag:$0x2] =	stream.indirect_vreg.gather [hbm4b:s2+s3], $0x80, v3, vm0, $0xb8;
	[tilespmem:$0x10480] =	vst v63  }
0x233: {  	_ =	swait.ge [sflag:s29], $0x8000  }
0x234: {  	[sflag:s29] =	ssyncset.done $0x0  }
0x235: {  	s28 =	rddreg [dreg:$0x8];
	[sflag:s29] =	ssyncadd.s32 $0xFFFF8000  }
0x236: {  	[hbm4b:s28+s3] =	stream.linear.scatter [tilespmem:s12], [sflag:$0x3], $0x8000, $0x38;
	[tilespmem:$0x10480] =	vst v63  }
0x237: {  	_ =	swait.ge [sflag:s5], $0x8000  }
0x238: {  	[sflag:s5] =	ssyncset.done $0x0  }
0x239: {  	[sflag:s5] =	ssyncadd.s32 $0xFFFF8000  }
0x23a: {  	v3 =	vld [tilespmem:$0x300];
	_ =	sdelay $0x4  }
0x23b: {  	v40 =	vshll.u32 v3, $0x1  }
0x23c: {  	v3 =	vand.u32 $0x7, v3;
	v4 =	vand.u32 $0xFFFFFFF0, v40  }
0x23d: {  	v3 =	vor.u32 v3, v4  }
0x23e: {  	v4 =	vperm.xlane v3, v0;
	_ =	sdelay $0x1  }
0x23f: {  	v3 =	vperm.xlane v3, v2;
	v4 =	vadd.s32 v1, v4;
	_ =	sdelay $0x1  }
0x240: {  	v3 =	vadd.s32 v1, v3;
	_ =	sdelay $0x2  }
0x241: {  	[tilespmem:s12], [sflag:$0x1] =	stream.indirect_vreg.gather [hbm4b:s2+s3], $0x80, v4, vm0, $0xb8;
	[tilespmem:$0x10480] =	vst v63  }
0x242: {  	s31 =	simm.s32 $0xC80  }
0x243: {  	[tilespmem:s31], [sflag:$0x1] =	stream.indirect_vreg.gather [hbm4b:s2+s3], $0x80, v3, vm0, $0xb8;
	[tilespmem:$0x10480] =	vst v63  }
0x244: {  	v3 =	vld [tilespmem:$0x310];
	_ =	sdelay $0x4  }
0x245: {  	v41 =	vshll.u32 v3, $0x1  }
0x246: {  	v3 =	vand.u32 $0x7, v3;
	v4 =	vand.u32 $0xFFFFFFF0, v41  }
0x247: {  	v3 =	vor.u32 v3, v4  }
0x248: {  	v4 =	vperm.xlane v3, v0;
	_ =	sdelay $0x1  }
0x249: {  	v3 =	vperm.xlane v3, v2;
	v4 =	vadd.s32 v1, v4;
	_ =	sdelay $0x1  }
0x24a: {  	v3 =	vadd.s32 v1, v3;
	_ =	sdelay $0x1  }
0x24b: {  	s0 =	simm.s32 $0x1480  }
0x24c: {  	[tilespmem:s0], [sflag:$0x1] =	stream.indirect_vreg.gather [hbm4b:s2+s3], $0x80, v4, vm0, $0xb8;
	[tilespmem:$0x10480] =	vst v63  }
0x24d: {  	s17 =	simm.s32 $0x1C80  }
0x24e: {  	[tilespmem:s17], [sflag:$0x1] =	stream.indirect_vreg.gather [hbm4b:s2+s3], $0x80, v3, vm0, $0xb8;
	[tilespmem:$0x10480] =	vst v63  }
0x24f: {  	v3 =	vld [tilespmem:$0x320];
	_ =	sdelay $0x4  }
0x250: {  	v42 =	vshll.u32 v3, $0x1  }
0x251: {  	v3 =	vand.u32 $0x7, v3;
	v4 =	vand.u32 $0xFFFFFFF0, v42  }
0x252: {  	v3 =	vor.u32 v3, v4  }
0x253: {  	v4 =	vperm.xlane v3, v0;
	_ =	sdelay $0x1  }
0x254: {  	v3 =	vperm.xlane v3, v2;
	v4 =	vadd.s32 v1, v4;
	_ =	sdelay $0x1  }
0x255: {  	v3 =	vadd.s32 v1, v3;
	_ =	sdelay $0x1  }
0x256: {  	s1 =	simm.s32 $0x2480  }
0x257: {  	[tilespmem:s1], [sflag:$0x1] =	stream.indirect_vreg.gather [hbm4b:s2+s3], $0x80, v4, vm0, $0xb8;
	[tilespmem:$0x10480] =	vst v63  }
0x258: {  	s24 =	simm.s32 $0x2C80  }
0x259: {  	[tilespmem:s24], [sflag:$0x1] =	stream.indirect_vreg.gather [hbm4b:s2+s3], $0x80, v3, vm0, $0xb8;
	[tilespmem:$0x10480] =	vst v63  }
0x25a: {  	v3 =	vld [tilespmem:$0x330];
	_ =	sdelay $0x4  }
0x25b: {  	v43 =	vshll.u32 v3, $0x1  }
0x25c: {  	v3 =	vand.u32 $0x7, v3;
	v4 =	vand.u32 $0xFFFFFFF0, v43  }
0x25d: {  	v3 =	vor.u32 v3, v4  }
0x25e: {  	v4 =	vperm.xlane v3, v0;
	_ =	sdelay $0x1  }
0x25f: {  	v3 =	vperm.xlane v3, v2;
	v4 =	vadd.s32 v1, v4;
	_ =	sdelay $0x1  }
0x260: {  	v3 =	vadd.s32 v1, v3;
	_ =	sdelay $0x1  }
0x261: {  	s14 =	simm.s32 $0x3480  }
0x262: {  	[tilespmem:s14], [sflag:$0x1] =	stream.indirect_vreg.gather [hbm4b:s2+s3], $0x80, v4, vm0, $0xb8;
	[tilespmem:$0x10480] =	vst v63  }
0x263: {  	s31 =	simm.s32 $0x3C80  }
0x264: {  	[tilespmem:s31], [sflag:$0x1] =	stream.indirect_vreg.gather [hbm4b:s2+s3], $0x80, v3, vm0, $0xb8;
	[tilespmem:$0x10480] =	vst v63  }
0x265: {  	v3 =	vld [tilespmem:$0x340];
	_ =	sdelay $0x4  }
0x266: {  	v44 =	vshll.u32 v3, $0x1  }
0x267: {  	v3 =	vand.u32 $0x7, v3;
	v4 =	vand.u32 $0xFFFFFFF0, v44  }
0x268: {  	v3 =	vor.u32 v3, v4  }
0x269: {  	v4 =	vperm.xlane v3, v0;
	_ =	sdelay $0x1  }
0x26a: {  	v3 =	vperm.xlane v3, v2;
	v4 =	vadd.s32 v1, v4;
	_ =	sdelay $0x1  }
0x26b: {  	v3 =	vadd.s32 v1, v3;
	_ =	sdelay $0x1  }
0x26c: {  	s24 =	simm.s32 $0x4480  }
0x26d: {  	[tilespmem:s24], [sflag:$0x1] =	stream.indirect_vreg.gather [hbm4b:s2+s3], $0x80, v4, vm0, $0xb8;
	[tilespmem:$0x10480] =	vst v63  }
0x26e: {  	s31 =	simm.s32 $0x4C80  }
0x26f: {  	[tilespmem:s31], [sflag:$0x1] =	stream.indirect_vreg.gather [hbm4b:s2+s3], $0x80, v3, vm0, $0xb8;
	[tilespmem:$0x10480] =	vst v63  }
0x270: {  	v3 =	vld [tilespmem:$0x350];
	_ =	sdelay $0x4  }
0x271: {  	v45 =	vshll.u32 v3, $0x1  }
0x272: {  	v3 =	vand.u32 $0x7, v3;
	v4 =	vand.u32 $0xFFFFFFF0, v45  }
0x273: {  	v3 =	vor.u32 v3, v4  }
0x274: {  	v4 =	vperm.xlane v3, v0;
	_ =	sdelay $0x1  }
0x275: {  	v3 =	vperm.xlane v3, v2;
	v4 =	vadd.s32 v1, v4;
	_ =	sdelay $0x1  }
0x276: {  	v3 =	vadd.s32 v1, v3;
	_ =	sdelay $0x1  }
0x277: {  	s18 =	simm.s32 $0x5480  }
0x278: {  	[tilespmem:s18], [sflag:$0x1] =	stream.indirect_vreg.gather [hbm4b:s2+s3], $0x80, v4, vm0, $0xb8;
	[tilespmem:$0x10480] =	vst v63  }
0x279: {  	s31 =	simm.s32 $0x5C80  }
0x27a: {  	[tilespmem:s31], [sflag:$0x1] =	stream.indirect_vreg.gather [hbm4b:s2+s3], $0x80, v3, vm0, $0xb8;
	[tilespmem:$0x10480] =	vst v63  }
0x27b: {  	v3 =	vld [tilespmem:$0x360];
	_ =	sdelay $0x4  }
0x27c: {  	v46 =	vshll.u32 v3, $0x1  }
0x27d: {  	v3 =	vand.u32 $0x7, v3;
	v4 =	vand.u32 $0xFFFFFFF0, v46  }
0x27e: {  	v3 =	vor.u32 v3, v4  }
0x27f: {  	v4 =	vperm.xlane v3, v0;
	_ =	sdelay $0x1  }
0x280: {  	v3 =	vperm.xlane v3, v2;
	v4 =	vadd.s32 v1, v4;
	_ =	sdelay $0x1  }
0x281: {  	v3 =	vadd.s32 v1, v3;
	_ =	sdelay $0x1  }
0x282: {  	s22 =	simm.s32 $0x6480  }
0x283: {  	[tilespmem:s22], [sflag:$0x1] =	stream.indirect_vreg.gather [hbm4b:s2+s3], $0x80, v4, vm0, $0xb8;
	[tilespmem:$0x10480] =	vst v63  }
0x284: {  	s9 =	simm.s32 $0x6C80  }
0x285: {  	[tilespmem:s9], [sflag:$0x1] =	stream.indirect_vreg.gather [hbm4b:s2+s3], $0x80, v3, vm0, $0xb8;
	[tilespmem:$0x10480] =	vst v63  }
0x286: {  	v3 =	vld [tilespmem:$0x370];
	_ =	sdelay $0x4  }
0x287: {  	v47 =	vshll.u32 v3, $0x1  }
0x288: {  	v3 =	vand.u32 $0x7, v3;
	v4 =	vand.u32 $0xFFFFFFF0, v47  }
0x289: {  	v3 =	vor.u32 v3, v4  }
0x28a: {  	v4 =	vperm.xlane v3, v0;
	_ =	sdelay $0x1  }
0x28b: {  	v3 =	vperm.xlane v3, v2;
	v4 =	vadd.s32 v1, v4;
	_ =	sdelay $0x1  }
0x28c: {  	v3 =	vadd.s32 v1, v3;
	_ =	sdelay $0x1  }
0x28d: {  	s16 =	simm.s32 $0x7480  }
0x28e: {  	[tilespmem:s16], [sflag:$0x1] =	stream.indirect_vreg.gather [hbm4b:s2+s3], $0x80, v4, vm0, $0xb8;
	[tilespmem:$0x10480] =	vst v63  }
0x28f: {  	s31 =	simm.s32 $0x7C80  }
0x290: {  	[tilespmem:s31], [sflag:$0x1] =	stream.indirect_vreg.gather [hbm4b:s2+s3], $0x80, v3, vm0, $0xb8;
	[tilespmem:$0x10480] =	vst v63  }
0x291: {  	_ =	swait.ge [sflag:s30], $0x8000  }
0x292: {  	[sflag:s30] =	ssyncset.done $0x0  }
0x293: {  	s31 =	rddreg [dreg:$0x9];
	[sflag:s30] =	ssyncadd.s32 $0xFFFF8000  }
0x294: {  	[hbm4b:s31+s3] =	stream.linear.scatter [tilespmem:s6], [sflag:$0x3], $0x8000, $0x38;
	[tilespmem:$0x10480] =	vst v63  }
0x295: {  	_ =	swait.ge [sflag:s5], $0x8000  }
0x296: {  	[sflag:s5] =	ssyncset.done $0x0  }
0x297: {  	[sflag:s5] =	ssyncadd.s32 $0xFFFF8000  }
0x298: {  	v3 =	vld [tilespmem:$0x380];
	_ =	sdelay $0x4  }
0x299: {  	v48 =	vshll.u32 v3, $0x1  }
0x29a: {  	v3 =	vand.u32 $0x7, v3;
	v4 =	vand.u32 $0xFFFFFFF0, v48  }
0x29b: {  	v3 =	vor.u32 v3, v4  }
0x29c: {  	v4 =	vperm.xlane v3, v0;
	_ =	sdelay $0x1  }
0x29d: {  	v3 =	vperm.xlane v3, v2;
	v4 =	vadd.s32 v1, v4;
	_ =	sdelay $0x1  }
0x29e: {  	v3 =	vadd.s32 v1, v3;
	_ =	sdelay $0x2  }
0x29f: {  	[tilespmem:s6], [sflag:$0x2] =	stream.indirect_vreg.gather [hbm4b:s2+s3], $0x80, v4, vm0, $0xb8;
	[tilespmem:$0x10480] =	vst v63  }
0x2a0: {  	s31 =	simm.s32 $0x8C80  }
0x2a1: {  	[tilespmem:s31], [sflag:$0x2] =	stream.indirect_vreg.gather [hbm4b:s2+s3], $0x80, v3, vm0, $0xb8;
	[tilespmem:$0x10480] =	vst v63  }
0x2a2: {  	v3 =	vld [tilespmem:$0x390];
	_ =	sdelay $0x4  }
0x2a3: {  	v49 =	vshll.u32 v3, $0x1  }
0x2a4: {  	v3 =	vand.u32 $0x7, v3;
	v4 =	vand.u32 $0xFFFFFFF0, v49  }
0x2a5: {  	v3 =	vor.u32 v3, v4  }
0x2a6: {  	v4 =	vperm.xlane v3, v0;
	_ =	sdelay $0x1  }
0x2a7: {  	v3 =	vperm.xlane v3, v2;
	v4 =	vadd.s32 v1, v4;
	_ =	sdelay $0x1  }
0x2a8: {  	v3 =	vadd.s32 v1, v3;
	_ =	sdelay $0x1  }
0x2a9: {  	s13 =	simm.s32 $0x9480  }
0x2aa: {  	[tilespmem:s13], [sflag:$0x2] =	stream.indirect_vreg.gather [hbm4b:s2+s3], $0x80, v4, vm0, $0xb8;
	[tilespmem:$0x10480] =	vst v63  }
0x2ab: {  	s31 =	simm.s32 $0x9C80  }
0x2ac: {  	[tilespmem:s31], [sflag:$0x2] =	stream.indirect_vreg.gather [hbm4b:s2+s3], $0x80, v3, vm0, $0xb8;
	[tilespmem:$0x10480] =	vst v63  }
0x2ad: {  	v3 =	vld [tilespmem:$0x3A0];
	_ =	sdelay $0x4  }
0x2ae: {  	v50 =	vshll.u32 v3, $0x1  }
0x2af: {  	v3 =	vand.u32 $0x7, v3;
	v4 =	vand.u32 $0xFFFFFFF0, v50  }
0x2b0: {  	v3 =	vor.u32 v3, v4  }
0x2b1: {  	v4 =	vperm.xlane v3, v0;
	_ =	sdelay $0x1  }
0x2b2: {  	v3 =	vperm.xlane v3, v2;
	v4 =	vadd.s32 v1, v4;
	_ =	sdelay $0x1  }
0x2b3: {  	v3 =	vadd.s32 v1, v3;
	_ =	sdelay $0x1  }
0x2b4: {  	s31 =	simm.s32 $0xA480  }
0x2b5: {  	[tilespmem:s31], [sflag:$0x2] =	stream.indirect_vreg.gather [hbm4b:s2+s3], $0x80, v4, vm0, $0xb8;
	[tilespmem:$0x10480] =	vst v63  }
0x2b6: {  	s11 =	simm.s32 $0xAC80  }
0x2b7: {  	[tilespmem:s11], [sflag:$0x2] =	stream.indirect_vreg.gather [hbm4b:s2+s3], $0x80, v3, vm0, $0xb8;
	[tilespmem:$0x10480] =	vst v63  }
0x2b8: {  	v3 =	vld [tilespmem:$0x3B0];
	_ =	sdelay $0x4  }
0x2b9: {  	v51 =	vshll.u32 v3, $0x1  }
0x2ba: {  	v3 =	vand.u32 $0x7, v3;
	v4 =	vand.u32 $0xFFFFFFF0, v51  }
0x2bb: {  	v3 =	vor.u32 v3, v4  }
0x2bc: {  	v4 =	vperm.xlane v3, v0;
	_ =	sdelay $0x1  }
0x2bd: {  	v3 =	vperm.xlane v3, v2;
	v4 =	vadd.s32 v1, v4;
	_ =	sdelay $0x1  }
0x2be: {  	v3 =	vadd.s32 v1, v3;
	_ =	sdelay $0x1  }
0x2bf: {  	s13 =	simm.s32 $0xB480  }
0x2c0: {  	[tilespmem:s13], [sflag:$0x2] =	stream.indirect_vreg.gather [hbm4b:s2+s3], $0x80, v4, vm0, $0xb8;
	[tilespmem:$0x10480] =	vst v63  }
0x2c1: {  	s10 =	simm.s32 $0xBC80  }
0x2c2: {  	[tilespmem:s10], [sflag:$0x2] =	stream.indirect_vreg.gather [hbm4b:s2+s3], $0x80, v3, vm0, $0xb8;
	[tilespmem:$0x10480] =	vst v63  }
0x2c3: {  	v3 =	vld [tilespmem:$0x3C0];
	_ =	sdelay $0x4  }
0x2c4: {  	v52 =	vshll.u32 v3, $0x1  }
0x2c5: {  	v3 =	vand.u32 $0x7, v3;
	v4 =	vand.u32 $0xFFFFFFF0, v52  }
0x2c6: {  	v3 =	vor.u32 v3, v4  }
0x2c7: {  	v4 =	vperm.xlane v3, v0;
	_ =	sdelay $0x1  }
0x2c8: {  	v3 =	vperm.xlane v3, v2;
	v4 =	vadd.s32 v1, v4;
	_ =	sdelay $0x1  }
0x2c9: {  	v3 =	vadd.s32 v1, v3;
	_ =	sdelay $0x1  }
0x2ca: {  	s15 =	simm.s32 $0xC480  }
0x2cb: {  	[tilespmem:s15], [sflag:$0x2] =	stream.indirect_vreg.gather [hbm4b:s2+s3], $0x80, v4, vm0, $0xb8;
	[tilespmem:$0x10480] =	vst v63  }
0x2cc: {  	s19 =	simm.s32 $0xCC80  }
0x2cd: {  	[tilespmem:s19], [sflag:$0x2] =	stream.indirect_vreg.gather [hbm4b:s2+s3], $0x80, v3, vm0, $0xb8;
	[tilespmem:$0x10480] =	vst v63  }
0x2ce: {  	v3 =	vld [tilespmem:$0x3D0];
	_ =	sdelay $0x4  }
0x2cf: {  	v53 =	vshll.u32 v3, $0x1  }
0x2d0: {  	v3 =	vand.u32 $0x7, v3;
	v4 =	vand.u32 $0xFFFFFFF0, v53  }
0x2d1: {  	v3 =	vor.u32 v3, v4  }
0x2d2: {  	v4 =	vperm.xlane v3, v0;
	_ =	sdelay $0x1  }
0x2d3: {  	v3 =	vperm.xlane v3, v2;
	v4 =	vadd.s32 v1, v4;
	_ =	sdelay $0x1  }
0x2d4: {  	v3 =	vadd.s32 v1, v3;
	_ =	sdelay $0x1  }
0x2d5: {  	s7 =	simm.s32 $0xD480  }
0x2d6: {  	[tilespmem:s7], [sflag:$0x2] =	stream.indirect_vreg.gather [hbm4b:s2+s3], $0x80, v4, vm0, $0xb8;
	[tilespmem:$0x10480] =	vst v63  }
0x2d7: {  	s20 =	simm.s32 $0xDC80  }
0x2d8: {  	[tilespmem:s20], [sflag:$0x2] =	stream.indirect_vreg.gather [hbm4b:s2+s3], $0x80, v3, vm0, $0xb8;
	[tilespmem:$0x10480] =	vst v63  }
0x2d9: {  	v3 =	vld [tilespmem:$0x3E0];
	_ =	sdelay $0x4  }
0x2da: {  	v54 =	vshll.u32 v3, $0x1  }
0x2db: {  	v3 =	vand.u32 $0x7, v3;
	v4 =	vand.u32 $0xFFFFFFF0, v54  }
0x2dc: {  	v3 =	vor.u32 v3, v4  }
0x2dd: {  	v4 =	vperm.xlane v3, v0;
	_ =	sdelay $0x1  }
0x2de: {  	v3 =	vperm.xlane v3, v2;
	v4 =	vadd.s32 v1, v4;
	_ =	sdelay $0x1  }
0x2df: {  	v3 =	vadd.s32 v1, v3;
	_ =	sdelay $0x1  }
0x2e0: {  	s26 =	simm.s32 $0xE480  }
0x2e1: {  	[tilespmem:s26], [sflag:$0x2] =	stream.indirect_vreg.gather [hbm4b:s2+s3], $0x80, v4, vm0, $0xb8;
	[tilespmem:$0x10480] =	vst v63  }
0x2e2: {  	s21 =	simm.s32 $0xEC80  }
0x2e3: {  	[tilespmem:s21], [sflag:$0x2] =	stream.indirect_vreg.gather [hbm4b:s2+s3], $0x80, v3, vm0, $0xb8;
	[tilespmem:$0x10480] =	vst v63  }
0x2e4: {  	v3 =	vld [tilespmem:$0x3F0];
	_ =	sdelay $0x4  }
0x2e5: {  	v55 =	vshll.u32 v3, $0x1  }
0x2e6: {  	v3 =	vand.u32 $0x7, v3;
	v4 =	vand.u32 $0xFFFFFFF0, v55  }
0x2e7: {  	v3 =	vor.u32 v3, v4  }
0x2e8: {  	v4 =	vperm.xlane v3, v0;
	_ =	sdelay $0x1  }
0x2e9: {  	v3 =	vperm.xlane v3, v2;
	v4 =	vadd.s32 v1, v4;
	_ =	sdelay $0x1  }
0x2ea: {  	v3 =	vadd.s32 v1, v3;
	_ =	sdelay $0x1  }
0x2eb: {  	s8 =	simm.s32 $0xF480  }
0x2ec: {  	[tilespmem:s8], [sflag:$0x2] =	stream.indirect_vreg.gather [hbm4b:s2+s3], $0x80, v4, vm0, $0xb8;
	[tilespmem:$0x10480] =	vst v63  }
0x2ed: {  	s20 =	simm.s32 $0xFC80  }
0x2ee: {  	[tilespmem:s20], [sflag:$0x2] =	stream.indirect_vreg.gather [hbm4b:s2+s3], $0x80, v3, vm0, $0xb8;
	[tilespmem:$0x10480] =	vst v63  }
0x2ef: {  	_ =	swait.ge [sflag:s29], $0x8000  }
0x2f0: {  	[sflag:s29] =	ssyncset.done $0x0  }
0x2f1: {  	s21 =	rddreg [dreg:$0xa];
	[sflag:s29] =	ssyncadd.s32 $0xFFFF8000  }
0x2f2: {  	[hbm4b:s21+s3] =	stream.linear.scatter [tilespmem:s12], [sflag:$0x3], $0x8000, $0x38;
	[tilespmem:$0x10480] =	vst v63  }
0x2f3: {  	_ =	swait.ge [sflag:s5], $0x8000  }
0x2f4: {  	[sflag:s5] =	ssyncset.done $0x0  }
0x2f5: {  	[sflag:s5] =	ssyncadd.s32 $0xFFFF8000  }
0x2f6: {  	v3 =	vld [tilespmem:$0x400];
	_ =	sdelay $0x4  }
0x2f7: {  	v56 =	vshll.u32 v3, $0x1  }
0x2f8: {  	v3 =	vand.u32 $0x7, v3;
	v4 =	vand.u32 $0xFFFFFFF0, v56  }
0x2f9: {  	v3 =	vor.u32 v3, v4  }
0x2fa: {  	v4 =	vperm.xlane v3, v0;
	_ =	sdelay $0x1  }
0x2fb: {  	v3 =	vperm.xlane v3, v2;
	v4 =	vadd.s32 v1, v4;
	_ =	sdelay $0x1  }
0x2fc: {  	v3 =	vadd.s32 v1, v3;
	_ =	sdelay $0x2  }
0x2fd: {  	[tilespmem:s12], [sflag:$0x1] =	stream.indirect_vreg.gather [hbm4b:s2+s3], $0x80, v4, vm0, $0xb8;
	[tilespmem:$0x10480] =	vst v63  }
0x2fe: {  	s25 =	simm.s32 $0xC80  }
0x2ff: {  	[tilespmem:s25], [sflag:$0x1] =	stream.indirect_vreg.gather [hbm4b:s2+s3], $0x80, v3, vm0, $0xb8;
	[tilespmem:$0x10480] =	vst v63  }
0x300: {  	v3 =	vld [tilespmem:$0x410];
	_ =	sdelay $0x4  }
0x301: {  	v57 =	vshll.u32 v3, $0x1  }
0x302: {  	v3 =	vand.u32 $0x7, v3;
	v4 =	vand.u32 $0xFFFFFFF0, v57  }
0x303: {  	v3 =	vor.u32 v3, v4  }
0x304: {  	v4 =	vperm.xlane v3, v0;
	_ =	sdelay $0x1  }
0x305: {  	v3 =	vperm.xlane v3, v2;
	v4 =	vadd.s32 v1, v4;
	_ =	sdelay $0x1  }
0x306: {  	v3 =	vadd.s32 v1, v3;
	_ =	sdelay $0x1  }
0x307: {  	s23 =	simm.s32 $0x1480  }
0x308: {  	[tilespmem:s23], [sflag:$0x1] =	stream.indirect_vreg.gather [hbm4b:s2+s3], $0x80, v4, vm0, $0xb8;
	[tilespmem:$0x10480] =	vst v63  }
0x309: {  	s28 =	simm.s32 $0x1C80  }
0x30a: {  	[tilespmem:s28], [sflag:$0x1] =	stream.indirect_vreg.gather [hbm4b:s2+s3], $0x80, v3, vm0, $0xb8;
	[tilespmem:$0x10480] =	vst v63  }
0x30b: {  	v3 =	vld [tilespmem:$0x420];
	_ =	sdelay $0x4  }
0x30c: {  	v58 =	vshll.u32 v3, $0x1  }
0x30d: {  	v3 =	vand.u32 $0x7, v3;
	v4 =	vand.u32 $0xFFFFFFF0, v58  }
0x30e: {  	v3 =	vor.u32 v3, v4  }
0x30f: {  	v4 =	vperm.xlane v3, v0;
	_ =	sdelay $0x1  }
0x310: {  	v3 =	vperm.xlane v3, v2;
	v4 =	vadd.s32 v1, v4;
	_ =	sdelay $0x1  }
0x311: {  	v3 =	vadd.s32 v1, v3;
	_ =	sdelay $0x1  }
0x312: {  	s0 =	simm.s32 $0x2480  }
0x313: {  	[tilespmem:s0], [sflag:$0x1] =	stream.indirect_vreg.gather [hbm4b:s2+s3], $0x80, v4, vm0, $0xb8;
	[tilespmem:$0x10480] =	vst v63  }
0x314: {  	s17 =	simm.s32 $0x2C80  }
0x315: {  	[tilespmem:s17], [sflag:$0x1] =	stream.indirect_vreg.gather [hbm4b:s2+s3], $0x80, v3, vm0, $0xb8;
	[tilespmem:$0x10480] =	vst v63  }
0x316: {  	v3 =	vld [tilespmem:$0x430];
	_ =	sdelay $0x4  }
0x317: {  	v59 =	vshll.u32 v3, $0x1  }
0x318: {  	v3 =	vand.u32 $0x7, v3;
	v4 =	vand.u32 $0xFFFFFFF0, v59  }
0x319: {  	v3 =	vor.u32 v3, v4  }
0x31a: {  	v4 =	vperm.xlane v3, v0;
	_ =	sdelay $0x1  }
0x31b: {  	v3 =	vperm.xlane v3, v2;
	v4 =	vadd.s32 v1, v4;
	_ =	sdelay $0x1  }
0x31c: {  	v3 =	vadd.s32 v1, v3;
	_ =	sdelay $0x1  }
0x31d: {  	s1 =	simm.s32 $0x3480  }
0x31e: {  	[tilespmem:s1], [sflag:$0x1] =	stream.indirect_vreg.gather [hbm4b:s2+s3], $0x80, v4, vm0, $0xb8;
	[tilespmem:$0x10480] =	vst v63  }
0x31f: {  	s23 =	simm.s32 $0x3C80  }
0x320: {  	[tilespmem:s23], [sflag:$0x1] =	stream.indirect_vreg.gather [hbm4b:s2+s3], $0x80, v3, vm0, $0xb8;
	[tilespmem:$0x10480] =	vst v63  }
0x321: {  	v3 =	vld [tilespmem:$0x440];
	_ =	sdelay $0x4  }
0x322: {  	v60 =	vshll.u32 v3, $0x1  }
0x323: {  	v3 =	vand.u32 $0x7, v3;
	v4 =	vand.u32 $0xFFFFFFF0, v60  }
0x324: {  	v3 =	vor.u32 v3, v4  }
0x325: {  	v4 =	vperm.xlane v3, v0;
	_ =	sdelay $0x1  }
0x326: {  	v3 =	vperm.xlane v3, v2;
	v4 =	vadd.s32 v1, v4;
	_ =	sdelay $0x1  }
0x327: {  	v3 =	vadd.s32 v1, v3;
	_ =	sdelay $0x1  }
0x328: {  	s24 =	simm.s32 $0x4480  }
0x329: {  	[tilespmem:s24], [sflag:$0x1] =	stream.indirect_vreg.gather [hbm4b:s2+s3], $0x80, v4, vm0, $0xb8;
	[tilespmem:$0x10480] =	vst v63  }
0x32a: {  	s24 =	simm.s32 $0x4C80  }
0x32b: {  	[tilespmem:s24], [sflag:$0x1] =	stream.indirect_vreg.gather [hbm4b:s2+s3], $0x80, v3, vm0, $0xb8;
	[tilespmem:$0x10480] =	vst v63  }
0x32c: {  	v3 =	vld [tilespmem:$0x450];
	_ =	sdelay $0x4  }
0x32d: {  	v61 =	vshll.u32 v3, $0x1  }
0x32e: {  	v3 =	vand.u32 $0x7, v3;
	v4 =	vand.u32 $0xFFFFFFF0, v61  }
0x32f: {  	v3 =	vor.u32 v3, v4  }
0x330: {  	v4 =	vperm.xlane v3, v0;
	_ =	sdelay $0x1  }
0x331: {  	v3 =	vperm.xlane v3, v2;
	v4 =	vadd.s32 v1, v4;
	_ =	sdelay $0x1  }
0x332: {  	v3 =	vadd.s32 v1, v3;
	_ =	sdelay $0x1  }
0x333: {  	s18 =	simm.s32 $0x5480  }
0x334: {  	[tilespmem:s18], [sflag:$0x1] =	stream.indirect_vreg.gather [hbm4b:s2+s3], $0x80, v4, vm0, $0xb8;
	[tilespmem:$0x10480] =	vst v63  }
0x335: {  	s25 =	simm.s32 $0x5C80  }
0x336: {  	[tilespmem:s25], [sflag:$0x1] =	stream.indirect_vreg.gather [hbm4b:s2+s3], $0x80, v3, vm0, $0xb8;
	[tilespmem:$0x10480] =	vst v63  }
0x337: {  	v3 =	vld [tilespmem:$0x460];
	_ =	sdelay $0x4  }
0x338: {  	v62 =	vshll.u32 v3, $0x1  }
0x339: {  	v3 =	vand.u32 $0x7, v3;
	v4 =	vand.u32 $0xFFFFFFF0, v62  }
0x33a: {  	v3 =	vor.u32 v3, v4  }
0x33b: {  	v4 =	vperm.xlane v3, v0;
	_ =	sdelay $0x1  }
0x33c: {  	v3 =	vperm.xlane v3, v2;
	v4 =	vadd.s32 v1, v4;
	_ =	sdelay $0x1  }
0x33d: {  	v3 =	vadd.s32 v1, v3;
	_ =	sdelay $0x1  }
0x33e: {  	s22 =	simm.s32 $0x6480  }
0x33f: {  	[tilespmem:s22], [sflag:$0x1] =	stream.indirect_vreg.gather [hbm4b:s2+s3], $0x80, v4, vm0, $0xb8;
	[tilespmem:$0x10480] =	vst v63  }
0x340: {  	s14 =	simm.s32 $0x6C80  }
0x341: {  	[tilespmem:s14], [sflag:$0x1] =	stream.indirect_vreg.gather [hbm4b:s2+s3], $0x80, v3, vm0, $0xb8;
	[tilespmem:$0x10480] =	vst v63  }
0x342: {  	v3 =	vld [tilespmem:$0x470];
	_ =	sdelay $0x4  }
0x343: {  	v63 =	vshll.u32 v3, $0x1  }
0x344: {  	v3 =	vand.u32 $0x7, v3;
	v4 =	vand.u32 $0xFFFFFFF0, v63  }
0x345: {  	v3 =	vor.u32 v3, v4  }
0x346: {  	v4 =	vperm.xlane v3, v0;
	_ =	sdelay $0x1  }
0x347: {  	v3 =	vperm.xlane v3, v2;
	v4 =	vadd.s32 v1, v4;
	_ =	sdelay $0x1  }
0x348: {  	v3 =	vadd.s32 v1, v3;
	_ =	sdelay $0x1  }
0x349: {  	s9 =	simm.s32 $0x7480  }
0x34a: {  	[tilespmem:s9], [sflag:$0x1] =	stream.indirect_vreg.gather [hbm4b:s2+s3], $0x80, v4, vm0, $0xb8;
	[tilespmem:$0x10480] =	vst v63  }
0x34b: {  	s16 =	simm.s32 $0x7C80  }
0x34c: {  	[tilespmem:s16], [sflag:$0x1] =	stream.indirect_vreg.gather [hbm4b:s2+s3], $0x80, v3, vm0, $0xb8;
	[tilespmem:$0x10480] =	vst v63  }
0x34d: {  	_ =	swait.ge [sflag:s30], $0x8000  }
0x34e: {  	[sflag:s30] =	ssyncset.done $0x0  }
0x34f: {  	s26 =	rddreg [dreg:$0xb];
	[sflag:s30] =	ssyncadd.s32 $0xFFFF8000  }
0x350: {  	[hbm4b:s26+s3] =	stream.linear.scatter [tilespmem:s6], [sflag:$0x3], $0x8000, $0x38;
	[tilespmem:$0x10480] =	vst v63  }
0x351: {  	_ =	swait.ge [sflag:s5], $0x8000  }
0x352: {  	[sflag:s5] =	ssyncset.done $0x0  }
0x353: {  	[sflag:s5] =	ssyncadd.s32 $0xFFFF8000  }
0x354: {  	_ =	swait.ge [sflag:s29], $0x8000  }
0x355: {  	p0 =	sne.s32 s4, $0x1;
	[sflag:s29] =	ssyncset.done $0x0  }
.Ltmp0:
0x356: {  	s28 =	rddreg [dreg:$0xc];
	[sflag:s29] =	ssyncadd.s32 $0xFFFF8000;
	(pc) =	sbr.rel @p0 .LBB2_1-.Ltmp0, $4  }
0x357: {  	[hbm4b:s28+s3] =	stream.linear.scatter [tilespmem:s12], [sflag:$0x3], $0x8000, $0x38;
	[tilespmem:$0x10480] =	vst v63  }
0x358: {  	_ =	swait.ge [sflag:s5], $0x8000  }
0x359: {  	[sflag:s5] =	ssyncset.done $0x0  }
0x35a: {  	s4 =	sadd.s32 $0xFFFFFFFF, s4;
	[sflag:s5] =	ssyncadd.s32 $0xFFFF8000  }
0x35b: {  	_ =	sfence.sel $0x180000  }
0x35c: {  	[bflag:$0x0] =	sbarrier.arrive $0xFFFF  }
0x35d: {  	_ =	strace $0x90000047  }
0x35e: {  	s0 =	stileid.u32;
	[bflag:$0x2] =	sbarrier.arrive $0xFFFF  }
0x35f: {  	p0 =	sne.s32 s0, $0x0;
	s0 =	rddreg [dreg:$0x2]  }
0x360: {  	s0 =	sadd.s32 @!p0 $0x100000, s0  }
0x361: {  	[sflag:s0] =	ssyncadd.tile.s32 @!p0 $0x1;
	_ =	shalt  }
.Lfunc_end2:
_tile_overlayer_lowered:
.L_overlay_start_2:
0x362: {  	(tag) =	ssettag $0x2  }
0x363: {  	s0 =	rddreg [dreg:$0x0];
	s2 =	stileid.u32  }
0x364: {  	s1 =	rddreg [dreg:$0x1];
	p0 =	sne.s32 s2, $0x0  }
0x365: {  	s3 =	rddreg [dreg:$0x2];
	[bflag:$0x3] =	sbarrier.arrive $0xFFFF;
	s2 =	simm.s32 @!p0 $0x1C03  }
0x366: {  	[timem:s3], [sflag:s2] =	dma.local @!p0 [hbm:s0], s1  }
0x367: {  	s0 =	simm.s32 @!p0 $0x3  }
0x368: {  	_ =	swait.ge @!p0 [sflag:s0], s1  }
0x369: {  	s1 =	ssub.s32 @!p0 $0x0, s1;
	[sflag:s0] =	ssyncset.done @!p0 $0x0  }
0x36a: {  	[sflag:s0] =	ssyncadd.s32 @!p0 s1  }
0x36b: {  	[bflag:$0x3] =	sbarrier.arrive $0xFFFF  }
0x36c: {  	_ =	shalt  }

// kernel: kernel.16.cloned.1.call-start
scs
__scs_entry_jumppad:
0x0: {  	(pc) =	sbr.rel $0x88, $3  }
0x1: {  	(tag) =	ssettag $0x0;
	lr =	simm.s32 $0x1  }
0x2: {  	[smem:$0x3F5B] =	sst lr;
	_ =	strace $0xD0000000  }
0x3: {  	_ = 	snop  }
0x4: {  	_ = 	snop  }
0x5: {  	_ = 	snop  }
0x6: {  	_ = 	snop  }
0x7: {  	_ = 	snop  }
__scs_overlays_trampoline_lowered:
0x8: {  	[smem:$0x3F6A] =	sst s0  }
0x9: {  	[smem:$0x3F6B] =	sst s1  }
0xa: {  	[smem:$0x3F6C] =	sst s2  }
0xb: {  	[smem:$0x3F6D] =	sst s3  }
0xc: {  	[smem:$0x3F6E] =	sst s4  }
0xd: {  	[smem:$0x3F6F] =	sst s5  }
0xe: {  	[smem:$0x3F70] =	sst s6  }
0xf: {  	[smem:$0x3F71] =	sst s7  }
0x10: {  	[smem:$0x3F72] =	sst s8  }
0x11: {  	[smem:$0x3F73] =	sst s9;
	s0 =	simm.s32 @!p0 $0x0  }
0x12: {  	s1 =	sld [smem:$0x3F59];
	s0 =	simm.s32 @p0 $0x1  }
0x13: {  	[smem:$0x3F74] =	sst s0;
	s0 =	simm.s32 @!p1 $0x0  }
0x14: {  	s2 =	sld [smem:$0x3F58];
	s0 =	simm.s32 @p1 $0x1  }
0x15: {  	[smem:$0x3F75] =	sst s0;
	s0 =	simm.s32 @!p2 $0x0  }
0x16: {  	s3 =	sld [smem:$0x3FDB];
	s0 =	simm.s32 @p2 $0x1  }
0x17: {  	s4 =	simm.s32 $0x1BF5;
	[smem:$0x3F77] =	sst s0  }
0x18: {  	s0 =	sld [smem:$0x3F5A];
	_ =	swait.ge [sflag:s4], $0x0  }
0x19: {  	s7 =	sld [smem:$0x3F5B]  }
0x1a: {  	s8 =	sadd.s32 $0xFFFFE003, lr  }
0x1b: {  	s9 =	sadd.s32 $0xFFFFFEF7, lr;
	s5 =	simm.s32 $0xFFFFFFFF;
	p2 =	slt.u32 s8, $0xFFFFF086  }
0x1c: {  	p1 =	slt.u32 s9, $0xF7A;
	s5 =	simm.s32 @!p2 $0x0  }
0x1d: {  	s5 =	simm.s32 @p1 $0x1;
	p0 =	seq.s32 s7, s2  }
0x1e: {  	s7 =	smul.u32 @!p0 $0xF7A, s2;
	p2 =	seq.s32 @!p0 s5, $0x0  }
0x1f: {  	s9 =	smul.u32 $0xF7A, s1;
	s8 =	simm.s32 @!p0 $0x1BF5;
	p2 =	por !p2, p0  }
0x20: {  	[sflag:s8] =	ssyncset.s32 @!p0 $0xFFFFF086;
	s6 =	sadd.s32 @!p0 s3, s7;
	s7 =	simm.s32 @!p0 $0x108  }
0x21: {  	s3 =	sadd.s32 s3, s9;
	s6 =	sadd.s32 @!p0 $0x88, s6;
	s7 =	simm.s32 @p2 $0x1082  }
0x22: {  	[simem:s7], [sflag:s8] =	dma.local @!p0 [hbm:s6], $0xF7A  }
0x23: {  	s9 =	sor.u32 $0xD0000000, s2;
	s6 =	simm.s32 $0x108;
	_ =	swait.ge @!p0 [sflag:s8], $0x0  }
0x24: {  	s3 =	sadd.s32 $0x88, s3;
	s6 =	simm.s32 @!p1 $0x1082;
	[sflag:s4] =	ssyncset.s32 $0xFFFFF086  }
0x25: {  	[simem:s6], [sflag:s4] =	dma.local [hbm:s3], $0xF7A  }
0x26: {  	[smem:$0x3F5B] =	sst s1;
	(tag) =	ssettag s2;
	_ =	strace s9  }
0x27: {  	s1 =	sld [smem:$0x3F6B]  }
0x28: {  	s2 =	sld [smem:$0x3F6C]  }
0x29: {  	s4 =	sld [smem:$0x3F6E]  }
0x2a: {  	p0 =	seq.s32 s5, $0x0;
	s5 =	sld [smem:$0x3F6F]  }
0x2b: {  	s6 =	sld [smem:$0x3F70]  }
0x2c: {  	s7 =	sld [smem:$0x3F71]  }
0x2d: {  	s3 =	simm.s32 $0x108;
	s8 =	sld [smem:$0x3F72]  }
0x2e: {  	s3 =	simm.s32 @!p0 $0x1082;
	s9 =	sld [smem:$0x3F73]  }
0x2f: {  	lr =	sadd.s32 s0, s3;
	s0 =	sld [smem:$0x3F6A]  }
0x30: {  	s3 =	sld [smem:$0x3F6D]  }
0x31: {  	[smem:$0x3F76] =	sst s10  }
0x32: {  	s10 =	sld [smem:$0x3F74];
	_ =	sdelay $0x3  }
0x33: {  	p0 =	seq.s32 s10, $0x1;
	s10 =	sld [smem:$0x3F76];
	_ =	sdelay $0x3  }
0x34: {  	[smem:$0x3F76] =	sst s10  }
0x35: {  	s10 =	sld [smem:$0x3F75];
	_ =	sdelay $0x3  }
0x36: {  	p1 =	seq.s32 s10, $0x1;
	s10 =	sld [smem:$0x3F76];
	_ =	sdelay $0x3  }
0x37: {  	[smem:$0x3F76] =	sst s10  }
0x38: {  	s10 =	sld [smem:$0x3F77]  }
0x39: {  	_ = 	snop;
	(pc) =	sbr.ind lr, $3  }
0x3a: {  	_ = 	snop  }
0x3b: {  	_ = 	snop  }
0x3c: {  	p2 =	seq.s32 s10, $0x1;
	s10 =	sld [smem:$0x3F76]  }
0x3d: {  	_ =	shalt  }
0x3e: {  	_ =	shalt  }
0x3f: {  	_ =	shalt  }
0x40: {  	_ =	shalt  }
0x41: {  	_ =	shalt  }
0x42: {  	_ =	shalt  }
0x43: {  	_ =	shalt  }
0x44: {  	_ =	shalt  }
0x45: {  	_ =	shalt  }
0x46: {  	_ =	shalt  }
0x47: {  	_ =	shalt  }
0x48: {  	_ =	shalt  }
0x49: {  	_ =	shalt  }
0x4a: {  	_ =	shalt  }
0x4b: {  	_ =	shalt  }
0x4c: {  	_ =	shalt  }
0x4d: {  	_ =	shalt  }
0x4e: {  	_ =	shalt  }
0x4f: {  	_ =	shalt  }
0x50: {  	_ =	shalt  }
0x51: {  	_ =	shalt  }
0x52: {  	_ =	shalt  }
0x53: {  	_ =	shalt  }
0x54: {  	_ =	shalt  }
0x55: {  	_ =	shalt  }
0x56: {  	_ =	shalt  }
0x57: {  	_ =	shalt  }
0x58: {  	_ =	shalt  }
0x59: {  	_ =	shalt  }
0x5a: {  	_ =	shalt  }
0x5b: {  	_ =	shalt  }
0x5c: {  	_ =	shalt  }
0x5d: {  	_ =	shalt  }
0x5e: {  	_ =	shalt  }
0x5f: {  	_ =	shalt  }
0x60: {  	_ =	shalt  }
0x61: {  	_ =	shalt  }
0x62: {  	_ =	shalt  }
0x63: {  	_ =	shalt  }
0x64: {  	_ =	shalt  }
0x65: {  	_ =	shalt  }
0x66: {  	_ =	shalt  }
0x67: {  	_ =	shalt  }
0x68: {  	_ =	shalt  }
0x69: {  	_ =	shalt  }
0x6a: {  	_ =	shalt  }
0x6b: {  	_ =	shalt  }
0x6c: {  	_ =	shalt  }
0x6d: {  	_ =	shalt  }
0x6e: {  	_ =	shalt  }
0x6f: {  	_ =	shalt  }
0x70: {  	_ =	shalt  }
0x71: {  	_ =	shalt  }
0x72: {  	_ =	shalt  }
0x73: {  	_ =	shalt  }
0x74: {  	_ =	shalt  }
0x75: {  	_ =	shalt  }
0x76: {  	_ =	shalt  }
0x77: {  	_ =	shalt  }
0x78: {  	_ =	shalt  }
0x79: {  	_ =	shalt  }
0x7a: {  	_ =	shalt  }
0x7b: {  	_ =	shalt  }
0x7c: {  	_ =	shalt  }
0x7d: {  	_ =	shalt  }
0x7e: {  	_ =	shalt  }
0x7f: {  	_ =	shalt  }
0x80: {  	_ =	shalt  }
0x81: {  	_ =	shalt  }
0x82: {  	_ =	shalt  }
0x83: {  	_ =	shalt  }
0x84: {  	_ =	shalt  }
0x85: {  	_ =	shalt  }
0x86: {  	_ =	shalt  }
0x87: {  	_ =	shalt  }
.Lfunc_end0:
.L_simem_size_0:
called_computation.1_lowered:
.L_overlay_start_0:
0x88: {  	s2 =	sld [smem:$0x3FD9]  }
0x89: {  	s3 =	sld [smem:$0x3FFE];
	_ =	sdelay $0x1  }
0x8a: {  	s1 =	srdreg.scid  }
0x8b: {  	s0 =	sand.u32 $0x1, s1  }
0x8c: {  	s17 =	sshll.u32 s0, $0xA;
	s2 =	sadd.s32 s3, s2  }
0x8d: {  	s2 =	sadd.s32 s2, s17  }
0x8e: {  	[smem:$0x3F82] =	sst s2  }
0x8f: {  	_ = 	snop  }
0x90: {  	(tm) =	ssettm $0x1  }
0x91: {  	s18 =	sld [smem:$0x3FFB];
	_ =	sdelay $0x3  }
0x92: {  	_ =	strace s18  }
0x93: {  	s2 =	sld [smem:$0x3FFC];
	_ =	sdelay $0x3  }
0x94: {  	_ =	strace s2  }
0x95: {  	s2 =	sld [smem:$0x3FFD];
	_ =	sdelay $0x3  }
0x96: {  	_ =	strace s2  }
0x97: {  	_ =	strace $0x8FFFFFFF  }
0x98: {  	s19 =	sld [smem:$0x3FDB];
	_ =	sdelay $0x1  }
0x99: {  	s20 =	simm.s32 $_scs_section_size  }
0x9a: {  	s4 =	simm.s32 $_size__tile_overlayer_lowered;
	s5 =	simm.s32 $_tile_overlayer_lowered  }
0x9b: {  	s6 =	simm.s32 $0x1BFF;
	s21 =	sshll.u32 s5, $0x1;
	s3 =	sadd.s32 s20, s19  }
0x9c: {  	s22 =	simm.s32 $0x0;
	s4 =	sshll.u32 s4, $0x1;
	s5 =	sadd.s32 s21, s3  }
0x9d: {  	[timem:s22], [sflag:s6] =	dma.local [hbm:s5], s4  }
0x9e: {  	_ =	swait.ge [sflag:s6], s4  }
0x9f: {  	s4 =	ssub.s32 $0x0, s4;
	[sflag:s6] =	ssyncset.done $0x0  }
0xa0: {  	[sflag:s6] =	ssyncadd.s32 s4;
	_ =	sdelay $0x1  }
0xa1: {  	s23 =	simm.s32 $0x1B8B  }
0xa2: {  	_ =	swait.ge [sflag:s23], $0x1  }
0xa3: {  	[sflag:s23] =	ssyncset.done $0x0  }
0xa4: {  	[sflag:s23] =	ssyncadd.s32 $0xFFFFFFFF  }
0xa5: {  	s4 =	sld [smem:$0x0]  }
0xa6: {  	s5 =	sand.u32 $0xFFFFFFFE, s1  }
0xa7: {  	p0 =	sne.s32 s1, s5  }
0xa8: {  	s5 =	sshll.u32 @p0 s5, $0xE  }
0xa9: {  	s5 =	sadd.s32 @p0 $0x11B8D, s5;
	s6 =	sshll.u32 @p0 s4, $0x11  }
0xaa: {  	s5 =	sor.u32 @p0 s6, s5  }
0xab: {  	[sflag:s5] =	ssyncadd.remote.s32 @p0 $0x1;
	_ =	sdelay $0x1  }
0xac: {  	s5 =	simm.s32 @p0 $0x1B8D  }
0xad: {  	_ =	swait.eq @p0 [sflag:s5], $0x1  }
0xae: {  	[sflag:s5] =	ssyncadd.s32 @p0 $0xFFFFFFFF  }
0xaf: {  	s6 =	sshll.u32 @!p0 s1, $0xE  }
0xb0: {  	s6 =	sor.u32 @!p0 $0x4000, s6;
	s5 =	simm.s32 @!p0 $0x1B8D  }
0xb1: {  	s4 =	sshll.u32 @!p0 s4, $0x11;
	s6 =	sadd.s32 @!p0 $0x11B8D, s6;
	_ =	swait.eq @!p0 [sflag:s5], $0x1  }
0xb2: {  	s4 =	sor.u32 @!p0 s4, s6;
	[sflag:s5] =	ssyncadd.s32 @!p0 $0xFFFFFFFF  }
0xb3: {  	s25 =	simm.s32 $0x1B8E;
	s24 =	sld [smem:$0x3FFE];
	[sflag:s4] =	ssyncadd.remote.s32 @!p0 $0x1  }
0xb4: {  	s26 =	simm.s32 $execute0_lowered;
	[smem:$0x3FD2] =	sst s25  }
0xb5: {  	s5 =	sshll.u32 s26, $0x1;
	_ =	strace $0x80000049;
	[dreg:$0x1] =	wrdreg $0xFFFFFFFF  }
0xb6: {  	s28 =	simm.s32 $_size_execute0_lowered;
	s3 =	sadd.s32 s3, s5;
	[dreg:$0x0] =	wrdreg $0x0  }
0xb7: {  	s5 =	sshll.u32 s28, $0x1;
	[dreg:$0x2] =	wrdreg s3  }
0xb8: {  	[dreg:$0x3] =	wrdreg s5  }
0xb9: {  	[dreg:$0x4] =	wrdreg $0xC0  }
0xba: {  	_ =	task [dreg:s22], $0x5FFFF  }
0xbb: {  	[dreg:$0x1] =	wrdreg $0xFFFFFFFF  }
0xbc: {  	[dreg:$0x0] =	wrdreg $0x60  }
0xbd: {  	[dreg:$0x2] =	wrdreg s24  }
0xbe: {  	[dreg:$0x3] =	wrdreg $0xA  }
0xbf: {  	_ =	task.clear_ibuf [dreg:s22], $0x4FFFF;
	_ =	strace $0x90000049  }
0xc0: {  	s29 =	simm.s32 $0xA;
	_ =	strace $0x8000004B  }
0xc1: {  	_ =	swait.ge [sflag:s29], $0x1  }
0xc2: {  	[sflag:s29] =	ssyncadd.s32 $0xFFFFFFFF  }
0xc3: {  	_ =	strace $0x9000004B  }
0xc4: {  	_ =	sfence  }
0xc5: {  	s30 =	sld [smem:$0x0];
	_ =	sdelay $0x2  }
0xc6: {  	s31 =	sshll.u32 s1, $0xD;
	s1 =	sshrl.u32 s1, $0x2  }
0xc7: {  	s4 =	sand.u32 $0x4000, s31;
	s1 =	sadd.s32 s1, s30  }
0xc8: {  	s0 =	sor.u32 s4, s0;
	s1 =	sshll.u32 s1, $0x11  }
0xc9: {  	s0 =	sor.u32 s1, s0  }
0xca: {  	s0 =	sadd.s32 $0x8F2B, s0  }
0xcb: {  	[sflag:s0] =	ssyncadd.remote.s32 $0x1  }
0xcc: {  	_ =	sfence.sel $0xFFFF  }
0xcd: {  	[dreg:$0x0] =	wrdreg $0xFFFFFFFF;
	(pc) =	sbr.abs _section_cstart, $3  }
0xce: {  	[dreg:$0x1] =	wrdreg $0xFFFFFFFF  }
0xcf: {  	_ =	task.clear_ibuf [dreg:s22], $0x2FFFF;
	_ =	strace $0x9FFFFFFF  }
0xd0: {  	(tm) =	ssettm $0x7FFFFFFF  }
0xd1: {  	_ =	shalt  }
tec
execute0_lowered:
.L_overlay_start_1:
0x0: {  	(tag) =	ssettag $0x1  }
0x1: {  	s0 =	srdreg.scid;
	s1 =	stileid.u32  }
0x2: {  	s0 =	sand.u32 $0x1, s0;
	s1 =	sshll.u32 s1, $0x1  }
0x3: {  	s1 =	sor.u32 s0, s1  }
0x4: {  	s4 =	smul.u32 $0x90, s1  }
0x5: {  	s3 =	rddreg [dreg:$0x0];
	s2 =	simm.s32 $0x0;
	s5 =	smul.u32 $0x48000, s1  }
0x6: {  	[smem:$0x7FF] =	sst s2;
	s1 =	smul.u32 $0x9000, s1  }
0x7: {  	s6 =	sadd.s32 $0x14AC00, s3;
	_ =	strace $0x8000004A  }
0x8: {  	s4 =	sadd.s32 s4, s3;
	s5 =	sshrl.u32 s5, $0x3;
	s1 =	sadd.s32 s6, s1  }
0x9: {  	s4 =	sadd.s32 $0x9A00, s4;
	s19 =	sadd.s32 s6, s5;
	[dreg:$0x3] =	wrdreg s1  }
0xa: {  	s12 =	simm.s32 $0x480;
	[dreg:$0x2] =	wrdreg s4;
	s20 =	sadd.s32 $0x1000, s19  }
0xb: {  	s29 =	simm.s32 $0x1;
	s21 =	sadd.s32 $0x2000, s19;
	[dreg:$0x4] =	wrdreg s20  }
0xc: {  	s30 =	simm.s32 $0x2;
	s22 =	sadd.s32 $0x3000, s19;
	[dreg:$0x5] =	wrdreg s21  }
0xd: {  	s0 =	ssub.s32 $0x2, s0;
	s23 =	sadd.s32 $0x4000, s19;
	[dreg:$0x6] =	wrdreg s22  }
0xe: {  	s28 =	sshrl.u32 s0, $0x1;
	s24 =	sadd.s32 $0x5000, s19;
	[dreg:$0x7] =	wrdreg s23  }
0xf: {  	s0 =	ssub.s32 s0, s28;
	s25 =	sadd.s32 $0x6000, s19;
	[dreg:$0x8] =	wrdreg s24  }
0x10: {  	v2 =	vlaneseq.u32;
	s3 =	sadd.s32 $0x12AC00, s3;
	s26 =	sadd.s32 $0x7000, s19;
	[dreg:$0x9] =	wrdreg s25  }
0x11: {  	vm0 =	vmmov $0xffff;
	v1 =	vshrl.u32 v2, $0x3;
	s5 =	simm.s32 $0x3;
	s31 =	sadd.s32 $0x8000, s19;
	[dreg:$0xa] =	wrdreg s26  }
0x12: {  	v0 =	vand.u32 $0x7, v2;
	v2 =	vor.u32 $0x8, v2;
	v1 =	vmul.u32 $0x8, v1;
	s6 =	simm.s32 $0x8480;
	s4 =	smax.u32 s0, $0x1;
	[dreg:$0xb] =	wrdreg s31  }
.LBB2_1:
0x13: {  	s31 =	rddreg [dreg:$0x2]  }
0x14: {  	[tilespmem:s2], [sflag:$0x3] =	stream.linear.gather [hbm4b:s31+s2], $0x480, $0x38;
	[tilespmem:$0x10480] =	vst v63  }
0x15: {  	_ =	swait.ge [sflag:s5], $0x480  }
0x16: {  	[sflag:s5] =	ssyncset.done $0x0  }
0x17: {  	[sflag:s5] =	ssyncadd.s32 $0xFFFFFB80  }
0x18: {  	v3 =	vld [tilespmem:$0x0];
	_ =	sdelay $0x4  }
0x19: {  	v4 =	vshll.u32 v3, $0x1  }
0x1a: {  	v3 =	vand.u32 $0x7, v3;
	v4 =	vand.u32 $0xFFFFFFF0, v4  }
0x1b: {  	v3 =	vor.u32 v3, v4  }
0x1c: {  	v4 =	vperm.xlane v3, v0;
	_ =	sdelay $0x1  }
0x1d: {  	v3 =	vperm.xlane v3, v2;
	v4 =	vadd.s32 v1, v4;
	_ =	sdelay $0x1  }
0x1e: {  	v3 =	vadd.s32 v1, v3;
	_ =	sdelay $0x2  }
0x1f: {  	[tilespmem:s12], [sflag:$0x1] =	stream.indirect_vreg.gather [hbm4b:s3+s2], $0x80, v4, vm0, $0xb8;
	[tilespmem:$0x10480] =	vst v63  }
0x20: {  	s0 =	simm.s32 $0xC80  }
0x21: {  	[tilespmem:s0], [sflag:$0x1] =	stream.indirect_vreg.gather [hbm4b:s3+s2], $0x80, v3, vm0, $0xb8;
	[tilespmem:$0x10480] =	vst v63  }
0x22: {  	v3 =	vld [tilespmem:$0x10];
	_ =	sdelay $0x4  }
0x23: {  	v49 =	vshll.u32 v3, $0x1  }
0x24: {  	v3 =	vand.u32 $0x7, v3;
	v4 =	vand.u32 $0xFFFFFFF0, v49  }
0x25: {  	v3 =	vor.u32 v3, v4  }
0x26: {  	v4 =	vperm.xlane v3, v0;
	_ =	sdelay $0x1  }
0x27: {  	v3 =	vperm.xlane v3, v2;
	v4 =	vadd.s32 v1, v4;
	_ =	sdelay $0x1  }
0x28: {  	v3 =	vadd.s32 v1, v3;
	_ =	sdelay $0x1  }
0x29: {  	s11 =	simm.s32 $0x1480  }
0x2a: {  	[tilespmem:s11], [sflag:$0x1] =	stream.indirect_vreg.gather [hbm4b:s3+s2], $0x80, v4, vm0, $0xb8;
	[tilespmem:$0x10480] =	vst v63  }
0x2b: {  	s13 =	simm.s32 $0x1C80  }
0x2c: {  	[tilespmem:s13], [sflag:$0x1] =	stream.indirect_vreg.gather [hbm4b:s3+s2], $0x80, v3, vm0, $0xb8;
	[tilespmem:$0x10480] =	vst v63  }
0x2d: {  	v3 =	vld [tilespmem:$0x20];
	_ =	sdelay $0x4  }
0x2e: {  	v50 =	vshll.u32 v3, $0x1  }
0x2f: {  	v3 =	vand.u32 $0x7, v3;
	v4 =	vand.u32 $0xFFFFFFF0, v50  }
0x30: {  	v3 =	vor.u32 v3, v4  }
0x31: {  	v4 =	vperm.xlane v3, v0;
	_ =	sdelay $0x1  }
0x32: {  	v3 =	vperm.xlane v3, v2;
	v4 =	vadd.s32 v1, v4;
	_ =	sdelay $0x1  }
0x33: {  	v3 =	vadd.s32 v1, v3;
	_ =	sdelay $0x1  }
0x34: {  	s14 =	simm.s32 $0x2480  }
0x35: {  	[tilespmem:s14], [sflag:$0x1] =	stream.indirect_vreg.gather [hbm4b:s3+s2], $0x80, v4, vm0, $0xb8;
	[tilespmem:$0x10480] =	vst v63  }
0x36: {  	s15 =	simm.s32 $0x2C80  }
0x37: {  	[tilespmem:s15], [sflag:$0x1] =	stream.indirect_vreg.gather [hbm4b:s3+s2], $0x80, v3, vm0, $0xb8;
	[tilespmem:$0x10480] =	vst v63  }
0x38: {  	v3 =	vld [tilespmem:$0x30];
	_ =	sdelay $0x4  }
0x39: {  	v51 =	vshll.u32 v3, $0x1  }
0x3a: {  	v3 =	vand.u32 $0x7, v3;
	v4 =	vand.u32 $0xFFFFFFF0, v51  }
0x3b: {  	v3 =	vor.u32 v3, v4  }
0x3c: {  	v4 =	vperm.xlane v3, v0;
	_ =	sdelay $0x1  }
0x3d: {  	v3 =	vperm.xlane v3, v2;
	v4 =	vadd.s32 v1, v4;
	_ =	sdelay $0x1  }
0x3e: {  	v3 =	vadd.s32 v1, v3;
	_ =	sdelay $0x1  }
0x3f: {  	s16 =	simm.s32 $0x3480  }
0x40: {  	[tilespmem:s16], [sflag:$0x1] =	stream.indirect_vreg.gather [hbm4b:s3+s2], $0x80, v4, vm0, $0xb8;
	[tilespmem:$0x10480] =	vst v63  }
0x41: {  	s19 =	simm.s32 $0x3C80  }
0x42: {  	[tilespmem:s19], [sflag:$0x1] =	stream.indirect_vreg.gather [hbm4b:s3+s2], $0x80, v3, vm0, $0xb8;
	[tilespmem:$0x10480] =	vst v63  }
0x43: {  	v3 =	vld [tilespmem:$0x40];
	_ =	sdelay $0x4  }
0x44: {  	v52 =	vshll.u32 v3, $0x1  }
0x45: {  	v3 =	vand.u32 $0x7, v3;
	v4 =	vand.u32 $0xFFFFFFF0, v52  }
0x46: {  	v3 =	vor.u32 v3, v4  }
0x47: {  	v4 =	vperm.xlane v3, v0;
	_ =	sdelay $0x1  }
0x48: {  	v3 =	vperm.xlane v3, v2;
	v4 =	vadd.s32 v1, v4;
	_ =	sdelay $0x1  }
0x49: {  	v3 =	vadd.s32 v1, v3;
	_ =	sdelay $0x1  }
0x4a: {  	s20 =	simm.s32 $0x4480  }
0x4b: {  	[tilespmem:s20], [sflag:$0x1] =	stream.indirect_vreg.gather [hbm4b:s3+s2], $0x80, v4, vm0, $0xb8;
	[tilespmem:$0x10480] =	vst v63  }
0x4c: {  	s21 =	simm.s32 $0x4C80  }
0x4d: {  	[tilespmem:s21], [sflag:$0x1] =	stream.indirect_vreg.gather [hbm4b:s3+s2], $0x80, v3, vm0, $0xb8;
	[tilespmem:$0x10480] =	vst v63  }
0x4e: {  	v3 =	vld [tilespmem:$0x50];
	_ =	sdelay $0x4  }
0x4f: {  	v53 =	vshll.u32 v3, $0x1  }
0x50: {  	v3 =	vand.u32 $0x7, v3;
	v4 =	vand.u32 $0xFFFFFFF0, v53  }
0x51: {  	v3 =	vor.u32 v3, v4  }
0x52: {  	v4 =	vperm.xlane v3, v0;
	_ =	sdelay $0x1  }
0x53: {  	v3 =	vperm.xlane v3, v2;
	v4 =	vadd.s32 v1, v4;
	_ =	sdelay $0x1  }
0x54: {  	v3 =	vadd.s32 v1, v3;
	_ =	sdelay $0x1  }
0x55: {  	s22 =	simm.s32 $0x5480  }
0x56: {  	[tilespmem:s22], [sflag:$0x1] =	stream.indirect_vreg.gather [hbm4b:s3+s2], $0x80, v4, vm0, $0xb8;
	[tilespmem:$0x10480] =	vst v63  }
0x57: {  	s23 =	simm.s32 $0x5C80  }
0x58: {  	[tilespmem:s23], [sflag:$0x1] =	stream.indirect_vreg.gather [hbm4b:s3+s2], $0x80, v3, vm0, $0xb8;
	[tilespmem:$0x10480] =	vst v63  }
0x59: {  	v3 =	vld [tilespmem:$0x60];
	_ =	sdelay $0x4  }
0x5a: {  	v54 =	vshll.u32 v3, $0x1  }
0x5b: {  	v3 =	vand.u32 $0x7, v3;
	v4 =	vand.u32 $0xFFFFFFF0, v54  }
0x5c: {  	v3 =	vor.u32 v3, v4  }
0x5d: {  	v4 =	vperm.xlane v3, v0;
	_ =	sdelay $0x1  }
0x5e: {  	v3 =	vperm.xlane v3, v2;
	v4 =	vadd.s32 v1, v4;
	_ =	sdelay $0x1  }
0x5f: {  	v3 =	vadd.s32 v1, v3;
	_ =	sdelay $0x1  }
0x60: {  	s24 =	simm.s32 $0x6480  }
0x61: {  	[tilespmem:s24], [sflag:$0x1] =	stream.indirect_vreg.gather [hbm4b:s3+s2], $0x80, v4, vm0, $0xb8;
	[tilespmem:$0x10480] =	vst v63  }
0x62: {  	s25 =	simm.s32 $0x6C80  }
0x63: {  	[tilespmem:s25], [sflag:$0x1] =	stream.indirect_vreg.gather [hbm4b:s3+s2], $0x80, v3, vm0, $0xb8;
	[tilespmem:$0x10480] =	vst v63  }
0x64: {  	v3 =	vld [tilespmem:$0x70];
	_ =	sdelay $0x4  }
0x65: {  	v55 =	vshll.u32 v3, $0x1  }
0x66: {  	v3 =	vand.u32 $0x7, v3;
	v4 =	vand.u32 $0xFFFFFFF0, v55  }
0x67: {  	v3 =	vor.u32 v3, v4  }
0x68: {  	v4 =	vperm.xlane v3, v0;
	_ =	sdelay $0x1  }
0x69: {  	v3 =	vperm.xlane v3, v2;
	v4 =	vadd.s32 v1, v4;
	_ =	sdelay $0x1  }
0x6a: {  	v3 =	vadd.s32 v1, v3;
	_ =	sdelay $0x1  }
0x6b: {  	s26 =	simm.s32 $0x7480  }
0x6c: {  	[tilespmem:s26], [sflag:$0x1] =	stream.indirect_vreg.gather [hbm4b:s3+s2], $0x80, v4, vm0, $0xb8;
	[tilespmem:$0x10480] =	vst v63  }
0x6d: {  	s28 =	simm.s32 $0x7C80  }
0x6e: {  	[tilespmem:s28], [sflag:$0x1] =	stream.indirect_vreg.gather [hbm4b:s3+s2], $0x80, v3, vm0, $0xb8;
	[tilespmem:$0x10480] =	vst v63  }
0x6f: {  	v3 =	vld [tilespmem:$0x80];
	_ =	sdelay $0x4  }
0x70: {  	v56 =	vshll.u32 v3, $0x1  }
0x71: {  	v3 =	vand.u32 $0x7, v3;
	v4 =	vand.u32 $0xFFFFFFF0, v56  }
0x72: {  	v3 =	vor.u32 v3, v4  }
0x73: {  	v4 =	vperm.xlane v3, v0;
	_ =	sdelay $0x1  }
0x74: {  	v3 =	vperm.xlane v3, v2;
	v4 =	vadd.s32 v1, v4;
	_ =	sdelay $0x1  }
0x75: {  	v3 =	vadd.s32 v1, v3;
	_ =	sdelay $0x2  }
0x76: {  	[tilespmem:s6], [sflag:$0x2] =	stream.indirect_vreg.gather [hbm4b:s3+s2], $0x80, v4, vm0, $0xb8;
	[tilespmem:$0x10480] =	vst v63  }
0x77: {  	s31 =	simm.s32 $0x8C80  }
0x78: {  	[tilespmem:s31], [sflag:$0x2] =	stream.indirect_vreg.gather [hbm4b:s3+s2], $0x80, v3, vm0, $0xb8;
	[tilespmem:$0x10480] =	vst v63  }
0x79: {  	v3 =	vld [tilespmem:$0x90];
	_ =	sdelay $0x4  }
0x7a: {  	v57 =	vshll.u32 v3, $0x1  }
0x7b: {  	v3 =	vand.u32 $0x7, v3;
	v4 =	vand.u32 $0xFFFFFFF0, v57  }
0x7c: {  	v3 =	vor.u32 v3, v4  }
0x7d: {  	v4 =	vperm.xlane v3, v0;
	_ =	sdelay $0x1  }
0x7e: {  	v3 =	vperm.xlane v3, v2;
	v4 =	vadd.s32 v1, v4;
	_ =	sdelay $0x1  }
0x7f: {  	v3 =	vadd.s32 v1, v3;
	_ =	sdelay $0x1  }
0x80: {  	s8 =	simm.s32 $0x9480  }
0x81: {  	[tilespmem:s8], [sflag:$0x2] =	stream.indirect_vreg.gather [hbm4b:s3+s2], $0x80, v4, vm0, $0xb8;
	[tilespmem:$0x10480] =	vst v63  }
0x82: {  	s9 =	simm.s32 $0x9C80  }
0x83: {  	[tilespmem:s9], [sflag:$0x2] =	stream.indirect_vreg.gather [hbm4b:s3+s2], $0x80, v3, vm0, $0xb8;
	[tilespmem:$0x10480] =	vst v63  }
0x84: {  	v3 =	vld [tilespmem:$0xA0];
	_ =	sdelay $0x4  }
0x85: {  	v58 =	vshll.u32 v3, $0x1  }
0x86: {  	v3 =	vand.u32 $0x7, v3;
	v4 =	vand.u32 $0xFFFFFFF0, v58  }
0x87: {  	v3 =	vor.u32 v3, v4  }
0x88: {  	v4 =	vperm.xlane v3, v0;
	_ =	sdelay $0x1  }
0x89: {  	v3 =	vperm.xlane v3, v2;
	v4 =	vadd.s32 v1, v4;
	_ =	sdelay $0x1  }
0x8a: {  	v3 =	vadd.s32 v1, v3;
	_ =	sdelay $0x1  }
0x8b: {  	s10 =	simm.s32 $0xA480  }
0x8c: {  	[tilespmem:s10], [sflag:$0x2] =	stream.indirect_vreg.gather [hbm4b:s3+s2], $0x80, v4, vm0, $0xb8;
	[tilespmem:$0x10480] =	vst v63  }
0x8d: {  	s11 =	simm.s32 $0xAC80  }
0x8e: {  	[tilespmem:s11], [sflag:$0x2] =	stream.indirect_vreg.gather [hbm4b:s3+s2], $0x80, v3, vm0, $0xb8;
	[tilespmem:$0x10480] =	vst v63  }
0x8f: {  	v3 =	vld [tilespmem:$0xB0];
	_ =	sdelay $0x4  }
0x90: {  	v59 =	vshll.u32 v3, $0x1  }
0x91: {  	v3 =	vand.u32 $0x7, v3;
	v4 =	vand.u32 $0xFFFFFFF0, v59  }
0x92: {  	v3 =	vor.u32 v3, v4  }
0x93: {  	v4 =	vperm.xlane v3, v0;
	_ =	sdelay $0x1  }
0x94: {  	v3 =	vperm.xlane v3, v2;
	v4 =	vadd.s32 v1, v4;
	_ =	sdelay $0x1  }
0x95: {  	v3 =	vadd.s32 v1, v3;
	_ =	sdelay $0x1  }
0x96: {  	s13 =	simm.s32 $0xB480  }
0x97: {  	[tilespmem:s13], [sflag:$0x2] =	stream.indirect_vreg.gather [hbm4b:s3+s2], $0x80, v4, vm0, $0xb8;
	[tilespmem:$0x10480] =	vst v63  }
0x98: {  	s14 =	simm.s32 $0xBC80  }
0x99: {  	[tilespmem:s14], [sflag:$0x2] =	stream.indirect_vreg.gather [hbm4b:s3+s2], $0x80, v3, vm0, $0xb8;
	[tilespmem:$0x10480] =	vst v63  }
0x9a: {  	v3 =	vld [tilespmem:$0xC0];
	_ =	sdelay $0x4  }
0x9b: {  	v60 =	vshll.u32 v3, $0x1  }
0x9c: {  	v3 =	vand.u32 $0x7, v3;
	v4 =	vand.u32 $0xFFFFFFF0, v60  }
0x9d: {  	v3 =	vor.u32 v3, v4  }
0x9e: {  	v4 =	vperm.xlane v3, v0;
	_ =	sdelay $0x1  }
0x9f: {  	v3 =	vperm.xlane v3, v2;
	v4 =	vadd.s32 v1, v4;
	_ =	sdelay $0x1  }
0xa0: {  	v3 =	vadd.s32 v1, v3;
	_ =	sdelay $0x1  }
0xa1: {  	s16 =	simm.s32 $0xC480  }
0xa2: {  	[tilespmem:s16], [sflag:$0x2] =	stream.indirect_vreg.gather [hbm4b:s3+s2], $0x80, v4, vm0, $0xb8;
	[tilespmem:$0x10480] =	vst v63  }
0xa3: {  	s22 =	simm.s32 $0xCC80  }
0xa4: {  	[tilespmem:s22], [sflag:$0x2] =	stream.indirect_vreg.gather [hbm4b:s3+s2], $0x80, v3, vm0, $0xb8;
	[tilespmem:$0x10480] =	vst v63  }
0xa5: {  	v3 =	vld [tilespmem:$0xD0];
	_ =	sdelay $0x4  }
0xa6: {  	v61 =	vshll.u32 v3, $0x1  }
0xa7: {  	v3 =	vand.u32 $0x7, v3;
	v4 =	vand.u32 $0xFFFFFFF0, v61  }
0xa8: {  	v3 =	vor.u32 v3, v4  }
0xa9: {  	v4 =	vperm.xlane v3, v0;
	_ =	sdelay $0x1  }
0xaa: {  	v3 =	vperm.xlane v3, v2;
	v4 =	vadd.s32 v1, v4;
	_ =	sdelay $0x1  }
0xab: {  	v3 =	vadd.s32 v1, v3;
	_ =	sdelay $0x1  }
0xac: {  	s23 =	simm.s32 $0xD480  }
0xad: {  	[tilespmem:s23], [sflag:$0x2] =	stream.indirect_vreg.gather [hbm4b:s3+s2], $0x80, v4, vm0, $0xb8;
	[tilespmem:$0x10480] =	vst v63  }
0xae: {  	s24 =	simm.s32 $0xDC80  }
0xaf: {  	[tilespmem:s24], [sflag:$0x2] =	stream.indirect_vreg.gather [hbm4b:s3+s2], $0x80, v3, vm0, $0xb8;
	[tilespmem:$0x10480] =	vst v63  }
0xb0: {  	v3 =	vld [tilespmem:$0xE0];
	_ =	sdelay $0x4  }
0xb1: {  	v62 =	vshll.u32 v3, $0x1  }
0xb2: {  	v3 =	vand.u32 $0x7, v3;
	v4 =	vand.u32 $0xFFFFFFF0, v62  }
0xb3: {  	v3 =	vor.u32 v3, v4  }
0xb4: {  	v4 =	vperm.xlane v3, v0;
	_ =	sdelay $0x1  }
0xb5: {  	v3 =	vperm.xlane v3, v2;
	v4 =	vadd.s32 v1, v4;
	_ =	sdelay $0x1  }
0xb6: {  	v3 =	vadd.s32 v1, v3;
	_ =	sdelay $0x1  }
0xb7: {  	s28 =	simm.s32 $0xE480  }
0xb8: {  	[tilespmem:s28], [sflag:$0x2] =	stream.indirect_vreg.gather [hbm4b:s3+s2], $0x80, v4, vm0, $0xb8;
	[tilespmem:$0x10480] =	vst v63  }
0xb9: {  	s31 =	simm.s32 $0xEC80  }
0xba: {  	[tilespmem:s31], [sflag:$0x2] =	stream.indirect_vreg.gather [hbm4b:s3+s2], $0x80, v3, vm0, $0xb8;
	[tilespmem:$0x10480] =	vst v63  }
0xbb: {  	v3 =	vld [tilespmem:$0xF0];
	_ =	sdelay $0x4  }
0xbc: {  	v63 =	vshll.u32 v3, $0x1  }
0xbd: {  	v3 =	vand.u32 $0x7, v3;
	v4 =	vand.u32 $0xFFFFFFF0, v63  }
0xbe: {  	v3 =	vor.u32 v3, v4  }
0xbf: {  	v4 =	vperm.xlane v3, v0;
	_ =	sdelay $0x1  }
0xc0: {  	v3 =	vperm.xlane v3, v2;
	v4 =	vadd.s32 v1, v4;
	_ =	sdelay $0x1  }
0xc1: {  	v3 =	vadd.s32 v1, v3;
	_ =	sdelay $0x1  }
0xc2: {  	s8 =	simm.s32 $0xF480  }
0xc3: {  	[tilespmem:s8], [sflag:$0x2] =	stream.indirect_vreg.gather [hbm4b:s3+s2], $0x80, v4, vm0, $0xb8;
	[tilespmem:$0x10480] =	vst v63  }
0xc4: {  	s9 =	simm.s32 $0xFC80  }
0xc5: {  	[tilespmem:s9], [sflag:$0x2] =	stream.indirect_vreg.gather [hbm4b:s3+s2], $0x80, v3, vm0, $0xb8;
	[tilespmem:$0x10480] =	vst v63  }
0xc6: {  	_ =	swait.ge [sflag:s29], $0x8000  }
0xc7: {  	[sflag:s29] =	ssyncset.done $0x0  }
0xc8: {  	s10 =	rddreg [dreg:$0x3];
	[sflag:s29] =	ssyncadd.s32 $0xFFFF8000  }
0xc9: {  	[hbm4b:s10+s2] =	stream.linear.scatter [tilespmem:s12], [sflag:$0x3], $0x8000, $0x38;
	[tilespmem:$0x10480] =	vst v63  }
0xca: {  	_ =	swait.ge [sflag:s5], $0x8000  }
0xcb: {  	[sflag:s5] =	ssyncset.done $0x0  }
0xcc: {  	[sflag:s5] =	ssyncadd.s32 $0xFFFF8000  }
0xcd: {  	v3 =	vld [tilespmem:$0x100];
	_ =	sdelay $0x4  }
0xce: {  	v8 =	vshll.u32 v3, $0x1  }
0xcf: {  	v3 =	vand.u32 $0x7, v3;
	v4 =	vand.u32 $0xFFFFFFF0, v8  }
0xd0: {  	v3 =	vor.u32 v3, v4  }
0xd1: {  	v4 =	vperm.xlane v3, v0;
	_ =	sdelay $0x1  }
0xd2: {  	v3 =	vperm.xlane v3, v2;
	v4 =	vadd.s32 v1, v4;
	_ =	sdelay $0x1  }
0xd3: {  	v3 =	vadd.s32 v1, v3;
	_ =	sdelay $0x2  }
0xd4: {  	[tilespmem:s12], [sflag:$0x1] =	stream.indirect_vreg.gather [hbm4b:s3+s2], $0x80, v4, vm0, $0xb8;
	[tilespmem:$0x10480] =	vst v63  }
0xd5: {  	s1 =	simm.s32 $0xC80  }
0xd6: {  	[tilespmem:s1], [sflag:$0x1] =	stream.indirect_vreg.gather [hbm4b:s3+s2], $0x80, v3, vm0, $0xb8;
	[tilespmem:$0x10480] =	vst v63  }
0xd7: {  	v3 =	vld [tilespmem:$0x110];
	_ =	sdelay $0x4  }
0xd8: {  	v9 =	vshll.u32 v3, $0x1  }
0xd9: {  	v3 =	vand.u32 $0x7, v3;
	v4 =	vand.u32 $0xFFFFFFF0, v9  }
0xda: {  	v3 =	vor.u32 v3, v4  }
0xdb: {  	v4 =	vperm.xlane v3, v0;
	_ =	sdelay $0x1  }
0xdc: {  	v3 =	vperm.xlane v3, v2;
	v4 =	vadd.s32 v1, v4;
	_ =	sdelay $0x1  }
0xdd: {  	v3 =	vadd.s32 v1, v3;
	_ =	sdelay $0x1  }
0xde: {  	s0 =	simm.s32 $0x1480  }
0xdf: {  	[tilespmem:s0], [sflag:$0x1] =	stream.indirect_vreg.gather [hbm4b:s3+s2], $0x80, v4, vm0, $0xb8;
	[tilespmem:$0x10480] =	vst v63  }
0xe0: {  	s17 =	simm.s32 $0x1C80  }
0xe1: {  	[tilespmem:s17], [sflag:$0x1] =	stream.indirect_vreg.gather [hbm4b:s3+s2], $0x80, v3, vm0, $0xb8;
	[tilespmem:$0x10480] =	vst v63  }
0xe2: {  	v3 =	vld [tilespmem:$0x120];
	_ =	sdelay $0x4  }
0xe3: {  	v10 =	vshll.u32 v3, $0x1  }
0xe4: {  	v3 =	vand.u32 $0x7, v3;
	v4 =	vand.u32 $0xFFFFFFF0, v10  }
0xe5: {  	v3 =	vor.u32 v3, v4  }
0xe6: {  	v4 =	vperm.xlane v3, v0;
	_ =	sdelay $0x1  }
0xe7: {  	v3 =	vperm.xlane v3, v2;
	v4 =	vadd.s32 v1, v4;
	_ =	sdelay $0x1  }
0xe8: {  	v3 =	vadd.s32 v1, v3;
	_ =	sdelay $0x1  }
0xe9: {  	s1 =	simm.s32 $0x2480  }
0xea: {  	[tilespmem:s1], [sflag:$0x1] =	stream.indirect_vreg.gather [hbm4b:s3+s2], $0x80, v4, vm0, $0xb8;
	[tilespmem:$0x10480] =	vst v63  }
0xeb: {  	s18 =	simm.s32 $0x2C80  }
0xec: {  	[tilespmem:s18], [sflag:$0x1] =	stream.indirect_vreg.gather [hbm4b:s3+s2], $0x80, v3, vm0, $0xb8;
	[tilespmem:$0x10480] =	vst v63  }
0xed: {  	v3 =	vld [tilespmem:$0x130];
	_ =	sdelay $0x4  }
0xee: {  	v11 =	vshll.u32 v3, $0x1  }
0xef: {  	v3 =	vand.u32 $0x7, v3;
	v4 =	vand.u32 $0xFFFFFFF0, v11  }
0xf0: {  	v3 =	vor.u32 v3, v4  }
0xf1: {  	v4 =	vperm.xlane v3, v0;
	_ =	sdelay $0x1  }
0xf2: {  	v3 =	vperm.xlane v3, v2;
	v4 =	vadd.s32 v1, v4;
	_ =	sdelay $0x1  }
0xf3: {  	v3 =	vadd.s32 v1, v3;
	_ =	sdelay $0x1  }
0xf4: {  	s22 =	simm.s32 $0x3480  }
0xf5: {  	[tilespmem:s22], [sflag:$0x1] =	stream.indirect_vreg.gather [hbm4b:s3+s2], $0x80, v4, vm0, $0xb8;
	[tilespmem:$0x10480] =	vst v63  }
0xf6: {  	s19 =	simm.s32 $0x3C80  }
0xf7: {  	[tilespmem:s19], [sflag:$0x1] =	stream.indirect_vreg.gather [hbm4b:s3+s2], $0x80, v3, vm0, $0xb8;
	[tilespmem:$0x10480] =	vst v63  }
0xf8: {  	v3 =	vld [tilespmem:$0x140];
	_ =	sdelay $0x4  }
0xf9: {  	v12 =	vshll.u32 v3, $0x1  }
0xfa: {  	v3 =	vand.u32 $0x7, v3;
	v4 =	vand.u32 $0xFFFFFFF0, v12  }
0xfb: {  	v3 =	vor.u32 v3, v4  }
0xfc: {  	v4 =	vperm.xlane v3, v0;
	_ =	sdelay $0x1  }
0xfd: {  	v3 =	vperm.xlane v3, v2;
	v4 =	vadd.s32 v1, v4;
	_ =	sdelay $0x1  }
0xfe: {  	v3 =	vadd.s32 v1, v3;
	_ =	sdelay $0x1  }
0xff: {  	s17 =	simm.s32 $0x4480  }
0x100: {  	[tilespmem:s17], [sflag:$0x1] =	stream.indirect_vreg.gather [hbm4b:s3+s2], $0x80, v4, vm0, $0xb8;
	[tilespmem:$0x10480] =	vst v63  }
0x101: {  	s20 =	simm.s32 $0x4C80  }
0x102: {  	[tilespmem:s20], [sflag:$0x1] =	stream.indirect_vreg.gather [hbm4b:s3+s2], $0x80, v3, vm0, $0xb8;
	[tilespmem:$0x10480] =	vst v63  }
0x103: {  	v3 =	vld [tilespmem:$0x150];
	_ =	sdelay $0x4  }
0x104: {  	v13 =	vshll.u32 v3, $0x1  }
0x105: {  	v3 =	vand.u32 $0x7, v3;
	v4 =	vand.u32 $0xFFFFFFF0, v13  }
0x106: {  	v3 =	vor.u32 v3, v4  }
0x107: {  	v4 =	vperm.xlane v3, v0;
	_ =	sdelay $0x1  }
0x108: {  	v3 =	vperm.xlane v3, v2;
	v4 =	vadd.s32 v1, v4;
	_ =	sdelay $0x1  }
0x109: {  	v3 =	vadd.s32 v1, v3;
	_ =	sdelay $0x1  }
0x10a: {  	s18 =	simm.s32 $0x5480  }
0x10b: {  	[tilespmem:s18], [sflag:$0x1] =	stream.indirect_vreg.gather [hbm4b:s3+s2], $0x80, v4, vm0, $0xb8;
	[tilespmem:$0x10480] =	vst v63  }
0x10c: {  	s8 =	simm.s32 $0x5C80  }
0x10d: {  	[tilespmem:s8], [sflag:$0x1] =	stream.indirect_vreg.gather [hbm4b:s3+s2], $0x80, v3, vm0, $0xb8;
	[tilespmem:$0x10480] =	vst v63  }
0x10e: {  	v3 =	vld [tilespmem:$0x160];
	_ =	sdelay $0x4  }
0x10f: {  	v14 =	vshll.u32 v3, $0x1  }
0x110: {  	v3 =	vand.u32 $0x7, v3;
	v4 =	vand.u32 $0xFFFFFFF0, v14  }
0x111: {  	v3 =	vor.u32 v3, v4  }
0x112: {  	v4 =	vperm.xlane v3, v0;
	_ =	sdelay $0x1  }
0x113: {  	v3 =	vperm.xlane v3, v2;
	v4 =	vadd.s32 v1, v4;
	_ =	sdelay $0x1  }
0x114: {  	v3 =	vadd.s32 v1, v3;
	_ =	sdelay $0x1  }
0x115: {  	s19 =	simm.s32 $0x6480  }
0x116: {  	[tilespmem:s19], [sflag:$0x1] =	stream.indirect_vreg.gather [hbm4b:s3+s2], $0x80, v4, vm0, $0xb8;
	[tilespmem:$0x10480] =	vst v63  }
0x117: {  	s9 =	simm.s32 $0x6C80  }
0x118: {  	[tilespmem:s9], [sflag:$0x1] =	stream.indirect_vreg.gather [hbm4b:s3+s2], $0x80, v3, vm0, $0xb8;
	[tilespmem:$0x10480] =	vst v63  }
0x119: {  	v3 =	vld [tilespmem:$0x170];
	_ =	sdelay $0x4  }
0x11a: {  	v15 =	vshll.u32 v3, $0x1  }
0x11b: {  	v3 =	vand.u32 $0x7, v3;
	v4 =	vand.u32 $0xFFFFFFF0, v15  }
0x11c: {  	v3 =	vor.u32 v3, v4  }
0x11d: {  	v4 =	vperm.xlane v3, v0;
	_ =	sdelay $0x1  }
0x11e: {  	v3 =	vperm.xlane v3, v2;
	v4 =	vadd.s32 v1, v4;
	_ =	sdelay $0x1  }
0x11f: {  	v3 =	vadd.s32 v1, v3;
	_ =	sdelay $0x1  }
0x120: {  	s20 =	simm.s32 $0x7480  }
0x121: {  	[tilespmem:s20], [sflag:$0x1] =	stream.indirect_vreg.gather [hbm4b:s3+s2], $0x80, v4, vm0, $0xb8;
	[tilespmem:$0x10480] =	vst v63  }
0x122: {  	s7 =	simm.s32 $0x7C80  }
0x123: {  	[tilespmem:s7], [sflag:$0x1] =	stream.indirect_vreg.gather [hbm4b:s3+s2], $0x80, v3, vm0, $0xb8;
	[tilespmem:$0x10480] =	vst v63  }
0x124: {  	_ =	swait.ge [sflag:s30], $0x8000  }
0x125: {  	[sflag:s30] =	ssyncset.done $0x0  }
0x126: {  	s11 =	rddreg [dreg:$0x4];
	[sflag:s30] =	ssyncadd.s32 $0xFFFF8000  }
0x127: {  	[hbm4b:s11+s2] =	stream.linear.scatter [tilespmem:s6], [sflag:$0x3], $0x8000, $0x38;
	[tilespmem:$0x10480] =	vst v63  }
0x128: {  	_ =	swait.ge [sflag:s5], $0x8000  }
0x129: {  	[sflag:s5] =	ssyncset.done $0x0  }
0x12a: {  	[sflag:s5] =	ssyncadd.s32 $0xFFFF8000  }
0x12b: {  	v3 =	vld [tilespmem:$0x180];
	_ =	sdelay $0x4  }
0x12c: {  	v16 =	vshll.u32 v3, $0x1  }
0x12d: {  	v3 =	vand.u32 $0x7, v3;
	v4 =	vand.u32 $0xFFFFFFF0, v16  }
0x12e: {  	v3 =	vor.u32 v3, v4  }
0x12f: {  	v4 =	vperm.xlane v3, v0;
	_ =	sdelay $0x1  }
0x130: {  	v3 =	vperm.xlane v3, v2;
	v4 =	vadd.s32 v1, v4;
	_ =	sdelay $0x1  }
0x131: {  	v3 =	vadd.s32 v1, v3;
	_ =	sdelay $0x2  }
0x132: {  	[tilespmem:s6], [sflag:$0x2] =	stream.indirect_vreg.gather [hbm4b:s3+s2], $0x80, v4, vm0, $0xb8;
	[tilespmem:$0x10480] =	vst v63  }
0x133: {  	s15 =	simm.s32 $0x8C80  }
0x134: {  	[tilespmem:s15], [sflag:$0x2] =	stream.indirect_vreg.gather [hbm4b:s3+s2], $0x80, v3, vm0, $0xb8;
	[tilespmem:$0x10480] =	vst v63  }
0x135: {  	v3 =	vld [tilespmem:$0x190];
	_ =	sdelay $0x4  }
0x136: {  	v17 =	vshll.u32 v3, $0x1  }
0x137: {  	v3 =	vand.u32 $0x7, v3;
	v4 =	vand.u32 $0xFFFFFFF0, v17  }
0x138: {  	v3 =	vor.u32 v3, v4  }
0x139: {  	v4 =	vperm.xlane v3, v0;
	_ =	sdelay $0x1  }
0x13a: {  	v3 =	vperm.xlane v3, v2;
	v4 =	vadd.s32 v1, v4;
	_ =	sdelay $0x1  }
0x13b: {  	v3 =	vadd.s32 v1, v3;
	_ =	sdelay $0x1  }
0x13c: {  	s15 =	simm.s32 $0x9480  }
0x13d: {  	[tilespmem:s15], [sflag:$0x2] =	stream.indirect_vreg.gather [hbm4b:s3+s2], $0x80, v4, vm0, $0xb8;
	[tilespmem:$0x10480] =	vst v63  }
0x13e: {  	s26 =	simm.s32 $0x9C80  }
0x13f: {  	[tilespmem:s26], [sflag:$0x2] =	stream.indirect_vreg.gather [hbm4b:s3+s2], $0x80, v3, vm0, $0xb8;
	[tilespmem:$0x10480] =	vst v63  }
0x140: {  	v3 =	vld [tilespmem:$0x1A0];
	_ =	sdelay $0x4  }
0x141: {  	v18 =	vshll.u32 v3, $0x1  }
0x142: {  	v3 =	vand.u32 $0x7, v3;
	v4 =	vand.u32 $0xFFFFFFF0, v18  }
0x143: {  	v3 =	vor.u32 v3, v4  }
0x144: {  	v4 =	vperm.xlane v3, v0;
	_ =	sdelay $0x1  }
0x145: {  	v3 =	vperm.xlane v3, v2;
	v4 =	vadd.s32 v1, v4;
	_ =	sdelay $0x1  }
0x146: {  	v3 =	vadd.s32 v1, v3;
	_ =	sdelay $0x1  }
0x147: {  	s21 =	simm.s32 $0xA480  }
0x148: {  	[tilespmem:s21], [sflag:$0x2] =	stream.indirect_vreg.gather [hbm4b:s3+s2], $0x80, v4, vm0, $0xb8;
	[tilespmem:$0x10480] =	vst v63  }
0x149: {  	s11 =	simm.s32 $0xAC80  }
0x14a: {  	[tilespmem:s11], [sflag:$0x2] =	stream.indirect_vreg.gather [hbm4b:s3+s2], $0x80, v3, vm0, $0xb8;
	[tilespmem:$0x10480] =	vst v63  }
0x14b: {  	v3 =	vld [tilespmem:$0x1B0];
	_ =	sdelay $0x4  }
0x14c: {  	v19 =	vshll.u32 v3, $0x1  }
0x14d: {  	v3 =	vand.u32 $0x7, v3;
	v4 =	vand.u32 $0xFFFFFFF0, v19  }
0x14e: {  	v3 =	vor.u32 v3, v4  }
0x14f: {  	v4 =	vperm.xlane v3, v0;
	_ =	sdelay $0x1  }
0x150: {  	v3 =	vperm.xlane v3, v2;
	v4 =	vadd.s32 v1, v4;
	_ =	sdelay $0x1  }
0x151: {  	v3 =	vadd.s32 v1, v3;
	_ =	sdelay $0x1  }
0x152: {  	s25 =	simm.s32 $0xB480  }
0x153: {  	[tilespmem:s25], [sflag:$0x2] =	stream.indirect_vreg.gather [hbm4b:s3+s2], $0x80, v4, vm0, $0xb8;
	[tilespmem:$0x10480] =	vst v63  }
0x154: {  	s10 =	simm.s32 $0xBC80  }
0x155: {  	[tilespmem:s10], [sflag:$0x2] =	stream.indirect_vreg.gather [hbm4b:s3+s2], $0x80, v3, vm0, $0xb8;
	[tilespmem:$0x10480] =	vst v63  }
0x156: {  	v3 =	vld [tilespmem:$0x1C0];
	_ =	sdelay $0x4  }
0x157: {  	v20 =	vshll.u32 v3, $0x1  }
0x158: {  	v3 =	vand.u32 $0x7, v3;
	v4 =	vand.u32 $0xFFFFFFF0, v20  }
0x159: {  	v3 =	vor.u32 v3, v4  }
0x15a: {  	v4 =	vperm.xlane v3, v0;
	_ =	sdelay $0x1  }
0x15b: {  	v3 =	vperm.xlane v3, v2;
	v4 =	vadd.s32 v1, v4;
	_ =	sdelay $0x1  }
0x15c: {  	v3 =	vadd.s32 v1, v3;
	_ =	sdelay $0x1  }
0x15d: {  	s21 =	simm.s32 $0xC480  }
0x15e: {  	[tilespmem:s21], [sflag:$0x2] =	stream.indirect_vreg.gather [hbm4b:s3+s2], $0x80, v4, vm0, $0xb8;
	[tilespmem:$0x10480] =	vst v63  }
0x15f: {  	s25 =	simm.s32 $0xCC80  }
0x160: {  	[tilespmem:s25], [sflag:$0x2] =	stream.indirect_vreg.gather [hbm4b:s3+s2], $0x80, v3, vm0, $0xb8;
	[tilespmem:$0x10480] =	vst v63  }
0x161: {  	v3 =	vld [tilespmem:$0x1D0];
	_ =	sdelay $0x4  }
0x162: {  	v21 =	vshll.u32 v3, $0x1  }
0x163: {  	v3 =	vand.u32 $0x7, v3;
	v4 =	vand.u32 $0xFFFFFFF0, v21  }
0x164: {  	v3 =	vor.u32 v3, v4  }
0x165: {  	v4 =	vperm.xlane v3, v0;
	_ =	sdelay $0x1  }
0x166: {  	v3 =	vperm.xlane v3, v2;
	v4 =	vadd.s32 v1, v4;
	_ =	sdelay $0x1  }
0x167: {  	v3 =	vadd.s32 v1, v3;
	_ =	sdelay $0x1  }
0x168: {  	s7 =	simm.s32 $0xD480  }
0x169: {  	[tilespmem:s7], [sflag:$0x2] =	stream.indirect_vreg.gather [hbm4b:s3+s2], $0x80, v4, vm0, $0xb8;
	[tilespmem:$0x10480] =	vst v63  }
0x16a: {  	s26 =	simm.s32 $0xDC80  }
0x16b: {  	[tilespmem:s26], [sflag:$0x2] =	stream.indirect_vreg.gather [hbm4b:s3+s2], $0x80, v3, vm0, $0xb8;
	[tilespmem:$0x10480] =	vst v63  }
0x16c: {  	v3 =	vld [tilespmem:$0x1E0];
	_ =	sdelay $0x4  }
0x16d: {  	v22 =	vshll.u32 v3, $0x1  }
0x16e: {  	v3 =	vand.u32 $0x7, v3;
	v4 =	vand.u32 $0xFFFFFFF0, v22  }
0x16f: {  	v3 =	vor.u32 v3, v4  }
0x170: {  	v4 =	vperm.xlane v3, v0;
	_ =	sdelay $0x1  }
0x171: {  	v3 =	vperm.xlane v3, v2;
	v4 =	vadd.s32 v1, v4;
	_ =	sdelay $0x1  }
0x172: {  	v3 =	vadd.s32 v1, v3;
	_ =	sdelay $0x1  }
0x173: {  	s28 =	simm.s32 $0xE480  }
0x174: {  	[tilespmem:s28], [sflag:$0x2] =	stream.indirect_vreg.gather [hbm4b:s3+s2], $0x80, v4, vm0, $0xb8;
	[tilespmem:$0x10480] =	vst v63  }
0x175: {  	s28 =	simm.s32 $0xEC80  }
0x176: {  	[tilespmem:s28], [sflag:$0x2] =	stream.indirect_vreg.gather [hbm4b:s3+s2], $0x80, v3, vm0, $0xb8;
	[tilespmem:$0x10480] =	vst v63  }
0x177: {  	v3 =	vld [tilespmem:$0x1F0];
	_ =	sdelay $0x4  }
0x178: {  	v23 =	vshll.u32 v3, $0x1  }
0x179: {  	v3 =	vand.u32 $0x7, v3;
	v4 =	vand.u32 $0xFFFFFFF0, v23  }
0x17a: {  	v3 =	vor.u32 v3, v4  }
0x17b: {  	v4 =	vperm.xlane v3, v0;
	_ =	sdelay $0x1  }
0x17c: {  	v3 =	vperm.xlane v3, v2;
	v4 =	vadd.s32 v1, v4;
	_ =	sdelay $0x1  }
0x17d: {  	v3 =	vadd.s32 v1, v3;
	_ =	sdelay $0x1  }
0x17e: {  	s31 =	simm.s32 $0xF480  }
0x17f: {  	[tilespmem:s31], [sflag:$0x2] =	stream.indirect_vreg.gather [hbm4b:s3+s2], $0x80, v4, vm0, $0xb8;
	[tilespmem:$0x10480] =	vst v63  }
0x180: {  	s13 =	simm.s32 $0xFC80  }
0x181: {  	[tilespmem:s13], [sflag:$0x2] =	stream.indirect_vreg.gather [hbm4b:s3+s2], $0x80, v3, vm0, $0xb8;
	[tilespmem:$0x10480] =	vst v63  }
0x182: {  	_ =	swait.ge [sflag:s29], $0x8000  }
0x183: {  	[sflag:s29] =	ssyncset.done $0x0  }
0x184: {  	s13 =	rddreg [dreg:$0x5];
	[sflag:s29] =	ssyncadd.s32 $0xFFFF8000  }
0x185: {  	[hbm4b:s13+s2] =	stream.linear.scatter [tilespmem:s12], [sflag:$0x3], $0x8000, $0x38;
	[tilespmem:$0x10480] =	vst v63  }
0x186: {  	_ =	swait.ge [sflag:s5], $0x8000  }
0x187: {  	[sflag:s5] =	ssyncset.done $0x0  }
0x188: {  	[sflag:s5] =	ssyncadd.s32 $0xFFFF8000  }
0x189: {  	v3 =	vld [tilespmem:$0x200];
	_ =	sdelay $0x4  }
0x18a: {  	v24 =	vshll.u32 v3, $0x1  }
0x18b: {  	v3 =	vand.u32 $0x7, v3;
	v4 =	vand.u32 $0xFFFFFFF0, v24  }
0x18c: {  	v3 =	vor.u32 v3, v4  }
0x18d: {  	v4 =	vperm.xlane v3, v0;
	_ =	sdelay $0x1  }
0x18e: {  	v3 =	vperm.xlane v3, v2;
	v4 =	vadd.s32 v1, v4;
	_ =	sdelay $0x1  }
0x18f: {  	v3 =	vadd.s32 v1, v3;
	_ =	sdelay $0x2  }
0x190: {  	[tilespmem:s12], [sflag:$0x1] =	stream.indirect_vreg.gather [hbm4b:s3+s2], $0x80, v4, vm0, $0xb8;
	[tilespmem:$0x10480] =	vst v63  }
0x191: {  	s31 =	simm.s32 $0xC80  }
0x192: {  	[tilespmem:s31], [sflag:$0x1] =	stream.indirect_vreg.gather [hbm4b:s3+s2], $0x80, v3, vm0, $0xb8;
	[tilespmem:$0x10480] =	vst v63  }
0x193: {  	v3 =	vld [tilespmem:$0x210];
	_ =	sdelay $0x4  }
0x194: {  	v25 =	vshll.u32 v3, $0x1  }
0x195: {  	v3 =	vand.u32 $0x7, v3;
	v4 =	vand.u32 $0xFFFFFFF0, v25  }
0x196: {  	v3 =	vor.u32 v3, v4  }
0x197: {  	v4 =	vperm.xlane v3, v0;
	_ =	sdelay $0x1  }
0x198: {  	v3 =	vperm.xlane v3, v2;
	v4 =	vadd.s32 v1, v4;
	_ =	sdelay $0x1  }
0x199: {  	v3 =	vadd.s32 v1, v3;
	_ =	sdelay $0x2  }
0x19a: {  	[tilespmem:s0], [sflag:$0x1] =	stream.indirect_vreg.gather [hbm4b:s3+s2], $0x80, v4, vm0, $0xb8;
	[tilespmem:$0x10480] =	vst v63  }
0x19b: {  	s31 =	simm.s32 $0x1C80  }
0x19c: {  	[tilespmem:s31], [sflag:$0x1] =	stream.indirect_vreg.gather [hbm4b:s3+s2], $0x80, v3, vm0, $0xb8;
	[tilespmem:$0x10480] =	vst v63  }
0x19d: {  	v3 =	vld [tilespmem:$0x220];
	_ =	sdelay $0x4  }
0x19e: {  	v26 =	vshll.u32 v3, $0x1  }
0x19f: {  	v3 =	vand.u32 $0x7, v3;
	v4 =	vand.u32 $0xFFFFFFF0, v26  }
0x1a0: {  	v3 =	vor.u32 v3, v4  }
0x1a1: {  	v4 =	vperm.xlane v3, v0;
	_ =	sdelay $0x1  }
0x1a2: {  	v3 =	vperm.xlane v3, v2;
	v4 =	vadd.s32 v1, v4;
	_ =	sdelay $0x1  }
0x1a3: {  	v3 =	vadd.s32 v1, v3;
	_ =	sdelay $0x2  }
0x1a4: {  	[tilespmem:s1], [sflag:$0x1] =	stream.indirect_vreg.gather [hbm4b:s3+s2], $0x80, v4, vm0, $0xb8;
	[tilespmem:$0x10480] =	vst v63  }
0x1a5: {  	s14 =	simm.s32 $0x2C80  }
0x1a6: {  	[tilespmem:s14], [sflag:$0x1] =	stream.indirect_vreg.gather [hbm4b:s3+s2], $0x80, v3, vm0, $0xb8;
	[tilespmem:$0x10480] =	vst v63  }
0x1a7: {  	v3 =	vld [tilespmem:$0x230];
	_ =	sdelay $0x4  }
0x1a8: {  	v27 =	vshll.u32 v3, $0x1  }
0x1a9: {  	v3 =	vand.u32 $0x7, v3;
	v4 =	vand.u32 $0xFFFFFFF0, v27  }
0x1aa: {  	v3 =	vor.u32 v3, v4  }
0x1ab: {  	v4 =	vperm.xlane v3, v0;
	_ =	sdelay $0x1  }
0x1ac: {  	v3 =	vperm.xlane v3, v2;
	v4 =	vadd.s32 v1, v4;
	_ =	sdelay $0x1  }
0x1ad: {  	v3 =	vadd.s32 v1, v3;
	_ =	sdelay $0x2  }
0x1ae: {  	[tilespmem:s22], [sflag:$0x1] =	stream.indirect_vreg.gather [hbm4b:s3+s2], $0x80, v4, vm0, $0xb8;
	[tilespmem:$0x10480] =	vst v63  }
0x1af: {  	s16 =	simm.s32 $0x3C80  }
0x1b0: {  	[tilespmem:s16], [sflag:$0x1] =	stream.indirect_vreg.gather [hbm4b:s3+s2], $0x80, v3, vm0, $0xb8;
	[tilespmem:$0x10480] =	vst v63  }
0x1b1: {  	v3 =	vld [tilespmem:$0x240];
	_ =	sdelay $0x4  }
0x1b2: {  	v28 =	vshll.u32 v3, $0x1  }
0x1b3: {  	v3 =	vand.u32 $0x7, v3;
	v4 =	vand.u32 $0xFFFFFFF0, v28  }
0x1b4: {  	v3 =	vor.u32 v3, v4  }
0x1b5: {  	v4 =	vperm.xlane v3, v0;
	_ =	sdelay $0x1  }
0x1b6: {  	v3 =	vperm.xlane v3, v2;
	v4 =	vadd.s32 v1, v4;
	_ =	sdelay $0x1  }
0x1b7: {  	v3 =	vadd.s32 v1, v3;
	_ =	sdelay $0x2  }
0x1b8: {  	[tilespmem:s17], [sflag:$0x1] =	stream.indirect_vreg.gather [hbm4b:s3+s2], $0x80, v4, vm0, $0xb8;
	[tilespmem:$0x10480] =	vst v63  }
0x1b9: {  	s24 =	simm.s32 $0x4C80  }
0x1ba: {  	[tilespmem:s24], [sflag:$0x1] =	stream.indirect_vreg.gather [hbm4b:s3+s2], $0x80, v3, vm0, $0xb8;
	[tilespmem:$0x10480] =	vst v63  }
0x1bb: {  	v3 =	vld [tilespmem:$0x250];
	_ =	sdelay $0x4  }
0x1bc: {  	v29 =	vshll.u32 v3, $0x1  }
0x1bd: {  	v3 =	vand.u32 $0x7, v3;
	v4 =	vand.u32 $0xFFFFFFF0, v29  }
0x1be: {  	v3 =	vor.u32 v3, v4  }
0x1bf: {  	v4 =	vperm.xlane v3, v0;
	_ =	sdelay $0x1  }
0x1c0: {  	v3 =	vperm.xlane v3, v2;
	v4 =	vadd.s32 v1, v4;
	_ =	sdelay $0x1  }
0x1c1: {  	v3 =	vadd.s32 v1, v3;
	_ =	sdelay $0x2  }
0x1c2: {  	[tilespmem:s18], [sflag:$0x1] =	stream.indirect_vreg.gather [hbm4b:s3+s2], $0x80, v4, vm0, $0xb8;
	[tilespmem:$0x10480] =	vst v63  }
0x1c3: {  	_ = 	snop  }
0x1c4: {  	[tilespmem:s8], [sflag:$0x1] =	stream.indirect_vreg.gather [hbm4b:s3+s2], $0x80, v3, vm0, $0xb8;
	[tilespmem:$0x10480] =	vst v63  }
0x1c5: {  	v3 =	vld [tilespmem:$0x260];
	_ =	sdelay $0x4  }
0x1c6: {  	v30 =	vshll.u32 v3, $0x1  }
0x1c7: {  	v3 =	vand.u32 $0x7, v3;
	v4 =	vand.u32 $0xFFFFFFF0, v30  }
0x1c8: {  	v3 =	vor.u32 v3, v4  }
0x1c9: {  	v4 =	vperm.xlane v3, v0;
	_ =	sdelay $0x1  }
0x1ca: {  	v3 =	vperm.xlane v3, v2;
	v4 =	vadd.s32 v1, v4;
	_ =	sdelay $0x1  }
0x1cb: {  	v3 =	vadd.s32 v1, v3;
	_ =	sdelay $0x2  }
0x1cc: {  	[tilespmem:s19], [sflag:$0x1] =	stream.indirect_vreg.gather [hbm4b:s3+s2], $0x80, v4, vm0, $0xb8;
	[tilespmem:$0x10480] =	vst v63  }
0x1cd: {  	_ = 	snop  }
0x1ce: {  	[tilespmem:s9], [sflag:$0x1] =	stream.indirect_vreg.gather [hbm4b:s3+s2], $0x80, v3, vm0, $0xb8;
	[tilespmem:$0x10480] =	vst v63  }
0x1cf: {  	v3 =	vld [tilespmem:$0x270];
	_ =	sdelay $0x4  }
0x1d0: {  	v31 =	vshll.u32 v3, $0x1  }
0x1d1: {  	v3 =	vand.u32 $0x7, v3;
	v4 =	vand.u32 $0xFFFFFFF0, v31  }
0x1d2: {  	v3 =	vor.u32 v3, v4  }
0x1d3: {  	v4 =	vperm.xlane v3, v0;
	_ =	sdelay $0x1  }
0x1d4: {  	v3 =	vperm.xlane v3, v2;
	v4 =	vadd.s32 v1, v4;
	_ =	sdelay $0x1  }
0x1d5: {  	v3 =	vadd.s32 v1, v3;
	_ =	sdelay $0x2  }
0x1d6: {  	[tilespmem:s20], [sflag:$0x1] =	stream.indirect_vreg.gather [hbm4b:s3+s2], $0x80, v4, vm0, $0xb8;
	[tilespmem:$0x10480] =	vst v63  }
0x1d7: {  	s23 =	simm.s32 $0x7C80  }
0x1d8: {  	[tilespmem:s23], [sflag:$0x1] =	stream.indirect_vreg.gather [hbm4b:s3+s2], $0x80, v3, vm0, $0xb8;
	[tilespmem:$0x10480] =	vst v63  }
0x1d9: {  	_ =	swait.ge [sflag:s30], $0x8000  }
0x1da: {  	[sflag:s30] =	ssyncset.done $0x0  }
0x1db: {  	s8 =	rddreg [dreg:$0x6];
	[sflag:s30] =	ssyncadd.s32 $0xFFFF8000  }
0x1dc: {  	[hbm4b:s8+s2] =	stream.linear.scatter [tilespmem:s6], [sflag:$0x3], $0x8000, $0x38;
	[tilespmem:$0x10480] =	vst v63  }
0x1dd: {  	_ =	swait.ge [sflag:s5], $0x8000  }
0x1de: {  	[sflag:s5] =	ssyncset.done $0x0  }
0x1df: {  	[sflag:s5] =	ssyncadd.s32 $0xFFFF8000  }
0x1e0: {  	v3 =	vld [tilespmem:$0x280];
	_ =	sdelay $0x4  }
0x1e1: {  	v32 =	vshll.u32 v3, $0x1  }
0x1e2: {  	v3 =	vand.u32 $0x7, v3;
	v4 =	vand.u32 $0xFFFFFFF0, v32  }
0x1e3: {  	v3 =	vor.u32 v3, v4  }
0x1e4: {  	v4 =	vperm.xlane v3, v0;
	_ =	sdelay $0x1  }
0x1e5: {  	v3 =	vperm.xlane v3, v2;
	v4 =	vadd.s32 v1, v4;
	_ =	sdelay $0x1  }
0x1e6: {  	v3 =	vadd.s32 v1, v3;
	_ =	sdelay $0x2  }
0x1e7: {  	[tilespmem:s6], [sflag:$0x2] =	stream.indirect_vreg.gather [hbm4b:s3+s2], $0x80, v4, vm0, $0xb8;
	[tilespmem:$0x10480] =	vst v63  }
0x1e8: {  	s13 =	simm.s32 $0x8C80  }
0x1e9: {  	[tilespmem:s13], [sflag:$0x2] =	stream.indirect_vreg.gather [hbm4b:s3+s2], $0x80, v3, vm0, $0xb8;
	[tilespmem:$0x10480] =	vst v63  }
0x1ea: {  	v3 =	vld [tilespmem:$0x290];
	_ =	sdelay $0x4  }
0x1eb: {  	v33 =	vshll.u32 v3, $0x1  }
0x1ec: {  	v3 =	vand.u32 $0x7, v3;
	v4 =	vand.u32 $0xFFFFFFF0, v33  }
0x1ed: {  	v3 =	vor.u32 v3, v4  }
0x1ee: {  	v4 =	vperm.xlane v3, v0;
	_ =	sdelay $0x1  }
0x1ef: {  	v3 =	vperm.xlane v3, v2;
	v4 =	vadd.s32 v1, v4;
	_ =	sdelay $0x1  }
0x1f0: {  	v3 =	vadd.s32 v1, v3;
	_ =	sdelay $0x2  }
0x1f1: {  	[tilespmem:s15], [sflag:$0x2] =	stream.indirect_vreg.gather [hbm4b:s3+s2], $0x80, v4, vm0, $0xb8;
	[tilespmem:$0x10480] =	vst v63  }
0x1f2: {  	s17 =	simm.s32 $0x9C80  }
0x1f3: {  	[tilespmem:s17], [sflag:$0x2] =	stream.indirect_vreg.gather [hbm4b:s3+s2], $0x80, v3, vm0, $0xb8;
	[tilespmem:$0x10480] =	vst v63  }
0x1f4: {  	v3 =	vld [tilespmem:$0x2A0];
	_ =	sdelay $0x4  }
0x1f5: {  	v34 =	vshll.u32 v3, $0x1  }
0x1f6: {  	v3 =	vand.u32 $0x7, v3;
	v4 =	vand.u32 $0xFFFFFFF0, v34  }
0x1f7: {  	v3 =	vor.u32 v3, v4  }
0x1f8: {  	v4 =	vperm.xlane v3, v0;
	_ =	sdelay $0x1  }
0x1f9: {  	v3 =	vperm.xlane v3, v2;
	v4 =	vadd.s32 v1, v4;
	_ =	sdelay $0x1  }
0x1fa: {  	v3 =	vadd.s32 v1, v3;
	_ =	sdelay $0x1  }
0x1fb: {  	s19 =	simm.s32 $0xA480  }
0x1fc: {  	[tilespmem:s19], [sflag:$0x2] =	stream.indirect_vreg.gather [hbm4b:s3+s2], $0x80, v4, vm0, $0xb8;
	[tilespmem:$0x10480] =	vst v63  }
0x1fd: {  	_ = 	snop  }
0x1fe: {  	[tilespmem:s11], [sflag:$0x2] =	stream.indirect_vreg.gather [hbm4b:s3+s2], $0x80, v3, vm0, $0xb8;
	[tilespmem:$0x10480] =	vst v63  }
0x1ff: {  	v3 =	vld [tilespmem:$0x2B0];
	_ =	sdelay $0x4  }
0x200: {  	v35 =	vshll.u32 v3, $0x1  }
0x201: {  	v3 =	vand.u32 $0x7, v3;
	v4 =	vand.u32 $0xFFFFFFF0, v35  }
0x202: {  	v3 =	vor.u32 v3, v4  }
0x203: {  	v4 =	vperm.xlane v3, v0;
	_ =	sdelay $0x1  }
0x204: {  	v3 =	vperm.xlane v3, v2;
	v4 =	vadd.s32 v1, v4;
	_ =	sdelay $0x1  }
0x205: {  	v3 =	vadd.s32 v1, v3;
	_ =	sdelay $0x1  }
0x206: {  	s20 =	simm.s32 $0xB480  }
0x207: {  	[tilespmem:s20], [sflag:$0x2] =	stream.indirect_vreg.gather [hbm4b:s3+s2], $0x80, v4, vm0, $0xb8;
	[tilespmem:$0x10480] =	vst v63  }
0x208: {  	_ = 	snop  }
0x209: {  	[tilespmem:s10], [sflag:$0x2] =	stream.indirect_vreg.gather [hbm4b:s3+s2], $0x80, v3, vm0, $0xb8;
	[tilespmem:$0x10480] =	vst v63  }
0x20a: {  	v3 =	vld [tilespmem:$0x2C0];
	_ =	sdelay $0x4  }
0x20b: {  	v36 =	vshll.u32 v3, $0x1  }
0x20c: {  	v3 =	vand.u32 $0x7, v3;
	v4 =	vand.u32 $0xFFFFFFF0, v36  }
0x20d: {  	v3 =	vor.u32 v3, v4  }
0x20e: {  	v4 =	vperm.xlane v3, v0;
	_ =	sdelay $0x1  }
0x20f: {  	v3 =	vperm.xlane v3, v2;
	v4 =	vadd.s32 v1, v4;
	_ =	sdelay $0x1  }
0x210: {  	v3 =	vadd.s32 v1, v3;
	_ =	sdelay $0x2  }
0x211: {  	[tilespmem:s21], [sflag:$0x2] =	stream.indirect_vreg.gather [hbm4b:s3+s2], $0x80, v4, vm0, $0xb8;
	[tilespmem:$0x10480] =	vst v63  }
0x212: {  	_ = 	snop  }
0x213: {  	[tilespmem:s25], [sflag:$0x2] =	stream.indirect_vreg.gather [hbm4b:s3+s2], $0x80, v3, vm0, $0xb8;
	[tilespmem:$0x10480] =	vst v63  }
0x214: {  	v3 =	vld [tilespmem:$0x2D0];
	_ =	sdelay $0x4  }
0x215: {  	v37 =	vshll.u32 v3, $0x1  }
0x216: {  	v3 =	vand.u32 $0x7, v3;
	v4 =	vand.u32 $0xFFFFFFF0, v37  }
0x217: {  	v3 =	vor.u32 v3, v4  }
0x218: {  	v4 =	vperm.xlane v3, v0;
	_ =	sdelay $0x1  }
0x219: {  	v3 =	vperm.xlane v3, v2;
	v4 =	vadd.s32 v1, v4;
	_ =	sdelay $0x1  }
0x21a: {  	v3 =	vadd.s32 v1, v3;
	_ =	sdelay $0x2  }
0x21b: {  	[tilespmem:s7], [sflag:$0x2] =	stream.indirect_vreg.gather [hbm4b:s3+s2], $0x80, v4, vm0, $0xb8;
	[tilespmem:$0x10480] =	vst v63  }
0x21c: {  	_ = 	snop  }
0x21d: {  	[tilespmem:s26], [sflag:$0x2] =	stream.indirect_vreg.gather [hbm4b:s3+s2], $0x80, v3, vm0, $0xb8;
	[tilespmem:$0x10480] =	vst v63  }
0x21e: {  	v3 =	vld [tilespmem:$0x2E0];
	_ =	sdelay $0x4  }
0x21f: {  	v38 =	vshll.u32 v3, $0x1  }
0x220: {  	v3 =	vand.u32 $0x7, v3;
	v4 =	vand.u32 $0xFFFFFFF0, v38  }
0x221: {  	v3 =	vor.u32 v3, v4  }
0x222: {  	v4 =	vperm.xlane v3, v0;
	_ =	sdelay $0x1  }
0x223: {  	v3 =	vperm.xlane v3, v2;
	v4 =	vadd.s32 v1, v4;
	_ =	sdelay $0x1  }
0x224: {  	v3 =	vadd.s32 v1, v3;
	_ =	sdelay $0x1  }
0x225: {  	s23 =	simm.s32 $0xE480  }
0x226: {  	[tilespmem:s23], [sflag:$0x2] =	stream.indirect_vreg.gather [hbm4b:s3+s2], $0x80, v4, vm0, $0xb8;
	[tilespmem:$0x10480] =	vst v63  }
0x227: {  	_ = 	snop  }
0x228: {  	[tilespmem:s28], [sflag:$0x2] =	stream.indirect_vreg.gather [hbm4b:s3+s2], $0x80, v3, vm0, $0xb8;
	[tilespmem:$0x10480] =	vst v63  }
0x229: {  	v3 =	vld [tilespmem:$0x2F0];
	_ =	sdelay $0x4  }
0x22a: {  	v39 =	vshll.u32 v3, $0x1  }
0x22b: {  	v3 =	vand.u32 $0x7, v3;
	v4 =	vand.u32 $0xFFFFFFF0, v39  }
0x22c: {  	v3 =	vor.u32 v3, v4  }
0x22d: {  	v4 =	vperm.xlane v3, v0;
	_ =	sdelay $0x1  }
0x22e: {  	v3 =	vperm.xlane v3, v2;
	v4 =	vadd.s32 v1, v4;
	_ =	sdelay $0x1  }
0x22f: {  	v3 =	vadd.s32 v1, v3;
	_ =	sdelay $0x1  }
0x230: {  	s24 =	simm.s32 $0xF480  }
0x231: {  	[tilespmem:s24], [sflag:$0x2] =	stream.indirect_vreg.gather [hbm4b:s3+s2], $0x80, v4, vm0, $0xb8;
	[tilespmem:$0x10480] =	vst v63  }
0x232: {  	s25 =	simm.s32 $0xFC80  }
0x233: {  	[tilespmem:s25], [sflag:$0x2] =	stream.indirect_vreg.gather [hbm4b:s3+s2], $0x80, v3, vm0, $0xb8;
	[tilespmem:$0x10480] =	vst v63  }
0x234: {  	_ =	swait.ge [sflag:s29], $0x8000  }
0x235: {  	[sflag:s29] =	ssyncset.done $0x0  }
0x236: {  	s28 =	rddreg [dreg:$0x7];
	[sflag:s29] =	ssyncadd.s32 $0xFFFF8000  }
0x237: {  	[hbm4b:s28+s2] =	stream.linear.scatter [tilespmem:s12], [sflag:$0x3], $0x8000, $0x38;
	[tilespmem:$0x10480] =	vst v63  }
0x238: {  	_ =	swait.ge [sflag:s5], $0x8000  }
0x239: {  	[sflag:s5] =	ssyncset.done $0x0  }
0x23a: {  	[sflag:s5] =	ssyncadd.s32 $0xFFFF8000  }
0x23b: {  	v3 =	vld [tilespmem:$0x300];
	_ =	sdelay $0x4  }
0x23c: {  	v40 =	vshll.u32 v3, $0x1  }
0x23d: {  	v3 =	vand.u32 $0x7, v3;
	v4 =	vand.u32 $0xFFFFFFF0, v40  }
0x23e: {  	v3 =	vor.u32 v3, v4  }
0x23f: {  	v4 =	vperm.xlane v3, v0;
	_ =	sdelay $0x1  }
0x240: {  	v3 =	vperm.xlane v3, v2;
	v4 =	vadd.s32 v1, v4;
	_ =	sdelay $0x1  }
0x241: {  	v3 =	vadd.s32 v1, v3;
	_ =	sdelay $0x2  }
0x242: {  	[tilespmem:s12], [sflag:$0x1] =	stream.indirect_vreg.gather [hbm4b:s3+s2], $0x80, v4, vm0, $0xb8;
	[tilespmem:$0x10480] =	vst v63  }
0x243: {  	s31 =	simm.s32 $0xC80  }
0x244: {  	[tilespmem:s31], [sflag:$0x1] =	stream.indirect_vreg.gather [hbm4b:s3+s2], $0x80, v3, vm0, $0xb8;
	[tilespmem:$0x10480] =	vst v63  }
0x245: {  	v3 =	vld [tilespmem:$0x310];
	_ =	sdelay $0x4  }
0x246: {  	v41 =	vshll.u32 v3, $0x1  }
0x247: {  	v3 =	vand.u32 $0x7, v3;
	v4 =	vand.u32 $0xFFFFFFF0, v41  }
0x248: {  	v3 =	vor.u32 v3, v4  }
0x249: {  	v4 =	vperm.xlane v3, v0;
	_ =	sdelay $0x1  }
0x24a: {  	v3 =	vperm.xlane v3, v2;
	v4 =	vadd.s32 v1, v4;
	_ =	sdelay $0x1  }
0x24b: {  	v3 =	vadd.s32 v1, v3;
	_ =	sdelay $0x1  }
0x24c: {  	s0 =	simm.s32 $0x1480  }
0x24d: {  	[tilespmem:s0], [sflag:$0x1] =	stream.indirect_vreg.gather [hbm4b:s3+s2], $0x80, v4, vm0, $0xb8;
	[tilespmem:$0x10480] =	vst v63  }
0x24e: {  	s17 =	simm.s32 $0x1C80  }
0x24f: {  	[tilespmem:s17], [sflag:$0x1] =	stream.indirect_vreg.gather [hbm4b:s3+s2], $0x80, v3, vm0, $0xb8;
	[tilespmem:$0x10480] =	vst v63  }
0x250: {  	v3 =	vld [tilespmem:$0x320];
	_ =	sdelay $0x4  }
0x251: {  	v42 =	vshll.u32 v3, $0x1  }
0x252: {  	v3 =	vand.u32 $0x7, v3;
	v4 =	vand.u32 $0xFFFFFFF0, v42  }
0x253: {  	v3 =	vor.u32 v3, v4  }
0x254: {  	v4 =	vperm.xlane v3, v0;
	_ =	sdelay $0x1  }
0x255: {  	v3 =	vperm.xlane v3, v2;
	v4 =	vadd.s32 v1, v4;
	_ =	sdelay $0x1  }
0x256: {  	v3 =	vadd.s32 v1, v3;
	_ =	sdelay $0x1  }
0x257: {  	s1 =	simm.s32 $0x2480  }
0x258: {  	[tilespmem:s1], [sflag:$0x1] =	stream.indirect_vreg.gather [hbm4b:s3+s2], $0x80, v4, vm0, $0xb8;
	[tilespmem:$0x10480] =	vst v63  }
0x259: {  	s24 =	simm.s32 $0x2C80  }
0x25a: {  	[tilespmem:s24], [sflag:$0x1] =	stream.indirect_vreg.gather [hbm4b:s3+s2], $0x80, v3, vm0, $0xb8;
	[tilespmem:$0x10480] =	vst v63  }
0x25b: {  	v3 =	vld [tilespmem:$0x330];
	_ =	sdelay $0x4  }
0x25c: {  	v43 =	vshll.u32 v3, $0x1  }
0x25d: {  	v3 =	vand.u32 $0x7, v3;
	v4 =	vand.u32 $0xFFFFFFF0, v43  }
0x25e: {  	v3 =	vor.u32 v3, v4  }
0x25f: {  	v4 =	vperm.xlane v3, v0;
	_ =	sdelay $0x1  }
0x260: {  	v3 =	vperm.xlane v3, v2;
	v4 =	vadd.s32 v1, v4;
	_ =	sdelay $0x1  }
0x261: {  	v3 =	vadd.s32 v1, v3;
	_ =	sdelay $0x1  }
0x262: {  	s14 =	simm.s32 $0x3480  }
0x263: {  	[tilespmem:s14], [sflag:$0x1] =	stream.indirect_vreg.gather [hbm4b:s3+s2], $0x80, v4, vm0, $0xb8;
	[tilespmem:$0x10480] =	vst v63  }
0x264: {  	s31 =	simm.s32 $0x3C80  }
0x265: {  	[tilespmem:s31], [sflag:$0x1] =	stream.indirect_vreg.gather [hbm4b:s3+s2], $0x80, v3, vm0, $0xb8;
	[tilespmem:$0x10480] =	vst v63  }
0x266: {  	v3 =	vld [tilespmem:$0x340];
	_ =	sdelay $0x4  }
0x267: {  	v44 =	vshll.u32 v3, $0x1  }
0x268: {  	v3 =	vand.u32 $0x7, v3;
	v4 =	vand.u32 $0xFFFFFFF0, v44  }
0x269: {  	v3 =	vor.u32 v3, v4  }
0x26a: {  	v4 =	vperm.xlane v3, v0;
	_ =	sdelay $0x1  }
0x26b: {  	v3 =	vperm.xlane v3, v2;
	v4 =	vadd.s32 v1, v4;
	_ =	sdelay $0x1  }
0x26c: {  	v3 =	vadd.s32 v1, v3;
	_ =	sdelay $0x1  }
0x26d: {  	s24 =	simm.s32 $0x4480  }
0x26e: {  	[tilespmem:s24], [sflag:$0x1] =	stream.indirect_vreg.gather [hbm4b:s3+s2], $0x80, v4, vm0, $0xb8;
	[tilespmem:$0x10480] =	vst v63  }
0x26f: {  	s31 =	simm.s32 $0x4C80  }
0x270: {  	[tilespmem:s31], [sflag:$0x1] =	stream.indirect_vreg.gather [hbm4b:s3+s2], $0x80, v3, vm0, $0xb8;
	[tilespmem:$0x10480] =	vst v63  }
0x271: {  	v3 =	vld [tilespmem:$0x350];
	_ =	sdelay $0x4  }
0x272: {  	v45 =	vshll.u32 v3, $0x1  }
0x273: {  	v3 =	vand.u32 $0x7, v3;
	v4 =	vand.u32 $0xFFFFFFF0, v45  }
0x274: {  	v3 =	vor.u32 v3, v4  }
0x275: {  	v4 =	vperm.xlane v3, v0;
	_ =	sdelay $0x1  }
0x276: {  	v3 =	vperm.xlane v3, v2;
	v4 =	vadd.s32 v1, v4;
	_ =	sdelay $0x1  }
0x277: {  	v3 =	vadd.s32 v1, v3;
	_ =	sdelay $0x1  }
0x278: {  	s18 =	simm.s32 $0x5480  }
0x279: {  	[tilespmem:s18], [sflag:$0x1] =	stream.indirect_vreg.gather [hbm4b:s3+s2], $0x80, v4, vm0, $0xb8;
	[tilespmem:$0x10480] =	vst v63  }
0x27a: {  	s31 =	simm.s32 $0x5C80  }
0x27b: {  	[tilespmem:s31], [sflag:$0x1] =	stream.indirect_vreg.gather [hbm4b:s3+s2], $0x80, v3, vm0, $0xb8;
	[tilespmem:$0x10480] =	vst v63  }
0x27c: {  	v3 =	vld [tilespmem:$0x360];
	_ =	sdelay $0x4  }
0x27d: {  	v46 =	vshll.u32 v3, $0x1  }
0x27e: {  	v3 =	vand.u32 $0x7, v3;
	v4 =	vand.u32 $0xFFFFFFF0, v46  }
0x27f: {  	v3 =	vor.u32 v3, v4  }
0x280: {  	v4 =	vperm.xlane v3, v0;
	_ =	sdelay $0x1  }
0x281: {  	v3 =	vperm.xlane v3, v2;
	v4 =	vadd.s32 v1, v4;
	_ =	sdelay $0x1  }
0x282: {  	v3 =	vadd.s32 v1, v3;
	_ =	sdelay $0x1  }
0x283: {  	s22 =	simm.s32 $0x6480  }
0x284: {  	[tilespmem:s22], [sflag:$0x1] =	stream.indirect_vreg.gather [hbm4b:s3+s2], $0x80, v4, vm0, $0xb8;
	[tilespmem:$0x10480] =	vst v63  }
0x285: {  	s9 =	simm.s32 $0x6C80  }
0x286: {  	[tilespmem:s9], [sflag:$0x1] =	stream.indirect_vreg.gather [hbm4b:s3+s2], $0x80, v3, vm0, $0xb8;
	[tilespmem:$0x10480] =	vst v63  }
0x287: {  	v3 =	vld [tilespmem:$0x370];
	_ =	sdelay $0x4  }
0x288: {  	v47 =	vshll.u32 v3, $0x1  }
0x289: {  	v3 =	vand.u32 $0x7, v3;
	v4 =	vand.u32 $0xFFFFFFF0, v47  }
0x28a: {  	v3 =	vor.u32 v3, v4  }
0x28b: {  	v4 =	vperm.xlane v3, v0;
	_ =	sdelay $0x1  }
0x28c: {  	v3 =	vperm.xlane v3, v2;
	v4 =	vadd.s32 v1, v4;
	_ =	sdelay $0x1  }
0x28d: {  	v3 =	vadd.s32 v1, v3;
	_ =	sdelay $0x1  }
0x28e: {  	s16 =	simm.s32 $0x7480  }
0x28f: {  	[tilespmem:s16], [sflag:$0x1] =	stream.indirect_vreg.gather [hbm4b:s3+s2], $0x80, v4, vm0, $0xb8;
	[tilespmem:$0x10480] =	vst v63  }
0x290: {  	s31 =	simm.s32 $0x7C80  }
0x291: {  	[tilespmem:s31], [sflag:$0x1] =	stream.indirect_vreg.gather [hbm4b:s3+s2], $0x80, v3, vm0, $0xb8;
	[tilespmem:$0x10480] =	vst v63  }
0x292: {  	_ =	swait.ge [sflag:s30], $0x8000  }
0x293: {  	[sflag:s30] =	ssyncset.done $0x0  }
0x294: {  	s31 =	rddreg [dreg:$0x8];
	[sflag:s30] =	ssyncadd.s32 $0xFFFF8000  }
0x295: {  	[hbm4b:s31+s2] =	stream.linear.scatter [tilespmem:s6], [sflag:$0x3], $0x8000, $0x38;
	[tilespmem:$0x10480] =	vst v63  }
0x296: {  	_ =	swait.ge [sflag:s5], $0x8000  }
0x297: {  	[sflag:s5] =	ssyncset.done $0x0  }
0x298: {  	[sflag:s5] =	ssyncadd.s32 $0xFFFF8000  }
0x299: {  	v3 =	vld [tilespmem:$0x380];
	_ =	sdelay $0x4  }
0x29a: {  	v48 =	vshll.u32 v3, $0x1  }
0x29b: {  	v3 =	vand.u32 $0x7, v3;
	v4 =	vand.u32 $0xFFFFFFF0, v48  }
0x29c: {  	v3 =	vor.u32 v3, v4  }
0x29d: {  	v4 =	vperm.xlane v3, v0;
	_ =	sdelay $0x1  }
0x29e: {  	v3 =	vperm.xlane v3, v2;
	v4 =	vadd.s32 v1, v4;
	_ =	sdelay $0x1  }
0x29f: {  	v3 =	vadd.s32 v1, v3;
	_ =	sdelay $0x2  }
0x2a0: {  	[tilespmem:s6], [sflag:$0x2] =	stream.indirect_vreg.gather [hbm4b:s3+s2], $0x80, v4, vm0, $0xb8;
	[tilespmem:$0x10480] =	vst v63  }
0x2a1: {  	s31 =	simm.s32 $0x8C80  }
0x2a2: {  	[tilespmem:s31], [sflag:$0x2] =	stream.indirect_vreg.gather [hbm4b:s3+s2], $0x80, v3, vm0, $0xb8;
	[tilespmem:$0x10480] =	vst v63  }
0x2a3: {  	v3 =	vld [tilespmem:$0x390];
	_ =	sdelay $0x4  }
0x2a4: {  	v49 =	vshll.u32 v3, $0x1  }
0x2a5: {  	v3 =	vand.u32 $0x7, v3;
	v4 =	vand.u32 $0xFFFFFFF0, v49  }
0x2a6: {  	v3 =	vor.u32 v3, v4  }
0x2a7: {  	v4 =	vperm.xlane v3, v0;
	_ =	sdelay $0x1  }
0x2a8: {  	v3 =	vperm.xlane v3, v2;
	v4 =	vadd.s32 v1, v4;
	_ =	sdelay $0x1  }
0x2a9: {  	v3 =	vadd.s32 v1, v3;
	_ =	sdelay $0x1  }
0x2aa: {  	s13 =	simm.s32 $0x9480  }
0x2ab: {  	[tilespmem:s13], [sflag:$0x2] =	stream.indirect_vreg.gather [hbm4b:s3+s2], $0x80, v4, vm0, $0xb8;
	[tilespmem:$0x10480] =	vst v63  }
0x2ac: {  	s31 =	simm.s32 $0x9C80  }
0x2ad: {  	[tilespmem:s31], [sflag:$0x2] =	stream.indirect_vreg.gather [hbm4b:s3+s2], $0x80, v3, vm0, $0xb8;
	[tilespmem:$0x10480] =	vst v63  }
0x2ae: {  	v3 =	vld [tilespmem:$0x3A0];
	_ =	sdelay $0x4  }
0x2af: {  	v50 =	vshll.u32 v3, $0x1  }
0x2b0: {  	v3 =	vand.u32 $0x7, v3;
	v4 =	vand.u32 $0xFFFFFFF0, v50  }
0x2b1: {  	v3 =	vor.u32 v3, v4  }
0x2b2: {  	v4 =	vperm.xlane v3, v0;
	_ =	sdelay $0x1  }
0x2b3: {  	v3 =	vperm.xlane v3, v2;
	v4 =	vadd.s32 v1, v4;
	_ =	sdelay $0x1  }
0x2b4: {  	v3 =	vadd.s32 v1, v3;
	_ =	sdelay $0x1  }
0x2b5: {  	s31 =	simm.s32 $0xA480  }
0x2b6: {  	[tilespmem:s31], [sflag:$0x2] =	stream.indirect_vreg.gather [hbm4b:s3+s2], $0x80, v4, vm0, $0xb8;
	[tilespmem:$0x10480] =	vst v63  }
0x2b7: {  	s11 =	simm.s32 $0xAC80  }
0x2b8: {  	[tilespmem:s11], [sflag:$0x2] =	stream.indirect_vreg.gather [hbm4b:s3+s2], $0x80, v3, vm0, $0xb8;
	[tilespmem:$0x10480] =	vst v63  }
0x2b9: {  	v3 =	vld [tilespmem:$0x3B0];
	_ =	sdelay $0x4  }
0x2ba: {  	v51 =	vshll.u32 v3, $0x1  }
0x2bb: {  	v3 =	vand.u32 $0x7, v3;
	v4 =	vand.u32 $0xFFFFFFF0, v51  }
0x2bc: {  	v3 =	vor.u32 v3, v4  }
0x2bd: {  	v4 =	vperm.xlane v3, v0;
	_ =	sdelay $0x1  }
0x2be: {  	v3 =	vperm.xlane v3, v2;
	v4 =	vadd.s32 v1, v4;
	_ =	sdelay $0x1  }
0x2bf: {  	v3 =	vadd.s32 v1, v3;
	_ =	sdelay $0x1  }
0x2c0: {  	s13 =	simm.s32 $0xB480  }
0x2c1: {  	[tilespmem:s13], [sflag:$0x2] =	stream.indirect_vreg.gather [hbm4b:s3+s2], $0x80, v4, vm0, $0xb8;
	[tilespmem:$0x10480] =	vst v63  }
0x2c2: {  	s10 =	simm.s32 $0xBC80  }
0x2c3: {  	[tilespmem:s10], [sflag:$0x2] =	stream.indirect_vreg.gather [hbm4b:s3+s2], $0x80, v3, vm0, $0xb8;
	[tilespmem:$0x10480] =	vst v63  }
0x2c4: {  	v3 =	vld [tilespmem:$0x3C0];
	_ =	sdelay $0x4  }
0x2c5: {  	v52 =	vshll.u32 v3, $0x1  }
0x2c6: {  	v3 =	vand.u32 $0x7, v3;
	v4 =	vand.u32 $0xFFFFFFF0, v52  }
0x2c7: {  	v3 =	vor.u32 v3, v4  }
0x2c8: {  	v4 =	vperm.xlane v3, v0;
	_ =	sdelay $0x1  }
0x2c9: {  	v3 =	vperm.xlane v3, v2;
	v4 =	vadd.s32 v1, v4;
	_ =	sdelay $0x1  }
0x2ca: {  	v3 =	vadd.s32 v1, v3;
	_ =	sdelay $0x1  }
0x2cb: {  	s15 =	simm.s32 $0xC480  }
0x2cc: {  	[tilespmem:s15], [sflag:$0x2] =	stream.indirect_vreg.gather [hbm4b:s3+s2], $0x80, v4, vm0, $0xb8;
	[tilespmem:$0x10480] =	vst v63  }
0x2cd: {  	s19 =	simm.s32 $0xCC80  }
0x2ce: {  	[tilespmem:s19], [sflag:$0x2] =	stream.indirect_vreg.gather [hbm4b:s3+s2], $0x80, v3, vm0, $0xb8;
	[tilespmem:$0x10480] =	vst v63  }
0x2cf: {  	v3 =	vld [tilespmem:$0x3D0];
	_ =	sdelay $0x4  }
0x2d0: {  	v53 =	vshll.u32 v3, $0x1  }
0x2d1: {  	v3 =	vand.u32 $0x7, v3;
	v4 =	vand.u32 $0xFFFFFFF0, v53  }
0x2d2: {  	v3 =	vor.u32 v3, v4  }
0x2d3: {  	v4 =	vperm.xlane v3, v0;
	_ =	sdelay $0x1  }
0x2d4: {  	v3 =	vperm.xlane v3, v2;
	v4 =	vadd.s32 v1, v4;
	_ =	sdelay $0x1  }
0x2d5: {  	v3 =	vadd.s32 v1, v3;
	_ =	sdelay $0x1  }
0x2d6: {  	s7 =	simm.s32 $0xD480  }
0x2d7: {  	[tilespmem:s7], [sflag:$0x2] =	stream.indirect_vreg.gather [hbm4b:s3+s2], $0x80, v4, vm0, $0xb8;
	[tilespmem:$0x10480] =	vst v63  }
0x2d8: {  	s20 =	simm.s32 $0xDC80  }
0x2d9: {  	[tilespmem:s20], [sflag:$0x2] =	stream.indirect_vreg.gather [hbm4b:s3+s2], $0x80, v3, vm0, $0xb8;
	[tilespmem:$0x10480] =	vst v63  }
0x2da: {  	v3 =	vld [tilespmem:$0x3E0];
	_ =	sdelay $0x4  }
0x2db: {  	v54 =	vshll.u32 v3, $0x1  }
0x2dc: {  	v3 =	vand.u32 $0x7, v3;
	v4 =	vand.u32 $0xFFFFFFF0, v54  }
0x2dd: {  	v3 =	vor.u32 v3, v4  }
0x2de: {  	v4 =	vperm.xlane v3, v0;
	_ =	sdelay $0x1  }
0x2df: {  	v3 =	vperm.xlane v3, v2;
	v4 =	vadd.s32 v1, v4;
	_ =	sdelay $0x1  }
0x2e0: {  	v3 =	vadd.s32 v1, v3;
	_ =	sdelay $0x1  }
0x2e1: {  	s26 =	simm.s32 $0xE480  }
0x2e2: {  	[tilespmem:s26], [sflag:$0x2] =	stream.indirect_vreg.gather [hbm4b:s3+s2], $0x80, v4, vm0, $0xb8;
	[tilespmem:$0x10480] =	vst v63  }
0x2e3: {  	s21 =	simm.s32 $0xEC80  }
0x2e4: {  	[tilespmem:s21], [sflag:$0x2] =	stream.indirect_vreg.gather [hbm4b:s3+s2], $0x80, v3, vm0, $0xb8;
	[tilespmem:$0x10480] =	vst v63  }
0x2e5: {  	v3 =	vld [tilespmem:$0x3F0];
	_ =	sdelay $0x4  }
0x2e6: {  	v55 =	vshll.u32 v3, $0x1  }
0x2e7: {  	v3 =	vand.u32 $0x7, v3;
	v4 =	vand.u32 $0xFFFFFFF0, v55  }
0x2e8: {  	v3 =	vor.u32 v3, v4  }
0x2e9: {  	v4 =	vperm.xlane v3, v0;
	_ =	sdelay $0x1  }
0x2ea: {  	v3 =	vperm.xlane v3, v2;
	v4 =	vadd.s32 v1, v4;
	_ =	sdelay $0x1  }
0x2eb: {  	v3 =	vadd.s32 v1, v3;
	_ =	sdelay $0x1  }
0x2ec: {  	s8 =	simm.s32 $0xF480  }
0x2ed: {  	[tilespmem:s8], [sflag:$0x2] =	stream.indirect_vreg.gather [hbm4b:s3+s2], $0x80, v4, vm0, $0xb8;
	[tilespmem:$0x10480] =	vst v63  }
0x2ee: {  	s20 =	simm.s32 $0xFC80  }
0x2ef: {  	[tilespmem:s20], [sflag:$0x2] =	stream.indirect_vreg.gather [hbm4b:s3+s2], $0x80, v3, vm0, $0xb8;
	[tilespmem:$0x10480] =	vst v63  }
0x2f0: {  	_ =	swait.ge [sflag:s29], $0x8000  }
0x2f1: {  	[sflag:s29] =	ssyncset.done $0x0  }
0x2f2: {  	s21 =	rddreg [dreg:$0x9];
	[sflag:s29] =	ssyncadd.s32 $0xFFFF8000  }
0x2f3: {  	[hbm4b:s21+s2] =	stream.linear.scatter [tilespmem:s12], [sflag:$0x3], $0x8000, $0x38;
	[tilespmem:$0x10480] =	vst v63  }
0x2f4: {  	_ =	swait.ge [sflag:s5], $0x8000  }
0x2f5: {  	[sflag:s5] =	ssyncset.done $0x0  }
0x2f6: {  	[sflag:s5] =	ssyncadd.s32 $0xFFFF8000  }
0x2f7: {  	v3 =	vld [tilespmem:$0x400];
	_ =	sdelay $0x4  }
0x2f8: {  	v56 =	vshll.u32 v3, $0x1  }
0x2f9: {  	v3 =	vand.u32 $0x7, v3;
	v4 =	vand.u32 $0xFFFFFFF0, v56  }
0x2fa: {  	v3 =	vor.u32 v3, v4  }
0x2fb: {  	v4 =	vperm.xlane v3, v0;
	_ =	sdelay $0x1  }
0x2fc: {  	v3 =	vperm.xlane v3, v2;
	v4 =	vadd.s32 v1, v4;
	_ =	sdelay $0x1  }
0x2fd: {  	v3 =	vadd.s32 v1, v3;
	_ =	sdelay $0x2  }
0x2fe: {  	[tilespmem:s12], [sflag:$0x1] =	stream.indirect_vreg.gather [hbm4b:s3+s2], $0x80, v4, vm0, $0xb8;
	[tilespmem:$0x10480] =	vst v63  }
0x2ff: {  	s25 =	simm.s32 $0xC80  }
0x300: {  	[tilespmem:s25], [sflag:$0x1] =	stream.indirect_vreg.gather [hbm4b:s3+s2], $0x80, v3, vm0, $0xb8;
	[tilespmem:$0x10480] =	vst v63  }
0x301: {  	v3 =	vld [tilespmem:$0x410];
	_ =	sdelay $0x4  }
0x302: {  	v57 =	vshll.u32 v3, $0x1  }
0x303: {  	v3 =	vand.u32 $0x7, v3;
	v4 =	vand.u32 $0xFFFFFFF0, v57  }
0x304: {  	v3 =	vor.u32 v3, v4  }
0x305: {  	v4 =	vperm.xlane v3, v0;
	_ =	sdelay $0x1  }
0x306: {  	v3 =	vperm.xlane v3, v2;
	v4 =	vadd.s32 v1, v4;
	_ =	sdelay $0x1  }
0x307: {  	v3 =	vadd.s32 v1, v3;
	_ =	sdelay $0x1  }
0x308: {  	s23 =	simm.s32 $0x1480  }
0x309: {  	[tilespmem:s23], [sflag:$0x1] =	stream.indirect_vreg.gather [hbm4b:s3+s2], $0x80, v4, vm0, $0xb8;
	[tilespmem:$0x10480] =	vst v63  }
0x30a: {  	s28 =	simm.s32 $0x1C80  }
0x30b: {  	[tilespmem:s28], [sflag:$0x1] =	stream.indirect_vreg.gather [hbm4b:s3+s2], $0x80, v3, vm0, $0xb8;
	[tilespmem:$0x10480] =	vst v63  }
0x30c: {  	v3 =	vld [tilespmem:$0x420];
	_ =	sdelay $0x4  }
0x30d: {  	v58 =	vshll.u32 v3, $0x1  }
0x30e: {  	v3 =	vand.u32 $0x7, v3;
	v4 =	vand.u32 $0xFFFFFFF0, v58  }
0x30f: {  	v3 =	vor.u32 v3, v4  }
0x310: {  	v4 =	vperm.xlane v3, v0;
	_ =	sdelay $0x1  }
0x311: {  	v3 =	vperm.xlane v3, v2;
	v4 =	vadd.s32 v1, v4;
	_ =	sdelay $0x1  }
0x312: {  	v3 =	vadd.s32 v1, v3;
	_ =	sdelay $0x1  }
0x313: {  	s0 =	simm.s32 $0x2480  }
0x314: {  	[tilespmem:s0], [sflag:$0x1] =	stream.indirect_vreg.gather [hbm4b:s3+s2], $0x80, v4, vm0, $0xb8;
	[tilespmem:$0x10480] =	vst v63  }
0x315: {  	s17 =	simm.s32 $0x2C80  }
0x316: {  	[tilespmem:s17], [sflag:$0x1] =	stream.indirect_vreg.gather [hbm4b:s3+s2], $0x80, v3, vm0, $0xb8;
	[tilespmem:$0x10480] =	vst v63  }
0x317: {  	v3 =	vld [tilespmem:$0x430];
	_ =	sdelay $0x4  }
0x318: {  	v59 =	vshll.u32 v3, $0x1  }
0x319: {  	v3 =	vand.u32 $0x7, v3;
	v4 =	vand.u32 $0xFFFFFFF0, v59  }
0x31a: {  	v3 =	vor.u32 v3, v4  }
0x31b: {  	v4 =	vperm.xlane v3, v0;
	_ =	sdelay $0x1  }
0x31c: {  	v3 =	vperm.xlane v3, v2;
	v4 =	vadd.s32 v1, v4;
	_ =	sdelay $0x1  }
0x31d: {  	v3 =	vadd.s32 v1, v3;
	_ =	sdelay $0x1  }
0x31e: {  	s1 =	simm.s32 $0x3480  }
0x31f: {  	[tilespmem:s1], [sflag:$0x1] =	stream.indirect_vreg.gather [hbm4b:s3+s2], $0x80, v4, vm0, $0xb8;
	[tilespmem:$0x10480] =	vst v63  }
0x320: {  	s23 =	simm.s32 $0x3C80  }
0x321: {  	[tilespmem:s23], [sflag:$0x1] =	stream.indirect_vreg.gather [hbm4b:s3+s2], $0x80, v3, vm0, $0xb8;
	[tilespmem:$0x10480] =	vst v63  }
0x322: {  	v3 =	vld [tilespmem:$0x440];
	_ =	sdelay $0x4  }
0x323: {  	v60 =	vshll.u32 v3, $0x1  }
0x324: {  	v3 =	vand.u32 $0x7, v3;
	v4 =	vand.u32 $0xFFFFFFF0, v60  }
0x325: {  	v3 =	vor.u32 v3, v4  }
0x326: {  	v4 =	vperm.xlane v3, v0;
	_ =	sdelay $0x1  }
0x327: {  	v3 =	vperm.xlane v3, v2;
	v4 =	vadd.s32 v1, v4;
	_ =	sdelay $0x1  }
0x328: {  	v3 =	vadd.s32 v1, v3;
	_ =	sdelay $0x1  }
0x329: {  	s24 =	simm.s32 $0x4480  }
0x32a: {  	[tilespmem:s24], [sflag:$0x1] =	stream.indirect_vreg.gather [hbm4b:s3+s2], $0x80, v4, vm0, $0xb8;
	[tilespmem:$0x10480] =	vst v63  }
0x32b: {  	s24 =	simm.s32 $0x4C80  }
0x32c: {  	[tilespmem:s24], [sflag:$0x1] =	stream.indirect_vreg.gather [hbm4b:s3+s2], $0x80, v3, vm0, $0xb8;
	[tilespmem:$0x10480] =	vst v63  }
0x32d: {  	v3 =	vld [tilespmem:$0x450];
	_ =	sdelay $0x4  }
0x32e: {  	v61 =	vshll.u32 v3, $0x1  }
0x32f: {  	v3 =	vand.u32 $0x7, v3;
	v4 =	vand.u32 $0xFFFFFFF0, v61  }
0x330: {  	v3 =	vor.u32 v3, v4  }
0x331: {  	v4 =	vperm.xlane v3, v0;
	_ =	sdelay $0x1  }
0x332: {  	v3 =	vperm.xlane v3, v2;
	v4 =	vadd.s32 v1, v4;
	_ =	sdelay $0x1  }
0x333: {  	v3 =	vadd.s32 v1, v3;
	_ =	sdelay $0x1  }
0x334: {  	s18 =	simm.s32 $0x5480  }
0x335: {  	[tilespmem:s18], [sflag:$0x1] =	stream.indirect_vreg.gather [hbm4b:s3+s2], $0x80, v4, vm0, $0xb8;
	[tilespmem:$0x10480] =	vst v63  }
0x336: {  	s25 =	simm.s32 $0x5C80  }
0x337: {  	[tilespmem:s25], [sflag:$0x1] =	stream.indirect_vreg.gather [hbm4b:s3+s2], $0x80, v3, vm0, $0xb8;
	[tilespmem:$0x10480] =	vst v63  }
0x338: {  	v3 =	vld [tilespmem:$0x460];
	_ =	sdelay $0x4  }
0x339: {  	v62 =	vshll.u32 v3, $0x1  }
0x33a: {  	v3 =	vand.u32 $0x7, v3;
	v4 =	vand.u32 $0xFFFFFFF0, v62  }
0x33b: {  	v3 =	vor.u32 v3, v4  }
0x33c: {  	v4 =	vperm.xlane v3, v0;
	_ =	sdelay $0x1  }
0x33d: {  	v3 =	vperm.xlane v3, v2;
	v4 =	vadd.s32 v1, v4;
	_ =	sdelay $0x1  }
0x33e: {  	v3 =	vadd.s32 v1, v3;
	_ =	sdelay $0x1  }
0x33f: {  	s22 =	simm.s32 $0x6480  }
0x340: {  	[tilespmem:s22], [sflag:$0x1] =	stream.indirect_vreg.gather [hbm4b:s3+s2], $0x80, v4, vm0, $0xb8;
	[tilespmem:$0x10480] =	vst v63  }
0x341: {  	s14 =	simm.s32 $0x6C80  }
0x342: {  	[tilespmem:s14], [sflag:$0x1] =	stream.indirect_vreg.gather [hbm4b:s3+s2], $0x80, v3, vm0, $0xb8;
	[tilespmem:$0x10480] =	vst v63  }
0x343: {  	v3 =	vld [tilespmem:$0x470];
	_ =	sdelay $0x4  }
0x344: {  	v63 =	vshll.u32 v3, $0x1  }
0x345: {  	v3 =	vand.u32 $0x7, v3;
	v4 =	vand.u32 $0xFFFFFFF0, v63  }
0x346: {  	v3 =	vor.u32 v3, v4  }
0x347: {  	v4 =	vperm.xlane v3, v0;
	_ =	sdelay $0x1  }
0x348: {  	v3 =	vperm.xlane v3, v2;
	v4 =	vadd.s32 v1, v4;
	_ =	sdelay $0x1  }
0x349: {  	v3 =	vadd.s32 v1, v3;
	_ =	sdelay $0x1  }
0x34a: {  	s9 =	simm.s32 $0x7480  }
0x34b: {  	[tilespmem:s9], [sflag:$0x1] =	stream.indirect_vreg.gather [hbm4b:s3+s2], $0x80, v4, vm0, $0xb8;
	[tilespmem:$0x10480] =	vst v63  }
0x34c: {  	s16 =	simm.s32 $0x7C80  }
0x34d: {  	[tilespmem:s16], [sflag:$0x1] =	stream.indirect_vreg.gather [hbm4b:s3+s2], $0x80, v3, vm0, $0xb8;
	[tilespmem:$0x10480] =	vst v63  }
0x34e: {  	_ =	swait.ge [sflag:s30], $0x8000  }
0x34f: {  	[sflag:s30] =	ssyncset.done $0x0  }
0x350: {  	s26 =	rddreg [dreg:$0xa];
	[sflag:s30] =	ssyncadd.s32 $0xFFFF8000  }
0x351: {  	[hbm4b:s26+s2] =	stream.linear.scatter [tilespmem:s6], [sflag:$0x3], $0x8000, $0x38;
	[tilespmem:$0x10480] =	vst v63  }
0x352: {  	_ =	swait.ge [sflag:s5], $0x8000  }
0x353: {  	[sflag:s5] =	ssyncset.done $0x0  }
0x354: {  	[sflag:s5] =	ssyncadd.s32 $0xFFFF8000  }
0x355: {  	_ =	swait.ge [sflag:s29], $0x8000  }
0x356: {  	p0 =	sne.s32 s4, $0x1;
	[sflag:s29] =	ssyncset.done $0x0  }
.Ltmp0:
0x357: {  	s28 =	rddreg [dreg:$0xb];
	[sflag:s29] =	ssyncadd.s32 $0xFFFF8000;
	(pc) =	sbr.rel @p0 .LBB2_1-.Ltmp0, $4  }
0x358: {  	[hbm4b:s28+s2] =	stream.linear.scatter [tilespmem:s12], [sflag:$0x3], $0x8000, $0x38;
	[tilespmem:$0x10480] =	vst v63  }
0x359: {  	_ =	swait.ge [sflag:s5], $0x8000  }
0x35a: {  	[sflag:s5] =	ssyncset.done $0x0  }
0x35b: {  	s4 =	sadd.s32 $0xFFFFFFFF, s4;
	[sflag:s5] =	ssyncadd.s32 $0xFFFF8000  }
0x35c: {  	_ =	sfence.sel $0x180000  }
0x35d: {  	[bflag:$0x0] =	sbarrier.arrive $0xFFFF  }
0x35e: {  	_ =	strace $0x9000004A  }
0x35f: {  	s0 =	stileid.u32;
	[bflag:$0x2] =	sbarrier.arrive $0xFFFF  }
0x360: {  	p0 =	sne.s32 s0, $0x0;
	s0 =	rddreg [dreg:$0x1]  }
0x361: {  	s0 =	sadd.s32 @!p0 $0x100000, s0  }
0x362: {  	[sflag:s0] =	ssyncadd.tile.s32 @!p0 $0x1;
	_ =	shalt  }
.Lfunc_end2:
_tile_overlayer_lowered:
.L_overlay_start_2:
0x363: {  	(tag) =	ssettag $0x2  }
0x364: {  	s0 =	rddreg [dreg:$0x0];
	s2 =	stileid.u32  }
0x365: {  	s1 =	rddreg [dreg:$0x1];
	p0 =	sne.s32 s2, $0x0  }
0x366: {  	s3 =	rddreg [dreg:$0x2];
	[bflag:$0x3] =	sbarrier.arrive $0xFFFF;
	s2 =	simm.s32 @!p0 $0x1C03  }
0x367: {  	[timem:s3], [sflag:s2] =	dma.local @!p0 [hbm:s0], s1  }
0x368: {  	s0 =	simm.s32 @!p0 $0x3  }
0x369: {  	_ =	swait.ge @!p0 [sflag:s0], s1  }
0x36a: {  	s1 =	ssub.s32 @!p0 $0x0, s1;
	[sflag:s0] =	ssyncset.done @!p0 $0x0  }
0x36b: {  	[sflag:s0] =	ssyncadd.s32 @!p0 s1  }
0x36c: {  	[bflag:$0x3] =	sbarrier.arrive $0xFFFF  }
0x36d: {  	_ =	shalt  }

</sc_bundles>
